<compile_context>
chip_gen: v7x
topology: tpu7x:2x2x1
jax: 0.10.2.dev20260603
libtpu: 0.0.44.dev20260713+nightly
codegen_flags: <defaults>
</compile_context>

<pallas_src>
import functools

import jax
import jax.numpy as jnp
from jax import lax
from jax.experimental import pallas as pl
from jax.experimental.pallas import tpu as pltpu
from jax.experimental.pallas import tpu_sc as plsc

N_NODES = 10000
N_EDGES = 320000
FD = 128

NC, NS = 2, 16
NW = NC * NS
EPW = N_EDGES // NW
CHUNK = 80
NCHUNK = EPW // CHUNK
N_PAD = 10240
RPT = N_PAD // NS
DR = 32
NDR = RPT // DR
NQ = (NCHUNK + 3) // 4


def _mk_mesh():
    return plsc.VectorSubcoreMesh(
        core_axis_name="c", subcore_axis_name="s", num_cores=NC, num_subcores=NS
    )


def _drain_acc(c, row0, acc, out, stages, semr, semw):
    def rd(kk, b):
        r = pl.multiple_of(row0 + kk * DR, 8)
        pltpu.async_copy(acc.at[pl.ds(r, DR)], stages[b], semr)

    def wr(kk, b):
        r = pl.multiple_of(row0 + kk * DR, 8)
        pltpu.async_copy(stages[b], out.at[c, pl.ds(r, DR)], semw)

    def wait_rd(b):
        pltpu.make_async_copy(acc.at[pl.ds(0, DR)], stages[b], semr).wait()

    def wait_wr(b):
        pltpu.make_async_copy(stages[b], out.at[c, pl.ds(0, DR)], semw).wait()

    rd(0, 0)
    rd(1, 1)

    def pair(pp, _):
        k0 = pp * 2
        for j in range(2):
            kk = k0 + j
            wait_rd(j)
            wr(kk, j)

            @pl.when(kk + 2 < NDR)
            def _():
                wait_wr(j)
                rd(kk + 2, j)
        return 0
    lax.fori_loop(0, NDR // 2, pair, 0)
    wait_wr(0)
    wait_wr(1)


def _make_seg_sum():
    @functools.partial(
        pl.kernel,
        out_type=jax.ShapeDtypeStruct((NC, N_PAD, FD), jnp.float32),
        mesh=_mk_mesh(),
        scratch_types=[
            [pltpu.VMEM((CHUNK,), jnp.int32) for _ in range(4)],
            [pltpu.VMEM((CHUNK,), jnp.int32) for _ in range(4)],
            [pltpu.VMEM((CHUNK, FD), jnp.float32) for _ in range(2)],
            [pltpu.VMEM((DR, FD), jnp.float32) for _ in range(2)],
            pltpu.VMEM_SHARED((N_PAD, FD), jnp.float32),
            pltpu.SemaphoreType.DMA,
            pltpu.SemaphoreType.DMA,
            pltpu.SemaphoreType.DMA,
            pltpu.SemaphoreType.DMA,
        ],
    )
    def k(table, src3, dst3, out, srcs, dsts, rows, stages, acc, semg, semi,
          semr, semw):
        c = lax.axis_index("c")
        s = lax.axis_index("s")
        wid = c * NS + s
        zero16 = jnp.zeros((16,), jnp.float32)

        def zrow(i, _):
            r = i // (FD // 16)
            q = i % (FD // 16)
            stages[0][r, pl.ds(q * 16, 16)] = zero16
            return 0
        lax.fori_loop(0, DR * (FD // 16), zrow, 0)

        row0 = s * RPT

        def zcp(kk, _):
            r = pl.multiple_of(row0 + kk * DR, 8)
            pltpu.async_copy(stages[0], acc.at[pl.ds(r, DR)], semw)
            return 0
        lax.fori_loop(0, NDR, zcp, 0)

        pltpu.sync_copy(src3.at[wid, 0], srcs[0])
        pltpu.sync_copy(dst3.at[wid, 0], dsts[0])
        pltpu.sync_copy(src3.at[wid, 1], srcs[1])
        pltpu.sync_copy(dst3.at[wid, 1], dsts[1])
        pltpu.async_copy(table.at[srcs[0]], rows[0], semg)
        pltpu.async_copy(table.at[srcs[1]], rows[1], semg)
        pltpu.async_copy(src3.at[wid, 2], srcs[2], semi)
        pltpu.async_copy(dst3.at[wid, 2], dsts[2], semi)
        pltpu.async_copy(src3.at[wid, 3], srcs[3], semi)
        pltpu.async_copy(dst3.at[wid, 3], dsts[3], semi)

        def zwait(kk, _):
            pltpu.make_async_copy(acc.at[pl.ds(0, DR)], stages[0], semw).wait()
            return 0
        lax.fori_loop(0, NDR, zwait, 0)
        plsc.subcore_barrier()

        def quad(qq, _):
            q = qq * 4
            for j in range(4):
                ch = q + j
                rb = rows[j % 2]
                ib = j

                @pl.when(ch < NCHUNK)
                def _():
                    pltpu.make_async_copy(table.at[pl.ds(0, CHUNK)], rb, semg).wait()
                    pltpu.sync_copy(rb, acc.at[dsts[ib]], add=True)

                @pl.when(ch + 4 < NCHUNK)
                def _():
                    pltpu.async_copy(src3.at[wid, ch + 4], srcs[ib], semi)
                    pltpu.async_copy(dst3.at[wid, ch + 4], dsts[ib], semi)

                @pl.when(ch + 2 < NCHUNK)
                def _():
                    ib2 = (j + 2) % 4
                    pltpu.make_async_copy(src3.at[wid, 0], srcs[ib2], semi).wait()
                    pltpu.make_async_copy(dst3.at[wid, 0], dsts[ib2], semi).wait()
                    pltpu.async_copy(table.at[srcs[ib2]], rb, semg)
            return 0
        lax.fori_loop(0, NQ, quad, 0)
        plsc.subcore_barrier()
        _drain_acc(c, row0, acc, out, stages, semr, semw)

    return k


def _make_count_seg():
    @functools.partial(
        pl.kernel,
        out_type=[jax.ShapeDtypeStruct((NC, N_PAD, FD), jnp.float32),
                  jax.ShapeDtypeStruct((NC, N_PAD, FD), jnp.float32)],
        mesh=_mk_mesh(),
        scratch_types=[
            [pltpu.VMEM((CHUNK,), jnp.int32) for _ in range(4)],
            [pltpu.VMEM((CHUNK,), jnp.int32) for _ in range(4)],
            [pltpu.VMEM((CHUNK, FD), jnp.float32) for _ in range(2)],
            [pltpu.VMEM((DR, FD), jnp.float32) for _ in range(2)],
            pltpu.VMEM_SHARED((N_PAD, FD), jnp.float32),
            pltpu.SemaphoreType.DMA,
            pltpu.SemaphoreType.DMA,
            pltpu.SemaphoreType.DMA,
            pltpu.SemaphoreType.DMA,
        ],
    )
    def k(table, src3, dst3, out, cnt_out, srcs, dsts, rows, stages, acc,
          semg, semi, semr, semw):
        c = lax.axis_index("c")
        s = lax.axis_index("s")
        wid = c * NS + s
        zero16 = jnp.zeros((16,), jnp.float32)
        one16 = jnp.ones((16,), jnp.float32)

        def zrow(i, _):
            r = i // (FD // 16)
            q = i % (FD // 16)
            stages[0][r, pl.ds(q * 16, 16)] = zero16
            return 0
        lax.fori_loop(0, DR * (FD // 16), zrow, 0)

        def orow(i, _):
            r = i // (FD // 16)
            q = i % (FD // 16)
            rows[0][r, pl.ds(q * 16, 16)] = one16
            return 0
        lax.fori_loop(0, CHUNK * (FD // 16), orow, 0)

        row0 = s * RPT

        def zcp(kk, _):
            r = pl.multiple_of(row0 + kk * DR, 8)
            pltpu.async_copy(stages[0], acc.at[pl.ds(r, DR)], semw)
            return 0
        lax.fori_loop(0, NDR, zcp, 0)

        for j in range(4):
            pltpu.async_copy(dst3.at[wid, j], dsts[j], semi)

        def zwait(kk, _):
            pltpu.make_async_copy(acc.at[pl.ds(0, DR)], stages[0], semw).wait()
            return 0
        lax.fori_loop(0, NDR, zwait, 0)
        plsc.subcore_barrier()

        def cquad(qq, _):
            q = qq * 4
            for j in range(4):
                ch = q + j

                @pl.when(ch < NCHUNK)
                def _():
                    pltpu.make_async_copy(dst3.at[wid, 0], dsts[j], semi).wait()
                    pltpu.sync_copy(rows[0], acc.at[dsts[j]], add=True)

                @pl.when(ch + 4 < NCHUNK)
                def _():
                    pltpu.async_copy(dst3.at[wid, ch + 4], dsts[j], semi)
            return 0
        lax.fori_loop(0, NQ, cquad, 0)
        plsc.subcore_barrier()

        pltpu.sync_copy(src3.at[wid, 0], srcs[0])
        pltpu.sync_copy(dst3.at[wid, 0], dsts[0])
        pltpu.sync_copy(src3.at[wid, 1], srcs[1])
        pltpu.sync_copy(dst3.at[wid, 1], dsts[1])
        pltpu.async_copy(table.at[srcs[0]], rows[0], semg)
        pltpu.async_copy(table.at[srcs[1]], rows[1], semg)
        pltpu.async_copy(src3.at[wid, 2], srcs[2], semi)
        pltpu.async_copy(dst3.at[wid, 2], dsts[2], semi)
        pltpu.async_copy(src3.at[wid, 3], srcs[3], semi)
        pltpu.async_copy(dst3.at[wid, 3], dsts[3], semi)

        _drain_acc(c, row0, acc, cnt_out, stages, semr, semw)
        lax.fori_loop(0, DR * (FD // 16), zrow, 0)
        lax.fori_loop(0, NDR, zcp, 0)
        lax.fori_loop(0, NDR, zwait, 0)
        plsc.subcore_barrier()

        def quad(qq, _):
            q = qq * 4
            for j in range(4):
                ch = q + j
                rb = rows[j % 2]
                ib = j

                @pl.when(ch < NCHUNK)
                def _():
                    pltpu.make_async_copy(table.at[pl.ds(0, CHUNK)], rb, semg).wait()
                    pltpu.sync_copy(rb, acc.at[dsts[ib]], add=True)

                @pl.when(ch + 4 < NCHUNK)
                def _():
                    pltpu.async_copy(src3.at[wid, ch + 4], srcs[ib], semi)
                    pltpu.async_copy(dst3.at[wid, ch + 4], dsts[ib], semi)

                @pl.when(ch + 2 < NCHUNK)
                def _():
                    ib2 = (j + 2) % 4
                    pltpu.make_async_copy(src3.at[wid, 0], srcs[ib2], semi).wait()
                    pltpu.make_async_copy(dst3.at[wid, 0], dsts[ib2], semi).wait()
                    pltpu.async_copy(table.at[srcs[ib2]], rb, semg)
            return 0
        lax.fori_loop(0, NQ, quad, 0)
        plsc.subcore_barrier()
        _drain_acc(c, row0, acc, out, stages, semr, semw)

    return k


_seg_sum = _make_seg_sum()
_count_seg_sum = _make_count_seg()


HALF = N_NODES // 2


def _project(x_src, x_dst, W_src, b_src, W_dst, b_dst):
    def body(xs, xd, ws, bs, wd, bd, o):
        o[0:HALF, :] = (
            jnp.dot(xs[...], ws[...], preferred_element_type=jnp.float32) + bs[...]
        )
        o[HALF:N_NODES, :] = (
            jnp.dot(xd[...], wd[...], preferred_element_type=jnp.float32) + bd[...]
        )

    return pl.pallas_call(
        body,
        out_shape=jax.ShapeDtypeStruct((N_NODES, FD), jnp.float32),
    )(x_src, x_dst, W_src, b_src.reshape(1, FD), W_dst, b_dst.reshape(1, FD))


RB = 2000


def _layer1(parts, cnts, x, W1_l, b1_l, W1_r):
    grid = (N_NODES // RB,)

    def body(p_ref, c_ref, x_ref, wl, bl, wr, hpre_ref, stat_ref):
        i = pl.program_id(0)
        psum = p_ref[0] + p_ref[1]
        cnt = c_ref[0, :, 0:1] + c_ref[1, :, 0:1]
        inv = 1.0 / jnp.maximum(cnt, 1.0)
        agg = psum * inv
        hp = (
            jnp.dot(agg, wl[...], preferred_element_type=jnp.float32)
            + bl[...]
            + jnp.dot(x_ref[...], wr[...], preferred_element_type=jnp.float32)
        )
        hpre_ref[...] = hp

        @pl.when(i == 0)
        def _():
            stat_ref[...] = jnp.zeros_like(stat_ref)

        stat_ref[0:1, :] += jnp.sum(hp, axis=0, keepdims=True)
        stat_ref[1:2, :] += jnp.sum(hp * hp, axis=0, keepdims=True)

    return pl.pallas_call(
        body,
        grid=grid,
        in_specs=[
            pl.BlockSpec((2, RB, FD), lambda i: (0, i, 0)),
            pl.BlockSpec((2, RB, FD), lambda i: (0, i, 0)),
            pl.BlockSpec((RB, FD), lambda i: (i, 0)),
            pl.BlockSpec((FD, FD), lambda i: (0, 0)),
            pl.BlockSpec((1, FD), lambda i: (0, 0)),
            pl.BlockSpec((FD, FD), lambda i: (0, 0)),
        ],
        out_specs=[
            pl.BlockSpec((RB, FD), lambda i: (i, 0)),
            pl.BlockSpec((8, FD), lambda i: (0, 0)),
        ],
        out_shape=[
            jax.ShapeDtypeStruct((N_NODES, FD), jnp.float32),
            jax.ShapeDtypeStruct((8, FD), jnp.float32),
        ],
    )(parts, cnts, x, W1_l, b1_l.reshape(1, FD), W1_r)


def _bn_relu(hpre, stats, gamma, beta):
    grid = (N_NODES // RB,)

    def body(h_ref, st_ref, g_ref, b_ref, o_ref):
        mu = st_ref[0:1, :] / N_NODES
        var = st_ref[1:2, :] / N_NODES - mu * mu
        scale = g_ref[...] * lax.rsqrt(var + 1e-5)
        shift = b_ref[...] - mu * scale
        o_ref[...] = jnp.maximum(h_ref[...] * scale + shift, 0.0)

    return pl.pallas_call(
        body,
        grid=grid,
        in_specs=[
            pl.BlockSpec((RB, FD), lambda i: (i, 0)),
            pl.BlockSpec((8, FD), lambda i: (0, 0)),
            pl.BlockSpec((1, FD), lambda i: (0, 0)),
            pl.BlockSpec((1, FD), lambda i: (0, 0)),
        ],
        out_specs=pl.BlockSpec((RB, FD), lambda i: (i, 0)),
        out_shape=jax.ShapeDtypeStruct((N_NODES, FD), jnp.float32),
    )(hpre, stats, gamma.reshape(1, FD), beta.reshape(1, FD))


def _layer2(parts, cnts, h, W2_l, b2_l, W2_r):
    grid = (N_NODES // RB,)

    def body(p_ref, c_ref, h_ref, wl, bl, wr, o_ref):
        psum = p_ref[0] + p_ref[1]
        cnt = c_ref[0, :, 0:1] + c_ref[1, :, 0:1]
        inv = 1.0 / jnp.maximum(cnt, 1.0)
        agg = psum * inv
        o_ref[...] = (
            jnp.dot(agg, wl[...], preferred_element_type=jnp.float32)
            + bl[...]
            + jnp.dot(h_ref[...], wr[...], preferred_element_type=jnp.float32)
        )

    return pl.pallas_call(
        body,
        grid=grid,
        in_specs=[
            pl.BlockSpec((2, RB, FD), lambda i: (0, i, 0)),
            pl.BlockSpec((2, RB, FD), lambda i: (0, i, 0)),
            pl.BlockSpec((RB, FD), lambda i: (i, 0)),
            pl.BlockSpec((FD, FD), lambda i: (0, 0)),
            pl.BlockSpec((1, FD), lambda i: (0, 0)),
            pl.BlockSpec((FD, FD), lambda i: (0, 0)),
        ],
        out_specs=pl.BlockSpec((RB, FD), lambda i: (i, 0)),
        out_shape=jax.ShapeDtypeStruct((N_NODES, FD), jnp.float32),
    )(parts, cnts, h, W2_l, b2_l.reshape(1, FD), W2_r)


def kernel(x_src, x_dst, edge_index, W_src, b_src, W_dst, b_dst,
           W1_l, b1_l, W1_r, W2_l, b2_l, W2_r, gamma, beta):
    src = edge_index[0].reshape(NW, NCHUNK, CHUNK)
    dst = edge_index[1].reshape(NW, NCHUNK, CHUNK)
    x = _project(x_src, x_dst, W_src, b_src, W_dst, b_dst)
    parts1, cnts = _count_seg_sum(x, src, dst)
    hpre, stats = _layer1(parts1, cnts, x, W1_l, b1_l, W1_r)
    h = _bn_relu(hpre, stats, gamma, beta)
    parts2 = _seg_sum(h, src, dst)
    out = _layer2(parts2, cnts, h, W2_l, b2_l, W2_r)
    return out

# --- scband reference (transcript-rebuilt; emitter-appended) ---
"""Pipeline reference for scband-bipartite-sage-75935021793804 (READ-ONLY COPY).

The authoritative reference and input builder live on the scoring server;
editing this copy changes nothing except your own understanding.
"""

import jax, jax.numpy as jnp
import numpy as np

N_SRC = 5000
N_DST = 5000
N = N_SRC + N_DST
E = 320000
D = 128
H = 128
OUT = 128


def segment_mean(vals, idx, num):
    s = jax.ops.segment_sum(vals, idx, num_segments=num)
    cnt = jax.ops.segment_sum(jnp.ones((idx.shape[0],), vals.dtype), idx, num_segments=num)
    return s / jnp.clip(cnt, 1.0, None)[:, None]


def setup_inputs(seed: int = 0) -> dict:
    key = jax.random.key(seed)
    ks = jax.random.split(key, 16)
    s_in = 1.0 / np.sqrt(D)
    s_h = 1.0 / np.sqrt(H)
    return {
        "x_src": jax.random.normal(ks[0], (N_SRC, D), dtype=jnp.float32),
        "x_dst": jax.random.normal(ks[1], (N_DST, D), dtype=jnp.float32),
        "edge_index": jax.random.randint(ks[2], (2, E), 0, N, dtype=jnp.int32),
        "W_src": jax.random.uniform(ks[3], (D, H), jnp.float32, -s_in, s_in),
        "b_src": jax.random.uniform(ks[4], (H,), jnp.float32, -s_in, s_in),
        "W_dst": jax.random.uniform(ks[5], (D, H), jnp.float32, -s_in, s_in),
        "b_dst": jax.random.uniform(ks[6], (H,), jnp.float32, -s_in, s_in),
        "W1_l": jax.random.uniform(ks[7], (H, H), jnp.float32, -s_h, s_h),
        "b1_l": jax.random.uniform(ks[8], (H,), jnp.float32, -s_h, s_h),
        "W1_r": jax.random.uniform(ks[9], (H, H), jnp.float32, -s_h, s_h),
        "W2_l": jax.random.uniform(ks[10], (H, OUT), jnp.float32, -s_h, s_h),
        "b2_l": jax.random.uniform(ks[11], (OUT,), jnp.float32, -s_h, s_h),
        "W2_r": jax.random.uniform(ks[12], (H, OUT), jnp.float32, -s_h, s_h),
        "gamma": jnp.ones((H,), jnp.float32),
        "beta": jnp.zeros((H,), jnp.float32),
    }


def reference(x_src, x_dst, edge_index, W_src, b_src, W_dst, b_dst,
              W1_l, b1_l, W1_r, W2_l, b2_l, W2_r, gamma, beta):
    # input projections
    xs = x_src @ W_src + b_src
    xd = x_dst @ W_dst + b_dst
    x = jnp.concatenate([xs, xd], axis=0)
    src, dst = edge_index[0], edge_index[1]
    # SAGEConv layer 1 (mean aggregation): lin_l(mean_j x_j) + lin_r(x_i)
    agg1 = segment_mean(x[src], dst, N)
    h = agg1 @ W1_l + b1_l + x @ W1_r
    # BatchNorm (training-mode batch stats) + ReLU
    mu = jnp.mean(h, axis=0)
    var = jnp.var(h, axis=0)
    h = (h - mu) / jnp.sqrt(var + 1e-5) * gamma + beta
    h = jax.nn.relu(h)
    # SAGEConv layer 2
    agg2 = segment_mean(h[src], dst, N)
    out = agg2 @ W2_l + b2_l + h @ W2_r
    return out

if __name__ == "__main__":
    import jax
    _d = setup_inputs()
    print(jax.jit(kernel)(*tuple(_d.values())))

</pallas_src>

<mosaic_0001>
#map = affine_map<(d0, d1) -> (0, 0)>
#map1 = affine_map<(d0, d1) -> (0, 0, 0)>
module attributes {stable_mosaic.version = 14 : i64} {
  func.func @k(%arg0: i32, %arg1: i32, %arg2: memref<10000x128xf32, #tpu.memory_space<hbm>>, %arg3: memref<32x125x80xi32, #tpu.memory_space<hbm>>, %arg4: memref<32x125x80xi32, #tpu.memory_space<hbm>>, %arg5: memref<2x10240x128xf32, #tpu.memory_space<hbm>>, %arg6: memref<80xi32, #tpu.memory_space<vmem>>, %arg7: memref<80xi32, #tpu.memory_space<vmem>>, %arg8: memref<80xi32, #tpu.memory_space<vmem>>, %arg9: memref<80xi32, #tpu.memory_space<vmem>>, %arg10: memref<80xi32, #tpu.memory_space<vmem>>, %arg11: memref<80xi32, #tpu.memory_space<vmem>>, %arg12: memref<80xi32, #tpu.memory_space<vmem>>, %arg13: memref<80xi32, #tpu.memory_space<vmem>>, %arg14: memref<80x128xf32, #tpu.memory_space<vmem>>, %arg15: memref<80x128xf32, #tpu.memory_space<vmem>>, %arg16: memref<32x128xf32, #tpu.memory_space<vmem>>, %arg17: memref<32x128xf32, #tpu.memory_space<vmem>>, %arg18: memref<10240x128xf32, #tpu.memory_space<vmem_shared>>, %arg19: memref<!tpu.dma_semaphore, #tpu.memory_space<semaphore_mem>>, %arg20: memref<!tpu.dma_semaphore, #tpu.memory_space<semaphore_mem>>, %arg21: memref<!tpu.dma_semaphore, #tpu.memory_space<semaphore_mem>>, %arg22: memref<!tpu.dma_semaphore, #tpu.memory_space<semaphore_mem>>) attributes {dimension_semantics = [#tpu.dimension_semantics<core_parallel>, #tpu.dimension_semantics<subcore_parallel>], iteration_bounds = array<i64: 2, 16>, scalar_prefetch = 0 : i64, scratch_operands = 17 : i64, tpu.core_type = #tpu.core_type<sc_vector_subcore>, window_params = [{transform_indices = #map}, {transform_indices = #map1}, {transform_indices = #map1}, {transform_indices = #map1}]} {
    %mul3A = arith.constant 16 : i32
    %mul3A_0 = arith.muli %arg0, %mul3A : i32
    %add3A = arith.addi %mul3A_0, %arg1 : i32
    %broadcast_in_dim3A = arith.constant 0.000000e+00 : f32
    %broadcast_in_dim3A_1 = vector.broadcast %broadcast_in_dim3A : f32 to vector<16xf32>
    %scan3A = arith.constant 0 : i32
    %scan3A_2 = arith.constant 0 : i32
    %scan3A_3 = arith.constant 256 : i32
    %scan3A_4 = arith.addi %scan3A_2, %scan3A_3 : i32
    %scan3A_5 = arith.constant 1 : i32
    %scan3A_6 = scf.for %scan3A_103 = %scan3A_2 to %scan3A_4 step %scan3A_5 iter_args(%scan3A_104 = %scan3A) -> (i32)  : i32 {
      %jit3A = arith.constant 8 : i32
      %div3A = arith.divsi %scan3A_103, %jit3A : i32
      %sign3A = arith.constant 0 : i32
      %sign3A_105 = arith.cmpi sgt, %scan3A_103, %sign3A : i32
      %sign3A_106 = arith.extui %sign3A_105 : i1 to i32
      %sign3A_107 = arith.constant 0 : i32
      %sign3A_108 = arith.cmpi slt, %scan3A_103, %sign3A_107 : i32
      %sign3A_109 = arith.extui %sign3A_108 : i1 to i32
      %sign3A_110 = arith.subi %sign3A_106, %sign3A_109 : i32
      %sign3A_111 = arith.constant 0 : i32
      %sign3A_112 = arith.cmpi sgt, %jit3A, %sign3A_111 : i32
      %sign3A_113 = arith.extui %sign3A_112 : i1 to i32
      %sign3A_114 = arith.constant 0 : i32
      %sign3A_115 = arith.cmpi slt, %jit3A, %sign3A_114 : i32
      %sign3A_116 = arith.extui %sign3A_115 : i1 to i32
      %sign3A_117 = arith.subi %sign3A_113, %sign3A_116 : i32
      %ne3A = arith.cmpi ne, %sign3A_110, %sign3A_117 : i32
      %rem3A = arith.remsi %scan3A_103, %jit3A : i32
      %ne3A_118 = arith.constant 0 : i32
      %ne3A_119 = arith.cmpi ne, %rem3A, %ne3A_118 : i32
      %and3A = arith.andi %ne3A, %ne3A_119 : i1
      %sub3A = arith.constant 1 : i32
      %sub3A_120 = arith.subi %div3A, %sub3A : i32
      %select_n3A = arith.select %and3A, %sub3A_120, %div3A : i32
      %jit3A_121 = arith.constant 8 : i32
      %eq3A = arith.constant 0 : i32
      %eq3A_122 = arith.cmpi eq, %jit3A_121, %eq3A : i32
      %jit3A_123 = arith.constant 1 : i32
      %select_n3A_124 = arith.select %eq3A_122, %jit3A_123, %jit3A_121 : i32
      %rem3A_125 = arith.remsi %scan3A_103, %select_n3A_124 : i32
      %ne3A_126 = arith.constant 0 : i32
      %ne3A_127 = arith.cmpi ne, %rem3A_125, %ne3A_126 : i32
      %lt3A = arith.constant 0 : i32
      %lt3A_128 = arith.cmpi slt, %rem3A_125, %lt3A : i32
      %lt3A_129 = arith.constant 0 : i32
      %lt3A_130 = arith.cmpi slt, %select_n3A_124, %lt3A_129 : i32
      %ne3A_131 = arith.xori %lt3A_128, %lt3A_130 : i1
      %and3A_132 = arith.andi %ne3A_131, %ne3A_127 : i1
      %add3A_133 = arith.addi %rem3A_125, %select_n3A_124 : i32
      %select_n3A_134 = arith.select %and3A_132, %add3A_133, %rem3A_125 : i32
      %mul3A_135 = arith.constant 16 : i32
      %mul3A_136 = arith.muli %select_n3A_134, %mul3A_135 : i32
      %swap3A = arith.index_cast %select_n3A : i32 to index
      %swap3A_137 = arith.index_cast %mul3A_136 : i32 to index
      %swap3A_138 = tpu.vector_load %arg16[%swap3A, %swap3A_137] {strides = array<i32>} : memref<32x128xf32, #tpu.memory_space<vmem>>, vector<1x16xf32>,
      %swap3A_139 = vector.shape_cast %swap3A_138 : vector<1x16xf32> to vector<16xf32>
      %swap3A_140 = vector.shape_cast %broadcast_in_dim3A_1 : vector<16xf32> to vector<1x16xf32>
      tpu.vector_store %arg16[%swap3A, %swap3A_137], %swap3A_140 {strides = array<i32>} : memref<32x128xf32, #tpu.memory_space<vmem>>, vector<1x16xf32>,
      %scan3A_141 = arith.constant 0 : i32
      scf.yield %scan3A_141 : i32
    }
    %scan3A_7 = arith.constant 256 : i32
    %mul3A_8 = arith.constant 640 : i32
    %mul3A_9 = arith.muli %arg1, %mul3A_8 : i32
    %scan3A_10 = arith.constant 0 : i32
    %scan3A_11 = arith.constant 0 : i32
    %scan3A_12 = arith.constant 20 : i32
    %scan3A_13 = arith.addi %scan3A_11, %scan3A_12 : i32
    %scan3A_14 = arith.constant 1 : i32
    %scan3A_15 = scf.for %scan3A_103 = %scan3A_11 to %scan3A_13 step %scan3A_14 iter_args(%scan3A_104 = %scan3A_10) -> (i32)  : i32 {
      %mul3A_105 = arith.constant 32 : i32
      %mul3A_106 = arith.muli %scan3A_103, %mul3A_105 : i32
      %add3A_107 = arith.addi %mul3A_9, %mul3A_106 : i32
      %multiple_of3A_108 = tpu.assume_multiple %add3A_107, 8 : i32
      %dma_start3A_109 = arith.constant 0 : i32
      %dma_start3A_110 = tpu.memref_slice %arg18[%multiple_of3A_108, %dma_start3A_109] : memref<10240x128xf32, #tpu.memory_space<vmem_shared>> -> memref<32x128xf32, #tpu.memory_space<vmem_shared>>
      %dma_start3A_111 = arith.constant 0 : i32
      %dma_start3A_112 = tpu.memref_slice %arg18[%multiple_of3A_108, %dma_start3A_111] : memref<10240x128xf32, #tpu.memory_space<vmem_shared>> -> memref<32x128xf32, #tpu.memory_space<vmem_shared>>
      tpu.enqueue_dma source(%arg16 : memref<32x128xf32, #tpu.memory_space<vmem>>) target(%dma_start3A_112 : memref<32x128xf32, #tpu.memory_space<vmem_shared>>) target_semaphore(%arg22 : memref<!tpu.dma_semaphore, #tpu.memory_space<semaphore_mem>>)
      %scan3A_113 = arith.constant 0 : i32
      scf.yield %scan3A_113 : i32
    }
    %scan3A_16 = arith.constant 20 : i32
    %run_scoped3A = arith.constant 0 : i32
    "tpu.region"() ({
      %run_scoped3A_103 = tpu.sem_alloc : memref<!tpu.dma_semaphore, #tpu.memory_space<semaphore_mem>>
      %dma_start3A_104 = arith.constant 0 : i32
      %dma_start3A_105 = tpu.memref_slice %arg3[%add3A, %run_scoped3A, %dma_start3A_104] : memref<32x125x80xi32, #tpu.memory_space<hbm>> -> memref<1x1x80xi32, #tpu.memory_space<hbm>>
      %dma_start3A_106 = tpu.memref_squeeze %dma_start3A_105 : memref<1x1x80xi32, #tpu.memory_space<hbm>> -> memref<80xi32, #tpu.memory_space<hbm>>
      %dma_start3A_107 = arith.constant 0 : i32
      %dma_start3A_108 = tpu.memref_slice %arg3[%add3A, %run_scoped3A, %dma_start3A_107] : memref<32x125x80xi32, #tpu.memory_space<hbm>> -> memref<1x1x80xi32, #tpu.memory_space<hbm>>
      %dma_start3A_109 = tpu.memref_squeeze %dma_start3A_108 : memref<1x1x80xi32, #tpu.memory_space<hbm>> -> memref<80xi32, #tpu.memory_space<hbm>>
      tpu.enqueue_dma source(%dma_start3A_109 : memref<80xi32, #tpu.memory_space<hbm>>) target(%arg6 : memref<80xi32, #tpu.memory_space<vmem>>) target_semaphore(%run_scoped3A_103 : memref<!tpu.dma_semaphore, #tpu.memory_space<semaphore_mem>>)
      %dma_wait3A_110 = arith.constant 0 : i32
      %dma_wait3A_111 = tpu.memref_slice %arg3[%add3A, %run_scoped3A, %dma_wait3A_110] : memref<32x125x80xi32, #tpu.memory_space<hbm>> -> memref<1x1x80xi32, #tpu.memory_space<hbm>>
      %dma_wait3A_112 = tpu.memref_squeeze %dma_wait3A_111 : memref<1x1x80xi32, #tpu.memory_space<hbm>> -> memref<80xi32, #tpu.memory_space<hbm>>
      %dma_wait3A_113 = arith.constant 0 : i32
      %dma_wait3A_114 = tpu.memref_slice %arg3[%add3A, %run_scoped3A, %dma_wait3A_113] : memref<32x125x80xi32, #tpu.memory_space<hbm>> -> memref<1x1x80xi32, #tpu.memory_space<hbm>>
      %dma_wait3A_115 = tpu.memref_squeeze %dma_wait3A_114 : memref<1x1x80xi32, #tpu.memory_space<hbm>> -> memref<80xi32, #tpu.memory_space<hbm>>
      tpu.wait_dma2 semaphore(%run_scoped3A_103 : memref<!tpu.dma_semaphore, #tpu.memory_space<semaphore_mem>>) src(%dma_wait3A_115 : memref<80xi32, #tpu.memory_space<hbm>>) dst(%arg6 : memref<80xi32, #tpu.memory_space<vmem>>)
      tpu.yield
    }) : () -> ()
    %run_scoped3A_17 = arith.constant 0 : i32
    "tpu.region"() ({
      %run_scoped3A_103 = tpu.sem_alloc : memref<!tpu.dma_semaphore, #tpu.memory_space<semaphore_mem>>
      %dma_start3A_104 = arith.constant 0 : i32
      %dma_start3A_105 = tpu.memref_slice %arg4[%add3A, %run_scoped3A_17, %dma_start3A_104] : memref<32x125x80xi32, #tpu.memory_space<hbm>> -> memref<1x1x80xi32, #tpu.memory_space<hbm>>
      %dma_start3A_106 = tpu.memref_squeeze %dma_start3A_105 : memref<1x1x80xi32, #tpu.memory_space<hbm>> -> memref<80xi32, #tpu.memory_space<hbm>>
      %dma_start3A_107 = arith.constant 0 : i32
      %dma_start3A_108 = tpu.memref_slice %arg4[%add3A, %run_scoped3A_17, %dma_start3A_107] : memref<32x125x80xi32, #tpu.memory_space<hbm>> -> memref<1x1x80xi32, #tpu.memory_space<hbm>>
      %dma_start3A_109 = tpu.memref_squeeze %dma_start3A_108 : memref<1x1x80xi32, #tpu.memory_space<hbm>> -> memref<80xi32, #tpu.memory_space<hbm>>
      tpu.enqueue_dma source(%dma_start3A_109 : memref<80xi32, #tpu.memory_space<hbm>>) target(%arg10 : memref<80xi32, #tpu.memory_space<vmem>>) target_semaphore(%run_scoped3A_103 : memref<!tpu.dma_semaphore, #tpu.memory_space<semaphore_mem>>)
      %dma_wait3A_110 = arith.constant 0 : i32
      %dma_wait3A_111 = tpu.memref_slice %arg4[%add3A, %run_scoped3A_17, %dma_wait3A_110] : memref<32x125x80xi32, #tpu.memory_space<hbm>> -> memref<1x1x80xi32, #tpu.memory_space<hbm>>
      %dma_wait3A_112 = tpu.memref_squeeze %dma_wait3A_111 : memref<1x1x80xi32, #tpu.memory_space<hbm>> -> memref<80xi32, #tpu.memory_space<hbm>>
      %dma_wait3A_113 = arith.constant 0 : i32
      %dma_wait3A_114 = tpu.memref_slice %arg4[%add3A, %run_scoped3A_17, %dma_wait3A_113] : memref<32x125x80xi32, #tpu.memory_space<hbm>> -> memref<1x1x80xi32, #tpu.memory_space<hbm>>
      %dma_wait3A_115 = tpu.memref_squeeze %dma_wait3A_114 : memref<1x1x80xi32, #tpu.memory_space<hbm>> -> memref<80xi32, #tpu.memory_space<hbm>>
      tpu.wait_dma2 semaphore(%run_scoped3A_103 : memref<!tpu.dma_semaphore, #tpu.memory_space<semaphore_mem>>) src(%dma_wait3A_115 : memref<80xi32, #tpu.memory_space<hbm>>) dst(%arg10 : memref<80xi32, #tpu.memory_space<vmem>>)
      tpu.yield
    }) : () -> ()
    %run_scoped3A_18 = arith.constant 1 : i32
    "tpu.region"() ({
      %run_scoped3A_103 = tpu.sem_alloc : memref<!tpu.dma_semaphore, #tpu.memory_space<semaphore_mem>>
      %dma_start3A_104 = arith.constant 0 : i32
      %dma_start3A_105 = tpu.memref_slice %arg3[%add3A, %run_scoped3A_18, %dma_start3A_104] : memref<32x125x80xi32, #tpu.memory_space<hbm>> -> memref<1x1x80xi32, #tpu.memory_space<hbm>>
      %dma_start3A_106 = tpu.memref_squeeze %dma_start3A_105 : memref<1x1x80xi32, #tpu.memory_space<hbm>> -> memref<80xi32, #tpu.memory_space<hbm>>
      %dma_start3A_107 = arith.constant 0 : i32
      %dma_start3A_108 = tpu.memref_slice %arg3[%add3A, %run_scoped3A_18, %dma_start3A_107] : memref<32x125x80xi32, #tpu.memory_space<hbm>> -> memref<1x1x80xi32, #tpu.memory_space<hbm>>
      %dma_start3A_109 = tpu.memref_squeeze %dma_start3A_108 : memref<1x1x80xi32, #tpu.memory_space<hbm>> -> memref<80xi32, #tpu.memory_space<hbm>>
      tpu.enqueue_dma source(%dma_start3A_109 : memref<80xi32, #tpu.memory_space<hbm>>) target(%arg7 : memref<80xi32, #tpu.memory_space<vmem>>) target_semaphore(%run_scoped3A_103 : memref<!tpu.dma_semaphore, #tpu.memory_space<semaphore_mem>>)
      %dma_wait3A_110 = arith.constant 0 : i32
      %dma_wait3A_111 = tpu.memref_slice %arg3[%add3A, %run_scoped3A_18, %dma_wait3A_110] : memref<32x125x80xi32, #tpu.memory_space<hbm>> -> memref<1x1x80xi32, #tpu.memory_space<hbm>>
      %dma_wait3A_112 = tpu.memref_squeeze %dma_wait3A_111 : memref<1x1x80xi32, #tpu.memory_space<hbm>> -> memref<80xi32, #tpu.memory_space<hbm>>
      %dma_wait3A_113 = arith.constant 0 : i32
      %dma_wait3A_114 = tpu.memref_slice %arg3[%add3A, %run_scoped3A_18, %dma_wait3A_113] : memref<32x125x80xi32, #tpu.memory_space<hbm>> -> memref<1x1x80xi32, #tpu.memory_space<hbm>>
      %dma_wait3A_115 = tpu.memref_squeeze %dma_wait3A_114 : memref<1x1x80xi32, #tpu.memory_space<hbm>> -> memref<80xi32, #tpu.memory_space<hbm>>
      tpu.wait_dma2 semaphore(%run_scoped3A_103 : memref<!tpu.dma_semaphore, #tpu.memory_space<semaphore_mem>>) src(%dma_wait3A_115 : memref<80xi32, #tpu.memory_space<hbm>>) dst(%arg7 : memref<80xi32, #tpu.memory_space<vmem>>)
      tpu.yield
    }) : () -> ()
    %run_scoped3A_19 = arith.constant 1 : i32
    "tpu.region"() ({
      %run_scoped3A_103 = tpu.sem_alloc : memref<!tpu.dma_semaphore, #tpu.memory_space<semaphore_mem>>
      %dma_start3A_104 = arith.constant 0 : i32
      %dma_start3A_105 = tpu.memref_slice %arg4[%add3A, %run_scoped3A_19, %dma_start3A_104] : memref<32x125x80xi32, #tpu.memory_space<hbm>> -> memref<1x1x80xi32, #tpu.memory_space<hbm>>
      %dma_start3A_106 = tpu.memref_squeeze %dma_start3A_105 : memref<1x1x80xi32, #tpu.memory_space<hbm>> -> memref<80xi32, #tpu.memory_space<hbm>>
      %dma_start3A_107 = arith.constant 0 : i32
      %dma_start3A_108 = tpu.memref_slice %arg4[%add3A, %run_scoped3A_19, %dma_start3A_107] : memref<32x125x80xi32, #tpu.memory_space<hbm>> -> memref<1x1x80xi32, #tpu.memory_space<hbm>>
      %dma_start3A_109 = tpu.memref_squeeze %dma_start3A_108 : memref<1x1x80xi32, #tpu.memory_space<hbm>> -> memref<80xi32, #tpu.memory_space<hbm>>
      tpu.enqueue_dma source(%dma_start3A_109 : memref<80xi32, #tpu.memory_space<hbm>>) target(%arg11 : memref<80xi32, #tpu.memory_space<vmem>>) target_semaphore(%run_scoped3A_103 : memref<!tpu.dma_semaphore, #tpu.memory_space<semaphore_mem>>)
      %dma_wait3A_110 = arith.constant 0 : i32
      %dma_wait3A_111 = tpu.memref_slice %arg4[%add3A, %run_scoped3A_19, %dma_wait3A_110] : memref<32x125x80xi32, #tpu.memory_space<hbm>> -> memref<1x1x80xi32, #tpu.memory_space<hbm>>
      %dma_wait3A_112 = tpu.memref_squeeze %dma_wait3A_111 : memref<1x1x80xi32, #tpu.memory_space<hbm>> -> memref<80xi32, #tpu.memory_space<hbm>>
      %dma_wait3A_113 = arith.constant 0 : i32
      %dma_wait3A_114 = tpu.memref_slice %arg4[%add3A, %run_scoped3A_19, %dma_wait3A_113] : memref<32x125x80xi32, #tpu.memory_space<hbm>> -> memref<1x1x80xi32, #tpu.memory_space<hbm>>
      %dma_wait3A_115 = tpu.memref_squeeze %dma_wait3A_114 : memref<1x1x80xi32, #tpu.memory_space<hbm>> -> memref<80xi32, #tpu.memory_space<hbm>>
      tpu.wait_dma2 semaphore(%run_scoped3A_103 : memref<!tpu.dma_semaphore, #tpu.memory_space<semaphore_mem>>) src(%dma_wait3A_115 : memref<80xi32, #tpu.memory_space<hbm>>) dst(%arg11 : memref<80xi32, #tpu.memory_space<vmem>>)
      tpu.yield
    }) : () -> ()
    %dma_start3A = arith.constant 0 : i32
    %dma_start3A_20 = arith.constant 0 : i32
    %dma_start3A_21 = tpu.memref_slice %arg2[%dma_start3A, %dma_start3A_20] : memref<10000x128xf32, #tpu.memory_space<hbm>> -> memref<10000x128xf32, #tpu.memory_space<hbm>>
    tpu.enqueue_indirect_dma source(%dma_start3A_21 : memref<10000x128xf32, #tpu.memory_space<hbm>>) target(%arg14 : memref<80x128xf32, #tpu.memory_space<vmem>>) offsets(%arg6 : memref<80xi32, #tpu.memory_space<vmem>>) semaphore(%arg19 : memref<!tpu.dma_semaphore, #tpu.memory_space<semaphore_mem>>)
    %dma_start3A_22 = arith.constant 0 : i32
    %dma_start3A_23 = arith.constant 0 : i32
    %dma_start3A_24 = tpu.memref_slice %arg2[%dma_start3A_22, %dma_start3A_23] : memref<10000x128xf32, #tpu.memory_space<hbm>> -> memref<10000x128xf32, #tpu.memory_space<hbm>>
    tpu.enqueue_indirect_dma source(%dma_start3A_24 : memref<10000x128xf32, #tpu.memory_space<hbm>>) target(%arg15 : memref<80x128xf32, #tpu.memory_space<vmem>>) offsets(%arg7 : memref<80xi32, #tpu.memory_space<vmem>>) semaphore(%arg19 : memref<!tpu.dma_semaphore, #tpu.memory_space<semaphore_mem>>)
    %dma_start3A_25 = arith.constant 2 : i32
    %dma_start3A_26 = arith.constant 0 : i32
    %dma_start3A_27 = tpu.memref_slice %arg3[%add3A, %dma_start3A_25, %dma_start3A_26] : memref<32x125x80xi32, #tpu.memory_space<hbm>> -> memref<1x1x80xi32, #tpu.memory_space<hbm>>
    %dma_start3A_28 = tpu.memref_squeeze %dma_start3A_27 : memref<1x1x80xi32, #tpu.memory_space<hbm>> -> memref<80xi32, #tpu.memory_space<hbm>>
    %dma_start3A_29 = arith.constant 0 : i32
    %dma_start3A_30 = tpu.memref_slice %arg3[%add3A, %dma_start3A_25, %dma_start3A_29] : memref<32x125x80xi32, #tpu.memory_space<hbm>> -> memref<1x1x80xi32, #tpu.memory_space<hbm>>
    %dma_start3A_31 = tpu.memref_squeeze %dma_start3A_30 : memref<1x1x80xi32, #tpu.memory_space<hbm>> -> memref<80xi32, #tpu.memory_space<hbm>>
    tpu.enqueue_dma source(%dma_start3A_31 : memref<80xi32, #tpu.memory_space<hbm>>) target(%arg8 : memref<80xi32, #tpu.memory_space<vmem>>) target_semaphore(%arg20 : memref<!tpu.dma_semaphore, #tpu.memory_space<semaphore_mem>>)
    %dma_start3A_32 = arith.constant 2 : i32
    %dma_start3A_33 = arith.constant 0 : i32
    %dma_start3A_34 = tpu.memref_slice %arg4[%add3A, %dma_start3A_32, %dma_start3A_33] : memref<32x125x80xi32, #tpu.memory_space<hbm>> -> memref<1x1x80xi32, #tpu.memory_space<hbm>>
    %dma_start3A_35 = tpu.memref_squeeze %dma_start3A_34 : memref<1x1x80xi32, #tpu.memory_space<hbm>> -> memref<80xi32, #tpu.memory_space<hbm>>
    %dma_start3A_36 = arith.constant 0 : i32
    %dma_start3A_37 = tpu.memref_slice %arg4[%add3A, %dma_start3A_32, %dma_start3A_36] : memref<32x125x80xi32, #tpu.memory_space<hbm>> -> memref<1x1x80xi32, #tpu.memory_space<hbm>>
    %dma_start3A_38 = tpu.memref_squeeze %dma_start3A_37 : memref<1x1x80xi32, #tpu.memory_space<hbm>> -> memref<80xi32, #tpu.memory_space<hbm>>
    tpu.enqueue_dma source(%dma_start3A_38 : memref<80xi32, #tpu.memory_space<hbm>>) target(%arg12 : memref<80xi32, #tpu.memory_space<vmem>>) target_semaphore(%arg20 : memref<!tpu.dma_semaphore, #tpu.memory_space<semaphore_mem>>)
    %dma_start3A_39 = arith.constant 3 : i32
    %dma_start3A_40 = arith.constant 0 : i32
    %dma_start3A_41 = tpu.memref_slice %arg3[%add3A, %dma_start3A_39, %dma_start3A_40] : memref<32x125x80xi32, #tpu.memory_space<hbm>> -> memref<1x1x80xi32, #tpu.memory_space<hbm>>
    %dma_start3A_42 = tpu.memref_squeeze %dma_start3A_41 : memref<1x1x80xi32, #tpu.memory_space<hbm>> -> memref<80xi32, #tpu.memory_space<hbm>>
    %dma_start3A_43 = arith.constant 0 : i32
    %dma_start3A_44 = tpu.memref_slice %arg3[%add3A, %dma_start3A_39, %dma_start3A_43] : memref<32x125x80xi32, #tpu.memory_space<hbm>> -> memref<1x1x80xi32, #tpu.memory_space<hbm>>
    %dma_start3A_45 = tpu.memref_squeeze %dma_start3A_44 : memref<1x1x80xi32, #tpu.memory_space<hbm>> -> memref<80xi32, #tpu.memory_space<hbm>>
    tpu.enqueue_dma source(%dma_start3A_45 : memref<80xi32, #tpu.memory_space<hbm>>) target(%arg9 : memref<80xi32, #tpu.memory_space<vmem>>) target_semaphore(%arg20 : memref<!tpu.dma_semaphore, #tpu.memory_space<semaphore_mem>>)
    %dma_start3A_46 = arith.constant 3 : i32
    %dma_start3A_47 = arith.constant 0 : i32
    %dma_start3A_48 = tpu.memref_slice %arg4[%add3A, %dma_start3A_46, %dma_start3A_47] : memref<32x125x80xi32, #tpu.memory_space<hbm>> -> memref<1x1x80xi32, #tpu.memory_space<hbm>>
    %dma_start3A_49 = tpu.memref_squeeze %dma_start3A_48 : memref<1x1x80xi32, #tpu.memory_space<hbm>> -> memref<80xi32, #tpu.memory_space<hbm>>
    %dma_start3A_50 = arith.constant 0 : i32
    %dma_start3A_51 = tpu.memref_slice %arg4[%add3A, %dma_start3A_46, %dma_start3A_50] : memref<32x125x80xi32, #tpu.memory_space<hbm>> -> memref<1x1x80xi32, #tpu.memory_space<hbm>>
    %dma_start3A_52 = tpu.memref_squeeze %dma_start3A_51 : memref<1x1x80xi32, #tpu.memory_space<hbm>> -> memref<80xi32, #tpu.memory_space<hbm>>
    tpu.enqueue_dma source(%dma_start3A_52 : memref<80xi32, #tpu.memory_space<hbm>>) target(%arg13 : memref<80xi32, #tpu.memory_space<vmem>>) target_semaphore(%arg20 : memref<!tpu.dma_semaphore, #tpu.memory_space<semaphore_mem>>)
    %scan3A_53 = arith.constant 0 : i32
    %scan3A_54 = arith.constant 0 : i32
    %scan3A_55 = arith.constant 20 : i32
    %scan3A_56 = arith.addi %scan3A_54, %scan3A_55 : i32
    %scan3A_57 = arith.constant 1 : i32
    %scan3A_58 = scf.for %scan3A_103 = %scan3A_54 to %scan3A_56 step %scan3A_57 iter_args(%scan3A_104 = %scan3A_53) -> (i32)  : i32 {
      %dma_wait3A_105 = arith.constant 0 : i32
      %dma_wait3A_106 = arith.constant 0 : i32
      %dma_wait3A_107 = tpu.memref_slice %arg18[%dma_wait3A_105, %dma_wait3A_106] : memref<10240x128xf32, #tpu.memory_space<vmem_shared>> -> memref<32x128xf32, #tpu.memory_space<vmem_shared>>
      %dma_wait3A_108 = arith.constant 0 : i32
      %dma_wait3A_109 = arith.constant 0 : i32
      %dma_wait3A_110 = tpu.memref_slice %arg18[%dma_wait3A_108, %dma_wait3A_109] : memref<10240x128xf32, #tpu.memory_space<vmem_shared>> -> memref<32x128xf32, #tpu.memory_space<vmem_shared>>
      tpu.wait_dma2 semaphore(%arg22 : memref<!tpu.dma_semaphore, #tpu.memory_space<semaphore_mem>>) src(%dma_wait3A_110 : memref<32x128xf32, #tpu.memory_space<vmem_shared>>) dst(%arg16 : memref<32x128xf32, #tpu.memory_space<vmem>>)
      %scan3A_111 = arith.constant 0 : i32
      scf.yield %scan3A_111 : i32
    }
    %scan3A_59 = arith.constant 20 : i32
    %barrier3A = arith.constant 0 : index
    tpu.barrier barrier_id(%barrier3A)
    %scan3A_60 = arith.constant 0 : i32
    %scan3A_61 = arith.constant 0 : i32
    %scan3A_62 = arith.constant 32 : i32
    %scan3A_63 = arith.addi %scan3A_61, %scan3A_62 : i32
    %scan3A_64 = arith.constant 1 : i32
    %scan3A_65 = scf.for %scan3A_103 = %scan3A_61 to %scan3A_63 step %scan3A_64 iter_args(%scan3A_104 = %scan3A_60) -> (i32)  : i32 {
      %mul3A_105 = arith.constant 4 : i32
      %mul3A_106 = arith.muli %scan3A_103, %mul3A_105 : i32
      %add3A_107 = arith.constant 0 : i32
      %add3A_108 = arith.addi %mul3A_106, %add3A_107 : i32
      %lt3A = arith.constant 125 : i32
      %lt3A_109 = arith.cmpi slt, %add3A_108, %lt3A : i32
      %convert_element_type3A = arith.extui %lt3A_109 : i1 to i32
      %cond3A = arith.constant 0 : i32
      %cond3A_110 = arith.cmpi ne, %convert_element_type3A, %cond3A : i32
      scf.if %cond3A_110 {
        %dma_wait3A_189 = arith.constant 0 : i32
        %dma_wait3A_190 = arith.constant 0 : i32
        %dma_wait3A_191 = tpu.memref_slice %arg2[%dma_wait3A_189, %dma_wait3A_190] : memref<10000x128xf32, #tpu.memory_space<hbm>> -> memref<80x128xf32, #tpu.memory_space<hbm>>
        %dma_wait3A_192 = arith.constant 0 : i32
        %dma_wait3A_193 = arith.constant 0 : i32
        %dma_wait3A_194 = tpu.memref_slice %arg2[%dma_wait3A_192, %dma_wait3A_193] : memref<10000x128xf32, #tpu.memory_space<hbm>> -> memref<80x128xf32, #tpu.memory_space<hbm>>
        tpu.wait_dma2 semaphore(%arg19 : memref<!tpu.dma_semaphore, #tpu.memory_space<semaphore_mem>>) src(%dma_wait3A_194 : memref<80x128xf32, #tpu.memory_space<hbm>>) dst(%arg14 : memref<80x128xf32, #tpu.memory_space<vmem>>)
        "tpu.region"() ({
          %run_scoped3A_195 = tpu.sem_alloc : memref<!tpu.dma_semaphore, #tpu.memory_space<semaphore_mem>>
          %dma_start3A_196 = arith.constant 0 : i32
          %dma_start3A_197 = arith.constant 0 : i32
          %dma_start3A_198 = tpu.memref_slice %arg18[%dma_start3A_196, %dma_start3A_197] : memref<10240x128xf32, #tpu.memory_space<vmem_shared>> -> memref<10240x128xf32, #tpu.memory_space<vmem_shared>>
          tpu.enqueue_indirect_dma source(%arg14 : memref<80x128xf32, #tpu.memory_space<vmem>>) target(%dma_start3A_198 : memref<10240x128xf32, #tpu.memory_space<vmem_shared>>) offsets(%arg10 : memref<80xi32, #tpu.memory_space<vmem>>) semaphore(%run_scoped3A_195 : memref<!tpu.dma_semaphore, #tpu.memory_space<semaphore_mem>>) {add = true}
          %dma_wait3A_199 = arith.constant 0 : i32
          %dma_wait3A_200 = arith.constant 0 : i32
          %dma_wait3A_201 = tpu.memref_slice %arg18[%dma_wait3A_199, %dma_wait3A_200] : memref<10240x128xf32, #tpu.memory_space<vmem_shared>> -> memref<10240x128xf32, #tpu.memory_space<vmem_shared>>
          tpu.wait_indirect_dma semaphore(%run_scoped3A_195 : memref<!tpu.dma_semaphore, #tpu.memory_space<semaphore_mem>>) src(%arg14 : memref<80x128xf32, #tpu.memory_space<vmem>>) dst(%dma_wait3A_201 : memref<10240x128xf32, #tpu.memory_space<vmem_shared>>)
          tpu.yield
        }) : () -> ()
      } else {
      }
      %add3A_111 = arith.constant 4 : i32
      %add3A_112 = arith.addi %add3A_108, %add3A_111 : i32
      %lt3A_113 = arith.constant 125 : i32
      %lt3A_114 = arith.cmpi slt, %add3A_112, %lt3A_113 : i32
      %convert_element_type3A_115 = arith.extui %lt3A_114 : i1 to i32
      %cond3A_116 = arith.constant 0 : i32
      %cond3A_117 = arith.cmpi ne, %convert_element_type3A_115, %cond3A_116 : i32
      scf.if %cond3A_117 {
        %add3A_189 = arith.constant 4 : i32
        %add3A_190 = arith.addi %add3A_108, %add3A_189 : i32
        %dma_start3A_191 = arith.constant 0 : i32
        %dma_start3A_192 = tpu.memref_slice %arg3[%add3A, %add3A_190, %dma_start3A_191] : memref<32x125x80xi32, #tpu.memory_space<hbm>> -> memref<1x1x80xi32, #tpu.memory_space<hbm>>
        %dma_start3A_193 = tpu.memref_squeeze %dma_start3A_192 : memref<1x1x80xi32, #tpu.memory_space<hbm>> -> memref<80xi32, #tpu.memory_space<hbm>>
        %dma_start3A_194 = arith.constant 0 : i32
        %dma_start3A_195 = tpu.memref_slice %arg3[%add3A, %add3A_190, %dma_start3A_194] : memref<32x125x80xi32, #tpu.memory_space<hbm>> -> memref<1x1x80xi32, #tpu.memory_space<hbm>>
        %dma_start3A_196 = tpu.memref_squeeze %dma_start3A_195 : memref<1x1x80xi32, #tpu.memory_space<hbm>> -> memref<80xi32, #tpu.memory_space<hbm>>
        tpu.enqueue_dma source(%dma_start3A_196 : memref<80xi32, #tpu.memory_space<hbm>>) target(%arg6 : memref<80xi32, #tpu.memory_space<vmem>>) target_semaphore(%arg20 : memref<!tpu.dma_semaphore, #tpu.memory_space<semaphore_mem>>)
        %add3A_197 = arith.constant 4 : i32
        %add3A_198 = arith.addi %add3A_108, %add3A_197 : i32
        %dma_start3A_199 = arith.constant 0 : i32
        %dma_start3A_200 = tpu.memref_slice %arg4[%add3A, %add3A_198, %dma_start3A_199] : memref<32x125x80xi32, #tpu.memory_space<hbm>> -> memref<1x1x80xi32, #tpu.memory_space<hbm>>
        %dma_start3A_201 = tpu.memref_squeeze %dma_start3A_200 : memref<1x1x80xi32, #tpu.memory_space<hbm>> -> memref<80xi32, #tpu.memory_space<hbm>>
        %dma_start3A_202 = arith.constant 0 : i32
        %dma_start3A_203 = tpu.memref_slice %arg4[%add3A, %add3A_198, %dma_start3A_202] : memref<32x125x80xi32, #tpu.memory_space<hbm>> -> memref<1x1x80xi32, #tpu.memory_space<hbm>>
        %dma_start3A_204 = tpu.memref_squeeze %dma_start3A_203 : memref<1x1x80xi32, #tpu.memory_space<hbm>> -> memref<80xi32, #tpu.memory_space<hbm>>
        tpu.enqueue_dma source(%dma_start3A_204 : memref<80xi32, #tpu.memory_space<hbm>>) target(%arg10 : memref<80xi32, #tpu.memory_space<vmem>>) target_semaphore(%arg20 : memref<!tpu.dma_semaphore, #tpu.memory_space<semaphore_mem>>)
      } else {
      }
      %add3A_118 = arith.constant 2 : i32
      %add3A_119 = arith.addi %add3A_108, %add3A_118 : i32
      %lt3A_120 = arith.constant 125 : i32
      %lt3A_121 = arith.cmpi slt, %add3A_119, %lt3A_120 : i32
      %convert_element_type3A_122 = arith.extui %lt3A_121 : i1 to i32
      %cond3A_123 = arith.constant 0 : i32
      %cond3A_124 = arith.cmpi ne, %convert_element_type3A_122, %cond3A_123 : i32
      scf.if %cond3A_124 {
        %dma_wait3A_189 = arith.constant 0 : i32
        %dma_wait3A_190 = arith.constant 0 : i32
        %dma_wait3A_191 = tpu.memref_slice %arg3[%add3A, %dma_wait3A_189, %dma_wait3A_190] : memref<32x125x80xi32, #tpu.memory_space<hbm>> -> memref<1x1x80xi32, #tpu.memory_space<hbm>>
        %dma_wait3A_192 = tpu.memref_squeeze %dma_wait3A_191 : memref<1x1x80xi32, #tpu.memory_space<hbm>> -> memref<80xi32, #tpu.memory_space<hbm>>
        %dma_wait3A_193 = arith.constant 0 : i32
        %dma_wait3A_194 = tpu.memref_slice %arg3[%add3A, %dma_wait3A_189, %dma_wait3A_193] : memref<32x125x80xi32, #tpu.memory_space<hbm>> -> memref<1x1x80xi32, #tpu.memory_space<hbm>>
        %dma_wait3A_195 = tpu.memref_squeeze %dma_wait3A_194 : memref<1x1x80xi32, #tpu.memory_space<hbm>> -> memref<80xi32, #tpu.memory_space<hbm>>
        tpu.wait_dma2 semaphore(%arg20 : memref<!tpu.dma_semaphore, #tpu.memory_space<semaphore_mem>>) src(%dma_wait3A_195 : memref<80xi32, #tpu.memory_space<hbm>>) dst(%arg8 : memref<80xi32, #tpu.memory_space<vmem>>)
        %dma_wait3A_196 = arith.constant 0 : i32
        %dma_wait3A_197 = arith.constant 0 : i32
        %dma_wait3A_198 = tpu.memref_slice %arg4[%add3A, %dma_wait3A_196, %dma_wait3A_197] : memref<32x125x80xi32, #tpu.memory_space<hbm>> -> memref<1x1x80xi32, #tpu.memory_space<hbm>>
        %dma_wait3A_199 = tpu.memref_squeeze %dma_wait3A_198 : memref<1x1x80xi32, #tpu.memory_space<hbm>> -> memref<80xi32, #tpu.memory_space<hbm>>
        %dma_wait3A_200 = arith.constant 0 : i32
        %dma_wait3A_201 = tpu.memref_slice %arg4[%add3A, %dma_wait3A_196, %dma_wait3A_200] : memref<32x125x80xi32, #tpu.memory_space<hbm>> -> memref<1x1x80xi32, #tpu.memory_space<hbm>>
        %dma_wait3A_202 = tpu.memref_squeeze %dma_wait3A_201 : memref<1x1x80xi32, #tpu.memory_space<hbm>> -> memref<80xi32, #tpu.memory_space<hbm>>
        tpu.wait_dma2 semaphore(%arg20 : memref<!tpu.dma_semaphore, #tpu.memory_space<semaphore_mem>>) src(%dma_wait3A_202 : memref<80xi32, #tpu.memory_space<hbm>>) dst(%arg12 : memref<80xi32, #tpu.memory_space<vmem>>)
        %dma_start3A_203 = arith.constant 0 : i32
        %dma_start3A_204 = arith.constant 0 : i32
        %dma_start3A_205 = tpu.memref_slice %arg2[%dma_start3A_203, %dma_start3A_204] : memref<10000x128xf32, #tpu.memory_space<hbm>> -> memref<10000x128xf32, #tpu.memory_space<hbm>>
        tpu.enqueue_indirect_dma source(%dma_start3A_205 : memref<10000x128xf32, #tpu.memory_space<hbm>>) target(%arg14 : memref<80x128xf32, #tpu.memory_space<vmem>>) offsets(%arg8 : memref<80xi32, #tpu.memory_space<vmem>>) semaphore(%arg19 : memref<!tpu.dma_semaphore, #tpu.memory_space<semaphore_mem>>)
      } else {
      }
      %add3A_125 = arith.constant 1 : i32
      %add3A_126 = arith.addi %mul3A_106, %add3A_125 : i32
      %lt3A_127 = arith.constant 125 : i32
      %lt3A_128 = arith.cmpi slt, %add3A_126, %lt3A_127 : i32
      %convert_element_type3A_129 = arith.extui %lt3A_128 : i1 to i32
      %cond3A_130 = arith.constant 0 : i32
      %cond3A_131 = arith.cmpi ne, %convert_element_type3A_129, %cond3A_130 : i32
      scf.if %cond3A_131 {
        %dma_wait3A_189 = arith.constant 0 : i32
        %dma_wait3A_190 = arith.constant 0 : i32
        %dma_wait3A_191 = tpu.memref_slice %arg2[%dma_wait3A_189, %dma_wait3A_190] : memref<10000x128xf32, #tpu.memory_space<hbm>> -> memref<80x128xf32, #tpu.memory_space<hbm>>
        %dma_wait3A_192 = arith.constant 0 : i32
        %dma_wait3A_193 = arith.constant 0 : i32
        %dma_wait3A_194 = tpu.memref_slice %arg2[%dma_wait3A_192, %dma_wait3A_193] : memref<10000x128xf32, #tpu.memory_space<hbm>> -> memref<80x128xf32, #tpu.memory_space<hbm>>
        tpu.wait_dma2 semaphore(%arg19 : memref<!tpu.dma_semaphore, #tpu.memory_space<semaphore_mem>>) src(%dma_wait3A_194 : memref<80x128xf32, #tpu.memory_space<hbm>>) dst(%arg15 : memref<80x128xf32, #tpu.memory_space<vmem>>)
        "tpu.region"() ({
          %run_scoped3A_195 = tpu.sem_alloc : memref<!tpu.dma_semaphore, #tpu.memory_space<semaphore_mem>>
          %dma_start3A_196 = arith.constant 0 : i32
          %dma_start3A_197 = arith.constant 0 : i32
          %dma_start3A_198 = tpu.memref_slice %arg18[%dma_start3A_196, %dma_start3A_197] : memref<10240x128xf32, #tpu.memory_space<vmem_shared>> -> memref<10240x128xf32, #tpu.memory_space<vmem_shared>>
          tpu.enqueue_indirect_dma source(%arg15 : memref<80x128xf32, #tpu.memory_space<vmem>>) target(%dma_start3A_198 : memref<10240x128xf32, #tpu.memory_space<vmem_shared>>) offsets(%arg11 : memref<80xi32, #tpu.memory_space<vmem>>) semaphore(%run_scoped3A_195 : memref<!tpu.dma_semaphore, #tpu.memory_space<semaphore_mem>>) {add = true}
          %dma_wait3A_199 = arith.constant 0 : i32
          %dma_wait3A_200 = arith.constant 0 : i32
          %dma_wait3A_201 = tpu.memref_slice %arg18[%dma_wait3A_199, %dma_wait3A_200] : memref<10240x128xf32, #tpu.memory_space<vmem_shared>> -> memref<10240x128xf32, #tpu.memory_space<vmem_shared>>
          tpu.wait_indirect_dma semaphore(%run_scoped3A_195 : memref<!tpu.dma_semaphore, #tpu.memory_space<semaphore_mem>>) src(%arg15 : memref<80x128xf32, #tpu.memory_space<vmem>>) dst(%dma_wait3A_201 : memref<10240x128xf32, #tpu.memory_space<vmem_shared>>)
          tpu.yield
        }) : () -> ()
      } else {
      }
      %add3A_132 = arith.constant 4 : i32
      %add3A_133 = arith.addi %add3A_126, %add3A_132 : i32
      %lt3A_134 = arith.constant 125 : i32
      %lt3A_135 = arith.cmpi slt, %add3A_133, %lt3A_134 : i32
      %convert_element_type3A_136 = arith.extui %lt3A_135 : i1 to i32
      %cond3A_137 = arith.constant 0 : i32
      %cond3A_138 = arith.cmpi ne, %convert_element_type3A_136, %cond3A_137 : i32
      scf.if %cond3A_138 {
        %add3A_189 = arith.constant 4 : i32
        %add3A_190 = arith.addi %add3A_126, %add3A_189 : i32
        %dma_start3A_191 = arith.constant 0 : i32
        %dma_start3A_192 = tpu.memref_slice %arg3[%add3A, %add3A_190, %dma_start3A_191] : memref<32x125x80xi32, #tpu.memory_space<hbm>> -> memref<1x1x80xi32, #tpu.memory_space<hbm>>
        %dma_start3A_193 = tpu.memref_squeeze %dma_start3A_192 : memref<1x1x80xi32, #tpu.memory_space<hbm>> -> memref<80xi32, #tpu.memory_space<hbm>>
        %dma_start3A_194 = arith.constant 0 : i32
        %dma_start3A_195 = tpu.memref_slice %arg3[%add3A, %add3A_190, %dma_start3A_194] : memref<32x125x80xi32, #tpu.memory_space<hbm>> -> memref<1x1x80xi32, #tpu.memory_space<hbm>>
        %dma_start3A_196 = tpu.memref_squeeze %dma_start3A_195 : memref<1x1x80xi32, #tpu.memory_space<hbm>> -> memref<80xi32, #tpu.memory_space<hbm>>
        tpu.enqueue_dma source(%dma_start3A_196 : memref<80xi32, #tpu.memory_space<hbm>>) target(%arg7 : memref<80xi32, #tpu.memory_space<vmem>>) target_semaphore(%arg20 : memref<!tpu.dma_semaphore, #tpu.memory_space<semaphore_mem>>)
        %add3A_197 = arith.constant 4 : i32
        %add3A_198 = arith.addi %add3A_126, %add3A_197 : i32
        %dma_start3A_199 = arith.constant 0 : i32
        %dma_start3A_200 = tpu.memref_slice %arg4[%add3A, %add3A_198, %dma_start3A_199] : memref<32x125x80xi32, #tpu.memory_space<hbm>> -> memref<1x1x80xi32, #tpu.memory_space<hbm>>
        %dma_start3A_201 = tpu.memref_squeeze %dma_start3A_200 : memref<1x1x80xi32, #tpu.memory_space<hbm>> -> memref<80xi32, #tpu.memory_space<hbm>>
        %dma_start3A_202 = arith.constant 0 : i32
        %dma_start3A_203 = tpu.memref_slice %arg4[%add3A, %add3A_198, %dma_start3A_202] : memref<32x125x80xi32, #tpu.memory_space<hbm>> -> memref<1x1x80xi32, #tpu.memory_space<hbm>>
        %dma_start3A_204 = tpu.memref_squeeze %dma_start3A_203 : memref<1x1x80xi32, #tpu.memory_space<hbm>> -> memref<80xi32, #tpu.memory_space<hbm>>
        tpu.enqueue_dma source(%dma_start3A_204 : memref<80xi32, #tpu.memory_space<hbm>>) target(%arg11 : memref<80xi32, #tpu.memory_space<vmem>>) target_semaphore(%arg20 : memref<!tpu.dma_semaphore, #tpu.memory_space<semaphore_mem>>)
      } else {
      }
      %add3A_139 = arith.constant 2 : i32
      %add3A_140 = arith.addi %add3A_126, %add3A_139 : i32
      %lt3A_141 = arith.constant 125 : i32
      %lt3A_142 = arith.cmpi slt, %add3A_140, %lt3A_141 : i32
      %convert_element_type3A_143 = arith.extui %lt3A_142 : i1 to i32
      %cond3A_144 = arith.constant 0 : i32
      %cond3A_145 = arith.cmpi ne, %convert_element_type3A_143, %cond3A_144 : i32
      scf.if %cond3A_145 {
        %dma_wait3A_189 = arith.constant 0 : i32
        %dma_wait3A_190 = arith.constant 0 : i32
        %dma_wait3A_191 = tpu.memref_slice %arg3[%add3A, %dma_wait3A_189, %dma_wait3A_190] : memref<32x125x80xi32, #tpu.memory_space<hbm>> -> memref<1x1x80xi32, #tpu.memory_space<hbm>>
        %dma_wait3A_192 = tpu.memref_squeeze %dma_wait3A_191 : memref<1x1x80xi32, #tpu.memory_space<hbm>> -> memref<80xi32, #tpu.memory_space<hbm>>
        %dma_wait3A_193 = arith.constant 0 : i32
        %dma_wait3A_194 = tpu.memref_slice %arg3[%add3A, %dma_wait3A_189, %dma_wait3A_193] : memref<32x125x80xi32, #tpu.memory_space<hbm>> -> memref<1x1x80xi32, #tpu.memory_space<hbm>>
        %dma_wait3A_195 = tpu.memref_squeeze %dma_wait3A_194 : memref<1x1x80xi32, #tpu.memory_space<hbm>> -> memref<80xi32, #tpu.memory_space<hbm>>
        tpu.wait_dma2 semaphore(%arg20 : memref<!tpu.dma_semaphore, #tpu.memory_space<semaphore_mem>>) src(%dma_wait3A_195 : memref<80xi32, #tpu.memory_space<hbm>>) dst(%arg9 : memref<80xi32, #tpu.memory_space<vmem>>)
        %dma_wait3A_196 = arith.constant 0 : i32
        %dma_wait3A_197 = arith.constant 0 : i32
        %dma_wait3A_198 = tpu.memref_slice %arg4[%add3A, %dma_wait3A_196, %dma_wait3A_197] : memref<32x125x80xi32, #tpu.memory_space<hbm>> -> memref<1x1x80xi32, #tpu.memory_space<hbm>>
        %dma_wait3A_199 = tpu.memref_squeeze %dma_wait3A_198 : memref<1x1x80xi32, #tpu.memory_space<hbm>> -> memref<80xi32, #tpu.memory_space<hbm>>
        %dma_wait3A_200 = arith.constant 0 : i32
        %dma_wait3A_201 = tpu.memref_slice %arg4[%add3A, %dma_wait3A_196, %dma_wait3A_200] : memref<32x125x80xi32, #tpu.memory_space<hbm>> -> memref<1x1x80xi32, #tpu.memory_space<hbm>>
        %dma_wait3A_202 = tpu.memref_squeeze %dma_wait3A_201 : memref<1x1x80xi32, #tpu.memory_space<hbm>> -> memref<80xi32, #tpu.memory_space<hbm>>
        tpu.wait_dma2 semaphore(%arg20 : memref<!tpu.dma_semaphore, #tpu.memory_space<semaphore_mem>>) src(%dma_wait3A_202 : memref<80xi32, #tpu.memory_space<hbm>>) dst(%arg13 : memref<80xi32, #tpu.memory_space<vmem>>)
        %dma_start3A_203 = arith.constant 0 : i32
        %dma_start3A_204 = arith.constant 0 : i32
        %dma_start3A_205 = tpu.memref_slice %arg2[%dma_start3A_203, %dma_start3A_204] : memref<10000x128xf32, #tpu.memory_space<hbm>> -> memref<10000x128xf32, #tpu.memory_space<hbm>>
        tpu.enqueue_indirect_dma source(%dma_start3A_205 : memref<10000x128xf32, #tpu.memory_space<hbm>>) target(%arg15 : memref<80x128xf32, #tpu.memory_space<vmem>>) offsets(%arg9 : memref<80xi32, #tpu.memory_space<vmem>>) semaphore(%arg19 : memref<!tpu.dma_semaphore, #tpu.memory_space<semaphore_mem>>)
      } else {
      }
      %add3A_146 = arith.constant 2 : i32
      %add3A_147 = arith.addi %mul3A_106, %add3A_146 : i32
      %lt3A_148 = arith.constant 125 : i32
      %lt3A_149 = arith.cmpi slt, %add3A_147, %lt3A_148 : i32
      %convert_element_type3A_150 = arith.extui %lt3A_149 : i1 to i32
      %cond3A_151 = arith.constant 0 : i32
      %cond3A_152 = arith.cmpi ne, %convert_element_type3A_150, %cond3A_151 : i32
      scf.if %cond3A_152 {
        %dma_wait3A_189 = arith.constant 0 : i32
        %dma_wait3A_190 = arith.constant 0 : i32
        %dma_wait3A_191 = tpu.memref_slice %arg2[%dma_wait3A_189, %dma_wait3A_190] : memref<10000x128xf32, #tpu.memory_space<hbm>> -> memref<80x128xf32, #tpu.memory_space<hbm>>
        %dma_wait3A_192 = arith.constant 0 : i32
        %dma_wait3A_193 = arith.constant 0 : i32
        %dma_wait3A_194 = tpu.memref_slice %arg2[%dma_wait3A_192, %dma_wait3A_193] : memref<10000x128xf32, #tpu.memory_space<hbm>> -> memref<80x128xf32, #tpu.memory_space<hbm>>
        tpu.wait_dma2 semaphore(%arg19 : memref<!tpu.dma_semaphore, #tpu.memory_space<semaphore_mem>>) src(%dma_wait3A_194 : memref<80x128xf32, #tpu.memory_space<hbm>>) dst(%arg14 : memref<80x128xf32, #tpu.memory_space<vmem>>)
        "tpu.region"() ({
          %run_scoped3A_195 = tpu.sem_alloc : memref<!tpu.dma_semaphore, #tpu.memory_space<semaphore_mem>>
          %dma_start3A_196 = arith.constant 0 : i32
          %dma_start3A_197 = arith.constant 0 : i32
          %dma_start3A_198 = tpu.memref_slice %arg18[%dma_start3A_196, %dma_start3A_197] : memref<10240x128xf32, #tpu.memory_space<vmem_shared>> -> memref<10240x128xf32, #tpu.memory_space<vmem_shared>>
          tpu.enqueue_indirect_dma source(%arg14 : memref<80x128xf32, #tpu.memory_space<vmem>>) target(%dma_start3A_198 : memref<10240x128xf32, #tpu.memory_space<vmem_shared>>) offsets(%arg12 : memref<80xi32, #tpu.memory_space<vmem>>) semaphore(%run_scoped3A_195 : memref<!tpu.dma_semaphore, #tpu.memory_space<semaphore_mem>>) {add = true}
          %dma_wait3A_199 = arith.constant 0 : i32
          %dma_wait3A_200 = arith.constant 0 : i32
          %dma_wait3A_201 = tpu.memref_slice %arg18[%dma_wait3A_199, %dma_wait3A_200] : memref<10240x128xf32, #tpu.memory_space<vmem_shared>> -> memref<10240x128xf32, #tpu.memory_space<vmem_shared>>
          tpu.wait_indirect_dma semaphore(%run_scoped3A_195 : memref<!tpu.dma_semaphore, #tpu.memory_space<semaphore_mem>>) src(%arg14 : memref<80x128xf32, #tpu.memory_space<vmem>>) dst(%dma_wait3A_201 : memref<10240x128xf32, #tpu.memory_space<vmem_shared>>)
          tpu.yield
        }) : () -> ()
      } else {
      }
      %add3A_153 = arith.constant 4 : i32
      %add3A_154 = arith.addi %add3A_147, %add3A_153 : i32
      %lt3A_155 = arith.constant 125 : i32
      %lt3A_156 = arith.cmpi slt, %add3A_154, %lt3A_155 : i32
      %convert_element_type3A_157 = arith.extui %lt3A_156 : i1 to i32
      %cond3A_158 = arith.constant 0 : i32
      %cond3A_159 = arith.cmpi ne, %convert_element_type3A_157, %cond3A_158 : i32
      scf.if %cond3A_159 {
        %add3A_189 = arith.constant 4 : i32
        %add3A_190 = arith.addi %add3A_147, %add3A_189 : i32
        %dma_start3A_191 = arith.constant 0 : i32
        %dma_start3A_192 = tpu.memref_slice %arg3[%add3A, %add3A_190, %dma_start3A_191] : memref<32x125x80xi32, #tpu.memory_space<hbm>> -> memref<1x1x80xi32, #tpu.memory_space<hbm>>
        %dma_start3A_193 = tpu.memref_squeeze %dma_start3A_192 : memref<1x1x80xi32, #tpu.memory_space<hbm>> -> memref<80xi32, #tpu.memory_space<hbm>>
        %dma_start3A_194 = arith.constant 0 : i32
        %dma_start3A_195 = tpu.memref_slice %arg3[%add3A, %add3A_190, %dma_start3A_194] : memref<32x125x80xi32, #tpu.memory_space<hbm>> -> memref<1x1x80xi32, #tpu.memory_space<hbm>>
        %dma_start3A_196 = tpu.memref_squeeze %dma_start3A_195 : memref<1x1x80xi32, #tpu.memory_space<hbm>> -> memref<80xi32, #tpu.memory_space<hbm>>
        tpu.enqueue_dma source(%dma_start3A_196 : memref<80xi32, #tpu.memory_space<hbm>>) target(%arg8 : memref<80xi32, #tpu.memory_space<vmem>>) target_semaphore(%arg20 : memref<!tpu.dma_semaphore, #tpu.memory_space<semaphore_mem>>)
        %add3A_197 = arith.constant 4 : i32
        %add3A_198 = arith.addi %add3A_147, %add3A_197 : i32
        %dma_start3A_199 = arith.constant 0 : i32
        %dma_start3A_200 = tpu.memref_slice %arg4[%add3A, %add3A_198, %dma_start3A_199] : memref<32x125x80xi32, #tpu.memory_space<hbm>> -> memref<1x1x80xi32, #tpu.memory_space<hbm>>
        %dma_start3A_201 = tpu.memref_squeeze %dma_start3A_200 : memref<1x1x80xi32, #tpu.memory_space<hbm>> -> memref<80xi32, #tpu.memory_space<hbm>>
        %dma_start3A_202 = arith.constant 0 : i32
        %dma_start3A_203 = tpu.memref_slice %arg4[%add3A, %add3A_198, %dma_start3A_202] : memref<32x125x80xi32, #tpu.memory_space<hbm>> -> memref<1x1x80xi32, #tpu.memory_space<hbm>>
        %dma_start3A_204 = tpu.memref_squeeze %dma_start3A_203 : memref<1x1x80xi32, #tpu.memory_space<hbm>> -> memref<80xi32, #tpu.memory_space<hbm>>
        tpu.enqueue_dma source(%dma_start3A_204 : memref<80xi32, #tpu.memory_space<hbm>>) target(%arg12 : memref<80xi32, #tpu.memory_space<vmem>>) target_semaphore(%arg20 : memref<!tpu.dma_semaphore, #tpu.memory_space<semaphore_mem>>)
      } else {
      }
      %add3A_160 = arith.constant 2 : i32
      %add3A_161 = arith.addi %add3A_147, %add3A_160 : i32
      %lt3A_162 = arith.constant 125 : i32
      %lt3A_163 = arith.cmpi slt, %add3A_161, %lt3A_162 : i32
      %convert_element_type3A_164 = arith.extui %lt3A_163 : i1 to i32
      %cond3A_165 = arith.constant 0 : i32
      %cond3A_166 = arith.cmpi ne, %convert_element_type3A_164, %cond3A_165 : i32
      scf.if %cond3A_166 {
        %dma_wait3A_189 = arith.constant 0 : i32
        %dma_wait3A_190 = arith.constant 0 : i32
        %dma_wait3A_191 = tpu.memref_slice %arg3[%add3A, %dma_wait3A_189, %dma_wait3A_190] : memref<32x125x80xi32, #tpu.memory_space<hbm>> -> memref<1x1x80xi32, #tpu.memory_space<hbm>>
        %dma_wait3A_192 = tpu.memref_squeeze %dma_wait3A_191 : memref<1x1x80xi32, #tpu.memory_space<hbm>> -> memref<80xi32, #tpu.memory_space<hbm>>
        %dma_wait3A_193 = arith.constant 0 : i32
        %dma_wait3A_194 = tpu.memref_slice %arg3[%add3A, %dma_wait3A_189, %dma_wait3A_193] : memref<32x125x80xi32, #tpu.memory_space<hbm>> -> memref<1x1x80xi32, #tpu.memory_space<hbm>>
        %dma_wait3A_195 = tpu.memref_squeeze %dma_wait3A_194 : memref<1x1x80xi32, #tpu.memory_space<hbm>> -> memref<80xi32, #tpu.memory_space<hbm>>
        tpu.wait_dma2 semaphore(%arg20 : memref<!tpu.dma_semaphore, #tpu.memory_space<semaphore_mem>>) src(%dma_wait3A_195 : memref<80xi32, #tpu.memory_space<hbm>>) dst(%arg6 : memref<80xi32, #tpu.memory_space<vmem>>)
        %dma_wait3A_196 = arith.constant 0 : i32
        %dma_wait3A_197 = arith.constant 0 : i32
        %dma_wait3A_198 = tpu.memref_slice %arg4[%add3A, %dma_wait3A_196, %dma_wait3A_197] : memref<32x125x80xi32, #tpu.memory_space<hbm>> -> memref<1x1x80xi32, #tpu.memory_space<hbm>>
        %dma_wait3A_199 = tpu.memref_squeeze %dma_wait3A_198 : memref<1x1x80xi32, #tpu.memory_space<hbm>> -> memref<80xi32, #tpu.memory_space<hbm>>
        %dma_wait3A_200 = arith.constant 0 : i32
        %dma_wait3A_201 = tpu.memref_slice %arg4[%add3A, %dma_wait3A_196, %dma_wait3A_200] : memref<32x125x80xi32, #tpu.memory_space<hbm>> -> memref<1x1x80xi32, #tpu.memory_space<hbm>>
        %dma_wait3A_202 = tpu.memref_squeeze %dma_wait3A_201 : memref<1x1x80xi32, #tpu.memory_space<hbm>> -> memref<80xi32, #tpu.memory_space<hbm>>
        tpu.wait_dma2 semaphore(%arg20 : memref<!tpu.dma_semaphore, #tpu.memory_space<semaphore_mem>>) src(%dma_wait3A_202 : memref<80xi32, #tpu.memory_space<hbm>>) dst(%arg10 : memref<80xi32, #tpu.memory_space<vmem>>)
        %dma_start3A_203 = arith.constant 0 : i32
        %dma_start3A_204 = arith.constant 0 : i32
        %dma_start3A_205 = tpu.memref_slice %arg2[%dma_start3A_203, %dma_start3A_204] : memref<10000x128xf32, #tpu.memory_space<hbm>> -> memref<10000x128xf32, #tpu.memory_space<hbm>>
        tpu.enqueue_indirect_dma source(%dma_start3A_205 : memref<10000x128xf32, #tpu.memory_space<hbm>>) target(%arg14 : memref<80x128xf32, #tpu.memory_space<vmem>>) offsets(%arg6 : memref<80xi32, #tpu.memory_space<vmem>>) semaphore(%arg19 : memref<!tpu.dma_semaphore, #tpu.memory_space<semaphore_mem>>)
      } else {
      }
      %add3A_167 = arith.constant 3 : i32
      %add3A_168 = arith.addi %mul3A_106, %add3A_167 : i32
      %lt3A_169 = arith.constant 125 : i32
      %lt3A_170 = arith.cmpi slt, %add3A_168, %lt3A_169 : i32
      %convert_element_type3A_171 = arith.extui %lt3A_170 : i1 to i32
      %cond3A_172 = arith.constant 0 : i32
      %cond3A_173 = arith.cmpi ne, %convert_element_type3A_171, %cond3A_172 : i32
      scf.if %cond3A_173 {
        %dma_wait3A_189 = arith.constant 0 : i32
        %dma_wait3A_190 = arith.constant 0 : i32
        %dma_wait3A_191 = tpu.memref_slice %arg2[%dma_wait3A_189, %dma_wait3A_190] : memref<10000x128xf32, #tpu.memory_space<hbm>> -> memref<80x128xf32, #tpu.memory_space<hbm>>
        %dma_wait3A_192 = arith.constant 0 : i32
        %dma_wait3A_193 = arith.constant 0 : i32
        %dma_wait3A_194 = tpu.memref_slice %arg2[%dma_wait3A_192, %dma_wait3A_193] : memref<10000x128xf32, #tpu.memory_space<hbm>> -> memref<80x128xf32, #tpu.memory_space<hbm>>
        tpu.wait_dma2 semaphore(%arg19 : memref<!tpu.dma_semaphore, #tpu.memory_space<semaphore_mem>>) src(%dma_wait3A_194 : memref<80x128xf32, #tpu.memory_space<hbm>>) dst(%arg15 : memref<80x128xf32, #tpu.memory_space<vmem>>)
        "tpu.region"() ({
          %run_scoped3A_195 = tpu.sem_alloc : memref<!tpu.dma_semaphore, #tpu.memory_space<semaphore_mem>>
          %dma_start3A_196 = arith.constant 0 : i32
          %dma_start3A_197 = arith.constant 0 : i32
          %dma_start3A_198 = tpu.memref_slice %arg18[%dma_start3A_196, %dma_start3A_197] : memref<10240x128xf32, #tpu.memory_space<vmem_shared>> -> memref<10240x128xf32, #tpu.memory_space<vmem_shared>>
          tpu.enqueue_indirect_dma source(%arg15 : memref<80x128xf32, #tpu.memory_space<vmem>>) target(%dma_start3A_198 : memref<10240x128xf32, #tpu.memory_space<vmem_shared>>) offsets(%arg13 : memref<80xi32, #tpu.memory_space<vmem>>) semaphore(%run_scoped3A_195 : memref<!tpu.dma_semaphore, #tpu.memory_space<semaphore_mem>>) {add = true}
          %dma_wait3A_199 = arith.constant 0 : i32
          %dma_wait3A_200 = arith.constant 0 : i32
          %dma_wait3A_201 = tpu.memref_slice %arg18[%dma_wait3A_199, %dma_wait3A_200] : memref<10240x128xf32, #tpu.memory_space<vmem_shared>> -> memref<10240x128xf32, #tpu.memory_space<vmem_shared>>
          tpu.wait_indirect_dma semaphore(%run_scoped3A_195 : memref<!tpu.dma_semaphore, #tpu.memory_space<semaphore_mem>>) src(%arg15 : memref<80x128xf32, #tpu.memory_space<vmem>>) dst(%dma_wait3A_201 : memref<10240x128xf32, #tpu.memory_space<vmem_shared>>)
          tpu.yield
        }) : () -> ()
      } else {
      }
      %add3A_174 = arith.constant 4 : i32
      %add3A_175 = arith.addi %add3A_168, %add3A_174 : i32
      %lt3A_176 = arith.constant 125 : i32
      %lt3A_177 = arith.cmpi slt, %add3A_175, %lt3A_176 : i32
      %convert_element_type3A_178 = arith.extui %lt3A_177 : i1 to i32
      %cond3A_179 = arith.constant 0 : i32
      %cond3A_180 = arith.cmpi ne, %convert_element_type3A_178, %cond3A_179 : i32
      scf.if %cond3A_180 {
        %add3A_189 = arith.constant 4 : i32
        %add3A_190 = arith.addi %add3A_168, %add3A_189 : i32
        %dma_start3A_191 = arith.constant 0 : i32
        %dma_start3A_192 = tpu.memref_slice %arg3[%add3A, %add3A_190, %dma_start3A_191] : memref<32x125x80xi32, #tpu.memory_space<hbm>> -> memref<1x1x80xi32, #tpu.memory_space<hbm>>
        %dma_start3A_193 = tpu.memref_squeeze %dma_start3A_192 : memref<1x1x80xi32, #tpu.memory_space<hbm>> -> memref<80xi32, #tpu.memory_space<hbm>>
        %dma_start3A_194 = arith.constant 0 : i32
        %dma_start3A_195 = tpu.memref_slice %arg3[%add3A, %add3A_190, %dma_start3A_194] : memref<32x125x80xi32, #tpu.memory_space<hbm>> -> memref<1x1x80xi32, #tpu.memory_space<hbm>>
        %dma_start3A_196 = tpu.memref_squeeze %dma_start3A_195 : memref<1x1x80xi32, #tpu.memory_space<hbm>> -> memref<80xi32, #tpu.memory_space<hbm>>
        tpu.enqueue_dma source(%dma_start3A_196 : memref<80xi32, #tpu.memory_space<hbm>>) target(%arg9 : memref<80xi32, #tpu.memory_space<vmem>>) target_semaphore(%arg20 : memref<!tpu.dma_semaphore, #tpu.memory_space<semaphore_mem>>)
        %add3A_197 = arith.constant 4 : i32
        %add3A_198 = arith.addi %add3A_168, %add3A_197 : i32
        %dma_start3A_199 = arith.constant 0 : i32
        %dma_start3A_200 = tpu.memref_slice %arg4[%add3A, %add3A_198, %dma_start3A_199] : memref<32x125x80xi32, #tpu.memory_space<hbm>> -> memref<1x1x80xi32, #tpu.memory_space<hbm>>
        %dma_start3A_201 = tpu.memref_squeeze %dma_start3A_200 : memref<1x1x80xi32, #tpu.memory_space<hbm>> -> memref<80xi32, #tpu.memory_space<hbm>>
        %dma_start3A_202 = arith.constant 0 : i32
        %dma_start3A_203 = tpu.memref_slice %arg4[%add3A, %add3A_198, %dma_start3A_202] : memref<32x125x80xi32, #tpu.memory_space<hbm>> -> memref<1x1x80xi32, #tpu.memory_space<hbm>>
        %dma_start3A_204 = tpu.memref_squeeze %dma_start3A_203 : memref<1x1x80xi32, #tpu.memory_space<hbm>> -> memref<80xi32, #tpu.memory_space<hbm>>
        tpu.enqueue_dma source(%dma_start3A_204 : memref<80xi32, #tpu.memory_space<hbm>>) target(%arg13 : memref<80xi32, #tpu.memory_space<vmem>>) target_semaphore(%arg20 : memref<!tpu.dma_semaphore, #tpu.memory_space<semaphore_mem>>)
      } else {
      }
      %add3A_181 = arith.constant 2 : i32
      %add3A_182 = arith.addi %add3A_168, %add3A_181 : i32
      %lt3A_183 = arith.constant 125 : i32
      %lt3A_184 = arith.cmpi slt, %add3A_182, %lt3A_183 : i32
      %convert_element_type3A_185 = arith.extui %lt3A_184 : i1 to i32
      %cond3A_186 = arith.constant 0 : i32
      %cond3A_187 = arith.cmpi ne, %convert_element_type3A_185, %cond3A_186 : i32
      scf.if %cond3A_187 {
        %dma_wait3A_189 = arith.constant 0 : i32
        %dma_wait3A_190 = arith.constant 0 : i32
        %dma_wait3A_191 = tpu.memref_slice %arg3[%add3A, %dma_wait3A_189, %dma_wait3A_190] : memref<32x125x80xi32, #tpu.memory_space<hbm>> -> memref<1x1x80xi32, #tpu.memory_space<hbm>>
        %dma_wait3A_192 = tpu.memref_squeeze %dma_wait3A_191 : memref<1x1x80xi32, #tpu.memory_space<hbm>> -> memref<80xi32, #tpu.memory_space<hbm>>
        %dma_wait3A_193 = arith.constant 0 : i32
        %dma_wait3A_194 = tpu.memref_slice %arg3[%add3A, %dma_wait3A_189, %dma_wait3A_193] : memref<32x125x80xi32, #tpu.memory_space<hbm>> -> memref<1x1x80xi32, #tpu.memory_space<hbm>>
        %dma_wait3A_195 = tpu.memref_squeeze %dma_wait3A_194 : memref<1x1x80xi32, #tpu.memory_space<hbm>> -> memref<80xi32, #tpu.memory_space<hbm>>
        tpu.wait_dma2 semaphore(%arg20 : memref<!tpu.dma_semaphore, #tpu.memory_space<semaphore_mem>>) src(%dma_wait3A_195 : memref<80xi32, #tpu.memory_space<hbm>>) dst(%arg7 : memref<80xi32, #tpu.memory_space<vmem>>)
        %dma_wait3A_196 = arith.constant 0 : i32
        %dma_wait3A_197 = arith.constant 0 : i32
        %dma_wait3A_198 = tpu.memref_slice %arg4[%add3A, %dma_wait3A_196, %dma_wait3A_197] : memref<32x125x80xi32, #tpu.memory_space<hbm>> -> memref<1x1x80xi32, #tpu.memory_space<hbm>>
        %dma_wait3A_199 = tpu.memref_squeeze %dma_wait3A_198 : memref<1x1x80xi32, #tpu.memory_space<hbm>> -> memref<80xi32, #tpu.memory_space<hbm>>
        %dma_wait3A_200 = arith.constant 0 : i32
        %dma_wait3A_201 = tpu.memref_slice %arg4[%add3A, %dma_wait3A_196, %dma_wait3A_200] : memref<32x125x80xi32, #tpu.memory_space<hbm>> -> memref<1x1x80xi32, #tpu.memory_space<hbm>>
        %dma_wait3A_202 = tpu.memref_squeeze %dma_wait3A_201 : memref<1x1x80xi32, #tpu.memory_space<hbm>> -> memref<80xi32, #tpu.memory_space<hbm>>
        tpu.wait_dma2 semaphore(%arg20 : memref<!tpu.dma_semaphore, #tpu.memory_space<semaphore_mem>>) src(%dma_wait3A_202 : memref<80xi32, #tpu.memory_space<hbm>>) dst(%arg11 : memref<80xi32, #tpu.memory_space<vmem>>)
        %dma_start3A_203 = arith.constant 0 : i32
        %dma_start3A_204 = arith.constant 0 : i32
        %dma_start3A_205 = tpu.memref_slice %arg2[%dma_start3A_203, %dma_start3A_204] : memref<10000x128xf32, #tpu.memory_space<hbm>> -> memref<10000x128xf32, #tpu.memory_space<hbm>>
        tpu.enqueue_indirect_dma source(%dma_start3A_205 : memref<10000x128xf32, #tpu.memory_space<hbm>>) target(%arg15 : memref<80x128xf32, #tpu.memory_space<vmem>>) offsets(%arg7 : memref<80xi32, #tpu.memory_space<vmem>>) semaphore(%arg19 : memref<!tpu.dma_semaphore, #tpu.memory_space<semaphore_mem>>)
      } else {
      }
      %scan3A_188 = arith.constant 0 : i32
      scf.yield %scan3A_188 : i32
    }
    %scan3A_66 = arith.constant 32 : i32
    %barrier3A_67 = arith.constant 0 : index
    tpu.barrier barrier_id(%barrier3A_67)
    %add3A_68 = arith.constant 0 : i32
    %add3A_69 = arith.addi %mul3A_9, %add3A_68 : i32
    %multiple_of3A = tpu.assume_multiple %add3A_69, 8 : i32
    %dma_start3A_70 = arith.constant 0 : i32
    %dma_start3A_71 = tpu.memref_slice %arg18[%multiple_of3A, %dma_start3A_70] : memref<10240x128xf32, #tpu.memory_space<vmem_shared>> -> memref<32x128xf32, #tpu.memory_space<vmem_shared>>
    %dma_start3A_72 = arith.constant 0 : i32
    %dma_start3A_73 = tpu.memref_slice %arg18[%multiple_of3A, %dma_start3A_72] : memref<10240x128xf32, #tpu.memory_space<vmem_shared>> -> memref<32x128xf32, #tpu.memory_space<vmem_shared>>
    tpu.enqueue_dma source(%dma_start3A_73 : memref<32x128xf32, #tpu.memory_space<vmem_shared>>) target(%arg16 : memref<32x128xf32, #tpu.memory_space<vmem>>) target_semaphore(%arg21 : memref<!tpu.dma_semaphore, #tpu.memory_space<semaphore_mem>>)
    %add3A_74 = arith.constant 32 : i32
    %add3A_75 = arith.addi %mul3A_9, %add3A_74 : i32
    %multiple_of3A_76 = tpu.assume_multiple %add3A_75, 8 : i32
    %dma_start3A_77 = arith.constant 0 : i32
    %dma_start3A_78 = tpu.memref_slice %arg18[%multiple_of3A_76, %dma_start3A_77] : memref<10240x128xf32, #tpu.memory_space<vmem_shared>> -> memref<32x128xf32, #tpu.memory_space<vmem_shared>>
    %dma_start3A_79 = arith.constant 0 : i32
    %dma_start3A_80 = tpu.memref_slice %arg18[%multiple_of3A_76, %dma_start3A_79] : memref<10240x128xf32, #tpu.memory_space<vmem_shared>> -> memref<32x128xf32, #tpu.memory_space<vmem_shared>>
    tpu.enqueue_dma source(%dma_start3A_80 : memref<32x128xf32, #tpu.memory_space<vmem_shared>>) target(%arg17 : memref<32x128xf32, #tpu.memory_space<vmem>>) target_semaphore(%arg21 : memref<!tpu.dma_semaphore, #tpu.memory_space<semaphore_mem>>)
    %scan3A_81 = arith.constant 0 : i32
    %scan3A_82 = arith.constant 0 : i32
    %scan3A_83 = arith.constant 10 : i32
    %scan3A_84 = arith.addi %scan3A_82, %scan3A_83 : i32
    %scan3A_85 = arith.constant 1 : i32
    %scan3A_86 = scf.for %scan3A_103 = %scan3A_82 to %scan3A_84 step %scan3A_85 iter_args(%scan3A_104 = %scan3A_81) -> (i32)  : i32 {
      %mul3A_105 = arith.constant 2 : i32
      %mul3A_106 = arith.muli %scan3A_103, %mul3A_105 : i32
      %add3A_107 = arith.constant 0 : i32
      %add3A_108 = arith.addi %mul3A_106, %add3A_107 : i32
      %dma_wait3A_109 = arith.constant 0 : i32
      %dma_wait3A_110 = arith.constant 0 : i32
      %dma_wait3A_111 = tpu.memref_slice %arg18[%dma_wait3A_109, %dma_wait3A_110] : memref<10240x128xf32, #tpu.memory_space<vmem_shared>> -> memref<32x128xf32, #tpu.memory_space<vmem_shared>>
      %dma_wait3A_112 = arith.constant 0 : i32
      %dma_wait3A_113 = arith.constant 0 : i32
      %dma_wait3A_114 = tpu.memref_slice %arg18[%dma_wait3A_112, %dma_wait3A_113] : memref<10240x128xf32, #tpu.memory_space<vmem_shared>> -> memref<32x128xf32, #tpu.memory_space<vmem_shared>>
      tpu.wait_dma2 semaphore(%arg21 : memref<!tpu.dma_semaphore, #tpu.memory_space<semaphore_mem>>) src(%dma_wait3A_114 : memref<32x128xf32, #tpu.memory_space<vmem_shared>>) dst(%arg16 : memref<32x128xf32, #tpu.memory_space<vmem>>)
      %mul3A_115 = arith.constant 32 : i32
      %mul3A_116 = arith.muli %add3A_108, %mul3A_115 : i32
      %add3A_117 = arith.addi %mul3A_9, %mul3A_116 : i32
      %multiple_of3A_118 = tpu.assume_multiple %add3A_117, 8 : i32
      %dma_start3A_119 = arith.constant 0 : i32
      %dma_start3A_120 = tpu.memref_slice %arg5[%arg0, %multiple_of3A_118, %dma_start3A_119] : memref<2x10240x128xf32, #tpu.memory_space<hbm>> -> memref<1x32x128xf32, #tpu.memory_space<hbm>>
      %dma_start3A_121 = tpu.memref_squeeze %dma_start3A_120 : memref<1x32x128xf32, #tpu.memory_space<hbm>> -> memref<32x128xf32, #tpu.memory_space<hbm>>
      %dma_start3A_122 = arith.constant 0 : i32
      %dma_start3A_123 = tpu.memref_slice %arg5[%arg0, %multiple_of3A_118, %dma_start3A_122] : memref<2x10240x128xf32, #tpu.memory_space<hbm>> -> memref<1x32x128xf32, #tpu.memory_space<hbm>>
      %dma_start3A_124 = tpu.memref_squeeze %dma_start3A_123 : memref<1x32x128xf32, #tpu.memory_space<hbm>> -> memref<32x128xf32, #tpu.memory_space<hbm>>
      tpu.enqueue_dma source(%arg16 : memref<32x128xf32, #tpu.memory_space<vmem>>) target(%dma_start3A_124 : memref<32x128xf32, #tpu.memory_space<hbm>>) target_semaphore(%arg22 : memref<!tpu.dma_semaphore, #tpu.memory_space<semaphore_mem>>)
      %add3A_125 = arith.constant 2 : i32
      %add3A_126 = arith.addi %add3A_108, %add3A_125 : i32
      %lt3A = arith.constant 20 : i32
      %lt3A_127 = arith.cmpi slt, %add3A_126, %lt3A : i32
      %convert_element_type3A = arith.extui %lt3A_127 : i1 to i32
      %cond3A = arith.constant 0 : i32
      %cond3A_128 = arith.cmpi ne, %convert_element_type3A, %cond3A : i32
      scf.if %cond3A_128 {
        %dma_wait3A_155 = arith.constant 0 : i32
        %dma_wait3A_156 = arith.constant 0 : i32
        %dma_wait3A_157 = tpu.memref_slice %arg5[%arg0, %dma_wait3A_155, %dma_wait3A_156] : memref<2x10240x128xf32, #tpu.memory_space<hbm>> -> memref<1x32x128xf32, #tpu.memory_space<hbm>>
        %dma_wait3A_158 = tpu.memref_squeeze %dma_wait3A_157 : memref<1x32x128xf32, #tpu.memory_space<hbm>> -> memref<32x128xf32, #tpu.memory_space<hbm>>
        %dma_wait3A_159 = arith.constant 0 : i32
        %dma_wait3A_160 = arith.constant 0 : i32
        %dma_wait3A_161 = tpu.memref_slice %arg5[%arg0, %dma_wait3A_159, %dma_wait3A_160] : memref<2x10240x128xf32, #tpu.memory_space<hbm>> -> memref<1x32x128xf32, #tpu.memory_space<hbm>>
        %dma_wait3A_162 = tpu.memref_squeeze %dma_wait3A_161 : memref<1x32x128xf32, #tpu.memory_space<hbm>> -> memref<32x128xf32, #tpu.memory_space<hbm>>
        tpu.wait_dma2 semaphore(%arg22 : memref<!tpu.dma_semaphore, #tpu.memory_space<semaphore_mem>>) src(%arg16 : memref<32x128xf32, #tpu.memory_space<vmem>>) dst(%dma_wait3A_162 : memref<32x128xf32, #tpu.memory_space<hbm>>)
        %add3A_163 = arith.constant 2 : i32
        %add3A_164 = arith.addi %add3A_108, %add3A_163 : i32
        %mul3A_165 = arith.constant 32 : i32
        %mul3A_166 = arith.muli %add3A_164, %mul3A_165 : i32
        %add3A_167 = arith.addi %mul3A_9, %mul3A_166 : i32
        %multiple_of3A_168 = tpu.assume_multiple %add3A_167, 8 : i32
        %dma_start3A_169 = arith.constant 0 : i32
        %dma_start3A_170 = tpu.memref_slice %arg18[%multiple_of3A_168, %dma_start3A_169] : memref<10240x128xf32, #tpu.memory_space<vmem_shared>> -> memref<32x128xf32, #tpu.memory_space<vmem_shared>>
        %dma_start3A_171 = arith.constant 0 : i32
        %dma_start3A_172 = tpu.memref_slice %arg18[%multiple_of3A_168, %dma_start3A_171] : memref<10240x128xf32, #tpu.memory_space<vmem_shared>> -> memref<32x128xf32, #tpu.memory_space<vmem_shared>>
        tpu.enqueue_dma source(%dma_start3A_172 : memref<32x128xf32, #tpu.memory_space<vmem_shared>>) target(%arg16 : memref<32x128xf32, #tpu.memory_space<vmem>>) target_semaphore(%arg21 : memref<!tpu.dma_semaphore, #tpu.memory_space<semaphore_mem>>)
      } else {
      }
      %add3A_129 = arith.constant 1 : i32
      %add3A_130 = arith.addi %mul3A_106, %add3A_129 : i32
      %dma_wait3A_131 = arith.constant 0 : i32
      %dma_wait3A_132 = arith.constant 0 : i32
      %dma_wait3A_133 = tpu.memref_slice %arg18[%dma_wait3A_131, %dma_wait3A_132] : memref<10240x128xf32, #tpu.memory_space<vmem_shared>> -> memref<32x128xf32, #tpu.memory_space<vmem_shared>>
      %dma_wait3A_134 = arith.constant 0 : i32
      %dma_wait3A_135 = arith.constant 0 : i32
      %dma_wait3A_136 = tpu.memref_slice %arg18[%dma_wait3A_134, %dma_wait3A_135] : memref<10240x128xf32, #tpu.memory_space<vmem_shared>> -> memref<32x128xf32, #tpu.memory_space<vmem_shared>>
      tpu.wait_dma2 semaphore(%arg21 : memref<!tpu.dma_semaphore, #tpu.memory_space<semaphore_mem>>) src(%dma_wait3A_136 : memref<32x128xf32, #tpu.memory_space<vmem_shared>>) dst(%arg17 : memref<32x128xf32, #tpu.memory_space<vmem>>)
      %mul3A_137 = arith.constant 32 : i32
      %mul3A_138 = arith.muli %add3A_130, %mul3A_137 : i32
      %add3A_139 = arith.addi %mul3A_9, %mul3A_138 : i32
      %multiple_of3A_140 = tpu.assume_multiple %add3A_139, 8 : i32
      %dma_start3A_141 = arith.constant 0 : i32
      %dma_start3A_142 = tpu.memref_slice %arg5[%arg0, %multiple_of3A_140, %dma_start3A_141] : memref<2x10240x128xf32, #tpu.memory_space<hbm>> -> memref<1x32x128xf32, #tpu.memory_space<hbm>>
      %dma_start3A_143 = tpu.memref_squeeze %dma_start3A_142 : memref<1x32x128xf32, #tpu.memory_space<hbm>> -> memref<32x128xf32, #tpu.memory_space<hbm>>
      %dma_start3A_144 = arith.constant 0 : i32
      %dma_start3A_145 = tpu.memref_slice %arg5[%arg0, %multiple_of3A_140, %dma_start3A_144] : memref<2x10240x128xf32, #tpu.memory_space<hbm>> -> memref<1x32x128xf32, #tpu.memory_space<hbm>>
      %dma_start3A_146 = tpu.memref_squeeze %dma_start3A_145 : memref<1x32x128xf32, #tpu.memory_space<hbm>> -> memref<32x128xf32, #tpu.memory_space<hbm>>
      tpu.enqueue_dma source(%arg17 : memref<32x128xf32, #tpu.memory_space<vmem>>) target(%dma_start3A_146 : memref<32x128xf32, #tpu.memory_space<hbm>>) target_semaphore(%arg22 : memref<!tpu.dma_semaphore, #tpu.memory_space<semaphore_mem>>)
      %add3A_147 = arith.constant 2 : i32
      %add3A_148 = arith.addi %add3A_130, %add3A_147 : i32
      %lt3A_149 = arith.constant 20 : i32
      %lt3A_150 = arith.cmpi slt, %add3A_148, %lt3A_149 : i32
      %convert_element_type3A_151 = arith.extui %lt3A_150 : i1 to i32
      %cond3A_152 = arith.constant 0 : i32
      %cond3A_153 = arith.cmpi ne, %convert_element_type3A_151, %cond3A_152 : i32
      scf.if %cond3A_153 {
        %dma_wait3A_155 = arith.constant 0 : i32
        %dma_wait3A_156 = arith.constant 0 : i32
        %dma_wait3A_157 = tpu.memref_slice %arg5[%arg0, %dma_wait3A_155, %dma_wait3A_156] : memref<2x10240x128xf32, #tpu.memory_space<hbm>> -> memref<1x32x128xf32, #tpu.memory_space<hbm>>
        %dma_wait3A_158 = tpu.memref_squeeze %dma_wait3A_157 : memref<1x32x128xf32, #tpu.memory_space<hbm>> -> memref<32x128xf32, #tpu.memory_space<hbm>>
        %dma_wait3A_159 = arith.constant 0 : i32
        %dma_wait3A_160 = arith.constant 0 : i32
        %dma_wait3A_161 = tpu.memref_slice %arg5[%arg0, %dma_wait3A_159, %dma_wait3A_160] : memref<2x10240x128xf32, #tpu.memory_space<hbm>> -> memref<1x32x128xf32, #tpu.memory_space<hbm>>
        %dma_wait3A_162 = tpu.memref_squeeze %dma_wait3A_161 : memref<1x32x128xf32, #tpu.memory_space<hbm>> -> memref<32x128xf32, #tpu.memory_space<hbm>>
        tpu.wait_dma2 semaphore(%arg22 : memref<!tpu.dma_semaphore, #tpu.memory_space<semaphore_mem>>) src(%arg17 : memref<32x128xf32, #tpu.memory_space<vmem>>) dst(%dma_wait3A_162 : memref<32x128xf32, #tpu.memory_space<hbm>>)
        %add3A_163 = arith.constant 2 : i32
        %add3A_164 = arith.addi %add3A_130, %add3A_163 : i32
        %mul3A_165 = arith.constant 32 : i32
        %mul3A_166 = arith.muli %add3A_164, %mul3A_165 : i32
        %add3A_167 = arith.addi %mul3A_9, %mul3A_166 : i32
        %multiple_of3A_168 = tpu.assume_multiple %add3A_167, 8 : i32
        %dma_start3A_169 = arith.constant 0 : i32
        %dma_start3A_170 = tpu.memref_slice %arg18[%multiple_of3A_168, %dma_start3A_169] : memref<10240x128xf32, #tpu.memory_space<vmem_shared>> -> memref<32x128xf32, #tpu.memory_space<vmem_shared>>
        %dma_start3A_171 = arith.constant 0 : i32
        %dma_start3A_172 = tpu.memref_slice %arg18[%multiple_of3A_168, %dma_start3A_171] : memref<10240x128xf32, #tpu.memory_space<vmem_shared>> -> memref<32x128xf32, #tpu.memory_space<vmem_shared>>
        tpu.enqueue_dma source(%dma_start3A_172 : memref<32x128xf32, #tpu.memory_space<vmem_shared>>) target(%arg17 : memref<32x128xf32, #tpu.memory_space<vmem>>) target_semaphore(%arg21 : memref<!tpu.dma_semaphore, #tpu.memory_space<semaphore_mem>>)
      } else {
      }
      %scan3A_154 = arith.constant 0 : i32
      scf.yield %scan3A_154 : i32
    }
    %scan3A_87 = arith.constant 10 : i32
    %dma_wait3A = arith.constant 0 : i32
    %dma_wait3A_88 = arith.constant 0 : i32
    %dma_wait3A_89 = tpu.memref_slice %arg5[%arg0, %dma_wait3A, %dma_wait3A_88] : memref<2x10240x128xf32, #tpu.memory_space<hbm>> -> memref<1x32x128xf32, #tpu.memory_space<hbm>>
    %dma_wait3A_90 = tpu.memref_squeeze %dma_wait3A_89 : memref<1x32x128xf32, #tpu.memory_space<hbm>> -> memref<32x128xf32, #tpu.memory_space<hbm>>
    %dma_wait3A_91 = arith.constant 0 : i32
    %dma_wait3A_92 = arith.constant 0 : i32
    %dma_wait3A_93 = tpu.memref_slice %arg5[%arg0, %dma_wait3A_91, %dma_wait3A_92] : memref<2x10240x128xf32, #tpu.memory_space<hbm>> -> memref<1x32x128xf32, #tpu.memory_space<hbm>>
    %dma_wait3A_94 = tpu.memref_squeeze %dma_wait3A_93 : memref<1x32x128xf32, #tpu.memory_space<hbm>> -> memref<32x128xf32, #tpu.memory_space<hbm>>
    tpu.wait_dma2 semaphore(%arg22 : memref<!tpu.dma_semaphore, #tpu.memory_space<semaphore_mem>>) src(%arg16 : memref<32x128xf32, #tpu.memory_space<vmem>>) dst(%dma_wait3A_94 : memref<32x128xf32, #tpu.memory_space<hbm>>)
    %dma_wait3A_95 = arith.constant 0 : i32
    %dma_wait3A_96 = arith.constant 0 : i32
    %dma_wait3A_97 = tpu.memref_slice %arg5[%arg0, %dma_wait3A_95, %dma_wait3A_96] : memref<2x10240x128xf32, #tpu.memory_space<hbm>> -> memref<1x32x128xf32, #tpu.memory_space<hbm>>
    %dma_wait3A_98 = tpu.memref_squeeze %dma_wait3A_97 : memref<1x32x128xf32, #tpu.memory_space<hbm>> -> memref<32x128xf32, #tpu.memory_space<hbm>>
    %dma_wait3A_99 = arith.constant 0 : i32
    %dma_wait3A_100 = arith.constant 0 : i32
    %dma_wait3A_101 = tpu.memref_slice %arg5[%arg0, %dma_wait3A_99, %dma_wait3A_100] : memref<2x10240x128xf32, #tpu.memory_space<hbm>> -> memref<1x32x128xf32, #tpu.memory_space<hbm>>
    %dma_wait3A_102 = tpu.memref_squeeze %dma_wait3A_101 : memref<1x32x128xf32, #tpu.memory_space<hbm>> -> memref<32x128xf32, #tpu.memory_space<hbm>>
    tpu.wait_dma2 semaphore(%arg22 : memref<!tpu.dma_semaphore, #tpu.memory_space<semaphore_mem>>) src(%arg17 : memref<32x128xf32, #tpu.memory_space<vmem>>) dst(%dma_wait3A_102 : memref<32x128xf32, #tpu.memory_space<hbm>>)
    return
  }
}

#map = affine_map<(d0, d1) -> (0, 0)>
#map1 = affine_map<(d0, d1) -> (0, 0, 0)>
module attributes {stable_mosaic.version = 14 : i64} {
  func.func @k(%arg0: i32, %arg1: i32, %arg2: memref<10000x128xf32, #tpu.memory_space<hbm>>, %arg3: memref<32x125x80xi32, #tpu.memory_space<hbm>>, %arg4: memref<32x125x80xi32, #tpu.memory_space<hbm>>, %arg5: memref<2x10240x128xf32, #tpu.memory_space<hbm>>, %arg6: memref<2x10240x128xf32, #tpu.memory_space<hbm>>, %arg7: memref<80xi32, #tpu.memory_space<vmem>>, %arg8: memref<80xi32, #tpu.memory_space<vmem>>, %arg9: memref<80xi32, #tpu.memory_space<vmem>>, %arg10: memref<80xi32, #tpu.memory_space<vmem>>, %arg11: memref<80xi32, #tpu.memory_space<vmem>>, %arg12: memref<80xi32, #tpu.memory_space<vmem>>, %arg13: memref<80xi32, #tpu.memory_space<vmem>>, %arg14: memref<80xi32, #tpu.memory_space<vmem>>, %arg15: memref<80x128xf32, #tpu.memory_space<vmem>>, %arg16: memref<80x128xf32, #tpu.memory_space<vmem>>, %arg17: memref<32x128xf32, #tpu.memory_space<vmem>>, %arg18: memref<32x128xf32, #tpu.memory_space<vmem>>, %arg19: memref<10240x128xf32, #tpu.memory_space<vmem_shared>>, %arg20: memref<!tpu.dma_semaphore, #tpu.memory_space<semaphore_mem>>, %arg21: memref<!tpu.dma_semaphore, #tpu.memory_space<semaphore_mem>>, %arg22: memref<!tpu.dma_semaphore, #tpu.memory_space<semaphore_mem>>, %arg23: memref<!tpu.dma_semaphore, #tpu.memory_space<semaphore_mem>>) attributes {dimension_semantics = [#tpu.dimension_semantics<core_parallel>, #tpu.dimension_semantics<subcore_parallel>], iteration_bounds = array<i64: 2, 16>, scalar_prefetch = 0 : i64, scratch_operands = 17 : i64, tpu.core_type = #tpu.core_type<sc_vector_subcore>, window_params = [{transform_indices = #map}, {transform_indices = #map1}, {transform_indices = #map1}, {transform_indices = #map1}, {transform_indices = #map1}]} {
    %mul3A = arith.constant 16 : i32
    %mul3A_0 = arith.muli %arg0, %mul3A : i32
    %add3A = arith.addi %mul3A_0, %arg1 : i32
    %broadcast_in_dim3A = arith.constant 0.000000e+00 : f32
    %broadcast_in_dim3A_1 = vector.broadcast %broadcast_in_dim3A : f32 to vector<16xf32>
    %broadcast_in_dim3A_2 = arith.constant 1.000000e+00 : f32
    %broadcast_in_dim3A_3 = vector.broadcast %broadcast_in_dim3A_2 : f32 to vector<16xf32>
    %scan3A = arith.constant 0 : i32
    %scan3A_4 = arith.constant 0 : i32
    %scan3A_5 = arith.constant 256 : i32
    %scan3A_6 = arith.addi %scan3A_4, %scan3A_5 : i32
    %scan3A_7 = arith.constant 1 : i32
    %scan3A_8 = scf.for %scan3A_207 = %scan3A_4 to %scan3A_6 step %scan3A_7 iter_args(%scan3A_208 = %scan3A) -> (i32)  : i32 {
      %jit3A = arith.constant 8 : i32
      %div3A = arith.divsi %scan3A_207, %jit3A : i32
      %sign3A = arith.constant 0 : i32
      %sign3A_209 = arith.cmpi sgt, %scan3A_207, %sign3A : i32
      %sign3A_210 = arith.extui %sign3A_209 : i1 to i32
      %sign3A_211 = arith.constant 0 : i32
      %sign3A_212 = arith.cmpi slt, %scan3A_207, %sign3A_211 : i32
      %sign3A_213 = arith.extui %sign3A_212 : i1 to i32
      %sign3A_214 = arith.subi %sign3A_210, %sign3A_213 : i32
      %sign3A_215 = arith.constant 0 : i32
      %sign3A_216 = arith.cmpi sgt, %jit3A, %sign3A_215 : i32
      %sign3A_217 = arith.extui %sign3A_216 : i1 to i32
      %sign3A_218 = arith.constant 0 : i32
      %sign3A_219 = arith.cmpi slt, %jit3A, %sign3A_218 : i32
      %sign3A_220 = arith.extui %sign3A_219 : i1 to i32
      %sign3A_221 = arith.subi %sign3A_217, %sign3A_220 : i32
      %ne3A = arith.cmpi ne, %sign3A_214, %sign3A_221 : i32
      %rem3A = arith.remsi %scan3A_207, %jit3A : i32
      %ne3A_222 = arith.constant 0 : i32
      %ne3A_223 = arith.cmpi ne, %rem3A, %ne3A_222 : i32
      %and3A = arith.andi %ne3A, %ne3A_223 : i1
      %sub3A = arith.constant 1 : i32
      %sub3A_224 = arith.subi %div3A, %sub3A : i32
      %select_n3A = arith.select %and3A, %sub3A_224, %div3A : i32
      %jit3A_225 = arith.constant 8 : i32
      %eq3A = arith.constant 0 : i32
      %eq3A_226 = arith.cmpi eq, %jit3A_225, %eq3A : i32
      %jit3A_227 = arith.constant 1 : i32
      %select_n3A_228 = arith.select %eq3A_226, %jit3A_227, %jit3A_225 : i32
      %rem3A_229 = arith.remsi %scan3A_207, %select_n3A_228 : i32
      %ne3A_230 = arith.constant 0 : i32
      %ne3A_231 = arith.cmpi ne, %rem3A_229, %ne3A_230 : i32
      %lt3A = arith.constant 0 : i32
      %lt3A_232 = arith.cmpi slt, %rem3A_229, %lt3A : i32
      %lt3A_233 = arith.constant 0 : i32
      %lt3A_234 = arith.cmpi slt, %select_n3A_228, %lt3A_233 : i32
      %ne3A_235 = arith.xori %lt3A_232, %lt3A_234 : i1
      %and3A_236 = arith.andi %ne3A_235, %ne3A_231 : i1
      %add3A_237 = arith.addi %rem3A_229, %select_n3A_228 : i32
      %select_n3A_238 = arith.select %and3A_236, %add3A_237, %rem3A_229 : i32
      %mul3A_239 = arith.constant 16 : i32
      %mul3A_240 = arith.muli %select_n3A_238, %mul3A_239 : i32
      %swap3A = arith.index_cast %select_n3A : i32 to index
      %swap3A_241 = arith.index_cast %mul3A_240 : i32 to index
      %swap3A_242 = tpu.vector_load %arg17[%swap3A, %swap3A_241] {strides = array<i32>} : memref<32x128xf32, #tpu.memory_space<vmem>>, vector<1x16xf32>,
      %swap3A_243 = vector.shape_cast %swap3A_242 : vector<1x16xf32> to vector<16xf32>
      %swap3A_244 = vector.shape_cast %broadcast_in_dim3A_1 : vector<16xf32> to vector<1x16xf32>
      tpu.vector_store %arg17[%swap3A, %swap3A_241], %swap3A_244 {strides = array<i32>} : memref<32x128xf32, #tpu.memory_space<vmem>>, vector<1x16xf32>,
      %scan3A_245 = arith.constant 0 : i32
      scf.yield %scan3A_245 : i32
    }
    %scan3A_9 = arith.constant 256 : i32
    %scan3A_10 = arith.constant 0 : i32
    %scan3A_11 = arith.constant 0 : i32
    %scan3A_12 = arith.constant 640 : i32
    %scan3A_13 = arith.addi %scan3A_11, %scan3A_12 : i32
    %scan3A_14 = arith.constant 1 : i32
    %scan3A_15 = scf.for %scan3A_207 = %scan3A_11 to %scan3A_13 step %scan3A_14 iter_args(%scan3A_208 = %scan3A_10) -> (i32)  : i32 {
      %jit3A = arith.constant 8 : i32
      %div3A = arith.divsi %scan3A_207, %jit3A : i32
      %sign3A = arith.constant 0 : i32
      %sign3A_209 = arith.cmpi sgt, %scan3A_207, %sign3A : i32
      %sign3A_210 = arith.extui %sign3A_209 : i1 to i32
      %sign3A_211 = arith.constant 0 : i32
      %sign3A_212 = arith.cmpi slt, %scan3A_207, %sign3A_211 : i32
      %sign3A_213 = arith.extui %sign3A_212 : i1 to i32
      %sign3A_214 = arith.subi %sign3A_210, %sign3A_213 : i32
      %sign3A_215 = arith.constant 0 : i32
      %sign3A_216 = arith.cmpi sgt, %jit3A, %sign3A_215 : i32
      %sign3A_217 = arith.extui %sign3A_216 : i1 to i32
      %sign3A_218 = arith.constant 0 : i32
      %sign3A_219 = arith.cmpi slt, %jit3A, %sign3A_218 : i32
      %sign3A_220 = arith.extui %sign3A_219 : i1 to i32
      %sign3A_221 = arith.subi %sign3A_217, %sign3A_220 : i32
      %ne3A = arith.cmpi ne, %sign3A_214, %sign3A_221 : i32
      %rem3A = arith.remsi %scan3A_207, %jit3A : i32
      %ne3A_222 = arith.constant 0 : i32
      %ne3A_223 = arith.cmpi ne, %rem3A, %ne3A_222 : i32
      %and3A = arith.andi %ne3A, %ne3A_223 : i1
      %sub3A = arith.constant 1 : i32
      %sub3A_224 = arith.subi %div3A, %sub3A : i32
      %select_n3A = arith.select %and3A, %sub3A_224, %div3A : i32
      %jit3A_225 = arith.constant 8 : i32
      %eq3A = arith.constant 0 : i32
      %eq3A_226 = arith.cmpi eq, %jit3A_225, %eq3A : i32
      %jit3A_227 = arith.constant 1 : i32
      %select_n3A_228 = arith.select %eq3A_226, %jit3A_227, %jit3A_225 : i32
      %rem3A_229 = arith.remsi %scan3A_207, %select_n3A_228 : i32
      %ne3A_230 = arith.constant 0 : i32
      %ne3A_231 = arith.cmpi ne, %rem3A_229, %ne3A_230 : i32
      %lt3A = arith.constant 0 : i32
      %lt3A_232 = arith.cmpi slt, %rem3A_229, %lt3A : i32
      %lt3A_233 = arith.constant 0 : i32
      %lt3A_234 = arith.cmpi slt, %select_n3A_228, %lt3A_233 : i32
      %ne3A_235 = arith.xori %lt3A_232, %lt3A_234 : i1
      %and3A_236 = arith.andi %ne3A_235, %ne3A_231 : i1
      %add3A_237 = arith.addi %rem3A_229, %select_n3A_228 : i32
      %select_n3A_238 = arith.select %and3A_236, %add3A_237, %rem3A_229 : i32
      %mul3A_239 = arith.constant 16 : i32
      %mul3A_240 = arith.muli %select_n3A_238, %mul3A_239 : i32
      %swap3A = arith.index_cast %select_n3A : i32 to index
      %swap3A_241 = arith.index_cast %mul3A_240 : i32 to index
      %swap3A_242 = tpu.vector_load %arg15[%swap3A, %swap3A_241] {strides = array<i32>} : memref<80x128xf32, #tpu.memory_space<vmem>>, vector<1x16xf32>,
      %swap3A_243 = vector.shape_cast %swap3A_242 : vector<1x16xf32> to vector<16xf32>
      %swap3A_244 = vector.shape_cast %broadcast_in_dim3A_3 : vector<16xf32> to vector<1x16xf32>
      tpu.vector_store %arg15[%swap3A, %swap3A_241], %swap3A_244 {strides = array<i32>} : memref<80x128xf32, #tpu.memory_space<vmem>>, vector<1x16xf32>,
      %scan3A_245 = arith.constant 0 : i32
      scf.yield %scan3A_245 : i32
    }
    %scan3A_16 = arith.constant 640 : i32
    %mul3A_17 = arith.constant 640 : i32
    %mul3A_18 = arith.muli %arg1, %mul3A_17 : i32
    %scan3A_19 = arith.constant 0 : i32
    %scan3A_20 = arith.constant 0 : i32
    %scan3A_21 = arith.constant 20 : i32
    %scan3A_22 = arith.addi %scan3A_20, %scan3A_21 : i32
    %scan3A_23 = arith.constant 1 : i32
    %scan3A_24 = scf.for %scan3A_207 = %scan3A_20 to %scan3A_22 step %scan3A_23 iter_args(%scan3A_208 = %scan3A_19) -> (i32)  : i32 {
      %mul3A_209 = arith.constant 32 : i32
      %mul3A_210 = arith.muli %scan3A_207, %mul3A_209 : i32
      %add3A_211 = arith.addi %mul3A_18, %mul3A_210 : i32
      %multiple_of3A_212 = tpu.assume_multiple %add3A_211, 8 : i32
      %dma_start3A_213 = arith.constant 0 : i32
      %dma_start3A_214 = tpu.memref_slice %arg19[%multiple_of3A_212, %dma_start3A_213] : memref<10240x128xf32, #tpu.memory_space<vmem_shared>> -> memref<32x128xf32, #tpu.memory_space<vmem_shared>>
      %dma_start3A_215 = arith.constant 0 : i32
      %dma_start3A_216 = tpu.memref_slice %arg19[%multiple_of3A_212, %dma_start3A_215] : memref<10240x128xf32, #tpu.memory_space<vmem_shared>> -> memref<32x128xf32, #tpu.memory_space<vmem_shared>>
      tpu.enqueue_dma source(%arg17 : memref<32x128xf32, #tpu.memory_space<vmem>>) target(%dma_start3A_216 : memref<32x128xf32, #tpu.memory_space<vmem_shared>>) target_semaphore(%arg23 : memref<!tpu.dma_semaphore, #tpu.memory_space<semaphore_mem>>)
      %scan3A_217 = arith.constant 0 : i32
      scf.yield %scan3A_217 : i32
    }
    %scan3A_25 = arith.constant 20 : i32
    %dma_start3A = arith.constant 0 : i32
    %dma_start3A_26 = arith.constant 0 : i32
    %dma_start3A_27 = tpu.memref_slice %arg4[%add3A, %dma_start3A, %dma_start3A_26] : memref<32x125x80xi32, #tpu.memory_space<hbm>> -> memref<1x1x80xi32, #tpu.memory_space<hbm>>
    %dma_start3A_28 = tpu.memref_squeeze %dma_start3A_27 : memref<1x1x80xi32, #tpu.memory_space<hbm>> -> memref<80xi32, #tpu.memory_space<hbm>>
    %dma_start3A_29 = arith.constant 0 : i32
    %dma_start3A_30 = tpu.memref_slice %arg4[%add3A, %dma_start3A, %dma_start3A_29] : memref<32x125x80xi32, #tpu.memory_space<hbm>> -> memref<1x1x80xi32, #tpu.memory_space<hbm>>
    %dma_start3A_31 = tpu.memref_squeeze %dma_start3A_30 : memref<1x1x80xi32, #tpu.memory_space<hbm>> -> memref<80xi32, #tpu.memory_space<hbm>>
    tpu.enqueue_dma source(%dma_start3A_31 : memref<80xi32, #tpu.memory_space<hbm>>) target(%arg11 : memref<80xi32, #tpu.memory_space<vmem>>) target_semaphore(%arg21 : memref<!tpu.dma_semaphore, #tpu.memory_space<semaphore_mem>>)
    %dma_start3A_32 = arith.constant 1 : i32
    %dma_start3A_33 = arith.constant 0 : i32
    %dma_start3A_34 = tpu.memref_slice %arg4[%add3A, %dma_start3A_32, %dma_start3A_33] : memref<32x125x80xi32, #tpu.memory_space<hbm>> -> memref<1x1x80xi32, #tpu.memory_space<hbm>>
    %dma_start3A_35 = tpu.memref_squeeze %dma_start3A_34 : memref<1x1x80xi32, #tpu.memory_space<hbm>> -> memref<80xi32, #tpu.memory_space<hbm>>
    %dma_start3A_36 = arith.constant 0 : i32
    %dma_start3A_37 = tpu.memref_slice %arg4[%add3A, %dma_start3A_32, %dma_start3A_36] : memref<32x125x80xi32, #tpu.memory_space<hbm>> -> memref<1x1x80xi32, #tpu.memory_space<hbm>>
    %dma_start3A_38 = tpu.memref_squeeze %dma_start3A_37 : memref<1x1x80xi32, #tpu.memory_space<hbm>> -> memref<80xi32, #tpu.memory_space<hbm>>
    tpu.enqueue_dma source(%dma_start3A_38 : memref<80xi32, #tpu.memory_space<hbm>>) target(%arg12 : memref<80xi32, #tpu.memory_space<vmem>>) target_semaphore(%arg21 : memref<!tpu.dma_semaphore, #tpu.memory_space<semaphore_mem>>)
    %dma_start3A_39 = arith.constant 2 : i32
    %dma_start3A_40 = arith.constant 0 : i32
    %dma_start3A_41 = tpu.memref_slice %arg4[%add3A, %dma_start3A_39, %dma_start3A_40] : memref<32x125x80xi32, #tpu.memory_space<hbm>> -> memref<1x1x80xi32, #tpu.memory_space<hbm>>
    %dma_start3A_42 = tpu.memref_squeeze %dma_start3A_41 : memref<1x1x80xi32, #tpu.memory_space<hbm>> -> memref<80xi32, #tpu.memory_space<hbm>>
    %dma_start3A_43 = arith.constant 0 : i32
    %dma_start3A_44 = tpu.memref_slice %arg4[%add3A, %dma_start3A_39, %dma_start3A_43] : memref<32x125x80xi32, #tpu.memory_space<hbm>> -> memref<1x1x80xi32, #tpu.memory_space<hbm>>
    %dma_start3A_45 = tpu.memref_squeeze %dma_start3A_44 : memref<1x1x80xi32, #tpu.memory_space<hbm>> -> memref<80xi32, #tpu.memory_space<hbm>>
    tpu.enqueue_dma source(%dma_start3A_45 : memref<80xi32, #tpu.memory_space<hbm>>) target(%arg13 : memref<80xi32, #tpu.memory_space<vmem>>) target_semaphore(%arg21 : memref<!tpu.dma_semaphore, #tpu.memory_space<semaphore_mem>>)
    %dma_start3A_46 = arith.constant 3 : i32
    %dma_start3A_47 = arith.constant 0 : i32
    %dma_start3A_48 = tpu.memref_slice %arg4[%add3A, %dma_start3A_46, %dma_start3A_47] : memref<32x125x80xi32, #tpu.memory_space<hbm>> -> memref<1x1x80xi32, #tpu.memory_space<hbm>>
    %dma_start3A_49 = tpu.memref_squeeze %dma_start3A_48 : memref<1x1x80xi32, #tpu.memory_space<hbm>> -> memref<80xi32, #tpu.memory_space<hbm>>
    %dma_start3A_50 = arith.constant 0 : i32
    %dma_start3A_51 = tpu.memref_slice %arg4[%add3A, %dma_start3A_46, %dma_start3A_50] : memref<32x125x80xi32, #tpu.memory_space<hbm>> -> memref<1x1x80xi32, #tpu.memory_space<hbm>>
    %dma_start3A_52 = tpu.memref_squeeze %dma_start3A_51 : memref<1x1x80xi32, #tpu.memory_space<hbm>> -> memref<80xi32, #tpu.memory_space<hbm>>
    tpu.enqueue_dma source(%dma_start3A_52 : memref<80xi32, #tpu.memory_space<hbm>>) target(%arg14 : memref<80xi32, #tpu.memory_space<vmem>>) target_semaphore(%arg21 : memref<!tpu.dma_semaphore, #tpu.memory_space<semaphore_mem>>)
    %scan3A_53 = arith.constant 0 : i32
    %scan3A_54 = arith.constant 0 : i32
    %scan3A_55 = arith.constant 20 : i32
    %scan3A_56 = arith.addi %scan3A_54, %scan3A_55 : i32
    %scan3A_57 = arith.constant 1 : i32
    %scan3A_58 = scf.for %scan3A_207 = %scan3A_54 to %scan3A_56 step %scan3A_57 iter_args(%scan3A_208 = %scan3A_53) -> (i32)  : i32 {
      %dma_wait3A_209 = arith.constant 0 : i32
      %dma_wait3A_210 = arith.constant 0 : i32
      %dma_wait3A_211 = tpu.memref_slice %arg19[%dma_wait3A_209, %dma_wait3A_210] : memref<10240x128xf32, #tpu.memory_space<vmem_shared>> -> memref<32x128xf32, #tpu.memory_space<vmem_shared>>
      %dma_wait3A_212 = arith.constant 0 : i32
      %dma_wait3A_213 = arith.constant 0 : i32
      %dma_wait3A_214 = tpu.memref_slice %arg19[%dma_wait3A_212, %dma_wait3A_213] : memref<10240x128xf32, #tpu.memory_space<vmem_shared>> -> memref<32x128xf32, #tpu.memory_space<vmem_shared>>
      tpu.wait_dma2 semaphore(%arg23 : memref<!tpu.dma_semaphore, #tpu.memory_space<semaphore_mem>>) src(%dma_wait3A_214 : memref<32x128xf32, #tpu.memory_space<vmem_shared>>) dst(%arg17 : memref<32x128xf32, #tpu.memory_space<vmem>>)
      %scan3A_215 = arith.constant 0 : i32
      scf.yield %scan3A_215 : i32
    }
    %scan3A_59 = arith.constant 20 : i32
    %barrier3A = arith.constant 0 : index
    tpu.barrier barrier_id(%barrier3A)
    %scan3A_60 = arith.constant 0 : i32
    %scan3A_61 = arith.constant 0 : i32
    %scan3A_62 = arith.constant 32 : i32
    %scan3A_63 = arith.addi %scan3A_61, %scan3A_62 : i32
    %scan3A_64 = arith.constant 1 : i32
    %scan3A_65 = scf.for %scan3A_207 = %scan3A_61 to %scan3A_63 step %scan3A_64 iter_args(%scan3A_208 = %scan3A_60) -> (i32)  : i32 {
      %mul3A_209 = arith.constant 4 : i32
      %mul3A_210 = arith.muli %scan3A_207, %mul3A_209 : i32
      %add3A_211 = arith.constant 0 : i32
      %add3A_212 = arith.addi %mul3A_210, %add3A_211 : i32
      %lt3A = arith.constant 125 : i32
      %lt3A_213 = arith.cmpi slt, %add3A_212, %lt3A : i32
      %convert_element_type3A = arith.extui %lt3A_213 : i1 to i32
      %cond3A = arith.constant 0 : i32
      %cond3A_214 = arith.cmpi ne, %convert_element_type3A, %cond3A : i32
      scf.if %cond3A_214 {
        %dma_wait3A_265 = arith.constant 0 : i32
        %dma_wait3A_266 = arith.constant 0 : i32
        %dma_wait3A_267 = tpu.memref_slice %arg4[%add3A, %dma_wait3A_265, %dma_wait3A_266] : memref<32x125x80xi32, #tpu.memory_space<hbm>> -> memref<1x1x80xi32, #tpu.memory_space<hbm>>
        %dma_wait3A_268 = tpu.memref_squeeze %dma_wait3A_267 : memref<1x1x80xi32, #tpu.memory_space<hbm>> -> memref<80xi32, #tpu.memory_space<hbm>>
        %dma_wait3A_269 = arith.constant 0 : i32
        %dma_wait3A_270 = tpu.memref_slice %arg4[%add3A, %dma_wait3A_265, %dma_wait3A_269] : memref<32x125x80xi32, #tpu.memory_space<hbm>> -> memref<1x1x80xi32, #tpu.memory_space<hbm>>
        %dma_wait3A_271 = tpu.memref_squeeze %dma_wait3A_270 : memref<1x1x80xi32, #tpu.memory_space<hbm>> -> memref<80xi32, #tpu.memory_space<hbm>>
        tpu.wait_dma2 semaphore(%arg21 : memref<!tpu.dma_semaphore, #tpu.memory_space<semaphore_mem>>) src(%dma_wait3A_271 : memref<80xi32, #tpu.memory_space<hbm>>) dst(%arg11 : memref<80xi32, #tpu.memory_space<vmem>>)
        "tpu.region"() ({
          %run_scoped3A_272 = tpu.sem_alloc : memref<!tpu.dma_semaphore, #tpu.memory_space<semaphore_mem>>
          %dma_start3A_273 = arith.constant 0 : i32
          %dma_start3A_274 = arith.constant 0 : i32
          %dma_start3A_275 = tpu.memref_slice %arg19[%dma_start3A_273, %dma_start3A_274] : memref<10240x128xf32, #tpu.memory_space<vmem_shared>> -> memref<10240x128xf32, #tpu.memory_space<vmem_shared>>
          tpu.enqueue_indirect_dma source(%arg15 : memref<80x128xf32, #tpu.memory_space<vmem>>) target(%dma_start3A_275 : memref<10240x128xf32, #tpu.memory_space<vmem_shared>>) offsets(%arg11 : memref<80xi32, #tpu.memory_space<vmem>>) semaphore(%run_scoped3A_272 : memref<!tpu.dma_semaphore, #tpu.memory_space<semaphore_mem>>) {add = true}
          %dma_wait3A_276 = arith.constant 0 : i32
          %dma_wait3A_277 = arith.constant 0 : i32
          %dma_wait3A_278 = tpu.memref_slice %arg19[%dma_wait3A_276, %dma_wait3A_277] : memref<10240x128xf32, #tpu.memory_space<vmem_shared>> -> memref<10240x128xf32, #tpu.memory_space<vmem_shared>>
          tpu.wait_indirect_dma semaphore(%run_scoped3A_272 : memref<!tpu.dma_semaphore, #tpu.memory_space<semaphore_mem>>) src(%arg15 : memref<80x128xf32, #tpu.memory_space<vmem>>) dst(%dma_wait3A_278 : memref<10240x128xf32, #tpu.memory_space<vmem_shared>>)
          tpu.yield
        }) : () -> ()
      } else {
      }
      %add3A_215 = arith.constant 4 : i32
      %add3A_216 = arith.addi %add3A_212, %add3A_215 : i32
      %lt3A_217 = arith.constant 125 : i32
      %lt3A_218 = arith.cmpi slt, %add3A_216, %lt3A_217 : i32
      %convert_element_type3A_219 = arith.extui %lt3A_218 : i1 to i32
      %cond3A_220 = arith.constant 0 : i32
      %cond3A_221 = arith.cmpi ne, %convert_element_type3A_219, %cond3A_220 : i32
      scf.if %cond3A_221 {
        %add3A_265 = arith.constant 4 : i32
        %add3A_266 = arith.addi %add3A_212, %add3A_265 : i32
        %dma_start3A_267 = arith.constant 0 : i32
        %dma_start3A_268 = tpu.memref_slice %arg4[%add3A, %add3A_266, %dma_start3A_267] : memref<32x125x80xi32, #tpu.memory_space<hbm>> -> memref<1x1x80xi32, #tpu.memory_space<hbm>>
        %dma_start3A_269 = tpu.memref_squeeze %dma_start3A_268 : memref<1x1x80xi32, #tpu.memory_space<hbm>> -> memref<80xi32, #tpu.memory_space<hbm>>
        %dma_start3A_270 = arith.constant 0 : i32
        %dma_start3A_271 = tpu.memref_slice %arg4[%add3A, %add3A_266, %dma_start3A_270] : memref<32x125x80xi32, #tpu.memory_space<hbm>> -> memref<1x1x80xi32, #tpu.memory_space<hbm>>
        %dma_start3A_272 = tpu.memref_squeeze %dma_start3A_271 : memref<1x1x80xi32, #tpu.memory_space<hbm>> -> memref<80xi32, #tpu.memory_space<hbm>>
        tpu.enqueue_dma source(%dma_start3A_272 : memref<80xi32, #tpu.memory_space<hbm>>) target(%arg11 : memref<80xi32, #tpu.memory_space<vmem>>) target_semaphore(%arg21 : memref<!tpu.dma_semaphore, #tpu.memory_space<semaphore_mem>>)
      } else {
      }
      %add3A_222 = arith.constant 1 : i32
      %add3A_223 = arith.addi %mul3A_210, %add3A_222 : i32
      %lt3A_224 = arith.constant 125 : i32
      %lt3A_225 = arith.cmpi slt, %add3A_223, %lt3A_224 : i32
      %convert_element_type3A_226 = arith.extui %lt3A_225 : i1 to i32
      %cond3A_227 = arith.constant 0 : i32
      %cond3A_228 = arith.cmpi ne, %convert_element_type3A_226, %cond3A_227 : i32
      scf.if %cond3A_228 {
        %dma_wait3A_265 = arith.constant 0 : i32
        %dma_wait3A_266 = arith.constant 0 : i32
        %dma_wait3A_267 = tpu.memref_slice %arg4[%add3A, %dma_wait3A_265, %dma_wait3A_266] : memref<32x125x80xi32, #tpu.memory_space<hbm>> -> memref<1x1x80xi32, #tpu.memory_space<hbm>>
        %dma_wait3A_268 = tpu.memref_squeeze %dma_wait3A_267 : memref<1x1x80xi32, #tpu.memory_space<hbm>> -> memref<80xi32, #tpu.memory_space<hbm>>
        %dma_wait3A_269 = arith.constant 0 : i32
        %dma_wait3A_270 = tpu.memref_slice %arg4[%add3A, %dma_wait3A_265, %dma_wait3A_269] : memref<32x125x80xi32, #tpu.memory_space<hbm>> -> memref<1x1x80xi32, #tpu.memory_space<hbm>>
        %dma_wait3A_271 = tpu.memref_squeeze %dma_wait3A_270 : memref<1x1x80xi32, #tpu.memory_space<hbm>> -> memref<80xi32, #tpu.memory_space<hbm>>
        tpu.wait_dma2 semaphore(%arg21 : memref<!tpu.dma_semaphore, #tpu.memory_space<semaphore_mem>>) src(%dma_wait3A_271 : memref<80xi32, #tpu.memory_space<hbm>>) dst(%arg12 : memref<80xi32, #tpu.memory_space<vmem>>)
        "tpu.region"() ({
          %run_scoped3A_272 = tpu.sem_alloc : memref<!tpu.dma_semaphore, #tpu.memory_space<semaphore_mem>>
          %dma_start3A_273 = arith.constant 0 : i32
          %dma_start3A_274 = arith.constant 0 : i32
          %dma_start3A_275 = tpu.memref_slice %arg19[%dma_start3A_273, %dma_start3A_274] : memref<10240x128xf32, #tpu.memory_space<vmem_shared>> -> memref<10240x128xf32, #tpu.memory_space<vmem_shared>>
          tpu.enqueue_indirect_dma source(%arg15 : memref<80x128xf32, #tpu.memory_space<vmem>>) target(%dma_start3A_275 : memref<10240x128xf32, #tpu.memory_space<vmem_shared>>) offsets(%arg12 : memref<80xi32, #tpu.memory_space<vmem>>) semaphore(%run_scoped3A_272 : memref<!tpu.dma_semaphore, #tpu.memory_space<semaphore_mem>>) {add = true}
          %dma_wait3A_276 = arith.constant 0 : i32
          %dma_wait3A_277 = arith.constant 0 : i32
          %dma_wait3A_278 = tpu.memref_slice %arg19[%dma_wait3A_276, %dma_wait3A_277] : memref<10240x128xf32, #tpu.memory_space<vmem_shared>> -> memref<10240x128xf32, #tpu.memory_space<vmem_shared>>
          tpu.wait_indirect_dma semaphore(%run_scoped3A_272 : memref<!tpu.dma_semaphore, #tpu.memory_space<semaphore_mem>>) src(%arg15 : memref<80x128xf32, #tpu.memory_space<vmem>>) dst(%dma_wait3A_278 : memref<10240x128xf32, #tpu.memory_space<vmem_shared>>)
          tpu.yield
        }) : () -> ()
      } else {
      }
      %add3A_229 = arith.constant 4 : i32
      %add3A_230 = arith.addi %add3A_223, %add3A_229 : i32
      %lt3A_231 = arith.constant 125 : i32
      %lt3A_232 = arith.cmpi slt, %add3A_230, %lt3A_231 : i32
      %convert_element_type3A_233 = arith.extui %lt3A_232 : i1 to i32
      %cond3A_234 = arith.constant 0 : i32
      %cond3A_235 = arith.cmpi ne, %convert_element_type3A_233, %cond3A_234 : i32
      scf.if %cond3A_235 {
        %add3A_265 = arith.constant 4 : i32
        %add3A_266 = arith.addi %add3A_223, %add3A_265 : i32
        %dma_start3A_267 = arith.constant 0 : i32
        %dma_start3A_268 = tpu.memref_slice %arg4[%add3A, %add3A_266, %dma_start3A_267] : memref<32x125x80xi32, #tpu.memory_space<hbm>> -> memref<1x1x80xi32, #tpu.memory_space<hbm>>
        %dma_start3A_269 = tpu.memref_squeeze %dma_start3A_268 : memref<1x1x80xi32, #tpu.memory_space<hbm>> -> memref<80xi32, #tpu.memory_space<hbm>>
        %dma_start3A_270 = arith.constant 0 : i32
        %dma_start3A_271 = tpu.memref_slice %arg4[%add3A, %add3A_266, %dma_start3A_270] : memref<32x125x80xi32, #tpu.memory_space<hbm>> -> memref<1x1x80xi32, #tpu.memory_space<hbm>>
        %dma_start3A_272 = tpu.memref_squeeze %dma_start3A_271 : memref<1x1x80xi32, #tpu.memory_space<hbm>> -> memref<80xi32, #tpu.memory_space<hbm>>
        tpu.enqueue_dma source(%dma_start3A_272 : memref<80xi32, #tpu.memory_space<hbm>>) target(%arg12 : memref<80xi32, #tpu.memory_space<vmem>>) target_semaphore(%arg21 : memref<!tpu.dma_semaphore, #tpu.memory_space<semaphore_mem>>)
      } else {
      }
      %add3A_236 = arith.constant 2 : i32
      %add3A_237 = arith.addi %mul3A_210, %add3A_236 : i32
      %lt3A_238 = arith.constant 125 : i32
      %lt3A_239 = arith.cmpi slt, %add3A_237, %lt3A_238 : i32
      %convert_element_type3A_240 = arith.extui %lt3A_239 : i1 to i32
      %cond3A_241 = arith.constant 0 : i32
      %cond3A_242 = arith.cmpi ne, %convert_element_type3A_240, %cond3A_241 : i32
      scf.if %cond3A_242 {
        %dma_wait3A_265 = arith.constant 0 : i32
        %dma_wait3A_266 = arith.constant 0 : i32
        %dma_wait3A_267 = tpu.memref_slice %arg4[%add3A, %dma_wait3A_265, %dma_wait3A_266] : memref<32x125x80xi32, #tpu.memory_space<hbm>> -> memref<1x1x80xi32, #tpu.memory_space<hbm>>
        %dma_wait3A_268 = tpu.memref_squeeze %dma_wait3A_267 : memref<1x1x80xi32, #tpu.memory_space<hbm>> -> memref<80xi32, #tpu.memory_space<hbm>>
        %dma_wait3A_269 = arith.constant 0 : i32
        %dma_wait3A_270 = tpu.memref_slice %arg4[%add3A, %dma_wait3A_265, %dma_wait3A_269] : memref<32x125x80xi32, #tpu.memory_space<hbm>> -> memref<1x1x80xi32, #tpu.memory_space<hbm>>
        %dma_wait3A_271 = tpu.memref_squeeze %dma_wait3A_270 : memref<1x1x80xi32, #tpu.memory_space<hbm>> -> memref<80xi32, #tpu.memory_space<hbm>>
        tpu.wait_dma2 semaphore(%arg21 : memref<!tpu.dma_semaphore, #tpu.memory_space<semaphore_mem>>) src(%dma_wait3A_271 : memref<80xi32, #tpu.memory_space<hbm>>) dst(%arg13 : memref<80xi32, #tpu.memory_space<vmem>>)
        "tpu.region"() ({
          %run_scoped3A_272 = tpu.sem_alloc : memref<!tpu.dma_semaphore, #tpu.memory_space<semaphore_mem>>
          %dma_start3A_273 = arith.constant 0 : i32
          %dma_start3A_274 = arith.constant 0 : i32
          %dma_start3A_275 = tpu.memref_slice %arg19[%dma_start3A_273, %dma_start3A_274] : memref<10240x128xf32, #tpu.memory_space<vmem_shared>> -> memref<10240x128xf32, #tpu.memory_space<vmem_shared>>
          tpu.enqueue_indirect_dma source(%arg15 : memref<80x128xf32, #tpu.memory_space<vmem>>) target(%dma_start3A_275 : memref<10240x128xf32, #tpu.memory_space<vmem_shared>>) offsets(%arg13 : memref<80xi32, #tpu.memory_space<vmem>>) semaphore(%run_scoped3A_272 : memref<!tpu.dma_semaphore, #tpu.memory_space<semaphore_mem>>) {add = true}
          %dma_wait3A_276 = arith.constant 0 : i32
          %dma_wait3A_277 = arith.constant 0 : i32
          %dma_wait3A_278 = tpu.memref_slice %arg19[%dma_wait3A_276, %dma_wait3A_277] : memref<10240x128xf32, #tpu.memory_space<vmem_shared>> -> memref<10240x128xf32, #tpu.memory_space<vmem_shared>>
          tpu.wait_indirect_dma semaphore(%run_scoped3A_272 : memref<!tpu.dma_semaphore, #tpu.memory_space<semaphore_mem>>) src(%arg15 : memref<80x128xf32, #tpu.memory_space<vmem>>) dst(%dma_wait3A_278 : memref<10240x128xf32, #tpu.memory_space<vmem_shared>>)
          tpu.yield
        }) : () -> ()
      } else {
      }
      %add3A_243 = arith.constant 4 : i32
      %add3A_244 = arith.addi %add3A_237, %add3A_243 : i32
      %lt3A_245 = arith.constant 125 : i32
      %lt3A_246 = arith.cmpi slt, %add3A_244, %lt3A_245 : i32
      %convert_element_type3A_247 = arith.extui %lt3A_246 : i1 to i32
      %cond3A_248 = arith.constant 0 : i32
      %cond3A_249 = arith.cmpi ne, %convert_element_type3A_247, %cond3A_248 : i32
      scf.if %cond3A_249 {
        %add3A_265 = arith.constant 4 : i32
        %add3A_266 = arith.addi %add3A_237, %add3A_265 : i32
        %dma_start3A_267 = arith.constant 0 : i32
        %dma_start3A_268 = tpu.memref_slice %arg4[%add3A, %add3A_266, %dma_start3A_267] : memref<32x125x80xi32, #tpu.memory_space<hbm>> -> memref<1x1x80xi32, #tpu.memory_space<hbm>>
        %dma_start3A_269 = tpu.memref_squeeze %dma_start3A_268 : memref<1x1x80xi32, #tpu.memory_space<hbm>> -> memref<80xi32, #tpu.memory_space<hbm>>
        %dma_start3A_270 = arith.constant 0 : i32
        %dma_start3A_271 = tpu.memref_slice %arg4[%add3A, %add3A_266, %dma_start3A_270] : memref<32x125x80xi32, #tpu.memory_space<hbm>> -> memref<1x1x80xi32, #tpu.memory_space<hbm>>
        %dma_start3A_272 = tpu.memref_squeeze %dma_start3A_271 : memref<1x1x80xi32, #tpu.memory_space<hbm>> -> memref<80xi32, #tpu.memory_space<hbm>>
        tpu.enqueue_dma source(%dma_start3A_272 : memref<80xi32, #tpu.memory_space<hbm>>) target(%arg13 : memref<80xi32, #tpu.memory_space<vmem>>) target_semaphore(%arg21 : memref<!tpu.dma_semaphore, #tpu.memory_space<semaphore_mem>>)
      } else {
      }
      %add3A_250 = arith.constant 3 : i32
      %add3A_251 = arith.addi %mul3A_210, %add3A_250 : i32
      %lt3A_252 = arith.constant 125 : i32
      %lt3A_253 = arith.cmpi slt, %add3A_251, %lt3A_252 : i32
      %convert_element_type3A_254 = arith.extui %lt3A_253 : i1 to i32
      %cond3A_255 = arith.constant 0 : i32
      %cond3A_256 = arith.cmpi ne, %convert_element_type3A_254, %cond3A_255 : i32
      scf.if %cond3A_256 {
        %dma_wait3A_265 = arith.constant 0 : i32
        %dma_wait3A_266 = arith.constant 0 : i32
        %dma_wait3A_267 = tpu.memref_slice %arg4[%add3A, %dma_wait3A_265, %dma_wait3A_266] : memref<32x125x80xi32, #tpu.memory_space<hbm>> -> memref<1x1x80xi32, #tpu.memory_space<hbm>>
        %dma_wait3A_268 = tpu.memref_squeeze %dma_wait3A_267 : memref<1x1x80xi32, #tpu.memory_space<hbm>> -> memref<80xi32, #tpu.memory_space<hbm>>
        %dma_wait3A_269 = arith.constant 0 : i32
        %dma_wait3A_270 = tpu.memref_slice %arg4[%add3A, %dma_wait3A_265, %dma_wait3A_269] : memref<32x125x80xi32, #tpu.memory_space<hbm>> -> memref<1x1x80xi32, #tpu.memory_space<hbm>>
        %dma_wait3A_271 = tpu.memref_squeeze %dma_wait3A_270 : memref<1x1x80xi32, #tpu.memory_space<hbm>> -> memref<80xi32, #tpu.memory_space<hbm>>
        tpu.wait_dma2 semaphore(%arg21 : memref<!tpu.dma_semaphore, #tpu.memory_space<semaphore_mem>>) src(%dma_wait3A_271 : memref<80xi32, #tpu.memory_space<hbm>>) dst(%arg14 : memref<80xi32, #tpu.memory_space<vmem>>)
        "tpu.region"() ({
          %run_scoped3A_272 = tpu.sem_alloc : memref<!tpu.dma_semaphore, #tpu.memory_space<semaphore_mem>>
          %dma_start3A_273 = arith.constant 0 : i32
          %dma_start3A_274 = arith.constant 0 : i32
          %dma_start3A_275 = tpu.memref_slice %arg19[%dma_start3A_273, %dma_start3A_274] : memref<10240x128xf32, #tpu.memory_space<vmem_shared>> -> memref<10240x128xf32, #tpu.memory_space<vmem_shared>>
          tpu.enqueue_indirect_dma source(%arg15 : memref<80x128xf32, #tpu.memory_space<vmem>>) target(%dma_start3A_275 : memref<10240x128xf32, #tpu.memory_space<vmem_shared>>) offsets(%arg14 : memref<80xi32, #tpu.memory_space<vmem>>) semaphore(%run_scoped3A_272 : memref<!tpu.dma_semaphore, #tpu.memory_space<semaphore_mem>>) {add = true}
          %dma_wait3A_276 = arith.constant 0 : i32
          %dma_wait3A_277 = arith.constant 0 : i32
          %dma_wait3A_278 = tpu.memref_slice %arg19[%dma_wait3A_276, %dma_wait3A_277] : memref<10240x128xf32, #tpu.memory_space<vmem_shared>> -> memref<10240x128xf32, #tpu.memory_space<vmem_shared>>
          tpu.wait_indirect_dma semaphore(%run_scoped3A_272 : memref<!tpu.dma_semaphore, #tpu.memory_space<semaphore_mem>>) src(%arg15 : memref<80x128xf32, #tpu.memory_space<vmem>>) dst(%dma_wait3A_278 : memref<10240x128xf32, #tpu.memory_space<vmem_shared>>)
          tpu.yield
        }) : () -> ()
      } else {
      }
      %add3A_257 = arith.constant 4 : i32
      %add3A_258 = arith.addi %add3A_251, %add3A_257 : i32
      %lt3A_259 = arith.constant 125 : i32
      %lt3A_260 = arith.cmpi slt, %add3A_258, %lt3A_259 : i32
      %convert_element_type3A_261 = arith.extui %lt3A_260 : i1 to i32
      %cond3A_262 = arith.constant 0 : i32
      %cond3A_263 = arith.cmpi ne, %convert_element_type3A_261, %cond3A_262 : i32
      scf.if %cond3A_263 {
        %add3A_265 = arith.constant 4 : i32
        %add3A_266 = arith.addi %add3A_251, %add3A_265 : i32
        %dma_start3A_267 = arith.constant 0 : i32
        %dma_start3A_268 = tpu.memref_slice %arg4[%add3A, %add3A_266, %dma_start3A_267] : memref<32x125x80xi32, #tpu.memory_space<hbm>> -> memref<1x1x80xi32, #tpu.memory_space<hbm>>
        %dma_start3A_269 = tpu.memref_squeeze %dma_start3A_268 : memref<1x1x80xi32, #tpu.memory_space<hbm>> -> memref<80xi32, #tpu.memory_space<hbm>>
        %dma_start3A_270 = arith.constant 0 : i32
        %dma_start3A_271 = tpu.memref_slice %arg4[%add3A, %add3A_266, %dma_start3A_270] : memref<32x125x80xi32, #tpu.memory_space<hbm>> -> memref<1x1x80xi32, #tpu.memory_space<hbm>>
        %dma_start3A_272 = tpu.memref_squeeze %dma_start3A_271 : memref<1x1x80xi32, #tpu.memory_space<hbm>> -> memref<80xi32, #tpu.memory_space<hbm>>
        tpu.enqueue_dma source(%dma_start3A_272 : memref<80xi32, #tpu.memory_space<hbm>>) target(%arg14 : memref<80xi32, #tpu.memory_space<vmem>>) target_semaphore(%arg21 : memref<!tpu.dma_semaphore, #tpu.memory_space<semaphore_mem>>)
      } else {
      }
      %scan3A_264 = arith.constant 0 : i32
      scf.yield %scan3A_264 : i32
    }
    %scan3A_66 = arith.constant 32 : i32
    %barrier3A_67 = arith.constant 0 : index
    tpu.barrier barrier_id(%barrier3A_67)
    %run_scoped3A = arith.constant 0 : i32
    "tpu.region"() ({
      %run_scoped3A_207 = tpu.sem_alloc : memref<!tpu.dma_semaphore, #tpu.memory_space<semaphore_mem>>
      %dma_start3A_208 = arith.constant 0 : i32
      %dma_start3A_209 = tpu.memref_slice %arg3[%add3A, %run_scoped3A, %dma_start3A_208] : memref<32x125x80xi32, #tpu.memory_space<hbm>> -> memref<1x1x80xi32, #tpu.memory_space<hbm>>
      %dma_start3A_210 = tpu.memref_squeeze %dma_start3A_209 : memref<1x1x80xi32, #tpu.memory_space<hbm>> -> memref<80xi32, #tpu.memory_space<hbm>>
      %dma_start3A_211 = arith.constant 0 : i32
      %dma_start3A_212 = tpu.memref_slice %arg3[%add3A, %run_scoped3A, %dma_start3A_211] : memref<32x125x80xi32, #tpu.memory_space<hbm>> -> memref<1x1x80xi32, #tpu.memory_space<hbm>>
      %dma_start3A_213 = tpu.memref_squeeze %dma_start3A_212 : memref<1x1x80xi32, #tpu.memory_space<hbm>> -> memref<80xi32, #tpu.memory_space<hbm>>
      tpu.enqueue_dma source(%dma_start3A_213 : memref<80xi32, #tpu.memory_space<hbm>>) target(%arg7 : memref<80xi32, #tpu.memory_space<vmem>>) target_semaphore(%run_scoped3A_207 : memref<!tpu.dma_semaphore, #tpu.memory_space<semaphore_mem>>)
      %dma_wait3A_214 = arith.constant 0 : i32
      %dma_wait3A_215 = tpu.memref_slice %arg3[%add3A, %run_scoped3A, %dma_wait3A_214] : memref<32x125x80xi32, #tpu.memory_space<hbm>> -> memref<1x1x80xi32, #tpu.memory_space<hbm>>
      %dma_wait3A_216 = tpu.memref_squeeze %dma_wait3A_215 : memref<1x1x80xi32, #tpu.memory_space<hbm>> -> memref<80xi32, #tpu.memory_space<hbm>>
      %dma_wait3A_217 = arith.constant 0 : i32
      %dma_wait3A_218 = tpu.memref_slice %arg3[%add3A, %run_scoped3A, %dma_wait3A_217] : memref<32x125x80xi32, #tpu.memory_space<hbm>> -> memref<1x1x80xi32, #tpu.memory_space<hbm>>
      %dma_wait3A_219 = tpu.memref_squeeze %dma_wait3A_218 : memref<1x1x80xi32, #tpu.memory_space<hbm>> -> memref<80xi32, #tpu.memory_space<hbm>>
      tpu.wait_dma2 semaphore(%run_scoped3A_207 : memref<!tpu.dma_semaphore, #tpu.memory_space<semaphore_mem>>) src(%dma_wait3A_219 : memref<80xi32, #tpu.memory_space<hbm>>) dst(%arg7 : memref<80xi32, #tpu.memory_space<vmem>>)
      tpu.yield
    }) : () -> ()
    %run_scoped3A_68 = arith.constant 0 : i32
    "tpu.region"() ({
      %run_scoped3A_207 = tpu.sem_alloc : memref<!tpu.dma_semaphore, #tpu.memory_space<semaphore_mem>>
      %dma_start3A_208 = arith.constant 0 : i32
      %dma_start3A_209 = tpu.memref_slice %arg4[%add3A, %run_scoped3A_68, %dma_start3A_208] : memref<32x125x80xi32, #tpu.memory_space<hbm>> -> memref<1x1x80xi32, #tpu.memory_space<hbm>>
      %dma_start3A_210 = tpu.memref_squeeze %dma_start3A_209 : memref<1x1x80xi32, #tpu.memory_space<hbm>> -> memref<80xi32, #tpu.memory_space<hbm>>
      %dma_start3A_211 = arith.constant 0 : i32
      %dma_start3A_212 = tpu.memref_slice %arg4[%add3A, %run_scoped3A_68, %dma_start3A_211] : memref<32x125x80xi32, #tpu.memory_space<hbm>> -> memref<1x1x80xi32, #tpu.memory_space<hbm>>
      %dma_start3A_213 = tpu.memref_squeeze %dma_start3A_212 : memref<1x1x80xi32, #tpu.memory_space<hbm>> -> memref<80xi32, #tpu.memory_space<hbm>>
      tpu.enqueue_dma source(%dma_start3A_213 : memref<80xi32, #tpu.memory_space<hbm>>) target(%arg11 : memref<80xi32, #tpu.memory_space<vmem>>) target_semaphore(%run_scoped3A_207 : memref<!tpu.dma_semaphore, #tpu.memory_space<semaphore_mem>>)
      %dma_wait3A_214 = arith.constant 0 : i32
      %dma_wait3A_215 = tpu.memref_slice %arg4[%add3A, %run_scoped3A_68, %dma_wait3A_214] : memref<32x125x80xi32, #tpu.memory_space<hbm>> -> memref<1x1x80xi32, #tpu.memory_space<hbm>>
      %dma_wait3A_216 = tpu.memref_squeeze %dma_wait3A_215 : memref<1x1x80xi32, #tpu.memory_space<hbm>> -> memref<80xi32, #tpu.memory_space<hbm>>
      %dma_wait3A_217 = arith.constant 0 : i32
      %dma_wait3A_218 = tpu.memref_slice %arg4[%add3A, %run_scoped3A_68, %dma_wait3A_217] : memref<32x125x80xi32, #tpu.memory_space<hbm>> -> memref<1x1x80xi32, #tpu.memory_space<hbm>>
      %dma_wait3A_219 = tpu.memref_squeeze %dma_wait3A_218 : memref<1x1x80xi32, #tpu.memory_space<hbm>> -> memref<80xi32, #tpu.memory_space<hbm>>
      tpu.wait_dma2 semaphore(%run_scoped3A_207 : memref<!tpu.dma_semaphore, #tpu.memory_space<semaphore_mem>>) src(%dma_wait3A_219 : memref<80xi32, #tpu.memory_space<hbm>>) dst(%arg11 : memref<80xi32, #tpu.memory_space<vmem>>)
      tpu.yield
    }) : () -> ()
    %run_scoped3A_69 = arith.constant 1 : i32
    "tpu.region"() ({
      %run_scoped3A_207 = tpu.sem_alloc : memref<!tpu.dma_semaphore, #tpu.memory_space<semaphore_mem>>
      %dma_start3A_208 = arith.constant 0 : i32
      %dma_start3A_209 = tpu.memref_slice %arg3[%add3A, %run_scoped3A_69, %dma_start3A_208] : memref<32x125x80xi32, #tpu.memory_space<hbm>> -> memref<1x1x80xi32, #tpu.memory_space<hbm>>
      %dma_start3A_210 = tpu.memref_squeeze %dma_start3A_209 : memref<1x1x80xi32, #tpu.memory_space<hbm>> -> memref<80xi32, #tpu.memory_space<hbm>>
      %dma_start3A_211 = arith.constant 0 : i32
      %dma_start3A_212 = tpu.memref_slice %arg3[%add3A, %run_scoped3A_69, %dma_start3A_211] : memref<32x125x80xi32, #tpu.memory_space<hbm>> -> memref<1x1x80xi32, #tpu.memory_space<hbm>>
      %dma_start3A_213 = tpu.memref_squeeze %dma_start3A_212 : memref<1x1x80xi32, #tpu.memory_space<hbm>> -> memref<80xi32, #tpu.memory_space<hbm>>
      tpu.enqueue_dma source(%dma_start3A_213 : memref<80xi32, #tpu.memory_space<hbm>>) target(%arg8 : memref<80xi32, #tpu.memory_space<vmem>>) target_semaphore(%run_scoped3A_207 : memref<!tpu.dma_semaphore, #tpu.memory_space<semaphore_mem>>)
      %dma_wait3A_214 = arith.constant 0 : i32
      %dma_wait3A_215 = tpu.memref_slice %arg3[%add3A, %run_scoped3A_69, %dma_wait3A_214] : memref<32x125x80xi32, #tpu.memory_space<hbm>> -> memref<1x1x80xi32, #tpu.memory_space<hbm>>
      %dma_wait3A_216 = tpu.memref_squeeze %dma_wait3A_215 : memref<1x1x80xi32, #tpu.memory_space<hbm>> -> memref<80xi32, #tpu.memory_space<hbm>>
      %dma_wait3A_217 = arith.constant 0 : i32
      %dma_wait3A_218 = tpu.memref_slice %arg3[%add3A, %run_scoped3A_69, %dma_wait3A_217] : memref<32x125x80xi32, #tpu.memory_space<hbm>> -> memref<1x1x80xi32, #tpu.memory_space<hbm>>
      %dma_wait3A_219 = tpu.memref_squeeze %dma_wait3A_218 : memref<1x1x80xi32, #tpu.memory_space<hbm>> -> memref<80xi32, #tpu.memory_space<hbm>>
      tpu.wait_dma2 semaphore(%run_scoped3A_207 : memref<!tpu.dma_semaphore, #tpu.memory_space<semaphore_mem>>) src(%dma_wait3A_219 : memref<80xi32, #tpu.memory_space<hbm>>) dst(%arg8 : memref<80xi32, #tpu.memory_space<vmem>>)
      tpu.yield
    }) : () -> ()
    %run_scoped3A_70 = arith.constant 1 : i32
    "tpu.region"() ({
      %run_scoped3A_207 = tpu.sem_alloc : memref<!tpu.dma_semaphore, #tpu.memory_space<semaphore_mem>>
      %dma_start3A_208 = arith.constant 0 : i32
      %dma_start3A_209 = tpu.memref_slice %arg4[%add3A, %run_scoped3A_70, %dma_start3A_208] : memref<32x125x80xi32, #tpu.memory_space<hbm>> -> memref<1x1x80xi32, #tpu.memory_space<hbm>>
      %dma_start3A_210 = tpu.memref_squeeze %dma_start3A_209 : memref<1x1x80xi32, #tpu.memory_space<hbm>> -> memref<80xi32, #tpu.memory_space<hbm>>
      %dma_start3A_211 = arith.constant 0 : i32
      %dma_start3A_212 = tpu.memref_slice %arg4[%add3A, %run_scoped3A_70, %dma_start3A_211] : memref<32x125x80xi32, #tpu.memory_space<hbm>> -> memref<1x1x80xi32, #tpu.memory_space<hbm>>
      %dma_start3A_213 = tpu.memref_squeeze %dma_start3A_212 : memref<1x1x80xi32, #tpu.memory_space<hbm>> -> memref<80xi32, #tpu.memory_space<hbm>>
      tpu.enqueue_dma source(%dma_start3A_213 : memref<80xi32, #tpu.memory_space<hbm>>) target(%arg12 : memref<80xi32, #tpu.memory_space<vmem>>) target_semaphore(%run_scoped3A_207 : memref<!tpu.dma_semaphore, #tpu.memory_space<semaphore_mem>>)
      %dma_wait3A_214 = arith.constant 0 : i32
      %dma_wait3A_215 = tpu.memref_slice %arg4[%add3A, %run_scoped3A_70, %dma_wait3A_214] : memref<32x125x80xi32, #tpu.memory_space<hbm>> -> memref<1x1x80xi32, #tpu.memory_space<hbm>>
      %dma_wait3A_216 = tpu.memref_squeeze %dma_wait3A_215 : memref<1x1x80xi32, #tpu.memory_space<hbm>> -> memref<80xi32, #tpu.memory_space<hbm>>
      %dma_wait3A_217 = arith.constant 0 : i32
      %dma_wait3A_218 = tpu.memref_slice %arg4[%add3A, %run_scoped3A_70, %dma_wait3A_217] : memref<32x125x80xi32, #tpu.memory_space<hbm>> -> memref<1x1x80xi32, #tpu.memory_space<hbm>>
      %dma_wait3A_219 = tpu.memref_squeeze %dma_wait3A_218 : memref<1x1x80xi32, #tpu.memory_space<hbm>> -> memref<80xi32, #tpu.memory_space<hbm>>
      tpu.wait_dma2 semaphore(%run_scoped3A_207 : memref<!tpu.dma_semaphore, #tpu.memory_space<semaphore_mem>>) src(%dma_wait3A_219 : memref<80xi32, #tpu.memory_space<hbm>>) dst(%arg12 : memref<80xi32, #tpu.memory_space<vmem>>)
      tpu.yield
    }) : () -> ()
    %dma_start3A_71 = arith.constant 0 : i32
    %dma_start3A_72 = arith.constant 0 : i32
    %dma_start3A_73 = tpu.memref_slice %arg2[%dma_start3A_71, %dma_start3A_72] : memref<10000x128xf32, #tpu.memory_space<hbm>> -> memref<10000x128xf32, #tpu.memory_space<hbm>>
    tpu.enqueue_indirect_dma source(%dma_start3A_73 : memref<10000x128xf32, #tpu.memory_space<hbm>>) target(%arg15 : memref<80x128xf32, #tpu.memory_space<vmem>>) offsets(%arg7 : memref<80xi32, #tpu.memory_space<vmem>>) semaphore(%arg20 : memref<!tpu.dma_semaphore, #tpu.memory_space<semaphore_mem>>)
    %dma_start3A_74 = arith.constant 0 : i32
    %dma_start3A_75 = arith.constant 0 : i32
    %dma_start3A_76 = tpu.memref_slice %arg2[%dma_start3A_74, %dma_start3A_75] : memref<10000x128xf32, #tpu.memory_space<hbm>> -> memref<10000x128xf32, #tpu.memory_space<hbm>>
    tpu.enqueue_indirect_dma source(%dma_start3A_76 : memref<10000x128xf32, #tpu.memory_space<hbm>>) target(%arg16 : memref<80x128xf32, #tpu.memory_space<vmem>>) offsets(%arg8 : memref<80xi32, #tpu.memory_space<vmem>>) semaphore(%arg20 : memref<!tpu.dma_semaphore, #tpu.memory_space<semaphore_mem>>)
    %dma_start3A_77 = arith.constant 2 : i32
    %dma_start3A_78 = arith.constant 0 : i32
    %dma_start3A_79 = tpu.memref_slice %arg3[%add3A, %dma_start3A_77, %dma_start3A_78] : memref<32x125x80xi32, #tpu.memory_space<hbm>> -> memref<1x1x80xi32, #tpu.memory_space<hbm>>
    %dma_start3A_80 = tpu.memref_squeeze %dma_start3A_79 : memref<1x1x80xi32, #tpu.memory_space<hbm>> -> memref<80xi32, #tpu.memory_space<hbm>>
    %dma_start3A_81 = arith.constant 0 : i32
    %dma_start3A_82 = tpu.memref_slice %arg3[%add3A, %dma_start3A_77, %dma_start3A_81] : memref<32x125x80xi32, #tpu.memory_space<hbm>> -> memref<1x1x80xi32, #tpu.memory_space<hbm>>
    %dma_start3A_83 = tpu.memref_squeeze %dma_start3A_82 : memref<1x1x80xi32, #tpu.memory_space<hbm>> -> memref<80xi32, #tpu.memory_space<hbm>>
    tpu.enqueue_dma source(%dma_start3A_83 : memref<80xi32, #tpu.memory_space<hbm>>) target(%arg9 : memref<80xi32, #tpu.memory_space<vmem>>) target_semaphore(%arg21 : memref<!tpu.dma_semaphore, #tpu.memory_space<semaphore_mem>>)
    %dma_start3A_84 = arith.constant 2 : i32
    %dma_start3A_85 = arith.constant 0 : i32
    %dma_start3A_86 = tpu.memref_slice %arg4[%add3A, %dma_start3A_84, %dma_start3A_85] : memref<32x125x80xi32, #tpu.memory_space<hbm>> -> memref<1x1x80xi32, #tpu.memory_space<hbm>>
    %dma_start3A_87 = tpu.memref_squeeze %dma_start3A_86 : memref<1x1x80xi32, #tpu.memory_space<hbm>> -> memref<80xi32, #tpu.memory_space<hbm>>
    %dma_start3A_88 = arith.constant 0 : i32
    %dma_start3A_89 = tpu.memref_slice %arg4[%add3A, %dma_start3A_84, %dma_start3A_88] : memref<32x125x80xi32, #tpu.memory_space<hbm>> -> memref<1x1x80xi32, #tpu.memory_space<hbm>>
    %dma_start3A_90 = tpu.memref_squeeze %dma_start3A_89 : memref<1x1x80xi32, #tpu.memory_space<hbm>> -> memref<80xi32, #tpu.memory_space<hbm>>
    tpu.enqueue_dma source(%dma_start3A_90 : memref<80xi32, #tpu.memory_space<hbm>>) target(%arg13 : memref<80xi32, #tpu.memory_space<vmem>>) target_semaphore(%arg21 : memref<!tpu.dma_semaphore, #tpu.memory_space<semaphore_mem>>)
    %dma_start3A_91 = arith.constant 3 : i32
    %dma_start3A_92 = arith.constant 0 : i32
    %dma_start3A_93 = tpu.memref_slice %arg3[%add3A, %dma_start3A_91, %dma_start3A_92] : memref<32x125x80xi32, #tpu.memory_space<hbm>> -> memref<1x1x80xi32, #tpu.memory_space<hbm>>
    %dma_start3A_94 = tpu.memref_squeeze %dma_start3A_93 : memref<1x1x80xi32, #tpu.memory_space<hbm>> -> memref<80xi32, #tpu.memory_space<hbm>>
    %dma_start3A_95 = arith.constant 0 : i32
    %dma_start3A_96 = tpu.memref_slice %arg3[%add3A, %dma_start3A_91, %dma_start3A_95] : memref<32x125x80xi32, #tpu.memory_space<hbm>> -> memref<1x1x80xi32, #tpu.memory_space<hbm>>
    %dma_start3A_97 = tpu.memref_squeeze %dma_start3A_96 : memref<1x1x80xi32, #tpu.memory_space<hbm>> -> memref<80xi32, #tpu.memory_space<hbm>>
    tpu.enqueue_dma source(%dma_start3A_97 : memref<80xi32, #tpu.memory_space<hbm>>) target(%arg10 : memref<80xi32, #tpu.memory_space<vmem>>) target_semaphore(%arg21 : memref<!tpu.dma_semaphore, #tpu.memory_space<semaphore_mem>>)
    %dma_start3A_98 = arith.constant 3 : i32
    %dma_start3A_99 = arith.constant 0 : i32
    %dma_start3A_100 = tpu.memref_slice %arg4[%add3A, %dma_start3A_98, %dma_start3A_99] : memref<32x125x80xi32, #tpu.memory_space<hbm>> -> memref<1x1x80xi32, #tpu.memory_space<hbm>>
    %dma_start3A_101 = tpu.memref_squeeze %dma_start3A_100 : memref<1x1x80xi32, #tpu.memory_space<hbm>> -> memref<80xi32, #tpu.memory_space<hbm>>
    %dma_start3A_102 = arith.constant 0 : i32
    %dma_start3A_103 = tpu.memref_slice %arg4[%add3A, %dma_start3A_98, %dma_start3A_102] : memref<32x125x80xi32, #tpu.memory_space<hbm>> -> memref<1x1x80xi32, #tpu.memory_space<hbm>>
    %dma_start3A_104 = tpu.memref_squeeze %dma_start3A_103 : memref<1x1x80xi32, #tpu.memory_space<hbm>> -> memref<80xi32, #tpu.memory_space<hbm>>
    tpu.enqueue_dma source(%dma_start3A_104 : memref<80xi32, #tpu.memory_space<hbm>>) target(%arg14 : memref<80xi32, #tpu.memory_space<vmem>>) target_semaphore(%arg21 : memref<!tpu.dma_semaphore, #tpu.memory_space<semaphore_mem>>)
    %add3A_105 = arith.constant 0 : i32
    %add3A_106 = arith.addi %mul3A_18, %add3A_105 : i32
    %multiple_of3A = tpu.assume_multiple %add3A_106, 8 : i32
    %dma_start3A_107 = arith.constant 0 : i32
    %dma_start3A_108 = tpu.memref_slice %arg19[%multiple_of3A, %dma_start3A_107] : memref<10240x128xf32, #tpu.memory_space<vmem_shared>> -> memref<32x128xf32, #tpu.memory_space<vmem_shared>>
    %dma_start3A_109 = arith.constant 0 : i32
    %dma_start3A_110 = tpu.memref_slice %arg19[%multiple_of3A, %dma_start3A_109] : memref<10240x128xf32, #tpu.memory_space<vmem_shared>> -> memref<32x128xf32, #tpu.memory_space<vmem_shared>>
    tpu.enqueue_dma source(%dma_start3A_110 : memref<32x128xf32, #tpu.memory_space<vmem_shared>>) target(%arg17 : memref<32x128xf32, #tpu.memory_space<vmem>>) target_semaphore(%arg22 : memref<!tpu.dma_semaphore, #tpu.memory_space<semaphore_mem>>)
    %add3A_111 = arith.constant 32 : i32
    %add3A_112 = arith.addi %mul3A_18, %add3A_111 : i32
    %multiple_of3A_113 = tpu.assume_multiple %add3A_112, 8 : i32
    %dma_start3A_114 = arith.constant 0 : i32
    %dma_start3A_115 = tpu.memref_slice %arg19[%multiple_of3A_113, %dma_start3A_114] : memref<10240x128xf32, #tpu.memory_space<vmem_shared>> -> memref<32x128xf32, #tpu.memory_space<vmem_shared>>
    %dma_start3A_116 = arith.constant 0 : i32
    %dma_start3A_117 = tpu.memref_slice %arg19[%multiple_of3A_113, %dma_start3A_116] : memref<10240x128xf32, #tpu.memory_space<vmem_shared>> -> memref<32x128xf32, #tpu.memory_space<vmem_shared>>
    tpu.enqueue_dma source(%dma_start3A_117 : memref<32x128xf32, #tpu.memory_space<vmem_shared>>) target(%arg18 : memref<32x128xf32, #tpu.memory_space<vmem>>) target_semaphore(%arg22 : memref<!tpu.dma_semaphore, #tpu.memory_space<semaphore_mem>>)
    %scan3A_118 = arith.constant 0 : i32
    %scan3A_119 = arith.constant 0 : i32
    %scan3A_120 = arith.constant 10 : i32
    %scan3A_121 = arith.addi %scan3A_119, %scan3A_120 : i32
    %scan3A_122 = arith.constant 1 : i32
    %scan3A_123 = scf.for %scan3A_207 = %scan3A_119 to %scan3A_121 step %scan3A_122 iter_args(%scan3A_208 = %scan3A_118) -> (i32)  : i32 {
      %mul3A_209 = arith.constant 2 : i32
      %mul3A_210 = arith.muli %scan3A_207, %mul3A_209 : i32
      %add3A_211 = arith.constant 0 : i32
      %add3A_212 = arith.addi %mul3A_210, %add3A_211 : i32
      %dma_wait3A_213 = arith.constant 0 : i32
      %dma_wait3A_214 = arith.constant 0 : i32
      %dma_wait3A_215 = tpu.memref_slice %arg19[%dma_wait3A_213, %dma_wait3A_214] : memref<10240x128xf32, #tpu.memory_space<vmem_shared>> -> memref<32x128xf32, #tpu.memory_space<vmem_shared>>
      %dma_wait3A_216 = arith.constant 0 : i32
      %dma_wait3A_217 = arith.constant 0 : i32
      %dma_wait3A_218 = tpu.memref_slice %arg19[%dma_wait3A_216, %dma_wait3A_217] : memref<10240x128xf32, #tpu.memory_space<vmem_shared>> -> memref<32x128xf32, #tpu.memory_space<vmem_shared>>
      tpu.wait_dma2 semaphore(%arg22 : memref<!tpu.dma_semaphore, #tpu.memory_space<semaphore_mem>>) src(%dma_wait3A_218 : memref<32x128xf32, #tpu.memory_space<vmem_shared>>) dst(%arg17 : memref<32x128xf32, #tpu.memory_space<vmem>>)
      %mul3A_219 = arith.constant 32 : i32
      %mul3A_220 = arith.muli %add3A_212, %mul3A_219 : i32
      %add3A_221 = arith.addi %mul3A_18, %mul3A_220 : i32
      %multiple_of3A_222 = tpu.assume_multiple %add3A_221, 8 : i32
      %dma_start3A_223 = arith.constant 0 : i32
      %dma_start3A_224 = tpu.memref_slice %arg6[%arg0, %multiple_of3A_222, %dma_start3A_223] : memref<2x10240x128xf32, #tpu.memory_space<hbm>> -> memref<1x32x128xf32, #tpu.memory_space<hbm>>
      %dma_start3A_225 = tpu.memref_squeeze %dma_start3A_224 : memref<1x32x128xf32, #tpu.memory_space<hbm>> -> memref<32x128xf32, #tpu.memory_space<hbm>>
      %dma_start3A_226 = arith.constant 0 : i32
      %dma_start3A_227 = tpu.memref_slice %arg6[%arg0, %multiple_of3A_222, %dma_start3A_226] : memref<2x10240x128xf32, #tpu.memory_space<hbm>> -> memref<1x32x128xf32, #tpu.memory_space<hbm>>
      %dma_start3A_228 = tpu.memref_squeeze %dma_start3A_227 : memref<1x32x128xf32, #tpu.memory_space<hbm>> -> memref<32x128xf32, #tpu.memory_space<hbm>>
      tpu.enqueue_dma source(%arg17 : memref<32x128xf32, #tpu.memory_space<vmem>>) target(%dma_start3A_228 : memref<32x128xf32, #tpu.memory_space<hbm>>) target_semaphore(%arg23 : memref<!tpu.dma_semaphore, #tpu.memory_space<semaphore_mem>>)
      %add3A_229 = arith.constant 2 : i32
      %add3A_230 = arith.addi %add3A_212, %add3A_229 : i32
      %lt3A = arith.constant 20 : i32
      %lt3A_231 = arith.cmpi slt, %add3A_230, %lt3A : i32
      %convert_element_type3A = arith.extui %lt3A_231 : i1 to i32
      %cond3A = arith.constant 0 : i32
      %cond3A_232 = arith.cmpi ne, %convert_element_type3A, %cond3A : i32
      scf.if %cond3A_232 {
        %dma_wait3A_259 = arith.constant 0 : i32
        %dma_wait3A_260 = arith.constant 0 : i32
        %dma_wait3A_261 = tpu.memref_slice %arg6[%arg0, %dma_wait3A_259, %dma_wait3A_260] : memref<2x10240x128xf32, #tpu.memory_space<hbm>> -> memref<1x32x128xf32, #tpu.memory_space<hbm>>
        %dma_wait3A_262 = tpu.memref_squeeze %dma_wait3A_261 : memref<1x32x128xf32, #tpu.memory_space<hbm>> -> memref<32x128xf32, #tpu.memory_space<hbm>>
        %dma_wait3A_263 = arith.constant 0 : i32
        %dma_wait3A_264 = arith.constant 0 : i32
        %dma_wait3A_265 = tpu.memref_slice %arg6[%arg0, %dma_wait3A_263, %dma_wait3A_264] : memref<2x10240x128xf32, #tpu.memory_space<hbm>> -> memref<1x32x128xf32, #tpu.memory_space<hbm>>
        %dma_wait3A_266 = tpu.memref_squeeze %dma_wait3A_265 : memref<1x32x128xf32, #tpu.memory_space<hbm>> -> memref<32x128xf32, #tpu.memory_space<hbm>>
        tpu.wait_dma2 semaphore(%arg23 : memref<!tpu.dma_semaphore, #tpu.memory_space<semaphore_mem>>) src(%arg17 : memref<32x128xf32, #tpu.memory_space<vmem>>) dst(%dma_wait3A_266 : memref<32x128xf32, #tpu.memory_space<hbm>>)
        %add3A_267 = arith.constant 2 : i32
        %add3A_268 = arith.addi %add3A_212, %add3A_267 : i32
        %mul3A_269 = arith.constant 32 : i32
        %mul3A_270 = arith.muli %add3A_268, %mul3A_269 : i32
        %add3A_271 = arith.addi %mul3A_18, %mul3A_270 : i32
        %multiple_of3A_272 = tpu.assume_multiple %add3A_271, 8 : i32
        %dma_start3A_273 = arith.constant 0 : i32
        %dma_start3A_274 = tpu.memref_slice %arg19[%multiple_of3A_272, %dma_start3A_273] : memref<10240x128xf32, #tpu.memory_space<vmem_shared>> -> memref<32x128xf32, #tpu.memory_space<vmem_shared>>
        %dma_start3A_275 = arith.constant 0 : i32
        %dma_start3A_276 = tpu.memref_slice %arg19[%multiple_of3A_272, %dma_start3A_275] : memref<10240x128xf32, #tpu.memory_space<vmem_shared>> -> memref<32x128xf32, #tpu.memory_space<vmem_shared>>
        tpu.enqueue_dma source(%dma_start3A_276 : memref<32x128xf32, #tpu.memory_space<vmem_shared>>) target(%arg17 : memref<32x128xf32, #tpu.memory_space<vmem>>) target_semaphore(%arg22 : memref<!tpu.dma_semaphore, #tpu.memory_space<semaphore_mem>>)
      } else {
      }
      %add3A_233 = arith.constant 1 : i32
      %add3A_234 = arith.addi %mul3A_210, %add3A_233 : i32
      %dma_wait3A_235 = arith.constant 0 : i32
      %dma_wait3A_236 = arith.constant 0 : i32
      %dma_wait3A_237 = tpu.memref_slice %arg19[%dma_wait3A_235, %dma_wait3A_236] : memref<10240x128xf32, #tpu.memory_space<vmem_shared>> -> memref<32x128xf32, #tpu.memory_space<vmem_shared>>
      %dma_wait3A_238 = arith.constant 0 : i32
      %dma_wait3A_239 = arith.constant 0 : i32
      %dma_wait3A_240 = tpu.memref_slice %arg19[%dma_wait3A_238, %dma_wait3A_239] : memref<10240x128xf32, #tpu.memory_space<vmem_shared>> -> memref<32x128xf32, #tpu.memory_space<vmem_shared>>
      tpu.wait_dma2 semaphore(%arg22 : memref<!tpu.dma_semaphore, #tpu.memory_space<semaphore_mem>>) src(%dma_wait3A_240 : memref<32x128xf32, #tpu.memory_space<vmem_shared>>) dst(%arg18 : memref<32x128xf32, #tpu.memory_space<vmem>>)
      %mul3A_241 = arith.constant 32 : i32
      %mul3A_242 = arith.muli %add3A_234, %mul3A_241 : i32
      %add3A_243 = arith.addi %mul3A_18, %mul3A_242 : i32
      %multiple_of3A_244 = tpu.assume_multiple %add3A_243, 8 : i32
      %dma_start3A_245 = arith.constant 0 : i32
      %dma_start3A_246 = tpu.memref_slice %arg6[%arg0, %multiple_of3A_244, %dma_start3A_245] : memref<2x10240x128xf32, #tpu.memory_space<hbm>> -> memref<1x32x128xf32, #tpu.memory_space<hbm>>
      %dma_start3A_247 = tpu.memref_squeeze %dma_start3A_246 : memref<1x32x128xf32, #tpu.memory_space<hbm>> -> memref<32x128xf32, #tpu.memory_space<hbm>>
      %dma_start3A_248 = arith.constant 0 : i32
      %dma_start3A_249 = tpu.memref_slice %arg6[%arg0, %multiple_of3A_244, %dma_start3A_248] : memref<2x10240x128xf32, #tpu.memory_space<hbm>> -> memref<1x32x128xf32, #tpu.memory_space<hbm>>
      %dma_start3A_250 = tpu.memref_squeeze %dma_start3A_249 : memref<1x32x128xf32, #tpu.memory_space<hbm>> -> memref<32x128xf32, #tpu.memory_space<hbm>>
      tpu.enqueue_dma source(%arg18 : memref<32x128xf32, #tpu.memory_space<vmem>>) target(%dma_start3A_250 : memref<32x128xf32, #tpu.memory_space<hbm>>) target_semaphore(%arg23 : memref<!tpu.dma_semaphore, #tpu.memory_space<semaphore_mem>>)
      %add3A_251 = arith.constant 2 : i32
      %add3A_252 = arith.addi %add3A_234, %add3A_251 : i32
      %lt3A_253 = arith.constant 20 : i32
      %lt3A_254 = arith.cmpi slt, %add3A_252, %lt3A_253 : i32
      %convert_element_type3A_255 = arith.extui %lt3A_254 : i1 to i32
      %cond3A_256 = arith.constant 0 : i32
      %cond3A_257 = arith.cmpi ne, %convert_element_type3A_255, %cond3A_256 : i32
      scf.if %cond3A_257 {
        %dma_wait3A_259 = arith.constant 0 : i32
        %dma_wait3A_260 = arith.constant 0 : i32
        %dma_wait3A_261 = tpu.memref_slice %arg6[%arg0, %dma_wait3A_259, %dma_wait3A_260] : memref<2x10240x128xf32, #tpu.memory_space<hbm>> -> memref<1x32x128xf32, #tpu.memory_space<hbm>>
        %dma_wait3A_262 = tpu.memref_squeeze %dma_wait3A_261 : memref<1x32x128xf32, #tpu.memory_space<hbm>> -> memref<32x128xf32, #tpu.memory_space<hbm>>
        %dma_wait3A_263 = arith.constant 0 : i32
        %dma_wait3A_264 = arith.constant 0 : i32
        %dma_wait3A_265 = tpu.memref_slice %arg6[%arg0, %dma_wait3A_263, %dma_wait3A_264] : memref<2x10240x128xf32, #tpu.memory_space<hbm>> -> memref<1x32x128xf32, #tpu.memory_space<hbm>>
        %dma_wait3A_266 = tpu.memref_squeeze %dma_wait3A_265 : memref<1x32x128xf32, #tpu.memory_space<hbm>> -> memref<32x128xf32, #tpu.memory_space<hbm>>
        tpu.wait_dma2 semaphore(%arg23 : memref<!tpu.dma_semaphore, #tpu.memory_space<semaphore_mem>>) src(%arg18 : memref<32x128xf32, #tpu.memory_space<vmem>>) dst(%dma_wait3A_266 : memref<32x128xf32, #tpu.memory_space<hbm>>)
        %add3A_267 = arith.constant 2 : i32
        %add3A_268 = arith.addi %add3A_234, %add3A_267 : i32
        %mul3A_269 = arith.constant 32 : i32
        %mul3A_270 = arith.muli %add3A_268, %mul3A_269 : i32
        %add3A_271 = arith.addi %mul3A_18, %mul3A_270 : i32
        %multiple_of3A_272 = tpu.assume_multiple %add3A_271, 8 : i32
        %dma_start3A_273 = arith.constant 0 : i32
        %dma_start3A_274 = tpu.memref_slice %arg19[%multiple_of3A_272, %dma_start3A_273] : memref<10240x128xf32, #tpu.memory_space<vmem_shared>> -> memref<32x128xf32, #tpu.memory_space<vmem_shared>>
        %dma_start3A_275 = arith.constant 0 : i32
        %dma_start3A_276 = tpu.memref_slice %arg19[%multiple_of3A_272, %dma_start3A_275] : memref<10240x128xf32, #tpu.memory_space<vmem_shared>> -> memref<32x128xf32, #tpu.memory_space<vmem_shared>>
        tpu.enqueue_dma source(%dma_start3A_276 : memref<32x128xf32, #tpu.memory_space<vmem_shared>>) target(%arg18 : memref<32x128xf32, #tpu.memory_space<vmem>>) target_semaphore(%arg22 : memref<!tpu.dma_semaphore, #tpu.memory_space<semaphore_mem>>)
      } else {
      }
      %scan3A_258 = arith.constant 0 : i32
      scf.yield %scan3A_258 : i32
    }
    %scan3A_124 = arith.constant 10 : i32
    %dma_wait3A = arith.constant 0 : i32
    %dma_wait3A_125 = arith.constant 0 : i32
    %dma_wait3A_126 = tpu.memref_slice %arg6[%arg0, %dma_wait3A, %dma_wait3A_125] : memref<2x10240x128xf32, #tpu.memory_space<hbm>> -> memref<1x32x128xf32, #tpu.memory_space<hbm>>
    %dma_wait3A_127 = tpu.memref_squeeze %dma_wait3A_126 : memref<1x32x128xf32, #tpu.memory_space<hbm>> -> memref<32x128xf32, #tpu.memory_space<hbm>>
    %dma_wait3A_128 = arith.constant 0 : i32
    %dma_wait3A_129 = arith.constant 0 : i32
    %dma_wait3A_130 = tpu.memref_slice %arg6[%arg0, %dma_wait3A_128, %dma_wait3A_129] : memref<2x10240x128xf32, #tpu.memory_space<hbm>> -> memref<1x32x128xf32, #tpu.memory_space<hbm>>
    %dma_wait3A_131 = tpu.memref_squeeze %dma_wait3A_130 : memref<1x32x128xf32, #tpu.memory_space<hbm>> -> memref<32x128xf32, #tpu.memory_space<hbm>>
    tpu.wait_dma2 semaphore(%arg23 : memref<!tpu.dma_semaphore, #tpu.memory_space<semaphore_mem>>) src(%arg17 : memref<32x128xf32, #tpu.memory_space<vmem>>) dst(%dma_wait3A_131 : memref<32x128xf32, #tpu.memory_space<hbm>>)
    %dma_wait3A_132 = arith.constant 0 : i32
    %dma_wait3A_133 = arith.constant 0 : i32
    %dma_wait3A_134 = tpu.memref_slice %arg6[%arg0, %dma_wait3A_132, %dma_wait3A_133] : memref<2x10240x128xf32, #tpu.memory_space<hbm>> -> memref<1x32x128xf32, #tpu.memory_space<hbm>>
    %dma_wait3A_135 = tpu.memref_squeeze %dma_wait3A_134 : memref<1x32x128xf32, #tpu.memory_space<hbm>> -> memref<32x128xf32, #tpu.memory_space<hbm>>
    %dma_wait3A_136 = arith.constant 0 : i32
    %dma_wait3A_137 = arith.constant 0 : i32
    %dma_wait3A_138 = tpu.memref_slice %arg6[%arg0, %dma_wait3A_136, %dma_wait3A_137] : memref<2x10240x128xf32, #tpu.memory_space<hbm>> -> memref<1x32x128xf32, #tpu.memory_space<hbm>>
    %dma_wait3A_139 = tpu.memref_squeeze %dma_wait3A_138 : memref<1x32x128xf32, #tpu.memory_space<hbm>> -> memref<32x128xf32, #tpu.memory_space<hbm>>
    tpu.wait_dma2 semaphore(%arg23 : memref<!tpu.dma_semaphore, #tpu.memory_space<semaphore_mem>>) src(%arg18 : memref<32x128xf32, #tpu.memory_space<vmem>>) dst(%dma_wait3A_139 : memref<32x128xf32, #tpu.memory_space<hbm>>)
    %scan3A_140 = arith.constant 0 : i32
    %scan3A_141 = arith.constant 0 : i32
    %scan3A_142 = arith.constant 256 : i32
    %scan3A_143 = arith.addi %scan3A_141, %scan3A_142 : i32
    %scan3A_144 = arith.constant 1 : i32
    %scan3A_145 = scf.for %scan3A_207 = %scan3A_141 to %scan3A_143 step %scan3A_144 iter_args(%scan3A_208 = %scan3A_140) -> (i32)  : i32 {
      %jit3A = arith.constant 8 : i32
      %div3A = arith.divsi %scan3A_207, %jit3A : i32
      %sign3A = arith.constant 0 : i32
      %sign3A_209 = arith.cmpi sgt, %scan3A_207, %sign3A : i32
      %sign3A_210 = arith.extui %sign3A_209 : i1 to i32
      %sign3A_211 = arith.constant 0 : i32
      %sign3A_212 = arith.cmpi slt, %scan3A_207, %sign3A_211 : i32
      %sign3A_213 = arith.extui %sign3A_212 : i1 to i32
      %sign3A_214 = arith.subi %sign3A_210, %sign3A_213 : i32
      %sign3A_215 = arith.constant 0 : i32
      %sign3A_216 = arith.cmpi sgt, %jit3A, %sign3A_215 : i32
      %sign3A_217 = arith.extui %sign3A_216 : i1 to i32
      %sign3A_218 = arith.constant 0 : i32
      %sign3A_219 = arith.cmpi slt, %jit3A, %sign3A_218 : i32
      %sign3A_220 = arith.extui %sign3A_219 : i1 to i32
      %sign3A_221 = arith.subi %sign3A_217, %sign3A_220 : i32
      %ne3A = arith.cmpi ne, %sign3A_214, %sign3A_221 : i32
      %rem3A = arith.remsi %scan3A_207, %jit3A : i32
      %ne3A_222 = arith.constant 0 : i32
      %ne3A_223 = arith.cmpi ne, %rem3A, %ne3A_222 : i32
      %and3A = arith.andi %ne3A, %ne3A_223 : i1
      %sub3A = arith.constant 1 : i32
      %sub3A_224 = arith.subi %div3A, %sub3A : i32
      %select_n3A = arith.select %and3A, %sub3A_224, %div3A : i32
      %jit3A_225 = arith.constant 8 : i32
      %eq3A = arith.constant 0 : i32
      %eq3A_226 = arith.cmpi eq, %jit3A_225, %eq3A : i32
      %jit3A_227 = arith.constant 1 : i32
      %select_n3A_228 = arith.select %eq3A_226, %jit3A_227, %jit3A_225 : i32
      %rem3A_229 = arith.remsi %scan3A_207, %select_n3A_228 : i32
      %ne3A_230 = arith.constant 0 : i32
      %ne3A_231 = arith.cmpi ne, %rem3A_229, %ne3A_230 : i32
      %lt3A = arith.constant 0 : i32
      %lt3A_232 = arith.cmpi slt, %rem3A_229, %lt3A : i32
      %lt3A_233 = arith.constant 0 : i32
      %lt3A_234 = arith.cmpi slt, %select_n3A_228, %lt3A_233 : i32
      %ne3A_235 = arith.xori %lt3A_232, %lt3A_234 : i1
      %and3A_236 = arith.andi %ne3A_235, %ne3A_231 : i1
      %add3A_237 = arith.addi %rem3A_229, %select_n3A_228 : i32
      %select_n3A_238 = arith.select %and3A_236, %add3A_237, %rem3A_229 : i32
      %mul3A_239 = arith.constant 16 : i32
      %mul3A_240 = arith.muli %select_n3A_238, %mul3A_239 : i32
      %swap3A = arith.index_cast %select_n3A : i32 to index
      %swap3A_241 = arith.index_cast %mul3A_240 : i32 to index
      %swap3A_242 = tpu.vector_load %arg17[%swap3A, %swap3A_241] {strides = array<i32>} : memref<32x128xf32, #tpu.memory_space<vmem>>, vector<1x16xf32>,
      %swap3A_243 = vector.shape_cast %swap3A_242 : vector<1x16xf32> to vector<16xf32>
      %swap3A_244 = vector.shape_cast %broadcast_in_dim3A_1 : vector<16xf32> to vector<1x16xf32>
      tpu.vector_store %arg17[%swap3A, %swap3A_241], %swap3A_244 {strides = array<i32>} : memref<32x128xf32, #tpu.memory_space<vmem>>, vector<1x16xf32>,
      %scan3A_245 = arith.constant 0 : i32
      scf.yield %scan3A_245 : i32
    }
    %scan3A_146 = arith.constant 256 : i32
    %scan3A_147 = arith.constant 0 : i32
    %scan3A_148 = arith.constant 0 : i32
    %scan3A_149 = arith.constant 20 : i32
    %scan3A_150 = arith.addi %scan3A_148, %scan3A_149 : i32
    %scan3A_151 = arith.constant 1 : i32
    %scan3A_152 = scf.for %scan3A_207 = %scan3A_148 to %scan3A_150 step %scan3A_151 iter_args(%scan3A_208 = %scan3A_147) -> (i32)  : i32 {
      %mul3A_209 = arith.constant 32 : i32
      %mul3A_210 = arith.muli %scan3A_207, %mul3A_209 : i32
      %add3A_211 = arith.addi %mul3A_18, %mul3A_210 : i32
      %multiple_of3A_212 = tpu.assume_multiple %add3A_211, 8 : i32
      %dma_start3A_213 = arith.constant 0 : i32
      %dma_start3A_214 = tpu.memref_slice %arg19[%multiple_of3A_212, %dma_start3A_213] : memref<10240x128xf32, #tpu.memory_space<vmem_shared>> -> memref<32x128xf32, #tpu.memory_space<vmem_shared>>
      %dma_start3A_215 = arith.constant 0 : i32
      %dma_start3A_216 = tpu.memref_slice %arg19[%multiple_of3A_212, %dma_start3A_215] : memref<10240x128xf32, #tpu.memory_space<vmem_shared>> -> memref<32x128xf32, #tpu.memory_space<vmem_shared>>
      tpu.enqueue_dma source(%arg17 : memref<32x128xf32, #tpu.memory_space<vmem>>) target(%dma_start3A_216 : memref<32x128xf32, #tpu.memory_space<vmem_shared>>) target_semaphore(%arg23 : memref<!tpu.dma_semaphore, #tpu.memory_space<semaphore_mem>>)
      %scan3A_217 = arith.constant 0 : i32
      scf.yield %scan3A_217 : i32
    }
    %scan3A_153 = arith.constant 20 : i32
    %scan3A_154 = arith.constant 0 : i32
    %scan3A_155 = arith.constant 0 : i32
    %scan3A_156 = arith.constant 20 : i32
    %scan3A_157 = arith.addi %scan3A_155, %scan3A_156 : i32
    %scan3A_158 = arith.constant 1 : i32
    %scan3A_159 = scf.for %scan3A_207 = %scan3A_155 to %scan3A_157 step %scan3A_158 iter_args(%scan3A_208 = %scan3A_154) -> (i32)  : i32 {
      %dma_wait3A_209 = arith.constant 0 : i32
      %dma_wait3A_210 = arith.constant 0 : i32
      %dma_wait3A_211 = tpu.memref_slice %arg19[%dma_wait3A_209, %dma_wait3A_210] : memref<10240x128xf32, #tpu.memory_space<vmem_shared>> -> memref<32x128xf32, #tpu.memory_space<vmem_shared>>
      %dma_wait3A_212 = arith.constant 0 : i32
      %dma_wait3A_213 = arith.constant 0 : i32
      %dma_wait3A_214 = tpu.memref_slice %arg19[%dma_wait3A_212, %dma_wait3A_213] : memref<10240x128xf32, #tpu.memory_space<vmem_shared>> -> memref<32x128xf32, #tpu.memory_space<vmem_shared>>
      tpu.wait_dma2 semaphore(%arg23 : memref<!tpu.dma_semaphore, #tpu.memory_space<semaphore_mem>>) src(%dma_wait3A_214 : memref<32x128xf32, #tpu.memory_space<vmem_shared>>) dst(%arg17 : memref<32x128xf32, #tpu.memory_space<vmem>>)
      %scan3A_215 = arith.constant 0 : i32
      scf.yield %scan3A_215 : i32
    }
    %scan3A_160 = arith.constant 20 : i32
    %barrier3A_161 = arith.constant 0 : index
    tpu.barrier barrier_id(%barrier3A_161)
    %scan3A_162 = arith.constant 0 : i32
    %scan3A_163 = arith.constant 0 : i32
    %scan3A_164 = arith.constant 32 : i32
    %scan3A_165 = arith.addi %scan3A_163, %scan3A_164 : i32
    %scan3A_166 = arith.constant 1 : i32
    %scan3A_167 = scf.for %scan3A_207 = %scan3A_163 to %scan3A_165 step %scan3A_166 iter_args(%scan3A_208 = %scan3A_162) -> (i32)  : i32 {
      %mul3A_209 = arith.constant 4 : i32
      %mul3A_210 = arith.muli %scan3A_207, %mul3A_209 : i32
      %add3A_211 = arith.constant 0 : i32
      %add3A_212 = arith.addi %mul3A_210, %add3A_211 : i32
      %lt3A = arith.constant 125 : i32
      %lt3A_213 = arith.cmpi slt, %add3A_212, %lt3A : i32
      %convert_element_type3A = arith.extui %lt3A_213 : i1 to i32
      %cond3A = arith.constant 0 : i32
      %cond3A_214 = arith.cmpi ne, %convert_element_type3A, %cond3A : i32
      scf.if %cond3A_214 {
        %dma_wait3A_293 = arith.constant 0 : i32
        %dma_wait3A_294 = arith.constant 0 : i32
        %dma_wait3A_295 = tpu.memref_slice %arg2[%dma_wait3A_293, %dma_wait3A_294] : memref<10000x128xf32, #tpu.memory_space<hbm>> -> memref<80x128xf32, #tpu.memory_space<hbm>>
        %dma_wait3A_296 = arith.constant 0 : i32
        %dma_wait3A_297 = arith.constant 0 : i32
        %dma_wait3A_298 = tpu.memref_slice %arg2[%dma_wait3A_296, %dma_wait3A_297] : memref<10000x128xf32, #tpu.memory_space<hbm>> -> memref<80x128xf32, #tpu.memory_space<hbm>>
        tpu.wait_dma2 semaphore(%arg20 : memref<!tpu.dma_semaphore, #tpu.memory_space<semaphore_mem>>) src(%dma_wait3A_298 : memref<80x128xf32, #tpu.memory_space<hbm>>) dst(%arg15 : memref<80x128xf32, #tpu.memory_space<vmem>>)
        "tpu.region"() ({
          %run_scoped3A_299 = tpu.sem_alloc : memref<!tpu.dma_semaphore, #tpu.memory_space<semaphore_mem>>
          %dma_start3A_300 = arith.constant 0 : i32
          %dma_start3A_301 = arith.constant 0 : i32
          %dma_start3A_302 = tpu.memref_slice %arg19[%dma_start3A_300, %dma_start3A_301] : memref<10240x128xf32, #tpu.memory_space<vmem_shared>> -> memref<10240x128xf32, #tpu.memory_space<vmem_shared>>
          tpu.enqueue_indirect_dma source(%arg15 : memref<80x128xf32, #tpu.memory_space<vmem>>) target(%dma_start3A_302 : memref<10240x128xf32, #tpu.memory_space<vmem_shared>>) offsets(%arg11 : memref<80xi32, #tpu.memory_space<vmem>>) semaphore(%run_scoped3A_299 : memref<!tpu.dma_semaphore, #tpu.memory_space<semaphore_mem>>) {add = true}
          %dma_wait3A_303 = arith.constant 0 : i32
          %dma_wait3A_304 = arith.constant 0 : i32
          %dma_wait3A_305 = tpu.memref_slice %arg19[%dma_wait3A_303, %dma_wait3A_304] : memref<10240x128xf32, #tpu.memory_space<vmem_shared>> -> memref<10240x128xf32, #tpu.memory_space<vmem_shared>>
          tpu.wait_indirect_dma semaphore(%run_scoped3A_299 : memref<!tpu.dma_semaphore, #tpu.memory_space<semaphore_mem>>) src(%arg15 : memref<80x128xf32, #tpu.memory_space<vmem>>) dst(%dma_wait3A_305 : memref<10240x128xf32, #tpu.memory_space<vmem_shared>>)
          tpu.yield
        }) : () -> ()
      } else {
      }
      %add3A_215 = arith.constant 4 : i32
      %add3A_216 = arith.addi %add3A_212, %add3A_215 : i32
      %lt3A_217 = arith.constant 125 : i32
      %lt3A_218 = arith.cmpi slt, %add3A_216, %lt3A_217 : i32
      %convert_element_type3A_219 = arith.extui %lt3A_218 : i1 to i32
      %cond3A_220 = arith.constant 0 : i32
      %cond3A_221 = arith.cmpi ne, %convert_element_type3A_219, %cond3A_220 : i32
      scf.if %cond3A_221 {
        %add3A_293 = arith.constant 4 : i32
        %add3A_294 = arith.addi %add3A_212, %add3A_293 : i32
        %dma_start3A_295 = arith.constant 0 : i32
        %dma_start3A_296 = tpu.memref_slice %arg3[%add3A, %add3A_294, %dma_start3A_295] : memref<32x125x80xi32, #tpu.memory_space<hbm>> -> memref<1x1x80xi32, #tpu.memory_space<hbm>>
        %dma_start3A_297 = tpu.memref_squeeze %dma_start3A_296 : memref<1x1x80xi32, #tpu.memory_space<hbm>> -> memref<80xi32, #tpu.memory_space<hbm>>
        %dma_start3A_298 = arith.constant 0 : i32
        %dma_start3A_299 = tpu.memref_slice %arg3[%add3A, %add3A_294, %dma_start3A_298] : memref<32x125x80xi32, #tpu.memory_space<hbm>> -> memref<1x1x80xi32, #tpu.memory_space<hbm>>
        %dma_start3A_300 = tpu.memref_squeeze %dma_start3A_299 : memref<1x1x80xi32, #tpu.memory_space<hbm>> -> memref<80xi32, #tpu.memory_space<hbm>>
        tpu.enqueue_dma source(%dma_start3A_300 : memref<80xi32, #tpu.memory_space<hbm>>) target(%arg7 : memref<80xi32, #tpu.memory_space<vmem>>) target_semaphore(%arg21 : memref<!tpu.dma_semaphore, #tpu.memory_space<semaphore_mem>>)
        %add3A_301 = arith.constant 4 : i32
        %add3A_302 = arith.addi %add3A_212, %add3A_301 : i32
        %dma_start3A_303 = arith.constant 0 : i32
        %dma_start3A_304 = tpu.memref_slice %arg4[%add3A, %add3A_302, %dma_start3A_303] : memref<32x125x80xi32, #tpu.memory_space<hbm>> -> memref<1x1x80xi32, #tpu.memory_space<hbm>>
        %dma_start3A_305 = tpu.memref_squeeze %dma_start3A_304 : memref<1x1x80xi32, #tpu.memory_space<hbm>> -> memref<80xi32, #tpu.memory_space<hbm>>
        %dma_start3A_306 = arith.constant 0 : i32
        %dma_start3A_307 = tpu.memref_slice %arg4[%add3A, %add3A_302, %dma_start3A_306] : memref<32x125x80xi32, #tpu.memory_space<hbm>> -> memref<1x1x80xi32, #tpu.memory_space<hbm>>
        %dma_start3A_308 = tpu.memref_squeeze %dma_start3A_307 : memref<1x1x80xi32, #tpu.memory_space<hbm>> -> memref<80xi32, #tpu.memory_space<hbm>>
        tpu.enqueue_dma source(%dma_start3A_308 : memref<80xi32, #tpu.memory_space<hbm>>) target(%arg11 : memref<80xi32, #tpu.memory_space<vmem>>) target_semaphore(%arg21 : memref<!tpu.dma_semaphore, #tpu.memory_space<semaphore_mem>>)
      } else {
      }
      %add3A_222 = arith.constant 2 : i32
      %add3A_223 = arith.addi %add3A_212, %add3A_222 : i32
      %lt3A_224 = arith.constant 125 : i32
      %lt3A_225 = arith.cmpi slt, %add3A_223, %lt3A_224 : i32
      %convert_element_type3A_226 = arith.extui %lt3A_225 : i1 to i32
      %cond3A_227 = arith.constant 0 : i32
      %cond3A_228 = arith.cmpi ne, %convert_element_type3A_226, %cond3A_227 : i32
      scf.if %cond3A_228 {
        %dma_wait3A_293 = arith.constant 0 : i32
        %dma_wait3A_294 = arith.constant 0 : i32
        %dma_wait3A_295 = tpu.memref_slice %arg3[%add3A, %dma_wait3A_293, %dma_wait3A_294] : memref<32x125x80xi32, #tpu.memory_space<hbm>> -> memref<1x1x80xi32, #tpu.memory_space<hbm>>
        %dma_wait3A_296 = tpu.memref_squeeze %dma_wait3A_295 : memref<1x1x80xi32, #tpu.memory_space<hbm>> -> memref<80xi32, #tpu.memory_space<hbm>>
        %dma_wait3A_297 = arith.constant 0 : i32
        %dma_wait3A_298 = tpu.memref_slice %arg3[%add3A, %dma_wait3A_293, %dma_wait3A_297] : memref<32x125x80xi32, #tpu.memory_space<hbm>> -> memref<1x1x80xi32, #tpu.memory_space<hbm>>
        %dma_wait3A_299 = tpu.memref_squeeze %dma_wait3A_298 : memref<1x1x80xi32, #tpu.memory_space<hbm>> -> memref<80xi32, #tpu.memory_space<hbm>>
        tpu.wait_dma2 semaphore(%arg21 : memref<!tpu.dma_semaphore, #tpu.memory_space<semaphore_mem>>) src(%dma_wait3A_299 : memref<80xi32, #tpu.memory_space<hbm>>) dst(%arg9 : memref<80xi32, #tpu.memory_space<vmem>>)
        %dma_wait3A_300 = arith.constant 0 : i32
        %dma_wait3A_301 = arith.constant 0 : i32
        %dma_wait3A_302 = tpu.memref_slice %arg4[%add3A, %dma_wait3A_300, %dma_wait3A_301] : memref<32x125x80xi32, #tpu.memory_space<hbm>> -> memref<1x1x80xi32, #tpu.memory_space<hbm>>
        %dma_wait3A_303 = tpu.memref_squeeze %dma_wait3A_302 : memref<1x1x80xi32, #tpu.memory_space<hbm>> -> memref<80xi32, #tpu.memory_space<hbm>>
        %dma_wait3A_304 = arith.constant 0 : i32
        %dma_wait3A_305 = tpu.memref_slice %arg4[%add3A, %dma_wait3A_300, %dma_wait3A_304] : memref<32x125x80xi32, #tpu.memory_space<hbm>> -> memref<1x1x80xi32, #tpu.memory_space<hbm>>
        %dma_wait3A_306 = tpu.memref_squeeze %dma_wait3A_305 : memref<1x1x80xi32, #tpu.memory_space<hbm>> -> memref<80xi32, #tpu.memory_space<hbm>>
        tpu.wait_dma2 semaphore(%arg21 : memref<!tpu.dma_semaphore, #tpu.memory_space<semaphore_mem>>) src(%dma_wait3A_306 : memref<80xi32, #tpu.memory_space<hbm>>) dst(%arg13 : memref<80xi32, #tpu.memory_space<vmem>>)
        %dma_start3A_307 = arith.constant 0 : i32
        %dma_start3A_308 = arith.constant 0 : i32
        %dma_start3A_309 = tpu.memref_slice %arg2[%dma_start3A_307, %dma_start3A_308] : memref<10000x128xf32, #tpu.memory_space<hbm>> -> memref<10000x128xf32, #tpu.memory_space<hbm>>
        tpu.enqueue_indirect_dma source(%dma_start3A_309 : memref<10000x128xf32, #tpu.memory_space<hbm>>) target(%arg15 : memref<80x128xf32, #tpu.memory_space<vmem>>) offsets(%arg9 : memref<80xi32, #tpu.memory_space<vmem>>) semaphore(%arg20 : memref<!tpu.dma_semaphore, #tpu.memory_space<semaphore_mem>>)
      } else {
      }
      %add3A_229 = arith.constant 1 : i32
      %add3A_230 = arith.addi %mul3A_210, %add3A_229 : i32
      %lt3A_231 = arith.constant 125 : i32
      %lt3A_232 = arith.cmpi slt, %add3A_230, %lt3A_231 : i32
      %convert_element_type3A_233 = arith.extui %lt3A_232 : i1 to i32
      %cond3A_234 = arith.constant 0 : i32
      %cond3A_235 = arith.cmpi ne, %convert_element_type3A_233, %cond3A_234 : i32
      scf.if %cond3A_235 {
        %dma_wait3A_293 = arith.constant 0 : i32
        %dma_wait3A_294 = arith.constant 0 : i32
        %dma_wait3A_295 = tpu.memref_slice %arg2[%dma_wait3A_293, %dma_wait3A_294] : memref<10000x128xf32, #tpu.memory_space<hbm>> -> memref<80x128xf32, #tpu.memory_space<hbm>>
        %dma_wait3A_296 = arith.constant 0 : i32
        %dma_wait3A_297 = arith.constant 0 : i32
        %dma_wait3A_298 = tpu.memref_slice %arg2[%dma_wait3A_296, %dma_wait3A_297] : memref<10000x128xf32, #tpu.memory_space<hbm>> -> memref<80x128xf32, #tpu.memory_space<hbm>>
        tpu.wait_dma2 semaphore(%arg20 : memref<!tpu.dma_semaphore, #tpu.memory_space<semaphore_mem>>) src(%dma_wait3A_298 : memref<80x128xf32, #tpu.memory_space<hbm>>) dst(%arg16 : memref<80x128xf32, #tpu.memory_space<vmem>>)
        "tpu.region"() ({
          %run_scoped3A_299 = tpu.sem_alloc : memref<!tpu.dma_semaphore, #tpu.memory_space<semaphore_mem>>
          %dma_start3A_300 = arith.constant 0 : i32
          %dma_start3A_301 = arith.constant 0 : i32
          %dma_start3A_302 = tpu.memref_slice %arg19[%dma_start3A_300, %dma_start3A_301] : memref<10240x128xf32, #tpu.memory_space<vmem_shared>> -> memref<10240x128xf32, #tpu.memory_space<vmem_shared>>
          tpu.enqueue_indirect_dma source(%arg16 : memref<80x128xf32, #tpu.memory_space<vmem>>) target(%dma_start3A_302 : memref<10240x128xf32, #tpu.memory_space<vmem_shared>>) offsets(%arg12 : memref<80xi32, #tpu.memory_space<vmem>>) semaphore(%run_scoped3A_299 : memref<!tpu.dma_semaphore, #tpu.memory_space<semaphore_mem>>) {add = true}
          %dma_wait3A_303 = arith.constant 0 : i32
          %dma_wait3A_304 = arith.constant 0 : i32
          %dma_wait3A_305 = tpu.memref_slice %arg19[%dma_wait3A_303, %dma_wait3A_304] : memref<10240x128xf32, #tpu.memory_space<vmem_shared>> -> memref<10240x128xf32, #tpu.memory_space<vmem_shared>>
          tpu.wait_indirect_dma semaphore(%run_scoped3A_299 : memref<!tpu.dma_semaphore, #tpu.memory_space<semaphore_mem>>) src(%arg16 : memref<80x128xf32, #tpu.memory_space<vmem>>) dst(%dma_wait3A_305 : memref<10240x128xf32, #tpu.memory_space<vmem_shared>>)
          tpu.yield
        }) : () -> ()
      } else {
      }
      %add3A_236 = arith.constant 4 : i32
      %add3A_237 = arith.addi %add3A_230, %add3A_236 : i32
      %lt3A_238 = arith.constant 125 : i32
      %lt3A_239 = arith.cmpi slt, %add3A_237, %lt3A_238 : i32
      %convert_element_type3A_240 = arith.extui %lt3A_239 : i1 to i32
      %cond3A_241 = arith.constant 0 : i32
      %cond3A_242 = arith.cmpi ne, %convert_element_type3A_240, %cond3A_241 : i32
      scf.if %cond3A_242 {
        %add3A_293 = arith.constant 4 : i32
        %add3A_294 = arith.addi %add3A_230, %add3A_293 : i32
        %dma_start3A_295 = arith.constant 0 : i32
        %dma_start3A_296 = tpu.memref_slice %arg3[%add3A, %add3A_294, %dma_start3A_295] : memref<32x125x80xi32, #tpu.memory_space<hbm>> -> memref<1x1x80xi32, #tpu.memory_space<hbm>>
        %dma_start3A_297 = tpu.memref_squeeze %dma_start3A_296 : memref<1x1x80xi32, #tpu.memory_space<hbm>> -> memref<80xi32, #tpu.memory_space<hbm>>
        %dma_start3A_298 = arith.constant 0 : i32
        %dma_start3A_299 = tpu.memref_slice %arg3[%add3A, %add3A_294, %dma_start3A_298] : memref<32x125x80xi32, #tpu.memory_space<hbm>> -> memref<1x1x80xi32, #tpu.memory_space<hbm>>
        %dma_start3A_300 = tpu.memref_squeeze %dma_start3A_299 : memref<1x1x80xi32, #tpu.memory_space<hbm>> -> memref<80xi32, #tpu.memory_space<hbm>>
        tpu.enqueue_dma source(%dma_start3A_300 : memref<80xi32, #tpu.memory_space<hbm>>) target(%arg8 : memref<80xi32, #tpu.memory_space<vmem>>) target_semaphore(%arg21 : memref<!tpu.dma_semaphore, #tpu.memory_space<semaphore_mem>>)
        %add3A_301 = arith.constant 4 : i32
        %add3A_302 = arith.addi %add3A_230, %add3A_301 : i32
        %dma_start3A_303 = arith.constant 0 : i32
        %dma_start3A_304 = tpu.memref_slice %arg4[%add3A, %add3A_302, %dma_start3A_303] : memref<32x125x80xi32, #tpu.memory_space<hbm>> -> memref<1x1x80xi32, #tpu.memory_space<hbm>>
        %dma_start3A_305 = tpu.memref_squeeze %dma_start3A_304 : memref<1x1x80xi32, #tpu.memory_space<hbm>> -> memref<80xi32, #tpu.memory_space<hbm>>
        %dma_start3A_306 = arith.constant 0 : i32
        %dma_start3A_307 = tpu.memref_slice %arg4[%add3A, %add3A_302, %dma_start3A_306] : memref<32x125x80xi32, #tpu.memory_space<hbm>> -> memref<1x1x80xi32, #tpu.memory_space<hbm>>
        %dma_start3A_308 = tpu.memref_squeeze %dma_start3A_307 : memref<1x1x80xi32, #tpu.memory_space<hbm>> -> memref<80xi32, #tpu.memory_space<hbm>>
        tpu.enqueue_dma source(%dma_start3A_308 : memref<80xi32, #tpu.memory_space<hbm>>) target(%arg12 : memref<80xi32, #tpu.memory_space<vmem>>) target_semaphore(%arg21 : memref<!tpu.dma_semaphore, #tpu.memory_space<semaphore_mem>>)
      } else {
      }
      %add3A_243 = arith.constant 2 : i32
      %add3A_244 = arith.addi %add3A_230, %add3A_243 : i32
      %lt3A_245 = arith.constant 125 : i32
      %lt3A_246 = arith.cmpi slt, %add3A_244, %lt3A_245 : i32
      %convert_element_type3A_247 = arith.extui %lt3A_246 : i1 to i32
      %cond3A_248 = arith.constant 0 : i32
      %cond3A_249 = arith.cmpi ne, %convert_element_type3A_247, %cond3A_248 : i32
      scf.if %cond3A_249 {
        %dma_wait3A_293 = arith.constant 0 : i32
        %dma_wait3A_294 = arith.constant 0 : i32
        %dma_wait3A_295 = tpu.memref_slice %arg3[%add3A, %dma_wait3A_293, %dma_wait3A_294] : memref<32x125x80xi32, #tpu.memory_space<hbm>> -> memref<1x1x80xi32, #tpu.memory_space<hbm>>
        %dma_wait3A_296 = tpu.memref_squeeze %dma_wait3A_295 : memref<1x1x80xi32, #tpu.memory_space<hbm>> -> memref<80xi32, #tpu.memory_space<hbm>>
        %dma_wait3A_297 = arith.constant 0 : i32
        %dma_wait3A_298 = tpu.memref_slice %arg3[%add3A, %dma_wait3A_293, %dma_wait3A_297] : memref<32x125x80xi32, #tpu.memory_space<hbm>> -> memref<1x1x80xi32, #tpu.memory_space<hbm>>
        %dma_wait3A_299 = tpu.memref_squeeze %dma_wait3A_298 : memref<1x1x80xi32, #tpu.memory_space<hbm>> -> memref<80xi32, #tpu.memory_space<hbm>>
        tpu.wait_dma2 semaphore(%arg21 : memref<!tpu.dma_semaphore, #tpu.memory_space<semaphore_mem>>) src(%dma_wait3A_299 : memref<80xi32, #tpu.memory_space<hbm>>) dst(%arg10 : memref<80xi32, #tpu.memory_space<vmem>>)
        %dma_wait3A_300 = arith.constant 0 : i32
        %dma_wait3A_301 = arith.constant 0 : i32
        %dma_wait3A_302 = tpu.memref_slice %arg4[%add3A, %dma_wait3A_300, %dma_wait3A_301] : memref<32x125x80xi32, #tpu.memory_space<hbm>> -> memref<1x1x80xi32, #tpu.memory_space<hbm>>
        %dma_wait3A_303 = tpu.memref_squeeze %dma_wait3A_302 : memref<1x1x80xi32, #tpu.memory_space<hbm>> -> memref<80xi32, #tpu.memory_space<hbm>>
        %dma_wait3A_304 = arith.constant 0 : i32
        %dma_wait3A_305 = tpu.memref_slice %arg4[%add3A, %dma_wait3A_300, %dma_wait3A_304] : memref<32x125x80xi32, #tpu.memory_space<hbm>> -> memref<1x1x80xi32, #tpu.memory_space<hbm>>
        %dma_wait3A_306 = tpu.memref_squeeze %dma_wait3A_305 : memref<1x1x80xi32, #tpu.memory_space<hbm>> -> memref<80xi32, #tpu.memory_space<hbm>>
        tpu.wait_dma2 semaphore(%arg21 : memref<!tpu.dma_semaphore, #tpu.memory_space<semaphore_mem>>) src(%dma_wait3A_306 : memref<80xi32, #tpu.memory_space<hbm>>) dst(%arg14 : memref<80xi32, #tpu.memory_space<vmem>>)
        %dma_start3A_307 = arith.constant 0 : i32
        %dma_start3A_308 = arith.constant 0 : i32
        %dma_start3A_309 = tpu.memref_slice %arg2[%dma_start3A_307, %dma_start3A_308] : memref<10000x128xf32, #tpu.memory_space<hbm>> -> memref<10000x128xf32, #tpu.memory_space<hbm>>
        tpu.enqueue_indirect_dma source(%dma_start3A_309 : memref<10000x128xf32, #tpu.memory_space<hbm>>) target(%arg16 : memref<80x128xf32, #tpu.memory_space<vmem>>) offsets(%arg10 : memref<80xi32, #tpu.memory_space<vmem>>) semaphore(%arg20 : memref<!tpu.dma_semaphore, #tpu.memory_space<semaphore_mem>>)
      } else {
      }
      %add3A_250 = arith.constant 2 : i32
      %add3A_251 = arith.addi %mul3A_210, %add3A_250 : i32
      %lt3A_252 = arith.constant 125 : i32
      %lt3A_253 = arith.cmpi slt, %add3A_251, %lt3A_252 : i32
      %convert_element_type3A_254 = arith.extui %lt3A_253 : i1 to i32
      %cond3A_255 = arith.constant 0 : i32
      %cond3A_256 = arith.cmpi ne, %convert_element_type3A_254, %cond3A_255 : i32
      scf.if %cond3A_256 {
        %dma_wait3A_293 = arith.constant 0 : i32
        %dma_wait3A_294 = arith.constant 0 : i32
        %dma_wait3A_295 = tpu.memref_slice %arg2[%dma_wait3A_293, %dma_wait3A_294] : memref<10000x128xf32, #tpu.memory_space<hbm>> -> memref<80x128xf32, #tpu.memory_space<hbm>>
        %dma_wait3A_296 = arith.constant 0 : i32
        %dma_wait3A_297 = arith.constant 0 : i32
        %dma_wait3A_298 = tpu.memref_slice %arg2[%dma_wait3A_296, %dma_wait3A_297] : memref<10000x128xf32, #tpu.memory_space<hbm>> -> memref<80x128xf32, #tpu.memory_space<hbm>>
        tpu.wait_dma2 semaphore(%arg20 : memref<!tpu.dma_semaphore, #tpu.memory_space<semaphore_mem>>) src(%dma_wait3A_298 : memref<80x128xf32, #tpu.memory_space<hbm>>) dst(%arg15 : memref<80x128xf32, #tpu.memory_space<vmem>>)
        "tpu.region"() ({
          %run_scoped3A_299 = tpu.sem_alloc : memref<!tpu.dma_semaphore, #tpu.memory_space<semaphore_mem>>
          %dma_start3A_300 = arith.constant 0 : i32
          %dma_start3A_301 = arith.constant 0 : i32
          %dma_start3A_302 = tpu.memref_slice %arg19[%dma_start3A_300, %dma_start3A_301] : memref<10240x128xf32, #tpu.memory_space<vmem_shared>> -> memref<10240x128xf32, #tpu.memory_space<vmem_shared>>
          tpu.enqueue_indirect_dma source(%arg15 : memref<80x128xf32, #tpu.memory_space<vmem>>) target(%dma_start3A_302 : memref<10240x128xf32, #tpu.memory_space<vmem_shared>>) offsets(%arg13 : memref<80xi32, #tpu.memory_space<vmem>>) semaphore(%run_scoped3A_299 : memref<!tpu.dma_semaphore, #tpu.memory_space<semaphore_mem>>) {add = true}
          %dma_wait3A_303 = arith.constant 0 : i32
          %dma_wait3A_304 = arith.constant 0 : i32
          %dma_wait3A_305 = tpu.memref_slice %arg19[%dma_wait3A_303, %dma_wait3A_304] : memref<10240x128xf32, #tpu.memory_space<vmem_shared>> -> memref<10240x128xf32, #tpu.memory_space<vmem_shared>>
          tpu.wait_indirect_dma semaphore(%run_scoped3A_299 : memref<!tpu.dma_semaphore, #tpu.memory_space<semaphore_mem>>) src(%arg15 : memref<80x128xf32, #tpu.memory_space<vmem>>) dst(%dma_wait3A_305 : memref<10240x128xf32, #tpu.memory_space<vmem_shared>>)
          tpu.yield
        }) : () -> ()
      } else {
      }
      %add3A_257 = arith.constant 4 : i32
      %add3A_258 = arith.addi %add3A_251, %add3A_257 : i32
      %lt3A_259 = arith.constant 125 : i32
      %lt3A_260 = arith.cmpi slt, %add3A_258, %lt3A_259 : i32
      %convert_element_type3A_261 = arith.extui %lt3A_260 : i1 to i32
      %cond3A_262 = arith.constant 0 : i32
      %cond3A_263 = arith.cmpi ne, %convert_element_type3A_261, %cond3A_262 : i32
      scf.if %cond3A_263 {
        %add3A_293 = arith.constant 4 : i32
        %add3A_294 = arith.addi %add3A_251, %add3A_293 : i32
        %dma_start3A_295 = arith.constant 0 : i32
        %dma_start3A_296 = tpu.memref_slice %arg3[%add3A, %add3A_294, %dma_start3A_295] : memref<32x125x80xi32, #tpu.memory_space<hbm>> -> memref<1x1x80xi32, #tpu.memory_space<hbm>>
        %dma_start3A_297 = tpu.memref_squeeze %dma_start3A_296 : memref<1x1x80xi32, #tpu.memory_space<hbm>> -> memref<80xi32, #tpu.memory_space<hbm>>
        %dma_start3A_298 = arith.constant 0 : i32
        %dma_start3A_299 = tpu.memref_slice %arg3[%add3A, %add3A_294, %dma_start3A_298] : memref<32x125x80xi32, #tpu.memory_space<hbm>> -> memref<1x1x80xi32, #tpu.memory_space<hbm>>
        %dma_start3A_300 = tpu.memref_squeeze %dma_start3A_299 : memref<1x1x80xi32, #tpu.memory_space<hbm>> -> memref<80xi32, #tpu.memory_space<hbm>>
        tpu.enqueue_dma source(%dma_start3A_300 : memref<80xi32, #tpu.memory_space<hbm>>) target(%arg9 : memref<80xi32, #tpu.memory_space<vmem>>) target_semaphore(%arg21 : memref<!tpu.dma_semaphore, #tpu.memory_space<semaphore_mem>>)
        %add3A_301 = arith.constant 4 : i32
        %add3A_302 = arith.addi %add3A_251, %add3A_301 : i32
        %dma_start3A_303 = arith.constant 0 : i32
        %dma_start3A_304 = tpu.memref_slice %arg4[%add3A, %add3A_302, %dma_start3A_303] : memref<32x125x80xi32, #tpu.memory_space<hbm>> -> memref<1x1x80xi32, #tpu.memory_space<hbm>>
        %dma_start3A_305 = tpu.memref_squeeze %dma_start3A_304 : memref<1x1x80xi32, #tpu.memory_space<hbm>> -> memref<80xi32, #tpu.memory_space<hbm>>
        %dma_start3A_306 = arith.constant 0 : i32
        %dma_start3A_307 = tpu.memref_slice %arg4[%add3A, %add3A_302, %dma_start3A_306] : memref<32x125x80xi32, #tpu.memory_space<hbm>> -> memref<1x1x80xi32, #tpu.memory_space<hbm>>
        %dma_start3A_308 = tpu.memref_squeeze %dma_start3A_307 : memref<1x1x80xi32, #tpu.memory_space<hbm>> -> memref<80xi32, #tpu.memory_space<hbm>>
        tpu.enqueue_dma source(%dma_start3A_308 : memref<80xi32, #tpu.memory_space<hbm>>) target(%arg13 : memref<80xi32, #tpu.memory_space<vmem>>) target_semaphore(%arg21 : memref<!tpu.dma_semaphore, #tpu.memory_space<semaphore_mem>>)
      } else {
      }
      %add3A_264 = arith.constant 2 : i32
      %add3A_265 = arith.addi %add3A_251, %add3A_264 : i32
      %lt3A_266 = arith.constant 125 : i32
      %lt3A_267 = arith.cmpi slt, %add3A_265, %lt3A_266 : i32
      %convert_element_type3A_268 = arith.extui %lt3A_267 : i1 to i32
      %cond3A_269 = arith.constant 0 : i32
      %cond3A_270 = arith.cmpi ne, %convert_element_type3A_268, %cond3A_269 : i32
      scf.if %cond3A_270 {
        %dma_wait3A_293 = arith.constant 0 : i32
        %dma_wait3A_294 = arith.constant 0 : i32
        %dma_wait3A_295 = tpu.memref_slice %arg3[%add3A, %dma_wait3A_293, %dma_wait3A_294] : memref<32x125x80xi32, #tpu.memory_space<hbm>> -> memref<1x1x80xi32, #tpu.memory_space<hbm>>
        %dma_wait3A_296 = tpu.memref_squeeze %dma_wait3A_295 : memref<1x1x80xi32, #tpu.memory_space<hbm>> -> memref<80xi32, #tpu.memory_space<hbm>>
        %dma_wait3A_297 = arith.constant 0 : i32
        %dma_wait3A_298 = tpu.memref_slice %arg3[%add3A, %dma_wait3A_293, %dma_wait3A_297] : memref<32x125x80xi32, #tpu.memory_space<hbm>> -> memref<1x1x80xi32, #tpu.memory_space<hbm>>
        %dma_wait3A_299 = tpu.memref_squeeze %dma_wait3A_298 : memref<1x1x80xi32, #tpu.memory_space<hbm>> -> memref<80xi32, #tpu.memory_space<hbm>>
        tpu.wait_dma2 semaphore(%arg21 : memref<!tpu.dma_semaphore, #tpu.memory_space<semaphore_mem>>) src(%dma_wait3A_299 : memref<80xi32, #tpu.memory_space<hbm>>) dst(%arg7 : memref<80xi32, #tpu.memory_space<vmem>>)
        %dma_wait3A_300 = arith.constant 0 : i32
        %dma_wait3A_301 = arith.constant 0 : i32
        %dma_wait3A_302 = tpu.memref_slice %arg4[%add3A, %dma_wait3A_300, %dma_wait3A_301] : memref<32x125x80xi32, #tpu.memory_space<hbm>> -> memref<1x1x80xi32, #tpu.memory_space<hbm>>
        %dma_wait3A_303 = tpu.memref_squeeze %dma_wait3A_302 : memref<1x1x80xi32, #tpu.memory_space<hbm>> -> memref<80xi32, #tpu.memory_space<hbm>>
        %dma_wait3A_304 = arith.constant 0 : i32
        %dma_wait3A_305 = tpu.memref_slice %arg4[%add3A, %dma_wait3A_300, %dma_wait3A_304] : memref<32x125x80xi32, #tpu.memory_space<hbm>> -> memref<1x1x80xi32, #tpu.memory_space<hbm>>
        %dma_wait3A_306 = tpu.memref_squeeze %dma_wait3A_305 : memref<1x1x80xi32, #tpu.memory_space<hbm>> -> memref<80xi32, #tpu.memory_space<hbm>>
        tpu.wait_dma2 semaphore(%arg21 : memref<!tpu.dma_semaphore, #tpu.memory_space<semaphore_mem>>) src(%dma_wait3A_306 : memref<80xi32, #tpu.memory_space<hbm>>) dst(%arg11 : memref<80xi32, #tpu.memory_space<vmem>>)
        %dma_start3A_307 = arith.constant 0 : i32
        %dma_start3A_308 = arith.constant 0 : i32
        %dma_start3A_309 = tpu.memref_slice %arg2[%dma_start3A_307, %dma_start3A_308] : memref<10000x128xf32, #tpu.memory_space<hbm>> -> memref<10000x128xf32, #tpu.memory_space<hbm>>
        tpu.enqueue_indirect_dma source(%dma_start3A_309 : memref<10000x128xf32, #tpu.memory_space<hbm>>) target(%arg15 : memref<80x128xf32, #tpu.memory_space<vmem>>) offsets(%arg7 : memref<80xi32, #tpu.memory_space<vmem>>) semaphore(%arg20 : memref<!tpu.dma_semaphore, #tpu.memory_space<semaphore_mem>>)
      } else {
      }
      %add3A_271 = arith.constant 3 : i32
      %add3A_272 = arith.addi %mul3A_210, %add3A_271 : i32
      %lt3A_273 = arith.constant 125 : i32
      %lt3A_274 = arith.cmpi slt, %add3A_272, %lt3A_273 : i32
      %convert_element_type3A_275 = arith.extui %lt3A_274 : i1 to i32
      %cond3A_276 = arith.constant 0 : i32
      %cond3A_277 = arith.cmpi ne, %convert_element_type3A_275, %cond3A_276 : i32
      scf.if %cond3A_277 {
        %dma_wait3A_293 = arith.constant 0 : i32
        %dma_wait3A_294 = arith.constant 0 : i32
        %dma_wait3A_295 = tpu.memref_slice %arg2[%dma_wait3A_293, %dma_wait3A_294] : memref<10000x128xf32, #tpu.memory_space<hbm>> -> memref<80x128xf32, #tpu.memory_space<hbm>>
        %dma_wait3A_296 = arith.constant 0 : i32
        %dma_wait3A_297 = arith.constant 0 : i32
        %dma_wait3A_298 = tpu.memref_slice %arg2[%dma_wait3A_296, %dma_wait3A_297] : memref<10000x128xf32, #tpu.memory_space<hbm>> -> memref<80x128xf32, #tpu.memory_space<hbm>>
        tpu.wait_dma2 semaphore(%arg20 : memref<!tpu.dma_semaphore, #tpu.memory_space<semaphore_mem>>) src(%dma_wait3A_298 : memref<80x128xf32, #tpu.memory_space<hbm>>) dst(%arg16 : memref<80x128xf32, #tpu.memory_space<vmem>>)
        "tpu.region"() ({
          %run_scoped3A_299 = tpu.sem_alloc : memref<!tpu.dma_semaphore, #tpu.memory_space<semaphore_mem>>
          %dma_start3A_300 = arith.constant 0 : i32
          %dma_start3A_301 = arith.constant 0 : i32
          %dma_start3A_302 = tpu.memref_slice %arg19[%dma_start3A_300, %dma_start3A_301] : memref<10240x128xf32, #tpu.memory_space<vmem_shared>> -> memref<10240x128xf32, #tpu.memory_space<vmem_shared>>
          tpu.enqueue_indirect_dma source(%arg16 : memref<80x128xf32, #tpu.memory_space<vmem>>) target(%dma_start3A_302 : memref<10240x128xf32, #tpu.memory_space<vmem_shared>>) offsets(%arg14 : memref<80xi32, #tpu.memory_space<vmem>>) semaphore(%run_scoped3A_299 : memref<!tpu.dma_semaphore, #tpu.memory_space<semaphore_mem>>) {add = true}
          %dma_wait3A_303 = arith.constant 0 : i32
          %dma_wait3A_304 = arith.constant 0 : i32
          %dma_wait3A_305 = tpu.memref_slice %arg19[%dma_wait3A_303, %dma_wait3A_304] : memref<10240x128xf32, #tpu.memory_space<vmem_shared>> -> memref<10240x128xf32, #tpu.memory_space<vmem_shared>>
          tpu.wait_indirect_dma semaphore(%run_scoped3A_299 : memref<!tpu.dma_semaphore, #tpu.memory_space<semaphore_mem>>) src(%arg16 : memref<80x128xf32, #tpu.memory_space<vmem>>) dst(%dma_wait3A_305 : memref<10240x128xf32, #tpu.memory_space<vmem_shared>>)
          tpu.yield
        }) : () -> ()
      } else {
      }
      %add3A_278 = arith.constant 4 : i32
      %add3A_279 = arith.addi %add3A_272, %add3A_278 : i32
      %lt3A_280 = arith.constant 125 : i32
      %lt3A_281 = arith.cmpi slt, %add3A_279, %lt3A_280 : i32
      %convert_element_type3A_282 = arith.extui %lt3A_281 : i1 to i32
      %cond3A_283 = arith.constant 0 : i32
      %cond3A_284 = arith.cmpi ne, %convert_element_type3A_282, %cond3A_283 : i32
      scf.if %cond3A_284 {
        %add3A_293 = arith.constant 4 : i32
        %add3A_294 = arith.addi %add3A_272, %add3A_293 : i32
        %dma_start3A_295 = arith.constant 0 : i32
        %dma_start3A_296 = tpu.memref_slice %arg3[%add3A, %add3A_294, %dma_start3A_295] : memref<32x125x80xi32, #tpu.memory_space<hbm>> -> memref<1x1x80xi32, #tpu.memory_space<hbm>>
        %dma_start3A_297 = tpu.memref_squeeze %dma_start3A_296 : memref<1x1x80xi32, #tpu.memory_space<hbm>> -> memref<80xi32, #tpu.memory_space<hbm>>
        %dma_start3A_298 = arith.constant 0 : i32
        %dma_start3A_299 = tpu.memref_slice %arg3[%add3A, %add3A_294, %dma_start3A_298] : memref<32x125x80xi32, #tpu.memory_space<hbm>> -> memref<1x1x80xi32, #tpu.memory_space<hbm>>
        %dma_start3A_300 = tpu.memref_squeeze %dma_start3A_299 : memref<1x1x80xi32, #tpu.memory_space<hbm>> -> memref<80xi32, #tpu.memory_space<hbm>>
        tpu.enqueue_dma source(%dma_start3A_300 : memref<80xi32, #tpu.memory_space<hbm>>) target(%arg10 : memref<80xi32, #tpu.memory_space<vmem>>) target_semaphore(%arg21 : memref<!tpu.dma_semaphore, #tpu.memory_space<semaphore_mem>>)
        %add3A_301 = arith.constant 4 : i32
        %add3A_302 = arith.addi %add3A_272, %add3A_301 : i32
        %dma_start3A_303 = arith.constant 0 : i32
        %dma_start3A_304 = tpu.memref_slice %arg4[%add3A, %add3A_302, %dma_start3A_303] : memref<32x125x80xi32, #tpu.memory_space<hbm>> -> memref<1x1x80xi32, #tpu.memory_space<hbm>>
        %dma_start3A_305 = tpu.memref_squeeze %dma_start3A_304 : memref<1x1x80xi32, #tpu.memory_space<hbm>> -> memref<80xi32, #tpu.memory_space<hbm>>
        %dma_start3A_306 = arith.constant 0 : i32
        %dma_start3A_307 = tpu.memref_slice %arg4[%add3A, %add3A_302, %dma_start3A_306] : memref<32x125x80xi32, #tpu.memory_space<hbm>> -> memref<1x1x80xi32, #tpu.memory_space<hbm>>
        %dma_start3A_308 = tpu.memref_squeeze %dma_start3A_307 : memref<1x1x80xi32, #tpu.memory_space<hbm>> -> memref<80xi32, #tpu.memory_space<hbm>>
        tpu.enqueue_dma source(%dma_start3A_308 : memref<80xi32, #tpu.memory_space<hbm>>) target(%arg14 : memref<80xi32, #tpu.memory_space<vmem>>) target_semaphore(%arg21 : memref<!tpu.dma_semaphore, #tpu.memory_space<semaphore_mem>>)
      } else {
      }
      %add3A_285 = arith.constant 2 : i32
      %add3A_286 = arith.addi %add3A_272, %add3A_285 : i32
      %lt3A_287 = arith.constant 125 : i32
      %lt3A_288 = arith.cmpi slt, %add3A_286, %lt3A_287 : i32
      %convert_element_type3A_289 = arith.extui %lt3A_288 : i1 to i32
      %cond3A_290 = arith.constant 0 : i32
      %cond3A_291 = arith.cmpi ne, %convert_element_type3A_289, %cond3A_290 : i32
      scf.if %cond3A_291 {
        %dma_wait3A_293 = arith.constant 0 : i32
        %dma_wait3A_294 = arith.constant 0 : i32
        %dma_wait3A_295 = tpu.memref_slice %arg3[%add3A, %dma_wait3A_293, %dma_wait3A_294] : memref<32x125x80xi32, #tpu.memory_space<hbm>> -> memref<1x1x80xi32, #tpu.memory_space<hbm>>
        %dma_wait3A_296 = tpu.memref_squeeze %dma_wait3A_295 : memref<1x1x80xi32, #tpu.memory_space<hbm>> -> memref<80xi32, #tpu.memory_space<hbm>>
        %dma_wait3A_297 = arith.constant 0 : i32
        %dma_wait3A_298 = tpu.memref_slice %arg3[%add3A, %dma_wait3A_293, %dma_wait3A_297] : memref<32x125x80xi32, #tpu.memory_space<hbm>> -> memref<1x1x80xi32, #tpu.memory_space<hbm>>
        %dma_wait3A_299 = tpu.memref_squeeze %dma_wait3A_298 : memref<1x1x80xi32, #tpu.memory_space<hbm>> -> memref<80xi32, #tpu.memory_space<hbm>>
        tpu.wait_dma2 semaphore(%arg21 : memref<!tpu.dma_semaphore, #tpu.memory_space<semaphore_mem>>) src(%dma_wait3A_299 : memref<80xi32, #tpu.memory_space<hbm>>) dst(%arg8 : memref<80xi32, #tpu.memory_space<vmem>>)
        %dma_wait3A_300 = arith.constant 0 : i32
        %dma_wait3A_301 = arith.constant 0 : i32
        %dma_wait3A_302 = tpu.memref_slice %arg4[%add3A, %dma_wait3A_300, %dma_wait3A_301] : memref<32x125x80xi32, #tpu.memory_space<hbm>> -> memref<1x1x80xi32, #tpu.memory_space<hbm>>
        %dma_wait3A_303 = tpu.memref_squeeze %dma_wait3A_302 : memref<1x1x80xi32, #tpu.memory_space<hbm>> -> memref<80xi32, #tpu.memory_space<hbm>>
        %dma_wait3A_304 = arith.constant 0 : i32
        %dma_wait3A_305 = tpu.memref_slice %arg4[%add3A, %dma_wait3A_300, %dma_wait3A_304] : memref<32x125x80xi32, #tpu.memory_space<hbm>> -> memref<1x1x80xi32, #tpu.memory_space<hbm>>
        %dma_wait3A_306 = tpu.memref_squeeze %dma_wait3A_305 : memref<1x1x80xi32, #tpu.memory_space<hbm>> -> memref<80xi32, #tpu.memory_space<hbm>>
        tpu.wait_dma2 semaphore(%arg21 : memref<!tpu.dma_semaphore, #tpu.memory_space<semaphore_mem>>) src(%dma_wait3A_306 : memref<80xi32, #tpu.memory_space<hbm>>) dst(%arg12 : memref<80xi32, #tpu.memory_space<vmem>>)
        %dma_start3A_307 = arith.constant 0 : i32
        %dma_start3A_308 = arith.constant 0 : i32
        %dma_start3A_309 = tpu.memref_slice %arg2[%dma_start3A_307, %dma_start3A_308] : memref<10000x128xf32, #tpu.memory_space<hbm>> -> memref<10000x128xf32, #tpu.memory_space<hbm>>
        tpu.enqueue_indirect_dma source(%dma_start3A_309 : memref<10000x128xf32, #tpu.memory_space<hbm>>) target(%arg16 : memref<80x128xf32, #tpu.memory_space<vmem>>) offsets(%arg8 : memref<80xi32, #tpu.memory_space<vmem>>) semaphore(%arg20 : memref<!tpu.dma_semaphore, #tpu.memory_space<semaphore_mem>>)
      } else {
      }
      %scan3A_292 = arith.constant 0 : i32
      scf.yield %scan3A_292 : i32
    }
    %scan3A_168 = arith.constant 32 : i32
    %barrier3A_169 = arith.constant 0 : index
    tpu.barrier barrier_id(%barrier3A_169)
    %add3A_170 = arith.constant 0 : i32
    %add3A_171 = arith.addi %mul3A_18, %add3A_170 : i32
    %multiple_of3A_172 = tpu.assume_multiple %add3A_171, 8 : i32
    %dma_start3A_173 = arith.constant 0 : i32
    %dma_start3A_174 = tpu.memref_slice %arg19[%multiple_of3A_172, %dma_start3A_173] : memref<10240x128xf32, #tpu.memory_space<vmem_shared>> -> memref<32x128xf32, #tpu.memory_space<vmem_shared>>
    %dma_start3A_175 = arith.constant 0 : i32
    %dma_start3A_176 = tpu.memref_slice %arg19[%multiple_of3A_172, %dma_start3A_175] : memref<10240x128xf32, #tpu.memory_space<vmem_shared>> -> memref<32x128xf32, #tpu.memory_space<vmem_shared>>
    tpu.enqueue_dma source(%dma_start3A_176 : memref<32x128xf32, #tpu.memory_space<vmem_shared>>) target(%arg17 : memref<32x128xf32, #tpu.memory_space<vmem>>) target_semaphore(%arg22 : memref<!tpu.dma_semaphore, #tpu.memory_space<semaphore_mem>>)
    %add3A_177 = arith.constant 32 : i32
    %add3A_178 = arith.addi %mul3A_18, %add3A_177 : i32
    %multiple_of3A_179 = tpu.assume_multiple %add3A_178, 8 : i32
    %dma_start3A_180 = arith.constant 0 : i32
    %dma_start3A_181 = tpu.memref_slice %arg19[%multiple_of3A_179, %dma_start3A_180] : memref<10240x128xf32, #tpu.memory_space<vmem_shared>> -> memref<32x128xf32, #tpu.memory_space<vmem_shared>>
    %dma_start3A_182 = arith.constant 0 : i32
    %dma_start3A_183 = tpu.memref_slice %arg19[%multiple_of3A_179, %dma_start3A_182] : memref<10240x128xf32, #tpu.memory_space<vmem_shared>> -> memref<32x128xf32, #tpu.memory_space<vmem_shared>>
    tpu.enqueue_dma source(%dma_start3A_183 : memref<32x128xf32, #tpu.memory_space<vmem_shared>>) target(%arg18 : memref<32x128xf32, #tpu.memory_space<vmem>>) target_semaphore(%arg22 : memref<!tpu.dma_semaphore, #tpu.memory_space<semaphore_mem>>)
    %scan3A_184 = arith.constant 0 : i32
    %scan3A_185 = arith.constant 0 : i32
    %scan3A_186 = arith.constant 10 : i32
    %scan3A_187 = arith.addi %scan3A_185, %scan3A_186 : i32
    %scan3A_188 = arith.constant 1 : i32
    %scan3A_189 = scf.for %scan3A_207 = %scan3A_185 to %scan3A_187 step %scan3A_188 iter_args(%scan3A_208 = %scan3A_184) -> (i32)  : i32 {
      %mul3A_209 = arith.constant 2 : i32
      %mul3A_210 = arith.muli %scan3A_207, %mul3A_209 : i32
      %add3A_211 = arith.constant 0 : i32
      %add3A_212 = arith.addi %mul3A_210, %add3A_211 : i32
      %dma_wait3A_213 = arith.constant 0 : i32
      %dma_wait3A_214 = arith.constant 0 : i32
      %dma_wait3A_215 = tpu.memref_slice %arg19[%dma_wait3A_213, %dma_wait3A_214] : memref<10240x128xf32, #tpu.memory_space<vmem_shared>> -> memref<32x128xf32, #tpu.memory_space<vmem_shared>>
      %dma_wait3A_216 = arith.constant 0 : i32
      %dma_wait3A_217 = arith.constant 0 : i32
      %dma_wait3A_218 = tpu.memref_slice %arg19[%dma_wait3A_216, %dma_wait3A_217] : memref<10240x128xf32, #tpu.memory_space<vmem_shared>> -> memref<32x128xf32, #tpu.memory_space<vmem_shared>>
      tpu.wait_dma2 semaphore(%arg22 : memref<!tpu.dma_semaphore, #tpu.memory_space<semaphore_mem>>) src(%dma_wait3A_218 : memref<32x128xf32, #tpu.memory_space<vmem_shared>>) dst(%arg17 : memref<32x128xf32, #tpu.memory_space<vmem>>)
      %mul3A_219 = arith.constant 32 : i32
      %mul3A_220 = arith.muli %add3A_212, %mul3A_219 : i32
      %add3A_221 = arith.addi %mul3A_18, %mul3A_220 : i32
      %multiple_of3A_222 = tpu.assume_multiple %add3A_221, 8 : i32
      %dma_start3A_223 = arith.constant 0 : i32
      %dma_start3A_224 = tpu.memref_slice %arg5[%arg0, %multiple_of3A_222, %dma_start3A_223] : memref<2x10240x128xf32, #tpu.memory_space<hbm>> -> memref<1x32x128xf32, #tpu.memory_space<hbm>>
      %dma_start3A_225 = tpu.memref_squeeze %dma_start3A_224 : memref<1x32x128xf32, #tpu.memory_space<hbm>> -> memref<32x128xf32, #tpu.memory_space<hbm>>
      %dma_start3A_226 = arith.constant 0 : i32
      %dma_start3A_227 = tpu.memref_slice %arg5[%arg0, %multiple_of3A_222, %dma_start3A_226] : memref<2x10240x128xf32, #tpu.memory_space<hbm>> -> memref<1x32x128xf32, #tpu.memory_space<hbm>>
      %dma_start3A_228 = tpu.memref_squeeze %dma_start3A_227 : memref<1x32x128xf32, #tpu.memory_space<hbm>> -> memref<32x128xf32, #tpu.memory_space<hbm>>
      tpu.enqueue_dma source(%arg17 : memref<32x128xf32, #tpu.memory_space<vmem>>) target(%dma_start3A_228 : memref<32x128xf32, #tpu.memory_space<hbm>>) target_semaphore(%arg23 : memref<!tpu.dma_semaphore, #tpu.memory_space<semaphore_mem>>)
      %add3A_229 = arith.constant 2 : i32
      %add3A_230 = arith.addi %add3A_212, %add3A_229 : i32
      %lt3A = arith.constant 20 : i32
      %lt3A_231 = arith.cmpi slt, %add3A_230, %lt3A : i32
      %convert_element_type3A = arith.extui %lt3A_231 : i1 to i32
      %cond3A = arith.constant 0 : i32
      %cond3A_232 = arith.cmpi ne, %convert_element_type3A, %cond3A : i32
      scf.if %cond3A_232 {
        %dma_wait3A_259 = arith.constant 0 : i32
        %dma_wait3A_260 = arith.constant 0 : i32
        %dma_wait3A_261 = tpu.memref_slice %arg5[%arg0, %dma_wait3A_259, %dma_wait3A_260] : memref<2x10240x128xf32, #tpu.memory_space<hbm>> -> memref<1x32x128xf32, #tpu.memory_space<hbm>>
        %dma_wait3A_262 = tpu.memref_squeeze %dma_wait3A_261 : memref<1x32x128xf32, #tpu.memory_space<hbm>> -> memref<32x128xf32, #tpu.memory_space<hbm>>
        %dma_wait3A_263 = arith.constant 0 : i32
        %dma_wait3A_264 = arith.constant 0 : i32
        %dma_wait3A_265 = tpu.memref_slice %arg5[%arg0, %dma_wait3A_263, %dma_wait3A_264] : memref<2x10240x128xf32, #tpu.memory_space<hbm>> -> memref<1x32x128xf32, #tpu.memory_space<hbm>>
        %dma_wait3A_266 = tpu.memref_squeeze %dma_wait3A_265 : memref<1x32x128xf32, #tpu.memory_space<hbm>> -> memref<32x128xf32, #tpu.memory_space<hbm>>
        tpu.wait_dma2 semaphore(%arg23 : memref<!tpu.dma_semaphore, #tpu.memory_space<semaphore_mem>>) src(%arg17 : memref<32x128xf32, #tpu.memory_space<vmem>>) dst(%dma_wait3A_266 : memref<32x128xf32, #tpu.memory_space<hbm>>)
        %add3A_267 = arith.constant 2 : i32
        %add3A_268 = arith.addi %add3A_212, %add3A_267 : i32
        %mul3A_269 = arith.constant 32 : i32
        %mul3A_270 = arith.muli %add3A_268, %mul3A_269 : i32
        %add3A_271 = arith.addi %mul3A_18, %mul3A_270 : i32
        %multiple_of3A_272 = tpu.assume_multiple %add3A_271, 8 : i32
        %dma_start3A_273 = arith.constant 0 : i32
        %dma_start3A_274 = tpu.memref_slice %arg19[%multiple_of3A_272, %dma_start3A_273] : memref<10240x128xf32, #tpu.memory_space<vmem_shared>> -> memref<32x128xf32, #tpu.memory_space<vmem_shared>>
        %dma_start3A_275 = arith.constant 0 : i32
        %dma_start3A_276 = tpu.memref_slice %arg19[%multiple_of3A_272, %dma_start3A_275] : memref<10240x128xf32, #tpu.memory_space<vmem_shared>> -> memref<32x128xf32, #tpu.memory_space<vmem_shared>>
        tpu.enqueue_dma source(%dma_start3A_276 : memref<32x128xf32, #tpu.memory_space<vmem_shared>>) target(%arg17 : memref<32x128xf32, #tpu.memory_space<vmem>>) target_semaphore(%arg22 : memref<!tpu.dma_semaphore, #tpu.memory_space<semaphore_mem>>)
      } else {
      }
      %add3A_233 = arith.constant 1 : i32
      %add3A_234 = arith.addi %mul3A_210, %add3A_233 : i32
      %dma_wait3A_235 = arith.constant 0 : i32
      %dma_wait3A_236 = arith.constant 0 : i32
      %dma_wait3A_237 = tpu.memref_slice %arg19[%dma_wait3A_235, %dma_wait3A_236] : memref<10240x128xf32, #tpu.memory_space<vmem_shared>> -> memref<32x128xf32, #tpu.memory_space<vmem_shared>>
      %dma_wait3A_238 = arith.constant 0 : i32
      %dma_wait3A_239 = arith.constant 0 : i32
      %dma_wait3A_240 = tpu.memref_slice %arg19[%dma_wait3A_238, %dma_wait3A_239] : memref<10240x128xf32, #tpu.memory_space<vmem_shared>> -> memref<32x128xf32, #tpu.memory_space<vmem_shared>>
      tpu.wait_dma2 semaphore(%arg22 : memref<!tpu.dma_semaphore, #tpu.memory_space<semaphore_mem>>) src(%dma_wait3A_240 : memref<32x128xf32, #tpu.memory_space<vmem_shared>>) dst(%arg18 : memref<32x128xf32, #tpu.memory_space<vmem>>)
      %mul3A_241 = arith.constant 32 : i32
      %mul3A_242 = arith.muli %add3A_234, %mul3A_241 : i32
      %add3A_243 = arith.addi %mul3A_18, %mul3A_242 : i32
      %multiple_of3A_244 = tpu.assume_multiple %add3A_243, 8 : i32
      %dma_start3A_245 = arith.constant 0 : i32
      %dma_start3A_246 = tpu.memref_slice %arg5[%arg0, %multiple_of3A_244, %dma_start3A_245] : memref<2x10240x128xf32, #tpu.memory_space<hbm>> -> memref<1x32x128xf32, #tpu.memory_space<hbm>>
      %dma_start3A_247 = tpu.memref_squeeze %dma_start3A_246 : memref<1x32x128xf32, #tpu.memory_space<hbm>> -> memref<32x128xf32, #tpu.memory_space<hbm>>
      %dma_start3A_248 = arith.constant 0 : i32
      %dma_start3A_249 = tpu.memref_slice %arg5[%arg0, %multiple_of3A_244, %dma_start3A_248] : memref<2x10240x128xf32, #tpu.memory_space<hbm>> -> memref<1x32x128xf32, #tpu.memory_space<hbm>>
      %dma_start3A_250 = tpu.memref_squeeze %dma_start3A_249 : memref<1x32x128xf32, #tpu.memory_space<hbm>> -> memref<32x128xf32, #tpu.memory_space<hbm>>
      tpu.enqueue_dma source(%arg18 : memref<32x128xf32, #tpu.memory_space<vmem>>) target(%dma_start3A_250 : memref<32x128xf32, #tpu.memory_space<hbm>>) target_semaphore(%arg23 : memref<!tpu.dma_semaphore, #tpu.memory_space<semaphore_mem>>)
      %add3A_251 = arith.constant 2 : i32
      %add3A_252 = arith.addi %add3A_234, %add3A_251 : i32
      %lt3A_253 = arith.constant 20 : i32
      %lt3A_254 = arith.cmpi slt, %add3A_252, %lt3A_253 : i32
      %convert_element_type3A_255 = arith.extui %lt3A_254 : i1 to i32
      %cond3A_256 = arith.constant 0 : i32
      %cond3A_257 = arith.cmpi ne, %convert_element_type3A_255, %cond3A_256 : i32
      scf.if %cond3A_257 {
        %dma_wait3A_259 = arith.constant 0 : i32
        %dma_wait3A_260 = arith.constant 0 : i32
        %dma_wait3A_261 = tpu.memref_slice %arg5[%arg0, %dma_wait3A_259, %dma_wait3A_260] : memref<2x10240x128xf32, #tpu.memory_space<hbm>> -> memref<1x32x128xf32, #tpu.memory_space<hbm>>
        %dma_wait3A_262 = tpu.memref_squeeze %dma_wait3A_261 : memref<1x32x128xf32, #tpu.memory_space<hbm>> -> memref<32x128xf32, #tpu.memory_space<hbm>>
        %dma_wait3A_263 = arith.constant 0 : i32
        %dma_wait3A_264 = arith.constant 0 : i32
        %dma_wait3A_265 = tpu.memref_slice %arg5[%arg0, %dma_wait3A_263, %dma_wait3A_264] : memref<2x10240x128xf32, #tpu.memory_space<hbm>> -> memref<1x32x128xf32, #tpu.memory_space<hbm>>
        %dma_wait3A_266 = tpu.memref_squeeze %dma_wait3A_265 : memref<1x32x128xf32, #tpu.memory_space<hbm>> -> memref<32x128xf32, #tpu.memory_space<hbm>>
        tpu.wait_dma2 semaphore(%arg23 : memref<!tpu.dma_semaphore, #tpu.memory_space<semaphore_mem>>) src(%arg18 : memref<32x128xf32, #tpu.memory_space<vmem>>) dst(%dma_wait3A_266 : memref<32x128xf32, #tpu.memory_space<hbm>>)
        %add3A_267 = arith.constant 2 : i32
        %add3A_268 = arith.addi %add3A_234, %add3A_267 : i32
        %mul3A_269 = arith.constant 32 : i32
        %mul3A_270 = arith.muli %add3A_268, %mul3A_269 : i32
        %add3A_271 = arith.addi %mul3A_18, %mul3A_270 : i32
        %multiple_of3A_272 = tpu.assume_multiple %add3A_271, 8 : i32
        %dma_start3A_273 = arith.constant 0 : i32
        %dma_start3A_274 = tpu.memref_slice %arg19[%multiple_of3A_272, %dma_start3A_273] : memref<10240x128xf32, #tpu.memory_space<vmem_shared>> -> memref<32x128xf32, #tpu.memory_space<vmem_shared>>
        %dma_start3A_275 = arith.constant 0 : i32
        %dma_start3A_276 = tpu.memref_slice %arg19[%multiple_of3A_272, %dma_start3A_275] : memref<10240x128xf32, #tpu.memory_space<vmem_shared>> -> memref<32x128xf32, #tpu.memory_space<vmem_shared>>
        tpu.enqueue_dma source(%dma_start3A_276 : memref<32x128xf32, #tpu.memory_space<vmem_shared>>) target(%arg18 : memref<32x128xf32, #tpu.memory_space<vmem>>) target_semaphore(%arg22 : memref<!tpu.dma_semaphore, #tpu.memory_space<semaphore_mem>>)
      } else {
      }
      %scan3A_258 = arith.constant 0 : i32
      scf.yield %scan3A_258 : i32
    }
    %scan3A_190 = arith.constant 10 : i32
    %dma_wait3A_191 = arith.constant 0 : i32
    %dma_wait3A_192 = arith.constant 0 : i32
    %dma_wait3A_193 = tpu.memref_slice %arg5[%arg0, %dma_wait3A_191, %dma_wait3A_192] : memref<2x10240x128xf32, #tpu.memory_space<hbm>> -> memref<1x32x128xf32, #tpu.memory_space<hbm>>
    %dma_wait3A_194 = tpu.memref_squeeze %dma_wait3A_193 : memref<1x32x128xf32, #tpu.memory_space<hbm>> -> memref<32x128xf32, #tpu.memory_space<hbm>>
    %dma_wait3A_195 = arith.constant 0 : i32
    %dma_wait3A_196 = arith.constant 0 : i32
    %dma_wait3A_197 = tpu.memref_slice %arg5[%arg0, %dma_wait3A_195, %dma_wait3A_196] : memref<2x10240x128xf32, #tpu.memory_space<hbm>> -> memref<1x32x128xf32, #tpu.memory_space<hbm>>
    %dma_wait3A_198 = tpu.memref_squeeze %dma_wait3A_197 : memref<1x32x128xf32, #tpu.memory_space<hbm>> -> memref<32x128xf32, #tpu.memory_space<hbm>>
    tpu.wait_dma2 semaphore(%arg23 : memref<!tpu.dma_semaphore, #tpu.memory_space<semaphore_mem>>) src(%arg17 : memref<32x128xf32, #tpu.memory_space<vmem>>) dst(%dma_wait3A_198 : memref<32x128xf32, #tpu.memory_space<hbm>>)
    %dma_wait3A_199 = arith.constant 0 : i32
    %dma_wait3A_200 = arith.constant 0 : i32
    %dma_wait3A_201 = tpu.memref_slice %arg5[%arg0, %dma_wait3A_199, %dma_wait3A_200] : memref<2x10240x128xf32, #tpu.memory_space<hbm>> -> memref<1x32x128xf32, #tpu.memory_space<hbm>>
    %dma_wait3A_202 = tpu.memref_squeeze %dma_wait3A_201 : memref<1x32x128xf32, #tpu.memory_space<hbm>> -> memref<32x128xf32, #tpu.memory_space<hbm>>
    %dma_wait3A_203 = arith.constant 0 : i32
    %dma_wait3A_204 = arith.constant 0 : i32
    %dma_wait3A_205 = tpu.memref_slice %arg5[%arg0, %dma_wait3A_203, %dma_wait3A_204] : memref<2x10240x128xf32, #tpu.memory_space<hbm>> -> memref<1x32x128xf32, #tpu.memory_space<hbm>>
    %dma_wait3A_206 = tpu.memref_squeeze %dma_wait3A_205 : memref<1x32x128xf32, #tpu.memory_space<hbm>> -> memref<32x128xf32, #tpu.memory_space<hbm>>
    tpu.wait_dma2 semaphore(%arg23 : memref<!tpu.dma_semaphore, #tpu.memory_space<semaphore_mem>>) src(%arg18 : memref<32x128xf32, #tpu.memory_space<vmem>>) dst(%dma_wait3A_206 : memref<32x128xf32, #tpu.memory_space<hbm>>)
    return
  }
}

module attributes {stable_mosaic.version = 14 : i64} {
  func.func @body(%arg0: memref<5000x128xf32, #tpu.memory_space<vmem>>, %arg1: memref<5000x128xf32, #tpu.memory_space<vmem>>, %arg2: memref<128x128xf32, #tpu.memory_space<vmem>>, %arg3: memref<1x128xf32, #tpu.memory_space<vmem>>, %arg4: memref<128x128xf32, #tpu.memory_space<vmem>>, %arg5: memref<1x128xf32, #tpu.memory_space<vmem>>, %arg6: memref<10000x128xf32, #tpu.memory_space<vmem>>) attributes {dimension_semantics = [], scalar_prefetch = 0 : i64, scratch_operands = 0 : i64, tpu.core_type = #tpu.core_type<tc>} {
    %get3A = arith.constant 0 : index
    %get3A_0 = arith.constant 0 : index
    %get3A_1 = vector.load %arg0[%get3A, %get3A_0] : memref<5000x128xf32, #tpu.memory_space<vmem>>, vector<5000x128xf32>
    %get3A_2 = arith.constant 0 : index
    %get3A_3 = arith.constant 0 : index
    %get3A_4 = vector.load %arg2[%get3A_2, %get3A_3] : memref<128x128xf32, #tpu.memory_space<vmem>>, vector<128x128xf32>
    %dot_general3A = arith.constant dense<0.000000e+00> : vector<5000x128xf32>
    %dot_general3A_5 = tpu.matmul %get3A_1, %get3A_4, %dot_general3A {dimension_numbers = #tpu.dot_dimension_numbers<[1], [0], [0], [1], [0, 0, 1, 1], [], []>, transpose_lhs_hint = false} : vector<5000x128xf32>, vector<128x128xf32>, vector<5000x128xf32> -> vector<5000x128xf32>
    %get3A_6 = arith.constant 0 : index
    %get3A_7 = arith.constant 0 : index
    %get3A_8 = vector.load %arg3[%get3A_6, %get3A_7] : memref<1x128xf32, #tpu.memory_space<vmem>>, vector<1x128xf32>
    %add3A = vector.broadcast %get3A_8 : vector<1x128xf32> to vector<5000x128xf32>
    %add3A_9 = arith.addf %dot_general3A_5, %add3A : vector<5000x128xf32>
    %swap3A = arith.constant 0 : index
    %swap3A_10 = arith.constant 0 : index
    %swap3A_11 = vector.load %arg6[%swap3A, %swap3A_10] : memref<10000x128xf32, #tpu.memory_space<vmem>>, vector<5000x128xf32>
    tpu.vector_store %arg6[%swap3A, %swap3A_10], %add3A_9 {strides = array<i32>} : memref<10000x128xf32, #tpu.memory_space<vmem>>, vector<5000x128xf32>,
    %get3A_12 = arith.constant 0 : index
    %get3A_13 = arith.constant 0 : index
    %get3A_14 = vector.load %arg1[%get3A_12, %get3A_13] : memref<5000x128xf32, #tpu.memory_space<vmem>>, vector<5000x128xf32>
    %get3A_15 = arith.constant 0 : index
    %get3A_16 = arith.constant 0 : index
    %get3A_17 = vector.load %arg4[%get3A_15, %get3A_16] : memref<128x128xf32, #tpu.memory_space<vmem>>, vector<128x128xf32>
    %dot_general3A_18 = arith.constant dense<0.000000e+00> : vector<5000x128xf32>
    %dot_general3A_19 = tpu.matmul %get3A_14, %get3A_17, %dot_general3A_18 {dimension_numbers = #tpu.dot_dimension_numbers<[1], [0], [0], [1], [0, 0, 1, 1], [], []>, transpose_lhs_hint = false} : vector<5000x128xf32>, vector<128x128xf32>, vector<5000x128xf32> -> vector<5000x128xf32>
    %get3A_20 = arith.constant 0 : index
    %get3A_21 = arith.constant 0 : index
    %get3A_22 = vector.load %arg5[%get3A_20, %get3A_21] : memref<1x128xf32, #tpu.memory_space<vmem>>, vector<1x128xf32>
    %add3A_23 = vector.broadcast %get3A_22 : vector<1x128xf32> to vector<5000x128xf32>
    %add3A_24 = arith.addf %dot_general3A_19, %add3A_23 : vector<5000x128xf32>
    %swap3A_25 = arith.constant 5000 : index
    %swap3A_26 = arith.constant 0 : index
    %swap3A_27 = vector.load %arg6[%swap3A_25, %swap3A_26] : memref<10000x128xf32, #tpu.memory_space<vmem>>, vector<5000x128xf32>
    tpu.vector_store %arg6[%swap3A_25, %swap3A_26], %add3A_24 {strides = array<i32>} : memref<10000x128xf32, #tpu.memory_space<vmem>>, vector<5000x128xf32>,
    return
  }
}

module attributes {stable_mosaic.version = 14 : i64} {
  func.func @body(%arg0: i32, %arg1: memref<2x2000x128xf32, #tpu.memory_space<vmem>>, %arg2: memref<2x2000x128xf32, #tpu.memory_space<vmem>>, %arg3: memref<2000x128xf32, #tpu.memory_space<vmem>>, %arg4: memref<128x128xf32, #tpu.memory_space<vmem>>, %arg5: memref<1x128xf32, #tpu.memory_space<vmem>>, %arg6: memref<128x128xf32, #tpu.memory_space<vmem>>, %arg7: memref<2000x128xf32, #tpu.memory_space<vmem>>, %arg8: memref<8x128xf32, #tpu.memory_space<vmem>>) attributes {dimension_semantics = [#tpu.dimension_semantics<arbitrary>], iteration_bounds = array<i64: 5>, scalar_prefetch = 0 : i64, scratch_operands = 0 : i64, tpu.core_type = #tpu.core_type<tc>, window_params = [{transform_indices = @transform_0, window_bounds = array<i64: 2, 2000, 128>}, {transform_indices = @transform_1, window_bounds = array<i64: 2, 2000, 128>}, {transform_indices = @transform_2, window_bounds = array<i64: 2000, 128>}, {pipeline_mode = #tpu.pipeline_mode<synchronous>, transform_indices = @transform_3, window_bounds = array<i64: 128, 128>}, {pipeline_mode = #tpu.pipeline_mode<synchronous>, transform_indices = @transform_4, window_bounds = array<i64: 1, 128>}, {pipeline_mode = #tpu.pipeline_mode<synchronous>, transform_indices = @transform_5, window_bounds = array<i64: 128, 128>}, {transform_indices = @transform_6, window_bounds = array<i64: 2000, 128>}, {pipeline_mode = #tpu.pipeline_mode<synchronous>, transform_indices = @transform_7, window_bounds = array<i64: 8, 128>}]} {
    %get3A = arith.constant 0 : index
    %get3A_0 = arith.constant 0 : index
    %get3A_1 = arith.constant 0 : index
    %get3A_2 = vector.load %arg1[%get3A, %get3A_0, %get3A_1] : memref<2x2000x128xf32, #tpu.memory_space<vmem>>, vector<1x2000x128xf32>
    %get3A_3 = vector.shape_cast %get3A_2 : vector<1x2000x128xf32> to vector<2000x128xf32>
    %get3A_4 = arith.constant 1 : index
    %get3A_5 = arith.constant 0 : index
    %get3A_6 = arith.constant 0 : index
    %get3A_7 = vector.load %arg1[%get3A_4, %get3A_5, %get3A_6] : memref<2x2000x128xf32, #tpu.memory_space<vmem>>, vector<1x2000x128xf32>
    %get3A_8 = vector.shape_cast %get3A_7 : vector<1x2000x128xf32> to vector<2000x128xf32>
    %add3A = arith.addf %get3A_3, %get3A_8 : vector<2000x128xf32>
    %get3A_9 = arith.constant 0 : index
    %get3A_10 = arith.constant 0 : index
    %get3A_11 = arith.constant 0 : index
    %get3A_12 = vector.load %arg2[%get3A_9, %get3A_10, %get3A_11] : memref<2x2000x128xf32, #tpu.memory_space<vmem>>, vector<1x2000x1xf32>
    %get3A_13 = vector.shape_cast %get3A_12 : vector<1x2000x1xf32> to vector<2000x1xf32>
    %get3A_14 = arith.constant 1 : index
    %get3A_15 = arith.constant 0 : index
    %get3A_16 = arith.constant 0 : index
    %get3A_17 = vector.load %arg2[%get3A_14, %get3A_15, %get3A_16] : memref<2x2000x128xf32, #tpu.memory_space<vmem>>, vector<1x2000x1xf32>
    %get3A_18 = vector.shape_cast %get3A_17 : vector<1x2000x1xf32> to vector<2000x1xf32>
    %add3A_19 = arith.addf %get3A_13, %get3A_18 : vector<2000x1xf32>
    %max3A = arith.constant 1.000000e+00 : f32
    %max3A_20 = vector.broadcast %max3A : f32 to vector<2000x1xf32>
    %max3A_21 = arith.maximumf %add3A_19, %max3A_20 : vector<2000x1xf32>
    %div3A = arith.constant 1.000000e+00 : f32
    %div3A_22 = vector.broadcast %div3A : f32 to vector<2000x1xf32>
    %div3A_23 = arith.divf %div3A_22, %max3A_21 : vector<2000x1xf32>
    %mul3A = vector.broadcast %div3A_23 : vector<2000x1xf32> to vector<2000x128xf32>
    %mul3A_24 = arith.mulf %add3A, %mul3A : vector<2000x128xf32>
    %get3A_25 = arith.constant 0 : index
    %get3A_26 = arith.constant 0 : index
    %get3A_27 = vector.load %arg4[%get3A_25, %get3A_26] : memref<128x128xf32, #tpu.memory_space<vmem>>, vector<128x128xf32>
    %dot_general3A = arith.constant dense<0.000000e+00> : vector<2000x128xf32>
    %dot_general3A_28 = tpu.matmul %mul3A_24, %get3A_27, %dot_general3A {dimension_numbers = #tpu.dot_dimension_numbers<[1], [0], [0], [1], [0, 0, 1, 1], [], []>, transpose_lhs_hint = false} : vector<2000x128xf32>, vector<128x128xf32>, vector<2000x128xf32> -> vector<2000x128xf32>
    %get3A_29 = arith.constant 0 : index
    %get3A_30 = arith.constant 0 : index
    %get3A_31 = vector.load %arg5[%get3A_29, %get3A_30] : memref<1x128xf32, #tpu.memory_space<vmem>>, vector<1x128xf32>
    %add3A_32 = vector.broadcast %get3A_31 : vector<1x128xf32> to vector<2000x128xf32>
    %add3A_33 = arith.addf %dot_general3A_28, %add3A_32 : vector<2000x128xf32>
    %get3A_34 = arith.constant 0 : index
    %get3A_35 = arith.constant 0 : index
    %get3A_36 = vector.load %arg3[%get3A_34, %get3A_35] : memref<2000x128xf32, #tpu.memory_space<vmem>>, vector<2000x128xf32>
    %get3A_37 = arith.constant 0 : index
    %get3A_38 = arith.constant 0 : index
    %get3A_39 = vector.load %arg6[%get3A_37, %get3A_38] : memref<128x128xf32, #tpu.memory_space<vmem>>, vector<128x128xf32>
    %dot_general3A_40 = arith.constant dense<0.000000e+00> : vector<2000x128xf32>
    %dot_general3A_41 = tpu.matmul %get3A_36, %get3A_39, %dot_general3A_40 {dimension_numbers = #tpu.dot_dimension_numbers<[1], [0], [0], [1], [0, 0, 1, 1], [], []>, transpose_lhs_hint = false} : vector<2000x128xf32>, vector<128x128xf32>, vector<2000x128xf32> -> vector<2000x128xf32>
    %add3A_42 = arith.addf %add3A_33, %dot_general3A_41 : vector<2000x128xf32>
    %swap3A = arith.constant 0 : index
    %swap3A_43 = arith.constant 0 : index
    %swap3A_44 = vector.load %arg7[%swap3A, %swap3A_43] : memref<2000x128xf32, #tpu.memory_space<vmem>>, vector<2000x128xf32>
    tpu.vector_store %arg7[%swap3A, %swap3A_43], %add3A_42 {strides = array<i32>} : memref<2000x128xf32, #tpu.memory_space<vmem>>, vector<2000x128xf32>,
    %eq3A = arith.constant 0 : i32
    %eq3A_45 = arith.cmpi eq, %arg0, %eq3A : i32
    %convert_element_type3A = arith.extui %eq3A_45 : i1 to i32
    %cond3A = arith.constant 0 : i32
    %cond3A_46 = arith.cmpi ne, %convert_element_type3A, %cond3A : i32
    scf.if %cond3A_46 {
      %broadcast_in_dim3A_66 = arith.constant 0.000000e+00 : f32
      %broadcast_in_dim3A_67 = vector.broadcast %broadcast_in_dim3A_66 : f32 to vector<8x128xf32>
      %swap3A_68 = arith.constant 0 : index
      %swap3A_69 = arith.constant 0 : index
      %swap3A_70 = vector.load %arg8[%swap3A_68, %swap3A_69] : memref<8x128xf32, #tpu.memory_space<vmem>>, vector<8x128xf32>
      tpu.vector_store %arg8[%swap3A_68, %swap3A_69], %broadcast_in_dim3A_67 {strides = array<i32>} : memref<8x128xf32, #tpu.memory_space<vmem>>, vector<8x128xf32>,
    } else {
    }
    %get3A_47 = arith.constant 0 : index
    %get3A_48 = arith.constant 0 : index
    %get3A_49 = vector.load %arg8[%get3A_47, %get3A_48] : memref<8x128xf32, #tpu.memory_space<vmem>>, vector<1x128xf32>
    %reduce_sum3A = arith.constant dense<0.000000e+00> : vector<128xf32>
    %reduce_sum3A_50 = vector.multi_reduction <add>, %add3A_42, %reduce_sum3A [0] : vector<2000x128xf32> to vector<128xf32>
    %broadcast_in_dim3A = vector.shape_cast %reduce_sum3A_50 : vector<128xf32> to vector<1x128xf32>
    %add3A_51 = arith.addf %get3A_49, %broadcast_in_dim3A : vector<1x128xf32>
    %swap3A_52 = arith.constant 0 : index
    %swap3A_53 = arith.constant 0 : index
    %swap3A_54 = vector.load %arg8[%swap3A_52, %swap3A_53] : memref<8x128xf32, #tpu.memory_space<vmem>>, vector<1x128xf32>
    tpu.vector_store %arg8[%swap3A_52, %swap3A_53], %add3A_51 {strides = array<i32>} : memref<8x128xf32, #tpu.memory_space<vmem>>, vector<1x128xf32>,
    %get3A_55 = arith.constant 1 : index
    %get3A_56 = arith.constant 0 : index
    %get3A_57 = vector.load %arg8[%get3A_55, %get3A_56] : memref<8x128xf32, #tpu.memory_space<vmem>>, vector<1x128xf32>
    %mul3A_58 = arith.mulf %add3A_42, %add3A_42 : vector<2000x128xf32>
    %reduce_sum3A_59 = arith.constant dense<0.000000e+00> : vector<128xf32>
    %reduce_sum3A_60 = vector.multi_reduction <add>, %mul3A_58, %reduce_sum3A_59 [0] : vector<2000x128xf32> to vector<128xf32>
    %broadcast_in_dim3A_61 = vector.shape_cast %reduce_sum3A_60 : vector<128xf32> to vector<1x128xf32>
    %add3A_62 = arith.addf %get3A_57, %broadcast_in_dim3A_61 : vector<1x128xf32>
    %swap3A_63 = arith.constant 1 : index
    %swap3A_64 = arith.constant 0 : index
    %swap3A_65 = vector.load %arg8[%swap3A_63, %swap3A_64] : memref<8x128xf32, #tpu.memory_space<vmem>>, vector<1x128xf32>
    tpu.vector_store %arg8[%swap3A_63, %swap3A_64], %add3A_62 {strides = array<i32>} : memref<8x128xf32, #tpu.memory_space<vmem>>, vector<1x128xf32>,
    return
  }
  func.func @transform_0(%arg0: i32) -> (i32, i32, i32) {
    %c0_i32 = arith.constant 0 : i32
    %c0_i32_0 = arith.constant 0 : i32
    %c0_i32_1 = arith.constant 0 : i32
    return %c0_i32, %arg0, %c0_i32_0 : i32, i32, i32
  }
  func.func @transform_1(%arg0: i32) -> (i32, i32, i32) {
    %c0_i32 = arith.constant 0 : i32
    %c0_i32_0 = arith.constant 0 : i32
    %c0_i32_1 = arith.constant 0 : i32
    return %c0_i32, %arg0, %c0_i32_0 : i32, i32, i32
  }
  func.func @transform_2(%arg0: i32) -> (i32, i32) {
    %c0_i32 = arith.constant 0 : i32
    %c0_i32_0 = arith.constant 0 : i32
    return %arg0, %c0_i32 : i32, i32
  }
  func.func @transform_3(%arg0: i32) -> (i32, i32) {
    %c0_i32 = arith.constant 0 : i32
    %c0_i32_0 = arith.constant 0 : i32
    %c0_i32_1 = arith.constant 0 : i32
    return %c0_i32, %c0_i32_0 : i32, i32
  }
  func.func @transform_4(%arg0: i32) -> (i32, i32) {
    %c0_i32 = arith.constant 0 : i32
    %c0_i32_0 = arith.constant 0 : i32
    %c0_i32_1 = arith.constant 0 : i32
    return %c0_i32, %c0_i32_0 : i32, i32
  }
  func.func @transform_5(%arg0: i32) -> (i32, i32) {
    %c0_i32 = arith.constant 0 : i32
    %c0_i32_0 = arith.constant 0 : i32
    %c0_i32_1 = arith.constant 0 : i32
    return %c0_i32, %c0_i32_0 : i32, i32
  }
  func.func @transform_6(%arg0: i32) -> (i32, i32) {
    %c0_i32 = arith.constant 0 : i32
    %c0_i32_0 = arith.constant 0 : i32
    return %arg0, %c0_i32 : i32, i32
  }
  func.func @transform_7(%arg0: i32) -> (i32, i32) {
    %c0_i32 = arith.constant 0 : i32
    %c0_i32_0 = arith.constant 0 : i32
    %c0_i32_1 = arith.constant 0 : i32
    return %c0_i32, %c0_i32_0 : i32, i32
  }
}

module attributes {stable_mosaic.version = 14 : i64} {
  func.func @body(%arg0: i32, %arg1: memref<2000x128xf32, #tpu.memory_space<vmem>>, %arg2: memref<8x128xf32, #tpu.memory_space<vmem>>, %arg3: memref<1x128xf32, #tpu.memory_space<vmem>>, %arg4: memref<1x128xf32, #tpu.memory_space<vmem>>, %arg5: memref<2000x128xf32, #tpu.memory_space<vmem>>) attributes {dimension_semantics = [#tpu.dimension_semantics<arbitrary>], iteration_bounds = array<i64: 5>, scalar_prefetch = 0 : i64, scratch_operands = 0 : i64, tpu.core_type = #tpu.core_type<tc>, window_params = [{transform_indices = @transform_0, window_bounds = array<i64: 2000, 128>}, {pipeline_mode = #tpu.pipeline_mode<synchronous>, transform_indices = @transform_1, window_bounds = array<i64: 8, 128>}, {pipeline_mode = #tpu.pipeline_mode<synchronous>, transform_indices = @transform_2, window_bounds = array<i64: 1, 128>}, {pipeline_mode = #tpu.pipeline_mode<synchronous>, transform_indices = @transform_3, window_bounds = array<i64: 1, 128>}, {transform_indices = @transform_4, window_bounds = array<i64: 2000, 128>}]} {
    %get3A = arith.constant 0 : index
    %get3A_0 = arith.constant 0 : index
    %get3A_1 = vector.load %arg2[%get3A, %get3A_0] : memref<8x128xf32, #tpu.memory_space<vmem>>, vector<1x128xf32>
    %div3A = arith.constant 1.000000e+04 : f32
    %div3A_2 = vector.broadcast %div3A : f32 to vector<1x128xf32>
    %div3A_3 = arith.divf %get3A_1, %div3A_2 : vector<1x128xf32>
    %get3A_4 = arith.constant 1 : index
    %get3A_5 = arith.constant 0 : index
    %get3A_6 = vector.load %arg2[%get3A_4, %get3A_5] : memref<8x128xf32, #tpu.memory_space<vmem>>, vector<1x128xf32>
    %div3A_7 = arith.constant 1.000000e+04 : f32
    %div3A_8 = vector.broadcast %div3A_7 : f32 to vector<1x128xf32>
    %div3A_9 = arith.divf %get3A_6, %div3A_8 : vector<1x128xf32>
    %mul3A = arith.mulf %div3A_3, %div3A_3 : vector<1x128xf32>
    %sub3A = arith.subf %div3A_9, %mul3A : vector<1x128xf32>
    %get3A_10 = arith.constant 0 : index
    %get3A_11 = arith.constant 0 : index
    %get3A_12 = vector.load %arg3[%get3A_10, %get3A_11] : memref<1x128xf32, #tpu.memory_space<vmem>>, vector<1x128xf32>
    %add3A = arith.constant 9.99999974E-6 : f32
    %add3A_13 = vector.broadcast %add3A : f32 to vector<1x128xf32>
    %add3A_14 = arith.addf %sub3A, %add3A_13 : vector<1x128xf32>
    %rsqrt3A = math.rsqrt %add3A_14 : vector<1x128xf32>
    %mul3A_15 = arith.mulf %get3A_12, %rsqrt3A : vector<1x128xf32>
    %get3A_16 = arith.constant 0 : index
    %get3A_17 = arith.constant 0 : index
    %get3A_18 = vector.load %arg4[%get3A_16, %get3A_17] : memref<1x128xf32, #tpu.memory_space<vmem>>, vector<1x128xf32>
    %mul3A_19 = arith.mulf %div3A_3, %mul3A_15 : vector<1x128xf32>
    %sub3A_20 = arith.subf %get3A_18, %mul3A_19 : vector<1x128xf32>
    %get3A_21 = arith.constant 0 : index
    %get3A_22 = arith.constant 0 : index
    %get3A_23 = vector.load %arg1[%get3A_21, %get3A_22] : memref<2000x128xf32, #tpu.memory_space<vmem>>, vector<2000x128xf32>
    %mul3A_24 = vector.broadcast %mul3A_15 : vector<1x128xf32> to vector<2000x128xf32>
    %mul3A_25 = arith.mulf %get3A_23, %mul3A_24 : vector<2000x128xf32>
    %add3A_26 = vector.broadcast %sub3A_20 : vector<1x128xf32> to vector<2000x128xf32>
    %add3A_27 = arith.addf %mul3A_25, %add3A_26 : vector<2000x128xf32>
    %max3A = arith.constant 0.000000e+00 : f32
    %max3A_28 = vector.broadcast %max3A : f32 to vector<2000x128xf32>
    %max3A_29 = arith.maximumf %add3A_27, %max3A_28 : vector<2000x128xf32>
    %swap3A = arith.constant 0 : index
    %swap3A_30 = arith.constant 0 : index
    %swap3A_31 = vector.load %arg5[%swap3A, %swap3A_30] : memref<2000x128xf32, #tpu.memory_space<vmem>>, vector<2000x128xf32>
    tpu.vector_store %arg5[%swap3A, %swap3A_30], %max3A_29 {strides = array<i32>} : memref<2000x128xf32, #tpu.memory_space<vmem>>, vector<2000x128xf32>,
    return
  }
  func.func @transform_0(%arg0: i32) -> (i32, i32) {
    %c0_i32 = arith.constant 0 : i32
    %c0_i32_0 = arith.constant 0 : i32
    return %arg0, %c0_i32 : i32, i32
  }
  func.func @transform_1(%arg0: i32) -> (i32, i32) {
    %c0_i32 = arith.constant 0 : i32
    %c0_i32_0 = arith.constant 0 : i32
    %c0_i32_1 = arith.constant 0 : i32
    return %c0_i32, %c0_i32_0 : i32, i32
  }
  func.func @transform_2(%arg0: i32) -> (i32, i32) {
    %c0_i32 = arith.constant 0 : i32
    %c0_i32_0 = arith.constant 0 : i32
    %c0_i32_1 = arith.constant 0 : i32
    return %c0_i32, %c0_i32_0 : i32, i32
  }
  func.func @transform_3(%arg0: i32) -> (i32, i32) {
    %c0_i32 = arith.constant 0 : i32
    %c0_i32_0 = arith.constant 0 : i32
    %c0_i32_1 = arith.constant 0 : i32
    return %c0_i32, %c0_i32_0 : i32, i32
  }
  func.func @transform_4(%arg0: i32) -> (i32, i32) {
    %c0_i32 = arith.constant 0 : i32
    %c0_i32_0 = arith.constant 0 : i32
    return %arg0, %c0_i32 : i32, i32
  }
}

module attributes {stable_mosaic.version = 14 : i64} {
  func.func @body(%arg0: i32, %arg1: memref<2x2000x128xf32, #tpu.memory_space<vmem>>, %arg2: memref<2x2000x128xf32, #tpu.memory_space<vmem>>, %arg3: memref<2000x128xf32, #tpu.memory_space<vmem>>, %arg4: memref<128x128xf32, #tpu.memory_space<vmem>>, %arg5: memref<1x128xf32, #tpu.memory_space<vmem>>, %arg6: memref<128x128xf32, #tpu.memory_space<vmem>>, %arg7: memref<2000x128xf32, #tpu.memory_space<vmem>>) attributes {dimension_semantics = [#tpu.dimension_semantics<arbitrary>], iteration_bounds = array<i64: 5>, scalar_prefetch = 0 : i64, scratch_operands = 0 : i64, tpu.core_type = #tpu.core_type<tc>, window_params = [{transform_indices = @transform_0, window_bounds = array<i64: 2, 2000, 128>}, {transform_indices = @transform_1, window_bounds = array<i64: 2, 2000, 128>}, {transform_indices = @transform_2, window_bounds = array<i64: 2000, 128>}, {pipeline_mode = #tpu.pipeline_mode<synchronous>, transform_indices = @transform_3, window_bounds = array<i64: 128, 128>}, {pipeline_mode = #tpu.pipeline_mode<synchronous>, transform_indices = @transform_4, window_bounds = array<i64: 1, 128>}, {pipeline_mode = #tpu.pipeline_mode<synchronous>, transform_indices = @transform_5, window_bounds = array<i64: 128, 128>}, {transform_indices = @transform_6, window_bounds = array<i64: 2000, 128>}]} {
    %get3A = arith.constant 0 : index
    %get3A_0 = arith.constant 0 : index
    %get3A_1 = arith.constant 0 : index
    %get3A_2 = vector.load %arg1[%get3A, %get3A_0, %get3A_1] : memref<2x2000x128xf32, #tpu.memory_space<vmem>>, vector<1x2000x128xf32>
    %get3A_3 = vector.shape_cast %get3A_2 : vector<1x2000x128xf32> to vector<2000x128xf32>
    %get3A_4 = arith.constant 1 : index
    %get3A_5 = arith.constant 0 : index
    %get3A_6 = arith.constant 0 : index
    %get3A_7 = vector.load %arg1[%get3A_4, %get3A_5, %get3A_6] : memref<2x2000x128xf32, #tpu.memory_space<vmem>>, vector<1x2000x128xf32>
    %get3A_8 = vector.shape_cast %get3A_7 : vector<1x2000x128xf32> to vector<2000x128xf32>
    %add3A = arith.addf %get3A_3, %get3A_8 : vector<2000x128xf32>
    %get3A_9 = arith.constant 0 : index
    %get3A_10 = arith.constant 0 : index
    %get3A_11 = arith.constant 0 : index
    %get3A_12 = vector.load %arg2[%get3A_9, %get3A_10, %get3A_11] : memref<2x2000x128xf32, #tpu.memory_space<vmem>>, vector<1x2000x1xf32>
    %get3A_13 = vector.shape_cast %get3A_12 : vector<1x2000x1xf32> to vector<2000x1xf32>
    %get3A_14 = arith.constant 1 : index
    %get3A_15 = arith.constant 0 : index
    %get3A_16 = arith.constant 0 : index
    %get3A_17 = vector.load %arg2[%get3A_14, %get3A_15, %get3A_16] : memref<2x2000x128xf32, #tpu.memory_space<vmem>>, vector<1x2000x1xf32>
    %get3A_18 = vector.shape_cast %get3A_17 : vector<1x2000x1xf32> to vector<2000x1xf32>
    %add3A_19 = arith.addf %get3A_13, %get3A_18 : vector<2000x1xf32>
    %max3A = arith.constant 1.000000e+00 : f32
    %max3A_20 = vector.broadcast %max3A : f32 to vector<2000x1xf32>
    %max3A_21 = arith.maximumf %add3A_19, %max3A_20 : vector<2000x1xf32>
    %div3A = arith.constant 1.000000e+00 : f32
    %div3A_22 = vector.broadcast %div3A : f32 to vector<2000x1xf32>
    %div3A_23 = arith.divf %div3A_22, %max3A_21 : vector<2000x1xf32>
    %mul3A = vector.broadcast %div3A_23 : vector<2000x1xf32> to vector<2000x128xf32>
    %mul3A_24 = arith.mulf %add3A, %mul3A : vector<2000x128xf32>
    %get3A_25 = arith.constant 0 : index
    %get3A_26 = arith.constant 0 : index
    %get3A_27 = vector.load %arg4[%get3A_25, %get3A_26] : memref<128x128xf32, #tpu.memory_space<vmem>>, vector<128x128xf32>
    %dot_general3A = arith.constant dense<0.000000e+00> : vector<2000x128xf32>
    %dot_general3A_28 = tpu.matmul %mul3A_24, %get3A_27, %dot_general3A {dimension_numbers = #tpu.dot_dimension_numbers<[1], [0], [0], [1], [0, 0, 1, 1], [], []>, transpose_lhs_hint = false} : vector<2000x128xf32>, vector<128x128xf32>, vector<2000x128xf32> -> vector<2000x128xf32>
    %get3A_29 = arith.constant 0 : index
    %get3A_30 = arith.constant 0 : index
    %get3A_31 = vector.load %arg5[%get3A_29, %get3A_30] : memref<1x128xf32, #tpu.memory_space<vmem>>, vector<1x128xf32>
    %add3A_32 = vector.broadcast %get3A_31 : vector<1x128xf32> to vector<2000x128xf32>
    %add3A_33 = arith.addf %dot_general3A_28, %add3A_32 : vector<2000x128xf32>
    %get3A_34 = arith.constant 0 : index
    %get3A_35 = arith.constant 0 : index
    %get3A_36 = vector.load %arg3[%get3A_34, %get3A_35] : memref<2000x128xf32, #tpu.memory_space<vmem>>, vector<2000x128xf32>
    %get3A_37 = arith.constant 0 : index
    %get3A_38 = arith.constant 0 : index
    %get3A_39 = vector.load %arg6[%get3A_37, %get3A_38] : memref<128x128xf32, #tpu.memory_space<vmem>>, vector<128x128xf32>
    %dot_general3A_40 = arith.constant dense<0.000000e+00> : vector<2000x128xf32>
    %dot_general3A_41 = tpu.matmul %get3A_36, %get3A_39, %dot_general3A_40 {dimension_numbers = #tpu.dot_dimension_numbers<[1], [0], [0], [1], [0, 0, 1, 1], [], []>, transpose_lhs_hint = false} : vector<2000x128xf32>, vector<128x128xf32>, vector<2000x128xf32> -> vector<2000x128xf32>
    %add3A_42 = arith.addf %add3A_33, %dot_general3A_41 : vector<2000x128xf32>
    %swap3A = arith.constant 0 : index
    %swap3A_43 = arith.constant 0 : index
    %swap3A_44 = vector.load %arg7[%swap3A, %swap3A_43] : memref<2000x128xf32, #tpu.memory_space<vmem>>, vector<2000x128xf32>
    tpu.vector_store %arg7[%swap3A, %swap3A_43], %add3A_42 {strides = array<i32>} : memref<2000x128xf32, #tpu.memory_space<vmem>>, vector<2000x128xf32>,
    return
  }
  func.func @transform_0(%arg0: i32) -> (i32, i32, i32) {
    %c0_i32 = arith.constant 0 : i32
    %c0_i32_0 = arith.constant 0 : i32
    %c0_i32_1 = arith.constant 0 : i32
    return %c0_i32, %arg0, %c0_i32_0 : i32, i32, i32
  }
  func.func @transform_1(%arg0: i32) -> (i32, i32, i32) {
    %c0_i32 = arith.constant 0 : i32
    %c0_i32_0 = arith.constant 0 : i32
    %c0_i32_1 = arith.constant 0 : i32
    return %c0_i32, %arg0, %c0_i32_0 : i32, i32, i32
  }
  func.func @transform_2(%arg0: i32) -> (i32, i32) {
    %c0_i32 = arith.constant 0 : i32
    %c0_i32_0 = arith.constant 0 : i32
    return %arg0, %c0_i32 : i32, i32
  }
  func.func @transform_3(%arg0: i32) -> (i32, i32) {
    %c0_i32 = arith.constant 0 : i32
    %c0_i32_0 = arith.constant 0 : i32
    %c0_i32_1 = arith.constant 0 : i32
    return %c0_i32, %c0_i32_0 : i32, i32
  }
  func.func @transform_4(%arg0: i32) -> (i32, i32) {
    %c0_i32 = arith.constant 0 : i32
    %c0_i32_0 = arith.constant 0 : i32
    %c0_i32_1 = arith.constant 0 : i32
    return %c0_i32, %c0_i32_0 : i32, i32
  }
  func.func @transform_5(%arg0: i32) -> (i32, i32) {
    %c0_i32 = arith.constant 0 : i32
    %c0_i32_0 = arith.constant 0 : i32
    %c0_i32_1 = arith.constant 0 : i32
    return %c0_i32, %c0_i32_0 : i32, i32
  }
  func.func @transform_6(%arg0: i32) -> (i32, i32) {
    %c0_i32 = arith.constant 0 : i32
    %c0_i32_0 = arith.constant 0 : i32
    return %arg0, %c0_i32 : i32, i32
  }
}

</mosaic_0001>

<sc_bundles>
// kernel: kernel.11.cloned.1.call-start
scs
__scs_entry_jumppad:
0x0: {  	(pc) =	sbr.rel $0x88, $3  }
0x1: {  	(tag) =	ssettag $0x0;
	lr =	simm.s32 $0x1  }
0x2: {  	[smem:$0x3F92] =	sst lr;
	_ =	strace $0xD0000000  }
0x3: {  	_ = 	snop  }
0x4: {  	_ = 	snop  }
0x5: {  	_ = 	snop  }
0x6: {  	_ = 	snop  }
0x7: {  	_ = 	snop  }
__scs_overlays_trampoline_lowered:
0x8: {  	[smem:$0x3FA1] =	sst s0  }
0x9: {  	[smem:$0x3FA2] =	sst s1  }
0xa: {  	[smem:$0x3FA3] =	sst s2  }
0xb: {  	[smem:$0x3FA4] =	sst s3  }
0xc: {  	[smem:$0x3FA5] =	sst s4  }
0xd: {  	[smem:$0x3FA6] =	sst s5  }
0xe: {  	[smem:$0x3FA7] =	sst s6  }
0xf: {  	[smem:$0x3FA8] =	sst s7  }
0x10: {  	[smem:$0x3FA9] =	sst s8  }
0x11: {  	[smem:$0x3FAA] =	sst s9;
	s0 =	simm.s32 @!p0 $0x0  }
0x12: {  	s1 =	sld [smem:$0x3F90];
	s0 =	simm.s32 @p0 $0x1  }
0x13: {  	[smem:$0x3FAB] =	sst s0;
	s0 =	simm.s32 @!p1 $0x0  }
0x14: {  	s2 =	sld [smem:$0x3F8F];
	s0 =	simm.s32 @p1 $0x1  }
0x15: {  	[smem:$0x3FAC] =	sst s0;
	s0 =	simm.s32 @!p2 $0x0  }
0x16: {  	s3 =	sld [smem:$0x3FDB];
	s0 =	simm.s32 @p2 $0x1  }
0x17: {  	s4 =	simm.s32 $0x1BF5;
	[smem:$0x3FAE] =	sst s0  }
0x18: {  	s0 =	sld [smem:$0x3F91];
	_ =	swait.ge [sflag:s4], $0x0  }
0x19: {  	s7 =	sld [smem:$0x3F92]  }
0x1a: {  	s8 =	sadd.s32 $0xFFFFE003, lr  }
0x1b: {  	s9 =	sadd.s32 $0xFFFFFEF7, lr;
	s5 =	simm.s32 $0xFFFFFFFF;
	p2 =	slt.u32 s8, $0xFFFFF086  }
0x1c: {  	p1 =	slt.u32 s9, $0xF7A;
	s5 =	simm.s32 @!p2 $0x0  }
0x1d: {  	s5 =	simm.s32 @p1 $0x1;
	p0 =	seq.s32 s7, s2  }
0x1e: {  	s7 =	smul.u32 @!p0 $0xF7A, s2;
	p2 =	seq.s32 @!p0 s5, $0x0  }
0x1f: {  	s9 =	smul.u32 $0xF7A, s1;
	s8 =	simm.s32 @!p0 $0x1BF5;
	p2 =	por !p2, p0  }
0x20: {  	[sflag:s8] =	ssyncset.s32 @!p0 $0xFFFFF086;
	s6 =	sadd.s32 @!p0 s3, s7;
	s7 =	simm.s32 @!p0 $0x108  }
0x21: {  	s3 =	sadd.s32 s3, s9;
	s6 =	sadd.s32 @!p0 $0x88, s6;
	s7 =	simm.s32 @p2 $0x1082  }
0x22: {  	[simem:s7], [sflag:s8] =	dma.local @!p0 [hbm:s6], $0xF7A  }
0x23: {  	s9 =	sor.u32 $0xD0000000, s2;
	s6 =	simm.s32 $0x108;
	_ =	swait.ge @!p0 [sflag:s8], $0x0  }
0x24: {  	s3 =	sadd.s32 $0x88, s3;
	s6 =	simm.s32 @!p1 $0x1082;
	[sflag:s4] =	ssyncset.s32 $0xFFFFF086  }
0x25: {  	[simem:s6], [sflag:s4] =	dma.local [hbm:s3], $0xF7A  }
0x26: {  	[smem:$0x3F92] =	sst s1;
	(tag) =	ssettag s2;
	_ =	strace s9  }
0x27: {  	s1 =	sld [smem:$0x3FA2]  }
0x28: {  	s2 =	sld [smem:$0x3FA3]  }
0x29: {  	s4 =	sld [smem:$0x3FA5]  }
0x2a: {  	p0 =	seq.s32 s5, $0x0;
	s5 =	sld [smem:$0x3FA6]  }
0x2b: {  	s6 =	sld [smem:$0x3FA7]  }
0x2c: {  	s7 =	sld [smem:$0x3FA8]  }
0x2d: {  	s3 =	simm.s32 $0x108;
	s8 =	sld [smem:$0x3FA9]  }
0x2e: {  	s3 =	simm.s32 @!p0 $0x1082;
	s9 =	sld [smem:$0x3FAA]  }
0x2f: {  	lr =	sadd.s32 s0, s3;
	s0 =	sld [smem:$0x3FA1]  }
0x30: {  	s3 =	sld [smem:$0x3FA4]  }
0x31: {  	[smem:$0x3FAD] =	sst s10  }
0x32: {  	s10 =	sld [smem:$0x3FAB];
	_ =	sdelay $0x3  }
0x33: {  	p0 =	seq.s32 s10, $0x1;
	s10 =	sld [smem:$0x3FAD];
	_ =	sdelay $0x3  }
0x34: {  	[smem:$0x3FAD] =	sst s10  }
0x35: {  	s10 =	sld [smem:$0x3FAC];
	_ =	sdelay $0x3  }
0x36: {  	p1 =	seq.s32 s10, $0x1;
	s10 =	sld [smem:$0x3FAD];
	_ =	sdelay $0x3  }
0x37: {  	[smem:$0x3FAD] =	sst s10  }
0x38: {  	s10 =	sld [smem:$0x3FAE]  }
0x39: {  	_ = 	snop;
	(pc) =	sbr.ind lr, $3  }
0x3a: {  	_ = 	snop  }
0x3b: {  	_ = 	snop  }
0x3c: {  	p2 =	seq.s32 s10, $0x1;
	s10 =	sld [smem:$0x3FAD]  }
0x3d: {  	_ =	shalt  }
0x3e: {  	_ =	shalt  }
0x3f: {  	_ =	shalt  }
0x40: {  	_ =	shalt  }
0x41: {  	_ =	shalt  }
0x42: {  	_ =	shalt  }
0x43: {  	_ =	shalt  }
0x44: {  	_ =	shalt  }
0x45: {  	_ =	shalt  }
0x46: {  	_ =	shalt  }
0x47: {  	_ =	shalt  }
0x48: {  	_ =	shalt  }
0x49: {  	_ =	shalt  }
0x4a: {  	_ =	shalt  }
0x4b: {  	_ =	shalt  }
0x4c: {  	_ =	shalt  }
0x4d: {  	_ =	shalt  }
0x4e: {  	_ =	shalt  }
0x4f: {  	_ =	shalt  }
0x50: {  	_ =	shalt  }
0x51: {  	_ =	shalt  }
0x52: {  	_ =	shalt  }
0x53: {  	_ =	shalt  }
0x54: {  	_ =	shalt  }
0x55: {  	_ =	shalt  }
0x56: {  	_ =	shalt  }
0x57: {  	_ =	shalt  }
0x58: {  	_ =	shalt  }
0x59: {  	_ =	shalt  }
0x5a: {  	_ =	shalt  }
0x5b: {  	_ =	shalt  }
0x5c: {  	_ =	shalt  }
0x5d: {  	_ =	shalt  }
0x5e: {  	_ =	shalt  }
0x5f: {  	_ =	shalt  }
0x60: {  	_ =	shalt  }
0x61: {  	_ =	shalt  }
0x62: {  	_ =	shalt  }
0x63: {  	_ =	shalt  }
0x64: {  	_ =	shalt  }
0x65: {  	_ =	shalt  }
0x66: {  	_ =	shalt  }
0x67: {  	_ =	shalt  }
0x68: {  	_ =	shalt  }
0x69: {  	_ =	shalt  }
0x6a: {  	_ =	shalt  }
0x6b: {  	_ =	shalt  }
0x6c: {  	_ =	shalt  }
0x6d: {  	_ =	shalt  }
0x6e: {  	_ =	shalt  }
0x6f: {  	_ =	shalt  }
0x70: {  	_ =	shalt  }
0x71: {  	_ =	shalt  }
0x72: {  	_ =	shalt  }
0x73: {  	_ =	shalt  }
0x74: {  	_ =	shalt  }
0x75: {  	_ =	shalt  }
0x76: {  	_ =	shalt  }
0x77: {  	_ =	shalt  }
0x78: {  	_ =	shalt  }
0x79: {  	_ =	shalt  }
0x7a: {  	_ =	shalt  }
0x7b: {  	_ =	shalt  }
0x7c: {  	_ =	shalt  }
0x7d: {  	_ =	shalt  }
0x7e: {  	_ =	shalt  }
0x7f: {  	_ =	shalt  }
0x80: {  	_ =	shalt  }
0x81: {  	_ =	shalt  }
0x82: {  	_ =	shalt  }
0x83: {  	_ =	shalt  }
0x84: {  	_ =	shalt  }
0x85: {  	_ =	shalt  }
0x86: {  	_ =	shalt  }
0x87: {  	_ =	shalt  }
.Lfunc_end0:
.L_simem_size_0:
called_computation.1_lowered:
.L_overlay_start_0:
0x88: {  	s2 =	sld [smem:$0x3FD9]  }
0x89: {  	s3 =	sld [smem:$0x3FFE];
	_ =	sdelay $0x1  }
0x8a: {  	s1 =	srdreg.scid  }
0x8b: {  	s0 =	sand.u32 $0x1, s1  }
0x8c: {  	s17 =	sshll.u32 s0, $0xA;
	s2 =	sadd.s32 s3, s2  }
0x8d: {  	s2 =	sadd.s32 s2, s17  }
0x8e: {  	[smem:$0x3FB9] =	sst s2  }
0x8f: {  	_ = 	snop  }
0x90: {  	s2 =	sld [smem:$0x3FD0];
	(tm) =	ssettm $0x1  }
0x91: {  	s18 =	sld [smem:$0x3FFB];
	_ =	sdelay $0x3  }
0x92: {  	_ =	strace s18  }
0x93: {  	s3 =	sld [smem:$0x3FFC];
	_ =	sdelay $0x3  }
0x94: {  	_ =	strace s3  }
0x95: {  	s3 =	sld [smem:$0x3FFD];
	_ =	sdelay $0x3  }
0x96: {  	_ =	strace s3  }
0x97: {  	_ =	strace $0x8FFFFFFF  }
0x98: {  	s19 =	sld [smem:$0x3FDB];
	_ =	sdelay $0x1  }
0x99: {  	s4 =	simm.s32 $_scs_section_size  }
0x9a: {  	s5 =	simm.s32 $_size__tile_overlayer_lowered;
	s6 =	simm.s32 $_tile_overlayer_lowered  }
0x9b: {  	s22 =	simm.s32 $0x1BFF;
	s21 =	sshll.u32 s6, $0x1;
	s3 =	sadd.s32 s4, s19  }
0x9c: {  	s7 =	simm.s32 $0x0;
	s20 =	sshll.u32 s5, $0x1;
	s5 =	sadd.s32 s21, s3  }
0x9d: {  	[timem:s7], [sflag:s22] =	dma.local [hbm:s5], s20  }
0x9e: {  	_ =	swait.ge [sflag:s22], s20  }
0x9f: {  	s4 =	ssub.s32 $0x0, s20;
	[sflag:s22] =	ssyncset.done $0x0  }
0xa0: {  	[sflag:s22] =	ssyncadd.s32 s4;
	_ =	sdelay $0x1  }
0xa1: {  	s23 =	simm.s32 $0x1B8B  }
0xa2: {  	_ =	swait.ge [sflag:s23], $0x1  }
0xa3: {  	[sflag:s23] =	ssyncset.done $0x0  }
0xa4: {  	s25 =	simm.s32 $0x1B8E;
	s24 =	sld [smem:$0x3FFE];
	[sflag:s23] =	ssyncadd.s32 $0xFFFFFFFF  }
0xa5: {  	s26 =	simm.s32 $execute0_lowered;
	[smem:$0x3FD2] =	sst s25  }
0xa6: {  	s5 =	sshll.u32 s26, $0x1;
	_ =	strace $0x80000049;
	[dreg:$0x1] =	wrdreg $0xFFFFFFFF  }
0xa7: {  	s28 =	simm.s32 $_size_execute0_lowered;
	s3 =	sadd.s32 s3, s5;
	[dreg:$0x0] =	wrdreg $0x0  }
0xa8: {  	s5 =	sshll.u32 s28, $0x1;
	[dreg:$0x2] =	wrdreg s3  }
0xa9: {  	[dreg:$0x3] =	wrdreg s5  }
0xaa: {  	[dreg:$0x4] =	wrdreg $0xC0  }
0xab: {  	_ =	task [dreg:s7], $0x5FFFF  }
0xac: {  	[dreg:$0x1] =	wrdreg $0xFFFFFFFF  }
0xad: {  	[dreg:$0x0] =	wrdreg $0x60  }
0xae: {  	[dreg:$0x2] =	wrdreg s2  }
0xaf: {  	[dreg:$0x3] =	wrdreg s24  }
0xb0: {  	[dreg:$0x4] =	wrdreg $0x74000  }
0xb1: {  	[dreg:$0x5] =	wrdreg $0x9  }
0xb2: {  	_ =	task.clear_ibuf [dreg:s7], $0x6FFFF;
	_ =	strace $0x90000049  }
0xb3: {  	s29 =	simm.s32 $0x9;
	_ =	strace $0x8000004B  }
0xb4: {  	_ =	swait.ge [sflag:s29], $0x1  }
0xb5: {  	[sflag:s29] =	ssyncadd.s32 $0xFFFFFFFF  }
0xb6: {  	_ =	strace $0x9000004B  }
0xb7: {  	_ =	sfence  }
0xb8: {  	s30 =	sld [smem:$0x0];
	_ =	sdelay $0x2  }
0xb9: {  	s31 =	sshll.u32 s1, $0xD;
	s1 =	sshrl.u32 s1, $0x2  }
0xba: {  	s3 =	sand.u32 $0x4000, s31;
	s1 =	sadd.s32 s1, s30  }
0xbb: {  	s0 =	sor.u32 s3, s0;
	s1 =	sshll.u32 s1, $0x11  }
0xbc: {  	s0 =	sor.u32 s1, s0  }
0xbd: {  	s0 =	sadd.s32 $0x8F2B, s0  }
0xbe: {  	[sflag:s0] =	ssyncadd.remote.s32 $0x1  }
0xbf: {  	_ =	sfence.sel $0xFFFF  }
0xc0: {  	[dreg:$0x0] =	wrdreg $0xFFFFFFFF;
	(pc) =	sbr.abs _section_cstart, $3  }
0xc1: {  	[dreg:$0x1] =	wrdreg $0xFFFFFFFF  }
0xc2: {  	_ =	task.clear_ibuf [dreg:s7], $0x2FFFF;
	_ =	strace $0x9FFFFFFF  }
0xc3: {  	(tm) =	ssettm $0x7FFFFFFF  }
tec
execute0_lowered:
.L_overlay_start_1:
0x0: {  	(tag) =	ssettag $0x1  }
0x1: {  	s1 =	rddreg [dreg:$0x0]  }
0x2: {  	s0 =	rddreg [dreg:$0x1]  }
0x3: {  	s2 =	rddreg [dreg:$0x2];
	s3 =	simm.s32 $0x0;
	s4 =	srdreg.scid  }
0x4: {  	s13 =	stileid.u32;
	[smem:$0x7FF] =	sst s3  }
0x5: {  	s5 =	sadd.s32 $0x12E00, s0;
	s4 =	sand.u32 $0x1, s4;
	s9 =	smul.u32 $0x50000, s13  }
0x6: {  	s6 =	sadd.s32 $0x2E00, s0;
	s10 =	sshll.u32 s13, $0xE;
	s7 =	sshll.u32 s4, $0x12  }
0x7: {  	_ =	strace $0x8000004A;
	s7 =	sor.u32 s10, s7;
	s22 =	sshrl.u32 s9, $0x2  }
0x8: {  	s8 =	ssub.s32 $0x2, s4;
	s23 =	sshrl.u32 s7, $0x3;
	s22 =	sadd.s32 s22, s2  }
0x9: {  	s11 =	sshrl.u32 s8, $0x1;
	s24 =	sadd.s32 s5, s23;
	[dreg:$0x4] =	wrdreg s22  }
0xa: {  	s21 =	ssub.s32 s8, s11;
	s26 =	sadd.s32 s6, s23;
	[dreg:$0x5] =	wrdreg s24  }
0xb: {  	s20 =	smax.u32 s21, $0x1;
	[dreg:$0x6] =	wrdreg s26  }
0xc: {  	s21 =	sadd.s32 $0x2000, s22;
	[dreg:$0xe] =	wrdreg s20  }
0xd: {  	s8 =	sadd.s32 $0x6000, s22;
	[dreg:$0xf] =	wrdreg s21  }
0xe: {  	s17 =	smul.u32 $0x14000, s13;
	s10 =	sadd.s32 $0x8000, s22;
	[dreg:$0x13] =	wrdreg s8  }
0xf: {  	s4 =	smul.u32 $0x140000, s4;
	s11 =	sadd.s32 $0x9000, s22;
	[dreg:$0x15] =	wrdreg s10  }
0x10: {  	s28 =	simm.s32 $0x2C00;
	s13 =	sadd.s32 $0xB000, s22;
	[dreg:$0x16] =	wrdreg s11  }
0x11: {  	s4 =	sadd.s32 s17, s4;
	s17 =	sadd.s32 $0xF000, s22;
	[dreg:$0x18] =	wrdreg s13  }
0x12: {  	s25 =	sor.u32 $0x10, s23;
	s31 =	sadd.s32 $0x1000, s22;
	[dreg:$0x1c] =	wrdreg s17  }
0x13: {  	s29 =	simm.s32 $0x100;
	s12 =	sadd.s32 s5, s25;
	[dreg:$0xd] =	wrdreg s31  }
0x14: {  	s9 =	sor.u32 $0x30, s23;
	s14 =	sadd.s32 s6, s25;
	[dreg:$0x7] =	wrdreg s12  }
0x15: {  	s30 =	simm.s32 $0x300;
	s18 =	sadd.s32 s5, s9;
	[dreg:$0x8] =	wrdreg s14  }
0x16: {  	s0 =	sadd.s32 $0x22E00, s0;
	s19 =	sadd.s32 s6, s9;
	[dreg:$0xb] =	wrdreg s18  }
0x17: {  	s24 =	sadd.s32 $0x4000, s22;
	s25 =	sor.u32 $0x1000, s4;
	[dreg:$0xc] =	wrdreg s19  }
0x18: {  	s26 =	sadd.s32 $0x5000, s22;
	s4 =	sshrl.u32 s4, $0x3;
	[dreg:$0x11] =	wrdreg s24  }
0x19: {  	s20 =	sadd.s32 $0x12000, s22;
	s21 =	sadd.s32 $0x13000, s22;
	[dreg:$0x12] =	wrdreg s26  }
0x1a: {  	s10 =	simm.s32 $0x3;
	s11 =	simm.s32 $0x2;
	[dreg:$0x1f] =	wrdreg s20  }
0x1b: {  	s12 =	sor.u32 $0x20, s23;
	s23 =	sadd.s32 $0x3000, s22;
	[smem:$0x7FB] =	sst s21  }
0x1c: {  	s13 =	simm.s32 $0x0;
	s14 =	sadd.s32 $0xC000, s22;
	[dreg:$0x10] =	wrdreg s23  }
0x1d: {  	s9 =	sshrl.u32 s25, $0x3;
	s18 =	sadd.s32 $0x10000, s22;
	[dreg:$0x19] =	wrdreg s14  }
0x1e: {  	s19 =	sadd.s32 $0x11000, s22;
	s21 =	simm.s32 $0x200;
	[dreg:$0x1d] =	wrdreg s18  }
0x1f: {  	s15 =	sadd.s32 s5, s12;
	s16 =	sadd.s32 s6, s12;
	[dreg:$0x1e] =	wrdreg s19  }
0x20: {  	s23 =	sadd.s32 s4, s0;
	s24 =	sadd.s32 s9, s0;
	[dreg:$0x9] =	wrdreg s15  }
0x21: {  	s9 =	sadd.s32 $0x7000, s22;
	s12 =	sadd.s32 $0xA000, s22;
	[dreg:$0xa] =	wrdreg s16  }
0x22: {  	s18 =	simm.s32 $0x5400;
	s19 =	simm.s32 $0x5;
	[dreg:$0x14] =	wrdreg s9  }
0x23: {  	s0 =	simm.s32 $0x4;
	[dreg:$0x17] =	wrdreg s12;
	s15 =	sadd.s32 $0xD000, s22  }
0x24: {  	s4 =	simm.s32 $0x1;
	s16 =	sadd.s32 $0xE000, s22;
	[dreg:$0x1a] =	wrdreg s15  }
0x25: {  	s25 =	sadd.s32 $0x2400, s23;
	s26 =	sadd.s32 $0x2600, s23;
	[dreg:$0x1b] =	wrdreg s16  }
0x26: {  	s9 =	simm.s32 $0x6400;
	s12 =	simm.s32 $0x380;
	[smem:$0x7FC] =	sst s25  }
0x27: {  	v0 =	vimm.f32 $0.0e+00;
	[smem:$0x7FD] =	sst s26;
	s25 =	simm.s32 $0x50;
	s26 =	simm.s32 $0x400  }
.LBB2_1:
0x28: {  	s14 =	sand.u32 $0x3E00, s3  }
0x29: {  	[smem:$0x7FA] =	sst s13;
	s15 =	sand.u32 $0x70, s3;
	s20 =	sshrl.u32 s14, $0x2  }
0x2a: {  	s14 =	simm.s32 $0x40;
	s20 =	sor.u32 s15, s20;
	s15 =	simm.s32 $0x0  }
.LBB2_2:
0x2b: {  	p0 =	sne.s32 s14, $0x3FC0  }
0x2c: {  	[tilespmem:s20+$0x5400] =	vst v0;
	s15 =	sadd.s32 $0x10, s15;
	s20 =	smov.u32 s14;
	s14 =	sadd.s32 $0x40, s14  }
.Ltmp0:
0x2d: {  	(pc) =	sbr.rel @p0 .LBB2_2-.Ltmp0, $4  }
0x2e: {  	_ = 	snop  }
0x2f: {  	s20 =	sand.u32 $0x3E00, s20  }
0x30: {  	s17 =	sand.u32 $0x70, s15;
	s20 =	sshrl.u32 s20, $0x2  }
0x31: {  	s20 =	sor.u32 s17, s20  }
0x32: {  	[tilespmem:s20+$0x5400] =	vst v0  }
0x33: {  	[spmem:s22] =	stream.linear.scatter [tilespmem:s18], [sflag:$0x4], $0x1000, $0x38;
	[tilespmem:$0x1B400] =	vst v63  }
0x34: {  	s8 =	rddreg [dreg:$0xf]  }
0x35: {  	[spmem:s31] =	stream.linear.scatter [tilespmem:s18], [sflag:$0x4], $0x1000, $0x38;
	[tilespmem:$0x1B400] =	vst v63  }
0x36: {  	s16 =	rddreg [dreg:$0x10]  }
0x37: {  	[spmem:s8] =	stream.linear.scatter [tilespmem:s18], [sflag:$0x4], $0x1000, $0x38;
	[tilespmem:$0x1B400] =	vst v63  }
0x38: {  	s17 =	rddreg [dreg:$0x11]  }
0x39: {  	[spmem:s16] =	stream.linear.scatter [tilespmem:s18], [sflag:$0x4], $0x1000, $0x38;
	[tilespmem:$0x1B400] =	vst v63  }
0x3a: {  	s20 =	rddreg [dreg:$0x12]  }
0x3b: {  	[spmem:s17] =	stream.linear.scatter [tilespmem:s18], [sflag:$0x4], $0x1000, $0x38;
	[tilespmem:$0x1B400] =	vst v63  }
0x3c: {  	s13 =	rddreg [dreg:$0x15]  }
0x3d: {  	[spmem:s20] =	stream.linear.scatter [tilespmem:s18], [sflag:$0x4], $0x1000, $0x38;
	[tilespmem:$0x1B400] =	vst v63  }
0x3e: {  	s22 =	rddreg [dreg:$0x13]  }
0x3f: {  	[spmem:s22] =	stream.linear.scatter [tilespmem:s18], [sflag:$0x4], $0x1000, $0x38;
	[tilespmem:$0x1B400] =	vst v63  }
0x40: {  	s31 =	rddreg [dreg:$0x14]  }
0x41: {  	[spmem:s31] =	stream.linear.scatter [tilespmem:s18], [sflag:$0x4], $0x1000, $0x38;
	[tilespmem:$0x1B400] =	vst v63  }
0x42: {  	s14 =	rddreg [dreg:$0x16]  }
0x43: {  	[spmem:s13] =	stream.linear.scatter [tilespmem:s18], [sflag:$0x4], $0x1000, $0x38;
	[tilespmem:$0x1B400] =	vst v63  }
0x44: {  	s15 =	rddreg [dreg:$0x17]  }
0x45: {  	[spmem:s14] =	stream.linear.scatter [tilespmem:s18], [sflag:$0x4], $0x1000, $0x38;
	[tilespmem:$0x1B400] =	vst v63  }
0x46: {  	s16 =	rddreg [dreg:$0x18]  }
0x47: {  	[spmem:s15] =	stream.linear.scatter [tilespmem:s18], [sflag:$0x4], $0x1000, $0x38;
	[tilespmem:$0x1B400] =	vst v63  }
0x48: {  	s17 =	rddreg [dreg:$0x19]  }
0x49: {  	[spmem:s16] =	stream.linear.scatter [tilespmem:s18], [sflag:$0x4], $0x1000, $0x38;
	[tilespmem:$0x1B400] =	vst v63  }
0x4a: {  	s20 =	rddreg [dreg:$0x1a]  }
0x4b: {  	[spmem:s17] =	stream.linear.scatter [tilespmem:s18], [sflag:$0x4], $0x1000, $0x38;
	[tilespmem:$0x1B400] =	vst v63  }
0x4c: {  	s22 =	rddreg [dreg:$0x1b]  }
0x4d: {  	[spmem:s20] =	stream.linear.scatter [tilespmem:s18], [sflag:$0x4], $0x1000, $0x38;
	[tilespmem:$0x1B400] =	vst v63  }
0x4e: {  	s31 =	rddreg [dreg:$0x1c]  }
0x4f: {  	[spmem:s22] =	stream.linear.scatter [tilespmem:s18], [sflag:$0x4], $0x1000, $0x38;
	[tilespmem:$0x1B400] =	vst v63  }
0x50: {  	s13 =	rddreg [dreg:$0x1d]  }
0x51: {  	[spmem:s31] =	stream.linear.scatter [tilespmem:s18], [sflag:$0x4], $0x1000, $0x38;
	[tilespmem:$0x1B400] =	vst v63  }
0x52: {  	s14 =	rddreg [dreg:$0x1e]  }
0x53: {  	[spmem:s13] =	stream.linear.scatter [tilespmem:s18], [sflag:$0x4], $0x1000, $0x38;
	[tilespmem:$0x1B400] =	vst v63  }
0x54: {  	s15 =	rddreg [dreg:$0x1f]  }
0x55: {  	[spmem:s14] =	stream.linear.scatter [tilespmem:s18], [sflag:$0x4], $0x1000, $0x38;
	[tilespmem:$0x1B400] =	vst v63  }
0x56: {  	s16 =	sld [smem:$0x7FB]  }
0x57: {  	[spmem:s15] =	stream.linear.scatter [tilespmem:s18], [sflag:$0x4], $0x1000, $0x38;
	[tilespmem:$0x1B400] =	vst v63  }
0x58: {  	_ = 	snop  }
0x59: {  	[spmem:s16] =	stream.linear.scatter [tilespmem:s18], [sflag:$0x4], $0x1000, $0x38;
	[tilespmem:$0x1B400] =	vst v63  }
0x5a: {  	s17 =	rddreg [dreg:$0x5];
	s14 =	simm.s32 $0x0  }
0x5b: {  	[tilespmem:s14], [sflag:$0x5] =	stream.linear.gather [hbm4b:s17+s14], $0x80, $0x38;
	[tilespmem:$0x1B400] =	vst v63  }
0x5c: {  	_ =	swait.ge [sflag:s19], $0x80  }
0x5d: {  	[sflag:s19] =	ssyncset.done $0x0  }
0x5e: {  	s20 =	rddreg [dreg:$0x6];
	[sflag:s19] =	ssyncadd.s32 $0xFFFFFF80  }
0x5f: {  	[tilespmem:s21], [sflag:$0x5] =	stream.linear.gather [hbm4b:s20+s14], $0x80, $0x38;
	[tilespmem:$0x1B400] =	vst v63  }
0x60: {  	_ =	swait.ge [sflag:s19], $0x80  }
0x61: {  	[sflag:s19] =	ssyncset.done $0x0  }
0x62: {  	s15 =	simm.s32 $0x80;
	s22 =	rddreg [dreg:$0x7];
	[sflag:s19] =	ssyncadd.s32 $0xFFFFFF80  }
0x63: {  	[tilespmem:s15], [sflag:$0x5] =	stream.linear.gather [hbm4b:s22+s14], $0x80, $0x38;
	[tilespmem:$0x1B400] =	vst v63  }
0x64: {  	_ =	swait.ge [sflag:s19], $0x80  }
0x65: {  	[sflag:s19] =	ssyncset.done $0x0  }
0x66: {  	s13 =	simm.s32 $0x280;
	s31 =	rddreg [dreg:$0x8];
	[sflag:s19] =	ssyncadd.s32 $0xFFFFFF80  }
0x67: {  	[tilespmem:s13], [sflag:$0x5] =	stream.linear.gather [hbm4b:s31+s14], $0x80, $0x38;
	[tilespmem:$0x1B400] =	vst v63  }
0x68: {  	_ =	swait.ge [sflag:s19], $0x80  }
0x69: {  	[sflag:s19] =	ssyncset.done $0x0  }
0x6a: {  	[sflag:s19] =	ssyncadd.s32 $0xFFFFFF80  }
0x6b: {  	[tilespmem:s26], [sflag:$0x1] =	stream.indirect.gather [hbm4b:s1+s25], $0x80, s14, s25, $0xb8;
	[tilespmem:$0x1B400] =	vst v63  }
0x6c: {  	_ = 	snop  }
0x6d: {  	[tilespmem:s28], [sflag:$0x1] =	stream.indirect.gather [hbm4b:s1+s25], $0x80, s15, s25, $0xb8;
	[tilespmem:$0x1B400] =	vst v63  }
0x6e: {  	s16 =	rddreg [dreg:$0x9]  }
0x6f: {  	[tilespmem:s29], [sflag:$0x2] =	stream.linear.gather [hbm4b:s16+s14], $0x80, $0x38;
	[tilespmem:$0x1B400] =	vst v63  }
0x70: {  	s17 =	rddreg [dreg:$0xa]  }
0x71: {  	[tilespmem:s30], [sflag:$0x2] =	stream.linear.gather [hbm4b:s17+s14], $0x80, $0x38;
	[tilespmem:$0x1B400] =	vst v63  }
0x72: {  	s22 =	simm.s32 $0x180;
	s20 =	rddreg [dreg:$0xb]  }
0x73: {  	[tilespmem:s22], [sflag:$0x2] =	stream.linear.gather [hbm4b:s20+s14], $0x80, $0x38;
	[tilespmem:$0x1B400] =	vst v63  }
0x74: {  	s31 =	rddreg [dreg:$0xc];
	s15 =	simm.s32 $0x380  }
0x75: {  	[tilespmem:s15], [sflag:$0x2] =	stream.linear.gather [hbm4b:s31+s14], $0x80, $0x38;
	[tilespmem:$0x1B400] =	vst v63  }
0x76: {  	_ =	swait.ge [sflag:s0], $0x1000  }
0x77: {  	[sflag:s0] =	ssyncset.done $0x0  }
0x78: {  	[sflag:s0] =	ssyncadd.s32 $0xFFFFF000  }
0x79: {  	_ =	swait.ge [sflag:s0], $0x1000  }
0x7a: {  	[sflag:s0] =	ssyncset.done $0x0  }
0x7b: {  	[sflag:s0] =	ssyncadd.s32 $0xFFFFF000  }
0x7c: {  	_ =	swait.ge [sflag:s0], $0x1000  }
0x7d: {  	[sflag:s0] =	ssyncset.done $0x0  }
0x7e: {  	[sflag:s0] =	ssyncadd.s32 $0xFFFFF000  }
0x7f: {  	_ =	swait.ge [sflag:s0], $0x1000  }
0x80: {  	[sflag:s0] =	ssyncset.done $0x0  }
0x81: {  	[sflag:s0] =	ssyncadd.s32 $0xFFFFF000  }
0x82: {  	_ =	swait.ge [sflag:s0], $0x1000  }
0x83: {  	[sflag:s0] =	ssyncset.done $0x0  }
0x84: {  	[sflag:s0] =	ssyncadd.s32 $0xFFFFF000  }
0x85: {  	_ =	swait.ge [sflag:s0], $0x1000  }
0x86: {  	[sflag:s0] =	ssyncset.done $0x0  }
0x87: {  	[sflag:s0] =	ssyncadd.s32 $0xFFFFF000  }
0x88: {  	_ =	swait.ge [sflag:s0], $0x1000  }
0x89: {  	[sflag:s0] =	ssyncset.done $0x0  }
0x8a: {  	[sflag:s0] =	ssyncadd.s32 $0xFFFFF000  }
0x8b: {  	_ =	swait.ge [sflag:s0], $0x1000  }
0x8c: {  	[sflag:s0] =	ssyncset.done $0x0  }
0x8d: {  	[sflag:s0] =	ssyncadd.s32 $0xFFFFF000  }
0x8e: {  	_ =	swait.ge [sflag:s0], $0x1000  }
0x8f: {  	[sflag:s0] =	ssyncset.done $0x0  }
0x90: {  	[sflag:s0] =	ssyncadd.s32 $0xFFFFF000  }
0x91: {  	_ =	swait.ge [sflag:s0], $0x1000  }
0x92: {  	[sflag:s0] =	ssyncset.done $0x0  }
0x93: {  	[sflag:s0] =	ssyncadd.s32 $0xFFFFF000  }
0x94: {  	_ =	swait.ge [sflag:s0], $0x1000  }
0x95: {  	[sflag:s0] =	ssyncset.done $0x0  }
0x96: {  	[sflag:s0] =	ssyncadd.s32 $0xFFFFF000  }
0x97: {  	_ =	swait.ge [sflag:s0], $0x1000  }
0x98: {  	[sflag:s0] =	ssyncset.done $0x0  }
0x99: {  	[sflag:s0] =	ssyncadd.s32 $0xFFFFF000  }
0x9a: {  	_ =	swait.ge [sflag:s0], $0x1000  }
0x9b: {  	[sflag:s0] =	ssyncset.done $0x0  }
0x9c: {  	[sflag:s0] =	ssyncadd.s32 $0xFFFFF000  }
0x9d: {  	_ =	swait.ge [sflag:s0], $0x1000  }
0x9e: {  	[sflag:s0] =	ssyncset.done $0x0  }
0x9f: {  	[sflag:s0] =	ssyncadd.s32 $0xFFFFF000  }
0xa0: {  	_ =	swait.ge [sflag:s0], $0x1000  }
0xa1: {  	[sflag:s0] =	ssyncset.done $0x0  }
0xa2: {  	[sflag:s0] =	ssyncadd.s32 $0xFFFFF000  }
0xa3: {  	_ =	swait.ge [sflag:s0], $0x1000  }
0xa4: {  	[sflag:s0] =	ssyncset.done $0x0  }
0xa5: {  	[sflag:s0] =	ssyncadd.s32 $0xFFFFF000  }
0xa6: {  	_ =	swait.ge [sflag:s0], $0x1000  }
0xa7: {  	[sflag:s0] =	ssyncset.done $0x0  }
0xa8: {  	[sflag:s0] =	ssyncadd.s32 $0xFFFFF000  }
0xa9: {  	_ =	swait.ge [sflag:s0], $0x1000  }
0xaa: {  	[sflag:s0] =	ssyncset.done $0x0  }
0xab: {  	[sflag:s0] =	ssyncadd.s32 $0xFFFFF000  }
0xac: {  	_ =	swait.ge [sflag:s0], $0x1000  }
0xad: {  	[sflag:s0] =	ssyncset.done $0x0  }
0xae: {  	[sflag:s0] =	ssyncadd.s32 $0xFFFFF000  }
.Ltmp1:
0xaf: {  	_ =	swait.ge [sflag:s0], $0x1000;
	(pc) =	sbr.rel .LBB2_4-.Ltmp1, $4  }
0xb0: {  	[sflag:s0] =	ssyncset.done $0x0  }
0xb1: {  	[sflag:s0] =	ssyncadd.s32 $0xFFFFF000  }
0xb2: {  	[bflag:$0x0] =	sbarrier.arrive $0xFFFF  }
0xb3: {  	s13 =	simm.s32 $0x80  }
.LBB2_8:
0xb4: {  	s8 =	sand.u32 $0x7C00, s15  }
0xb5: {  	s16 =	sand.u32 $0x380, s15;
	s8 =	sadd.s32 s7, s8  }
0xb6: {  	s8 =	sor.u32 s16, s8  }
0xb7: {  	s8 =	sshrl.u32 s8, $0x3  }
0xb8: {  	s17 =	simm.s32 $0x180;
	s31 =	sadd.s32 s5, s8  }
0xb9: {  	[tilespmem:s17], [sflag:$0x2] =	stream.linear.gather [hbm4b:s31+s3], $0x80, $0x38;
	[tilespmem:$0x1B400] =	vst v63  }
0xba: {  	s8 =	sadd.s32 s6, s8  }
0xbb: {  	[tilespmem:s12], [sflag:$0x2] =	stream.linear.gather [hbm4b:s8+s3], $0x80, $0x38;
	[tilespmem:$0x1B400] =	vst v63  }
0xbc: {  	_ =	swait.ge [sflag:s11], $0x80  }
0xbd: {  	[sflag:s11] =	ssyncset.done $0x0  }
0xbe: {  	[sflag:s11] =	ssyncadd.s32 $0xFFFFFF80  }
0xbf: {  	_ =	swait.ge [sflag:s11], $0x80  }
0xc0: {  	[sflag:s11] =	ssyncset.done $0x0  }
0xc1: {  	[sflag:s11] =	ssyncadd.s32 $0xFFFFFF80  }
0xc2: {  	[tilespmem:s28], [sflag:$0x1] =	stream.indirect.gather [hbm4b:s1+s25], $0x80, s13, s25, $0xb8;
	[tilespmem:$0x1B400] =	vst v63  }
.LBB2_9:
0xc3: {  	s15 =	sadd.s32 $0x200, s15  }
0xc4: {  	p0 =	sne.s32 s15, $0x4380  }
.Ltmp2:
0xc5: {  	_ = 	snop;
	(pc) =	sbr.rel @!p0 .LBB2_10-.Ltmp2, $2  }
0xc6: {  	_ =	sdelay $0x2  }
0xc7: {  	s14 =	sadd.s32 $0x1, s14  }
.LBB2_4:
0xc8: {  	_ =	swait.ge [sflag:s4], $0x2800  }
0xc9: {  	p0 =	seq.s32 s15, $0x4180;
	[sflag:s4] =	ssyncset.done $0x0  }
.Ltmp3:
0xca: {  	[sflag:s4] =	ssyncadd.s32 $0xFFFFD800;
	(pc) =	sbr.rel @p0 .LBB2_10-.Ltmp3, $4  }
0xcb: {  	[spmem:s2] =	stream.indirect.scatter.add.f32 [tilespmem:s26], [sflag:$0x5], $0x80, s21, s25, $0xb8;
	[tilespmem:$0x1B400] =	vst v63  }
0xcc: {  	_ =	swait.ge [sflag:s19], $0x2800  }
0xcd: {  	[sflag:s19] =	ssyncset.done $0x0  }
0xce: {  	[sflag:s19] =	ssyncadd.s32 $0xFFFFD800  }
0xcf: {  	s17 =	sadd.s32 $0xFFFFFE80, s15  }
0xd0: {  	s20 =	sand.u32 $0x7C00, s17  }
0xd1: {  	s17 =	sand.u32 $0x200, s17;
	s20 =	sadd.s32 s7, s20  }
0xd2: {  	s17 =	sor.u32 s17, s20  }
0xd3: {  	s17 =	sshrl.u32 s17, $0x3  }
0xd4: {  	s31 =	sadd.s32 s5, s17  }
0xd5: {  	[tilespmem:s3], [sflag:$0x2] =	stream.linear.gather [hbm4b:s31+s3], $0x80, $0x38;
	[tilespmem:$0x1B400] =	vst v63  }
0xd6: {  	s17 =	sadd.s32 s6, s17  }
0xd7: {  	[tilespmem:s21], [sflag:$0x2] =	stream.linear.gather [hbm4b:s17+s3], $0x80, $0x38;
	[tilespmem:$0x1B400] =	vst v63  }
0xd8: {  	_ =	swait.ge [sflag:s11], $0x80  }
0xd9: {  	[sflag:s11] =	ssyncset.done $0x0  }
0xda: {  	[sflag:s11] =	ssyncadd.s32 $0xFFFFFF80  }
0xdb: {  	_ =	swait.ge [sflag:s11], $0x80  }
0xdc: {  	p0 =	sgt.u32 s14, $0x1E;
	[sflag:s11] =	ssyncset.done $0x0  }
0xdd: {  	s17 =	simm.s32 @!p0 $0x1;
	[sflag:s11] =	ssyncadd.s32 $0xFFFFFF80  }
0xde: {  	[tilespmem:s26], [sflag:$0x1] =	stream.indirect.gather [hbm4b:s1+s25], $0x80, s29, s25, $0xb8;
	[tilespmem:$0x1B400] =	vst v63  }
0xdf: {  	p1 =	seq.s32 @!p0 s15, $0x3F80;
	_ =	swait.ge @!p0 [sflag:s17], $0x2800  }
0xe0: {  	s8 =	simm.s32 @!p0 $0x2C00;
	p1 =	por p1, p0;
	[sflag:s17] =	ssyncset.done @!p0 $0x0  }
0xe1: {  	s20 =	simm.s32 @!p0 $0x280;
	[sflag:s17] =	ssyncadd.s32 @!p0 $0xFFFFD800;
	s17 =	simm.s32 @!p0 $0x50  }
0xe2: {  	[spmem:s2] =	stream.indirect.scatter.add.f32 @!p0 [tilespmem:s8], [sflag:$0x5], $0x80, s20, s17, $0xb8;
	[tilespmem:$0x1B400] =	vst v63  }
0xe3: {  	s20 =	sadd.s32 @!p1 $0xFFFFFF00, s15  }
0xe4: {  	s16 =	simm.s32 @!p0 $0x5;
	s31 =	sand.u32 @!p1 $0x7C00, s20  }
0xe5: {  	_ =	swait.ge @!p0 [sflag:s16], $0x2800;
	s20 =	sand.u32 @!p1 $0x280, s20;
	s31 =	sadd.s32 @!p1 s7, s31  }
0xe6: {  	[sflag:s16] =	ssyncset.done @!p0 $0x0;
	s20 =	sor.u32 @!p1 s20, s31  }
0xe7: {  	[sflag:s16] =	ssyncadd.s32 @!p0 $0xFFFFD800;
	s16 =	sshrl.u32 @!p1 s20, $0x3  }
0xe8: {  	s22 =	simm.s32 @!p1 $0x80;
	s31 =	simm.s32 @!p1 $0x0;
	s20 =	sadd.s32 @!p1 s5, s16  }
0xe9: {  	[tilespmem:s22], [sflag:$0x2] =	stream.linear.gather @!p1 [hbm4b:s20+s31], $0x80, $0x38;
	[tilespmem:$0x1B400] =	vst v63  }
0xea: {  	s16 =	sadd.s32 @!p1 s6, s16;
	s20 =	simm.s32 @!p1 $0x280  }
0xeb: {  	[tilespmem:s20], [sflag:$0x2] =	stream.linear.gather @!p1 [hbm4b:s16+s31], $0x80, $0x38;
	[tilespmem:$0x1B400] =	vst v63  }
0xec: {  	s16 =	simm.s32 @!p0 $0x2  }
0xed: {  	_ =	swait.ge @!p0 [sflag:s16], $0x80  }
0xee: {  	[sflag:s16] =	ssyncset.done @!p0 $0x0  }
0xef: {  	[sflag:s16] =	ssyncadd.s32 @!p0 $0xFFFFFF80  }
0xf0: {  	_ =	swait.ge @!p0 [sflag:s16], $0x80  }
0xf1: {  	p2 =	sne.s32 @!p0 s15, $0x3F80;
	p1 =	por $0x0, $0x0;
	[sflag:s16] =	ssyncset.done @!p0 $0x0  }
0xf2: {  	p1 =	por @!p0 p2, p2;
	[sflag:s16] =	ssyncadd.s32 @!p0 $0xFFFFFF80;
	s16 =	simm.s32 @!p0 $0x180  }
0xf3: {  	[tilespmem:s8], [sflag:$0x1] =	stream.indirect.gather @!p0 [hbm4b:s1+s17], $0x80, s16, s17, $0xb8;
	[tilespmem:$0x1B400] =	vst v63  }
0xf4: {  	s8 =	sadd.s32 @p1 $0xFFFFFF80, s15;
	_ =	swait.ge [sflag:s4], $0x2800  }
0xf5: {  	s16 =	sand.u32 @p1 $0x7C00, s8;
	[sflag:s4] =	ssyncset.done $0x0  }
0xf6: {  	s8 =	sand.u32 @p1 $0x300, s8;
	s16 =	sadd.s32 @p1 s7, s16;
	[sflag:s4] =	ssyncadd.s32 $0xFFFFD800  }
0xf7: {  	[spmem:s2] =	stream.indirect.scatter.add.f32 [tilespmem:s26], [sflag:$0x5], $0x80, s30, s25, $0xb8;
	[tilespmem:$0x1B400] =	vst v63  }
0xf8: {  	s8 =	sor.u32 @p1 s8, s16;
	_ =	swait.ge [sflag:s19], $0x2800  }
0xf9: {  	s20 =	simm.s32 @p1 $0x100;
	s8 =	sshrl.u32 @p1 s8, $0x3;
	[sflag:s19] =	ssyncset.done $0x0  }
0xfa: {  	s17 =	simm.s32 @p1 $0x0;
	s16 =	sadd.s32 @p1 s5, s8;
	[sflag:s19] =	ssyncadd.s32 $0xFFFFD800  }
0xfb: {  	[tilespmem:s20], [sflag:$0x2] =	stream.linear.gather @p1 [hbm4b:s16+s17], $0x80, $0x38;
	[tilespmem:$0x1B400] =	vst v63  }
0xfc: {  	s8 =	sadd.s32 @p1 s6, s8;
	s16 =	simm.s32 @p1 $0x300  }
0xfd: {  	[tilespmem:s16], [sflag:$0x2] =	stream.linear.gather @p1 [hbm4b:s8+s17], $0x80, $0x38;
	[tilespmem:$0x1B400] =	vst v63  }
0xfe: {  	_ =	swait.ge [sflag:s11], $0x80  }
0xff: {  	[sflag:s11] =	ssyncset.done $0x0  }
.Ltmp4:
0x100: {  	[sflag:s11] =	ssyncadd.s32 $0xFFFFFF80;
	(pc) =	sbr.rel @p0 .LBB2_7-.Ltmp4, $4  }
0x101: {  	_ =	swait.ge [sflag:s11], $0x80  }
0x102: {  	[sflag:s11] =	ssyncset.done $0x0  }
0x103: {  	[sflag:s11] =	ssyncadd.s32 $0xFFFFFF80  }
0x104: {  	[tilespmem:s26], [sflag:$0x1] =	stream.indirect.gather [hbm4b:s1+s25], $0x80, s3, s25, $0xb8;
	[tilespmem:$0x1B400] =	vst v63  }
0x105: {  	_ =	swait.ge [sflag:s4], $0x2800  }
0x106: {  	[sflag:s4] =	ssyncset.done $0x0  }
0x107: {  	[sflag:s4] =	ssyncadd.s32 $0xFFFFD800  }
0x108: {  	[spmem:s2] =	stream.indirect.scatter.add.f32 [tilespmem:s28], [sflag:$0x5], $0x80, s12, s25, $0xb8;
	[tilespmem:$0x1B400] =	vst v63  }
.Ltmp5:
0x109: {  	_ = 	snop;
	(pc) =	sbr.rel @p1 .LBB2_8-.Ltmp5, $4  }
.Ltmp6:
0x10a: {  	_ = 	snop;
	(pc) =	sbr.rel @!p1 .LBB2_9-.Ltmp6, $4  }
0x10b: {  	_ =	swait.ge [sflag:s19], $0x2800  }
0x10c: {  	[sflag:s19] =	ssyncset.done $0x0  }
0x10d: {  	[sflag:s19] =	ssyncadd.s32 $0xFFFFD800  }
0x10e: {  	_ = 	snop  }
.LBB2_7:
.Ltmp7:
0x10f: {  	(pc) =	sbr.rel @!p1 .LBB2_9-.Ltmp7, $4  }
.Ltmp8:
0x110: {  	(pc) =	sbr.rel @p1 .LBB2_8-.Ltmp8, $4  }
0x111: {  	_ = 	snop  }
0x112: {  	_ = 	snop  }
0x113: {  	_ = 	snop  }
0x114: {  	_ = 	snop  }
.LBB2_10:
0x115: {  	[bflag:$0x0] =	sbarrier.arrive $0xFFFF  }
0x116: {  	s22 =	rddreg [dreg:$0x4]  }
0x117: {  	[tilespmem:s18], [sflag:$0x3] =	stream.linear.gather [spmem:s22], $0x1000, $0x38;
	[tilespmem:$0x1B400] =	vst v63  }
0x118: {  	s31 =	rddreg [dreg:$0xd]  }
0x119: {  	[tilespmem:s9], [sflag:$0x3] =	stream.linear.gather [spmem:s31], $0x1000, $0x38;
	[tilespmem:$0x1B400] =	vst v63  }
0x11a: {  	_ =	swait.ge [sflag:s10], $0x1000  }
0x11b: {  	[sflag:s10] =	ssyncset.done $0x0  }
0x11c: {  	s8 =	sadd.s32 $0x0, s23;
	[sflag:s10] =	ssyncadd.s32 $0xFFFFF000  }
0x11d: {  	[hbm4b:s8+s3] =	stream.linear.scatter [tilespmem:s18], [sflag:$0x4], $0x1000, $0x38;
	[tilespmem:$0x1B400] =	vst v63  }
0x11e: {  	_ =	swait.ge [sflag:s0], $0x1000  }
0x11f: {  	[sflag:s0] =	ssyncset.done $0x0;
	s20 =	rddreg [dreg:$0x10]  }
0x120: {  	[sflag:s0] =	ssyncadd.s32 $0xFFFFF000;
	s16 =	sadd.s32 $0xFFFFF000, s20  }
0x121: {  	[tilespmem:s18], [sflag:$0x3] =	stream.linear.gather [spmem:s16], $0x1000, $0x38;
	[tilespmem:$0x1B400] =	vst v63  }
0x122: {  	_ =	swait.ge [sflag:s10], $0x1000  }
0x123: {  	[sflag:s10] =	ssyncset.done $0x0  }
0x124: {  	s17 =	sadd.s32 $0x0, s24;
	[sflag:s10] =	ssyncadd.s32 $0xFFFFF000  }
0x125: {  	[hbm4b:s17+s3] =	stream.linear.scatter [tilespmem:s9], [sflag:$0x4], $0x1000, $0x38;
	[tilespmem:$0x1B400] =	vst v63  }
0x126: {  	_ =	swait.ge [sflag:s0], $0x1000  }
0x127: {  	[sflag:s0] =	ssyncset.done $0x0  }
0x128: {  	s14 =	simm.s32 $0x400;
	s15 =	sadd.s32 $0x2000, s20;
	[sflag:s0] =	ssyncadd.s32 $0xFFFFF000  }
.LBB2_11:
0x129: {  	[tilespmem:s9], [sflag:$0x3] =	stream.linear.gather [spmem:s20], $0x1000, $0x38;
	[tilespmem:$0x1B400] =	vst v63  }
0x12a: {  	s8 =	smov.u32 s14;
	s20 =	smov.u32 s15  }
0x12b: {  	p0 =	sne.s32 s14, $0x2000;
	s14 =	sadd.s32 $0x400, s14;
	_ =	swait.ge [sflag:s10], $0x1000  }
0x12c: {  	[sflag:s10] =	ssyncset.done $0x0  }
0x12d: {  	s16 =	sadd.s32 s8, s23;
	[sflag:s10] =	ssyncadd.s32 $0xFFFFF000  }
0x12e: {  	[hbm4b:s16+s3] =	stream.linear.scatter [tilespmem:s18], [sflag:$0x4], $0x1000, $0x38;
	[tilespmem:$0x1B400] =	vst v63  }
0x12f: {  	_ =	swait.ge [sflag:s0], $0x1000  }
0x130: {  	[sflag:s0] =	ssyncset.done $0x0  }
0x131: {  	s16 =	sadd.s32 $0xFFFFF000, s15;
	[sflag:s0] =	ssyncadd.s32 $0xFFFFF000  }
0x132: {  	[tilespmem:s18], [sflag:$0x3] =	stream.linear.gather [spmem:s16], $0x1000, $0x38;
	[tilespmem:$0x1B400] =	vst v63  }
0x133: {  	_ =	swait.ge [sflag:s10], $0x1000  }
0x134: {  	[sflag:s10] =	ssyncset.done $0x0  }
.Ltmp9:
0x135: {  	s8 =	sadd.s32 s8, s24;
	[sflag:s10] =	ssyncadd.s32 $0xFFFFF000;
	(pc) =	sbr.rel @p0 .LBB2_11-.Ltmp9, $4  }
0x136: {  	[hbm4b:s8+s3] =	stream.linear.scatter [tilespmem:s9], [sflag:$0x4], $0x1000, $0x38;
	[tilespmem:$0x1B400] =	vst v63  }
0x137: {  	_ =	swait.ge [sflag:s0], $0x1000  }
0x138: {  	[sflag:s0] =	ssyncset.done $0x0  }
0x139: {  	s15 =	sadd.s32 $0x2000, s15;
	[sflag:s0] =	ssyncadd.s32 $0xFFFFF000  }
0x13a: {  	[tilespmem:s9], [sflag:$0x3] =	stream.linear.gather [spmem:s20], $0x1000, $0x38;
	[tilespmem:$0x1B400] =	vst v63  }
0x13b: {  	_ =	swait.ge [sflag:s10], $0x1000  }
0x13c: {  	s8 =	sld [smem:$0x7FC]  }
0x13d: {  	[sflag:s10] =	ssyncset.done $0x0  }
0x13e: {  	[sflag:s10] =	ssyncadd.s32 $0xFFFFF000  }
0x13f: {  	[hbm4b:s8+s3] =	stream.linear.scatter [tilespmem:s18], [sflag:$0x4], $0x1000, $0x38;
	[tilespmem:$0x1B400] =	vst v63  }
0x140: {  	_ =	swait.ge [sflag:s10], $0x1000  }
0x141: {  	s17 =	sld [smem:$0x7FD]  }
0x142: {  	[sflag:s10] =	ssyncset.done $0x0  }
0x143: {  	[sflag:s10] =	ssyncadd.s32 $0xFFFFF000  }
0x144: {  	[hbm4b:s17+s3] =	stream.linear.scatter [tilespmem:s9], [sflag:$0x4], $0x1000, $0x38;
	[tilespmem:$0x1B400] =	vst v63  }
0x145: {  	_ =	swait.ge [sflag:s0], $0x1000  }
0x146: {  	[sflag:s0] =	ssyncset.done $0x0  }
0x147: {  	[sflag:s0] =	ssyncadd.s32 $0xFFFFF000  }
0x148: {  	_ =	swait.ge [sflag:s0], $0x1000  }
0x149: {  	s13 =	sld [smem:$0x7FA];
	_ =	sdelay $0x2  }
0x14a: {  	s20 =	rddreg [dreg:$0xe];
	s13 =	sadd.s32 $0x1, s13  }
0x14b: {  	p0 =	sne.s32 s13, s20  }
.Ltmp10:
0x14c: {  	_ = 	snop;
	(pc) =	sbr.rel @p0 .LBB2_1-.Ltmp10, $3  }
0x14d: {  	_ =	sdelay $0x1  }
0x14e: {  	[sflag:s0] =	ssyncset.done $0x0  }
0x14f: {  	[sflag:s0] =	ssyncadd.s32 $0xFFFFF000  }
0x150: {  	_ =	sfence.sel $0x180000  }
0x151: {  	[bflag:$0x0] =	sbarrier.arrive $0xFFFF  }
0x152: {  	_ =	strace $0x9000004A  }
0x153: {  	s0 =	stileid.u32;
	[bflag:$0x2] =	sbarrier.arrive $0xFFFF  }
0x154: {  	p0 =	sne.s32 s0, $0x0;
	s0 =	rddreg [dreg:$0x3]  }
0x155: {  	s0 =	sadd.s32 @!p0 $0x100000, s0  }
0x156: {  	[sflag:s0] =	ssyncadd.tile.s32 @!p0 $0x1;
	_ =	shalt  }
.Lfunc_end2:
_tile_overlayer_lowered:
.L_overlay_start_2:
0x157: {  	(tag) =	ssettag $0x2  }
0x158: {  	s0 =	rddreg [dreg:$0x0];
	s2 =	stileid.u32  }
0x159: {  	s1 =	rddreg [dreg:$0x1];
	p0 =	sne.s32 s2, $0x0  }
0x15a: {  	s3 =	rddreg [dreg:$0x2];
	[bflag:$0x3] =	sbarrier.arrive $0xFFFF;
	s2 =	simm.s32 @!p0 $0x1C05  }
0x15b: {  	[timem:s3], [sflag:s2] =	dma.local @!p0 [hbm:s0], s1  }
0x15c: {  	s0 =	simm.s32 @!p0 $0x5  }
0x15d: {  	_ =	swait.ge @!p0 [sflag:s0], s1  }
0x15e: {  	s1 =	ssub.s32 @!p0 $0x0, s1;
	[sflag:s0] =	ssyncset.done @!p0 $0x0  }
0x15f: {  	[sflag:s0] =	ssyncadd.s32 @!p0 s1  }
0x160: {  	[bflag:$0x3] =	sbarrier.arrive $0xFFFF  }
0x161: {  	_ =	shalt  }

// kernel: kernel.8.cloned.1.call-start
scs
__scs_entry_jumppad:
0x0: {  	(pc) =	sbr.rel $0x88, $3  }
0x1: {  	(tag) =	ssettag $0x0;
	lr =	simm.s32 $0x1  }
0x2: {  	[smem:$0x3F92] =	sst lr;
	_ =	strace $0xD0000000  }
0x3: {  	_ = 	snop  }
0x4: {  	_ = 	snop  }
0x5: {  	_ = 	snop  }
0x6: {  	_ = 	snop  }
0x7: {  	_ = 	snop  }
__scs_overlays_trampoline_lowered:
0x8: {  	[smem:$0x3FA1] =	sst s0  }
0x9: {  	[smem:$0x3FA2] =	sst s1  }
0xa: {  	[smem:$0x3FA3] =	sst s2  }
0xb: {  	[smem:$0x3FA4] =	sst s3  }
0xc: {  	[smem:$0x3FA5] =	sst s4  }
0xd: {  	[smem:$0x3FA6] =	sst s5  }
0xe: {  	[smem:$0x3FA7] =	sst s6  }
0xf: {  	[smem:$0x3FA8] =	sst s7  }
0x10: {  	[smem:$0x3FA9] =	sst s8  }
0x11: {  	[smem:$0x3FAA] =	sst s9;
	s0 =	simm.s32 @!p0 $0x0  }
0x12: {  	s1 =	sld [smem:$0x3F90];
	s0 =	simm.s32 @p0 $0x1  }
0x13: {  	[smem:$0x3FAB] =	sst s0;
	s0 =	simm.s32 @!p1 $0x0  }
0x14: {  	s2 =	sld [smem:$0x3F8F];
	s0 =	simm.s32 @p1 $0x1  }
0x15: {  	[smem:$0x3FAC] =	sst s0;
	s0 =	simm.s32 @!p2 $0x0  }
0x16: {  	s3 =	sld [smem:$0x3FDB];
	s0 =	simm.s32 @p2 $0x1  }
0x17: {  	s4 =	simm.s32 $0x1BF5;
	[smem:$0x3FAE] =	sst s0  }
0x18: {  	s0 =	sld [smem:$0x3F91];
	_ =	swait.ge [sflag:s4], $0x0  }
0x19: {  	s7 =	sld [smem:$0x3F92]  }
0x1a: {  	s8 =	sadd.s32 $0xFFFFE003, lr  }
0x1b: {  	s9 =	sadd.s32 $0xFFFFFEF7, lr;
	s5 =	simm.s32 $0xFFFFFFFF;
	p2 =	slt.u32 s8, $0xFFFFF086  }
0x1c: {  	p1 =	slt.u32 s9, $0xF7A;
	s5 =	simm.s32 @!p2 $0x0  }
0x1d: {  	s5 =	simm.s32 @p1 $0x1;
	p0 =	seq.s32 s7, s2  }
0x1e: {  	s7 =	smul.u32 @!p0 $0xF7A, s2;
	p2 =	seq.s32 @!p0 s5, $0x0  }
0x1f: {  	s9 =	smul.u32 $0xF7A, s1;
	s8 =	simm.s32 @!p0 $0x1BF5;
	p2 =	por !p2, p0  }
0x20: {  	[sflag:s8] =	ssyncset.s32 @!p0 $0xFFFFF086;
	s6 =	sadd.s32 @!p0 s3, s7;
	s7 =	simm.s32 @!p0 $0x108  }
0x21: {  	s3 =	sadd.s32 s3, s9;
	s6 =	sadd.s32 @!p0 $0x88, s6;
	s7 =	simm.s32 @p2 $0x1082  }
0x22: {  	[simem:s7], [sflag:s8] =	dma.local @!p0 [hbm:s6], $0xF7A  }
0x23: {  	s9 =	sor.u32 $0xD0000000, s2;
	s6 =	simm.s32 $0x108;
	_ =	swait.ge @!p0 [sflag:s8], $0x0  }
0x24: {  	s3 =	sadd.s32 $0x88, s3;
	s6 =	simm.s32 @!p1 $0x1082;
	[sflag:s4] =	ssyncset.s32 $0xFFFFF086  }
0x25: {  	[simem:s6], [sflag:s4] =	dma.local [hbm:s3], $0xF7A  }
0x26: {  	[smem:$0x3F92] =	sst s1;
	(tag) =	ssettag s2;
	_ =	strace s9  }
0x27: {  	s1 =	sld [smem:$0x3FA2]  }
0x28: {  	s2 =	sld [smem:$0x3FA3]  }
0x29: {  	s4 =	sld [smem:$0x3FA5]  }
0x2a: {  	p0 =	seq.s32 s5, $0x0;
	s5 =	sld [smem:$0x3FA6]  }
0x2b: {  	s6 =	sld [smem:$0x3FA7]  }
0x2c: {  	s7 =	sld [smem:$0x3FA8]  }
0x2d: {  	s3 =	simm.s32 $0x108;
	s8 =	sld [smem:$0x3FA9]  }
0x2e: {  	s3 =	simm.s32 @!p0 $0x1082;
	s9 =	sld [smem:$0x3FAA]  }
0x2f: {  	lr =	sadd.s32 s0, s3;
	s0 =	sld [smem:$0x3FA1]  }
0x30: {  	s3 =	sld [smem:$0x3FA4]  }
0x31: {  	[smem:$0x3FAD] =	sst s10  }
0x32: {  	s10 =	sld [smem:$0x3FAB];
	_ =	sdelay $0x3  }
0x33: {  	p0 =	seq.s32 s10, $0x1;
	s10 =	sld [smem:$0x3FAD];
	_ =	sdelay $0x3  }
0x34: {  	[smem:$0x3FAD] =	sst s10  }
0x35: {  	s10 =	sld [smem:$0x3FAC];
	_ =	sdelay $0x3  }
0x36: {  	p1 =	seq.s32 s10, $0x1;
	s10 =	sld [smem:$0x3FAD];
	_ =	sdelay $0x3  }
0x37: {  	[smem:$0x3FAD] =	sst s10  }
0x38: {  	s10 =	sld [smem:$0x3FAE]  }
0x39: {  	_ = 	snop;
	(pc) =	sbr.ind lr, $3  }
0x3a: {  	_ = 	snop  }
0x3b: {  	_ = 	snop  }
0x3c: {  	p2 =	seq.s32 s10, $0x1;
	s10 =	sld [smem:$0x3FAD]  }
0x3d: {  	_ =	shalt  }
0x3e: {  	_ =	shalt  }
0x3f: {  	_ =	shalt  }
0x40: {  	_ =	shalt  }
0x41: {  	_ =	shalt  }
0x42: {  	_ =	shalt  }
0x43: {  	_ =	shalt  }
0x44: {  	_ =	shalt  }
0x45: {  	_ =	shalt  }
0x46: {  	_ =	shalt  }
0x47: {  	_ =	shalt  }
0x48: {  	_ =	shalt  }
0x49: {  	_ =	shalt  }
0x4a: {  	_ =	shalt  }
0x4b: {  	_ =	shalt  }
0x4c: {  	_ =	shalt  }
0x4d: {  	_ =	shalt  }
0x4e: {  	_ =	shalt  }
0x4f: {  	_ =	shalt  }
0x50: {  	_ =	shalt  }
0x51: {  	_ =	shalt  }
0x52: {  	_ =	shalt  }
0x53: {  	_ =	shalt  }
0x54: {  	_ =	shalt  }
0x55: {  	_ =	shalt  }
0x56: {  	_ =	shalt  }
0x57: {  	_ =	shalt  }
0x58: {  	_ =	shalt  }
0x59: {  	_ =	shalt  }
0x5a: {  	_ =	shalt  }
0x5b: {  	_ =	shalt  }
0x5c: {  	_ =	shalt  }
0x5d: {  	_ =	shalt  }
0x5e: {  	_ =	shalt  }
0x5f: {  	_ =	shalt  }
0x60: {  	_ =	shalt  }
0x61: {  	_ =	shalt  }
0x62: {  	_ =	shalt  }
0x63: {  	_ =	shalt  }
0x64: {  	_ =	shalt  }
0x65: {  	_ =	shalt  }
0x66: {  	_ =	shalt  }
0x67: {  	_ =	shalt  }
0x68: {  	_ =	shalt  }
0x69: {  	_ =	shalt  }
0x6a: {  	_ =	shalt  }
0x6b: {  	_ =	shalt  }
0x6c: {  	_ =	shalt  }
0x6d: {  	_ =	shalt  }
0x6e: {  	_ =	shalt  }
0x6f: {  	_ =	shalt  }
0x70: {  	_ =	shalt  }
0x71: {  	_ =	shalt  }
0x72: {  	_ =	shalt  }
0x73: {  	_ =	shalt  }
0x74: {  	_ =	shalt  }
0x75: {  	_ =	shalt  }
0x76: {  	_ =	shalt  }
0x77: {  	_ =	shalt  }
0x78: {  	_ =	shalt  }
0x79: {  	_ =	shalt  }
0x7a: {  	_ =	shalt  }
0x7b: {  	_ =	shalt  }
0x7c: {  	_ =	shalt  }
0x7d: {  	_ =	shalt  }
0x7e: {  	_ =	shalt  }
0x7f: {  	_ =	shalt  }
0x80: {  	_ =	shalt  }
0x81: {  	_ =	shalt  }
0x82: {  	_ =	shalt  }
0x83: {  	_ =	shalt  }
0x84: {  	_ =	shalt  }
0x85: {  	_ =	shalt  }
0x86: {  	_ =	shalt  }
0x87: {  	_ =	shalt  }
.Lfunc_end0:
.L_simem_size_0:
called_computation_lowered:
.L_overlay_start_0:
0x88: {  	s2 =	sld [smem:$0x3FD9]  }
0x89: {  	s3 =	sld [smem:$0x3FFE];
	_ =	sdelay $0x1  }
0x8a: {  	s1 =	srdreg.scid  }
0x8b: {  	s0 =	sand.u32 $0x1, s1  }
0x8c: {  	s17 =	sshll.u32 s0, $0xA;
	s2 =	sadd.s32 s3, s2  }
0x8d: {  	s2 =	sadd.s32 s2, s17  }
0x8e: {  	[smem:$0x3FB9] =	sst s2  }
0x8f: {  	_ = 	snop  }
0x90: {  	s2 =	sld [smem:$0x3FD0];
	(tm) =	ssettm $0x1  }
0x91: {  	s18 =	sld [smem:$0x3FFB];
	_ =	sdelay $0x3  }
0x92: {  	_ =	strace s18  }
0x93: {  	s3 =	sld [smem:$0x3FFC];
	_ =	sdelay $0x3  }
0x94: {  	_ =	strace s3  }
0x95: {  	s3 =	sld [smem:$0x3FFD];
	_ =	sdelay $0x3  }
0x96: {  	_ =	strace s3  }
0x97: {  	_ =	strace $0x8FFFFFFF  }
0x98: {  	s19 =	sld [smem:$0x3FDB];
	_ =	sdelay $0x1  }
0x99: {  	s4 =	simm.s32 $_scs_section_size  }
0x9a: {  	s5 =	simm.s32 $_size__tile_overlayer_lowered;
	s6 =	simm.s32 $_tile_overlayer_lowered  }
0x9b: {  	s22 =	simm.s32 $0x1BFF;
	s21 =	sshll.u32 s6, $0x1;
	s3 =	sadd.s32 s4, s19  }
0x9c: {  	s7 =	simm.s32 $0x0;
	s20 =	sshll.u32 s5, $0x1;
	s5 =	sadd.s32 s21, s3  }
0x9d: {  	[timem:s7], [sflag:s22] =	dma.local [hbm:s5], s20  }
0x9e: {  	_ =	swait.ge [sflag:s22], s20  }
0x9f: {  	s4 =	ssub.s32 $0x0, s20;
	[sflag:s22] =	ssyncset.done $0x0  }
0xa0: {  	[sflag:s22] =	ssyncadd.s32 s4;
	_ =	sdelay $0x1  }
0xa1: {  	s23 =	simm.s32 $0x1B8B  }
0xa2: {  	_ =	swait.ge [sflag:s23], $0x1  }
0xa3: {  	[sflag:s23] =	ssyncset.done $0x0  }
0xa4: {  	s25 =	simm.s32 $0x1B8E;
	s24 =	sld [smem:$0x3FFE];
	[sflag:s23] =	ssyncadd.s32 $0xFFFFFFFF  }
0xa5: {  	s26 =	simm.s32 $execute0_lowered;
	[smem:$0x3FD2] =	sst s25  }
0xa6: {  	s5 =	sshll.u32 s26, $0x1;
	_ =	strace $0x80000046;
	[dreg:$0x1] =	wrdreg $0xFFFFFFFF  }
0xa7: {  	s28 =	simm.s32 $_size_execute0_lowered;
	s3 =	sadd.s32 s3, s5;
	[dreg:$0x0] =	wrdreg $0x0  }
0xa8: {  	s5 =	sshll.u32 s28, $0x1;
	[dreg:$0x2] =	wrdreg s3  }
0xa9: {  	[dreg:$0x3] =	wrdreg s5  }
0xaa: {  	[dreg:$0x4] =	wrdreg $0xC0  }
0xab: {  	_ =	task [dreg:s7], $0x5FFFF  }
0xac: {  	[dreg:$0x1] =	wrdreg $0xFFFFFFFF  }
0xad: {  	[dreg:$0x0] =	wrdreg $0x60  }
0xae: {  	[dreg:$0x2] =	wrdreg s2  }
0xaf: {  	[dreg:$0x3] =	wrdreg s24  }
0xb0: {  	[dreg:$0x4] =	wrdreg $0x74000  }
0xb1: {  	[dreg:$0x5] =	wrdreg $0x9  }
0xb2: {  	_ =	task.clear_ibuf [dreg:s7], $0x6FFFF;
	_ =	strace $0x90000046  }
0xb3: {  	s29 =	simm.s32 $0x9;
	_ =	strace $0x80000048  }
0xb4: {  	_ =	swait.ge [sflag:s29], $0x1  }
0xb5: {  	[sflag:s29] =	ssyncadd.s32 $0xFFFFFFFF  }
0xb6: {  	_ =	strace $0x90000048  }
0xb7: {  	_ =	sfence  }
0xb8: {  	s30 =	sld [smem:$0x0];
	_ =	sdelay $0x2  }
0xb9: {  	s31 =	sshll.u32 s1, $0xD;
	s1 =	sshrl.u32 s1, $0x2  }
0xba: {  	s3 =	sand.u32 $0x4000, s31;
	s1 =	sadd.s32 s1, s30  }
0xbb: {  	s0 =	sor.u32 s3, s0;
	s1 =	sshll.u32 s1, $0x11  }
0xbc: {  	s0 =	sor.u32 s1, s0  }
0xbd: {  	s0 =	sadd.s32 $0x8F2B, s0  }
0xbe: {  	[sflag:s0] =	ssyncadd.remote.s32 $0x1  }
0xbf: {  	_ =	sfence.sel $0xFFFF  }
0xc0: {  	[dreg:$0x0] =	wrdreg $0xFFFFFFFF;
	(pc) =	sbr.abs _section_cstart, $3  }
0xc1: {  	[dreg:$0x1] =	wrdreg $0xFFFFFFFF  }
0xc2: {  	_ =	task.clear_ibuf [dreg:s7], $0x2FFFF;
	_ =	strace $0x9FFFFFFF  }
0xc3: {  	(tm) =	ssettm $0x7FFFFFFF  }
tec
execute0_lowered:
.L_overlay_start_1:
0x0: {  	(tag) =	ssettag $0x1  }
0x1: {  	s1 =	rddreg [dreg:$0x0]  }
0x2: {  	s0 =	rddreg [dreg:$0x1]  }
0x3: {  	s2 =	rddreg [dreg:$0x2]  }
0x4: {  	s3 =	simm.s32 $0x0;
	s4 =	srdreg.scid;
	s14 =	stileid.u32  }
0x5: {  	[smem:$0x7FF] =	sst s3;
	s5 =	sadd.s32 $0x12E00, s0;
	s6 =	sadd.s32 $0x2E00, s0  }
0x6: {  	s4 =	sand.u32 $0x1, s4;
	s8 =	sadd.s32 $0x22E00, s0;
	s7 =	smul.u32 $0x50000, s14  }
0x7: {  	s0 =	sadd.s32 $0x72E00, s0;
	s12 =	sshll.u32 s14, $0xE;
	s18 =	smul.u32 $0x14000, s14  }
0x8: {  	s9 =	ssub.s32 $0x2, s4;
	s11 =	sshll.u32 s4, $0x12;
	s4 =	smul.u32 $0x140000, s4  }
0x9: {  	s10 =	sshrl.u32 s9, $0x1;
	s13 =	sshrl.u32 s7, $0x2;
	s7 =	sor.u32 s12, s11  }
0xa: {  	s9 =	ssub.s32 s9, s10;
	s22 =	sadd.s32 s13, s2;
	s10 =	sshrl.u32 s7, $0x3  }
0xb: {  	_ =	strace $0x80000047;
	s19 =	sadd.s32 s6, s10;
	[dreg:$0x4] =	wrdreg s22  }
0xc: {  	s4 =	sadd.s32 s18, s4;
	s11 =	sadd.s32 $0x8000, s22;
	[dreg:$0x5] =	wrdreg s19  }
0xd: {  	s12 =	sor.u32 $0x10, s10;
	s14 =	sadd.s32 $0xB000, s22;
	[dreg:$0x19] =	wrdreg s11  }
0xe: {  	s21 =	sor.u32 $0x20, s10;
	s20 =	sadd.s32 s6, s12;
	[dreg:$0x1c] =	wrdreg s14  }
0xf: {  	s25 =	sor.u32 $0x30, s10;
	s24 =	sadd.s32 s6, s21;
	[dreg:$0x6] =	wrdreg s20  }
0x10: {  	s23 =	sshrl.u32 s4, $0x3;
	s13 =	sadd.s32 s6, s25;
	[dreg:$0x7] =	wrdreg s24  }
0x11: {  	s15 =	sadd.s32 $0x2400, s23;
	s21 =	sadd.s32 s5, s21;
	[dreg:$0xc] =	wrdreg s13  }
0x12: {  	s26 =	sadd.s32 $0x2600, s23;
	s16 =	sadd.s32 s0, s15;
	[dreg:$0xf] =	wrdreg s21  }
0x13: {  	s17 =	sadd.s32 s0, s26;
	[dreg:$0x8] =	wrdreg s16  }
0x14: {  	s15 =	sadd.s32 s8, s15;
	[dreg:$0x9] =	wrdreg s17  }
0x15: {  	s29 =	sadd.s32 s8, s26;
	[dreg:$0xa] =	wrdreg s15  }
0x16: {  	s4 =	sor.u32 $0x1000, s4;
	s20 =	sadd.s32 s5, s12;
	[dreg:$0xb] =	wrdreg s29  }
0x17: {  	s4 =	sshrl.u32 s4, $0x3;
	s24 =	smax.u32 s9, $0x1;
	[dreg:$0xe] =	wrdreg s20  }
0x18: {  	s19 =	sadd.s32 s23, s8;
	s26 =	sadd.s32 $0x2000, s22;
	[dreg:$0x11] =	wrdreg s24  }
0x19: {  	s18 =	sadd.s32 s4, s8;
	s8 =	sadd.s32 $0x5000, s22;
	[dreg:$0x13] =	wrdreg s26  }
0x1a: {  	s9 =	sadd.s32 $0x6000, s22;
	[dreg:$0x16] =	wrdreg s8  }
0x1b: {  	s12 =	sadd.s32 $0x9000, s22;
	[dreg:$0x17] =	wrdreg s9  }
0x1c: {  	s13 =	sadd.s32 $0xA000, s22;
	[dreg:$0x1a] =	wrdreg s12  }
0x1d: {  	s28 =	simm.s32 $0x200;
	s21 =	sadd.s32 $0xE000, s22;
	[dreg:$0x1b] =	wrdreg s13  }
0x1e: {  	s30 =	simm.s32 $0x280;
	s15 =	sadd.s32 s5, s10;
	[dreg:$0x1f] =	wrdreg s21  }
0x1f: {  	s17 =	sadd.s32 s23, s0;
	s23 =	sadd.s32 s5, s25;
	[dreg:$0xd] =	wrdreg s15  }
0x20: {  	s31 =	simm.s32 $0x300;
	s25 =	sadd.s32 $0x1000, s22;
	[dreg:$0x10] =	wrdreg s23  }
0x21: {  	s14 =	simm.s32 $0x5;
	s29 =	sadd.s32 $0x3000, s22;
	[dreg:$0x12] =	wrdreg s25  }
0x22: {  	s16 =	sadd.s32 s4, s0;
	s4 =	sadd.s32 $0x4000, s22;
	[dreg:$0x14] =	wrdreg s29  }
0x23: {  	s11 =	simm.s32 $0x0;
	s10 =	sadd.s32 $0x7000, s22;
	[dreg:$0x15] =	wrdreg s4  }
0x24: {  	s20 =	sadd.s32 $0xD000, s22;
	s24 =	sadd.s32 $0x10000, s22;
	[dreg:$0x18] =	wrdreg s10  }
0x25: {  	s26 =	sadd.s32 $0x12000, s22;
	s0 =	simm.s32 $0x4;
	[dreg:$0x1e] =	wrdreg s20  }
0x26: {  	s12 =	simm.s32 $0x50;
	s13 =	simm.s32 $0x400;
	[smem:$0x7FA] =	sst s24  }
0x27: {  	s9 =	simm.s32 $0x3;
	s15 =	sadd.s32 $0xC000, s22;
	[smem:$0x7FC] =	sst s26  }
0x28: {  	s23 =	sadd.s32 $0xF000, s22;
	s25 =	sadd.s32 $0x11000, s22;
	[dreg:$0x1d] =	wrdreg s15  }
0x29: {  	s29 =	sadd.s32 $0x13000, s22;
	s20 =	simm.s32 $0x5400;
	[smem:$0x7F9] =	sst s23  }
0x2a: {  	s4 =	simm.s32 $0x2;
	s10 =	simm.s32 $0x1;
	[smem:$0x7FB] =	sst s25  }
0x2b: {  	v0 =	vimm.f32 $0.0e+00;
	v1 =	vimm.f32 $1.000000000e+00;
	s24 =	simm.s32 $0x80;
	[smem:$0x7FD] =	sst s29;
	s25 =	simm.s32 $0x6400  }
.LBB2_1:
0x2c: {  	s8 =	simm.s32 $0x0;
	s23 =	simm.s32 $0x0  }
.LBB2_2:
0x2d: {  	p0 =	sne.s32 s23, $0x3FC0  }
.Ltmp0:
0x2e: {  	_ = 	snop;
	(pc) =	sbr.rel @p0 .LBB2_2-.Ltmp0, $4  }
0x2f: {  	s26 =	sand.u32 $0x3E00, s23  }
0x30: {  	s29 =	sand.u32 $0x70, s8;
	s26 =	sshrl.u32 s26, $0x2  }
0x31: {  	s26 =	sor.u32 s29, s26  }
0x32: {  	s8 =	sadd.s32 $0x10, s8;
	s23 =	sadd.s32 $0x40, s23;
	[tilespmem:s26+$0x5400] =	vst v0  }
0x33: {  	s8 =	simm.s32 $0x0  }
0x34: {  	s23 =	sand.u32 $0xFE00, s8  }
0x35: {  	s26 =	sand.u32 $0x70, s8;
	s29 =	sshrl.u32 s23, $0x2  }
0x36: {  	[smem:$0x7F8] =	sst s11;
	s23 =	simm.s32 $0x40;
	s26 =	sor.u32 s26, s29  }
.LBB2_4:
0x37: {  	p0 =	sne.s32 s23, $0x9FC0  }
0x38: {  	[tilespmem:s26+$0x400] =	vst v1;
	s8 =	sadd.s32 $0x10, s8;
	s26 =	smov.u32 s23;
	s23 =	sadd.s32 $0x40, s23  }
.Ltmp1:
0x39: {  	(pc) =	sbr.rel @p0 .LBB2_4-.Ltmp1, $4  }
0x3a: {  	_ = 	snop  }
0x3b: {  	s26 =	sand.u32 $0xFE00, s26  }
0x3c: {  	s29 =	sand.u32 $0x70, s8;
	s26 =	sshrl.u32 s26, $0x2  }
0x3d: {  	s26 =	sor.u32 s29, s26  }
0x3e: {  	[tilespmem:s26+$0x400] =	vst v1;
	s8 =	rddreg [dreg:$0x12]  }
0x3f: {  	[spmem:s22] =	stream.linear.scatter [tilespmem:s20], [sflag:$0x4], $0x1000, $0x38;
	[tilespmem:$0x1B400] =	vst v63  }
0x40: {  	s21 =	rddreg [dreg:$0x13]  }
0x41: {  	[spmem:s8] =	stream.linear.scatter [tilespmem:s20], [sflag:$0x4], $0x1000, $0x38;
	[tilespmem:$0x1B400] =	vst v63  }
0x42: {  	s23 =	rddreg [dreg:$0x14]  }
0x43: {  	[spmem:s21] =	stream.linear.scatter [tilespmem:s20], [sflag:$0x4], $0x1000, $0x38;
	[tilespmem:$0x1B400] =	vst v63  }
0x44: {  	s26 =	rddreg [dreg:$0x15]  }
0x45: {  	[spmem:s23] =	stream.linear.scatter [tilespmem:s20], [sflag:$0x4], $0x1000, $0x38;
	[tilespmem:$0x1B400] =	vst v63  }
0x46: {  	s29 =	rddreg [dreg:$0x16]  }
0x47: {  	[spmem:s26] =	stream.linear.scatter [tilespmem:s20], [sflag:$0x4], $0x1000, $0x38;
	[tilespmem:$0x1B400] =	vst v63  }
0x48: {  	s11 =	rddreg [dreg:$0x17]  }
0x49: {  	[spmem:s29] =	stream.linear.scatter [tilespmem:s20], [sflag:$0x4], $0x1000, $0x38;
	[tilespmem:$0x1B400] =	vst v63  }
0x4a: {  	s15 =	rddreg [dreg:$0x18]  }
0x4b: {  	[spmem:s11] =	stream.linear.scatter [tilespmem:s20], [sflag:$0x4], $0x1000, $0x38;
	[tilespmem:$0x1B400] =	vst v63  }
0x4c: {  	s21 =	rddreg [dreg:$0x19]  }
0x4d: {  	[spmem:s15] =	stream.linear.scatter [tilespmem:s20], [sflag:$0x4], $0x1000, $0x38;
	[tilespmem:$0x1B400] =	vst v63  }
0x4e: {  	s23 =	rddreg [dreg:$0x1a]  }
0x4f: {  	[spmem:s21] =	stream.linear.scatter [tilespmem:s20], [sflag:$0x4], $0x1000, $0x38;
	[tilespmem:$0x1B400] =	vst v63  }
0x50: {  	s26 =	rddreg [dreg:$0x1b]  }
0x51: {  	[spmem:s23] =	stream.linear.scatter [tilespmem:s20], [sflag:$0x4], $0x1000, $0x38;
	[tilespmem:$0x1B400] =	vst v63  }
0x52: {  	s29 =	rddreg [dreg:$0x1c]  }
0x53: {  	[spmem:s26] =	stream.linear.scatter [tilespmem:s20], [sflag:$0x4], $0x1000, $0x38;
	[tilespmem:$0x1B400] =	vst v63  }
0x54: {  	s11 =	rddreg [dreg:$0x1d]  }
0x55: {  	[spmem:s29] =	stream.linear.scatter [tilespmem:s20], [sflag:$0x4], $0x1000, $0x38;
	[tilespmem:$0x1B400] =	vst v63  }
0x56: {  	s15 =	rddreg [dreg:$0x1e]  }
0x57: {  	[spmem:s11] =	stream.linear.scatter [tilespmem:s20], [sflag:$0x4], $0x1000, $0x38;
	[tilespmem:$0x1B400] =	vst v63  }
0x58: {  	s21 =	rddreg [dreg:$0x1f]  }
0x59: {  	[spmem:s15] =	stream.linear.scatter [tilespmem:s20], [sflag:$0x4], $0x1000, $0x38;
	[tilespmem:$0x1B400] =	vst v63  }
0x5a: {  	s23 =	sld [smem:$0x7F9]  }
0x5b: {  	[spmem:s21] =	stream.linear.scatter [tilespmem:s20], [sflag:$0x4], $0x1000, $0x38;
	[tilespmem:$0x1B400] =	vst v63  }
0x5c: {  	s26 =	sld [smem:$0x7FA]  }
0x5d: {  	[spmem:s23] =	stream.linear.scatter [tilespmem:s20], [sflag:$0x4], $0x1000, $0x38;
	[tilespmem:$0x1B400] =	vst v63  }
0x5e: {  	s29 =	sld [smem:$0x7FB]  }
0x5f: {  	[spmem:s26] =	stream.linear.scatter [tilespmem:s20], [sflag:$0x4], $0x1000, $0x38;
	[tilespmem:$0x1B400] =	vst v63  }
0x60: {  	s11 =	sld [smem:$0x7FC]  }
0x61: {  	[spmem:s29] =	stream.linear.scatter [tilespmem:s20], [sflag:$0x4], $0x1000, $0x38;
	[tilespmem:$0x1B400] =	vst v63  }
0x62: {  	s15 =	sld [smem:$0x7FD]  }
0x63: {  	[spmem:s11] =	stream.linear.scatter [tilespmem:s20], [sflag:$0x4], $0x1000, $0x38;
	[tilespmem:$0x1B400] =	vst v63  }
0x64: {  	_ = 	snop  }
0x65: {  	[spmem:s15] =	stream.linear.scatter [tilespmem:s20], [sflag:$0x4], $0x1000, $0x38;
	[tilespmem:$0x1B400] =	vst v63  }
0x66: {  	s21 =	rddreg [dreg:$0x5];
	s26 =	simm.s32 $0x0  }
0x67: {  	[tilespmem:s28], [sflag:$0x2] =	stream.linear.gather [hbm4b:s21+s26], $0x80, $0x38;
	[tilespmem:$0x1B400] =	vst v63  }
0x68: {  	s23 =	rddreg [dreg:$0x6]  }
0x69: {  	[tilespmem:s30], [sflag:$0x2] =	stream.linear.gather [hbm4b:s23+s26], $0x80, $0x38;
	[tilespmem:$0x1B400] =	vst v63  }
0x6a: {  	s29 =	rddreg [dreg:$0x7]  }
0x6b: {  	[tilespmem:s31], [sflag:$0x2] =	stream.linear.gather [hbm4b:s29+s26], $0x80, $0x38;
	[tilespmem:$0x1B400] =	vst v63  }
0x6c: {  	s8 =	simm.s32 $0x380;
	s11 =	rddreg [dreg:$0xc]  }
0x6d: {  	[tilespmem:s8], [sflag:$0x2] =	stream.linear.gather [hbm4b:s11+s26], $0x80, $0x38;
	[tilespmem:$0x1B400] =	vst v63  }
0x6e: {  	_ =	swait.ge [sflag:s0], $0x1000  }
0x6f: {  	[sflag:s0] =	ssyncset.done $0x0  }
0x70: {  	[sflag:s0] =	ssyncadd.s32 $0xFFFFF000  }
0x71: {  	_ =	swait.ge [sflag:s0], $0x1000  }
0x72: {  	[sflag:s0] =	ssyncset.done $0x0  }
0x73: {  	[sflag:s0] =	ssyncadd.s32 $0xFFFFF000  }
0x74: {  	_ =	swait.ge [sflag:s0], $0x1000  }
0x75: {  	[sflag:s0] =	ssyncset.done $0x0  }
0x76: {  	[sflag:s0] =	ssyncadd.s32 $0xFFFFF000  }
0x77: {  	_ =	swait.ge [sflag:s0], $0x1000  }
0x78: {  	[sflag:s0] =	ssyncset.done $0x0  }
0x79: {  	[sflag:s0] =	ssyncadd.s32 $0xFFFFF000  }
0x7a: {  	_ =	swait.ge [sflag:s0], $0x1000  }
0x7b: {  	[sflag:s0] =	ssyncset.done $0x0  }
0x7c: {  	[sflag:s0] =	ssyncadd.s32 $0xFFFFF000  }
0x7d: {  	_ =	swait.ge [sflag:s0], $0x1000  }
0x7e: {  	[sflag:s0] =	ssyncset.done $0x0  }
0x7f: {  	[sflag:s0] =	ssyncadd.s32 $0xFFFFF000  }
0x80: {  	_ =	swait.ge [sflag:s0], $0x1000  }
0x81: {  	[sflag:s0] =	ssyncset.done $0x0  }
0x82: {  	[sflag:s0] =	ssyncadd.s32 $0xFFFFF000  }
0x83: {  	_ =	swait.ge [sflag:s0], $0x1000  }
0x84: {  	[sflag:s0] =	ssyncset.done $0x0  }
0x85: {  	[sflag:s0] =	ssyncadd.s32 $0xFFFFF000  }
0x86: {  	_ =	swait.ge [sflag:s0], $0x1000  }
0x87: {  	[sflag:s0] =	ssyncset.done $0x0  }
0x88: {  	[sflag:s0] =	ssyncadd.s32 $0xFFFFF000  }
0x89: {  	_ =	swait.ge [sflag:s0], $0x1000  }
0x8a: {  	[sflag:s0] =	ssyncset.done $0x0  }
0x8b: {  	[sflag:s0] =	ssyncadd.s32 $0xFFFFF000  }
0x8c: {  	_ =	swait.ge [sflag:s0], $0x1000  }
0x8d: {  	[sflag:s0] =	ssyncset.done $0x0  }
0x8e: {  	[sflag:s0] =	ssyncadd.s32 $0xFFFFF000  }
0x8f: {  	_ =	swait.ge [sflag:s0], $0x1000  }
0x90: {  	[sflag:s0] =	ssyncset.done $0x0  }
0x91: {  	[sflag:s0] =	ssyncadd.s32 $0xFFFFF000  }
0x92: {  	_ =	swait.ge [sflag:s0], $0x1000  }
0x93: {  	[sflag:s0] =	ssyncset.done $0x0  }
0x94: {  	[sflag:s0] =	ssyncadd.s32 $0xFFFFF000  }
0x95: {  	_ =	swait.ge [sflag:s0], $0x1000  }
0x96: {  	[sflag:s0] =	ssyncset.done $0x0  }
0x97: {  	[sflag:s0] =	ssyncadd.s32 $0xFFFFF000  }
0x98: {  	_ =	swait.ge [sflag:s0], $0x1000  }
0x99: {  	[sflag:s0] =	ssyncset.done $0x0  }
0x9a: {  	[sflag:s0] =	ssyncadd.s32 $0xFFFFF000  }
0x9b: {  	_ =	swait.ge [sflag:s0], $0x1000  }
0x9c: {  	[sflag:s0] =	ssyncset.done $0x0  }
0x9d: {  	[sflag:s0] =	ssyncadd.s32 $0xFFFFF000  }
0x9e: {  	_ =	swait.ge [sflag:s0], $0x1000  }
0x9f: {  	[sflag:s0] =	ssyncset.done $0x0  }
0xa0: {  	[sflag:s0] =	ssyncadd.s32 $0xFFFFF000  }
0xa1: {  	_ =	swait.ge [sflag:s0], $0x1000  }
0xa2: {  	[sflag:s0] =	ssyncset.done $0x0  }
0xa3: {  	[sflag:s0] =	ssyncadd.s32 $0xFFFFF000  }
0xa4: {  	_ =	swait.ge [sflag:s0], $0x1000  }
0xa5: {  	[sflag:s0] =	ssyncset.done $0x0  }
0xa6: {  	[sflag:s0] =	ssyncadd.s32 $0xFFFFF000  }
.Ltmp2:
0xa7: {  	_ =	swait.ge [sflag:s0], $0x1000;
	(pc) =	sbr.rel .LBB2_6-.Ltmp2, $3  }
0xa8: {  	[sflag:s0] =	ssyncset.done $0x0  }
0xa9: {  	[sflag:s0] =	ssyncadd.s32 $0xFFFFF000  }
0xaa: {  	[bflag:$0x0] =	sbarrier.arrive $0xFFFF;
	_ =	sdelay $0x1  }
.LBB2_8:
0xab: {  	s23 =	sadd.s32 $0xFFFFFF00, s8  }
0xac: {  	s29 =	sand.u32 $0x7C00, s23  }
0xad: {  	s23 =	sand.u32 $0x280, s23;
	s29 =	sadd.s32 s7, s29  }
0xae: {  	s23 =	sor.u32 s23, s29  }
0xaf: {  	s23 =	sshrl.u32 s23, $0x3  }
0xb0: {  	s23 =	sadd.s32 s6, s23  }
0xb1: {  	[tilespmem:s30], [sflag:$0x2] =	stream.linear.gather [hbm4b:s23+s3], $0x80, $0x38;
	[tilespmem:$0x1B400] =	vst v63  }
.LBB2_10:
0xb2: {  	_ =	swait.ge [sflag:s4], $0x80  }
0xb3: {  	[sflag:s4] =	ssyncset.done $0x0  }
0xb4: {  	[sflag:s4] =	ssyncadd.s32 $0xFFFFFF80  }
0xb5: {  	[spmem:s2] =	stream.indirect.scatter.add.f32 [tilespmem:s13], [sflag:$0x5], $0x80, s31, s12, $0xb8;
	[tilespmem:$0x1B400] =	vst v63  }
0xb6: {  	_ =	swait.ge [sflag:s14], $0x2800  }
0xb7: {  	[sflag:s14] =	ssyncset.done $0x0  }
0xb8: {  	s23 =	simm.s32 @p0 $0x2;
	[sflag:s14] =	ssyncadd.s32 $0xFFFFD800  }
0xb9: {  	_ =	swait.ge @p0 [sflag:s23], $0x80  }
0xba: {  	s29 =	simm.s32 @p0 $0x380;
	[sflag:s23] =	ssyncset.done @p0 $0x0  }
0xbb: {  	s15 =	simm.s32 @p0 $0x400;
	[sflag:s23] =	ssyncadd.s32 @p0 $0xFFFFFF80;
	s23 =	simm.s32 @p0 $0x50  }
0xbc: {  	[spmem:s2] =	stream.indirect.scatter.add.f32 @p0 [tilespmem:s15], [sflag:$0x5], $0x80, s29, s23, $0xb8;
	[tilespmem:$0x1B400] =	vst v63  }
0xbd: {  	s15 =	sadd.s32 @!p0 $0xFFFFFF80, s8  }
0xbe: {  	s23 =	simm.s32 @p0 $0x5;
	s29 =	sand.u32 @!p0 $0x7C00, s15  }
0xbf: {  	_ =	swait.ge @p0 [sflag:s23], $0x2800;
	s15 =	sand.u32 @!p0 $0x300, s15;
	s29 =	sadd.s32 @!p0 s7, s29  }
0xc0: {  	[sflag:s23] =	ssyncset.done @p0 $0x0;
	s15 =	sor.u32 @!p0 s15, s29  }
0xc1: {  	[sflag:s23] =	ssyncadd.s32 @p0 $0xFFFFD800;
	s15 =	sshrl.u32 @!p0 s15, $0x3  }
0xc2: {  	s23 =	simm.s32 @!p0 $0x0;
	s29 =	simm.s32 @!p0 $0x300;
	s15 =	sadd.s32 @!p0 s6, s15  }
0xc3: {  	[tilespmem:s29], [sflag:$0x2] =	stream.linear.gather @!p0 [hbm4b:s15+s23], $0x80, $0x38;
	[tilespmem:$0x1B400] =	vst v63  }
0xc4: {  	s15 =	simm.s32 @!p0 $0x2  }
0xc5: {  	_ =	swait.ge @!p0 [sflag:s15], $0x80  }
0xc6: {  	s11 =	simm.s32 @!p0 $0x400;
	[sflag:s15] =	ssyncset.done @!p0 $0x0  }
0xc7: {  	s29 =	simm.s32 @!p0 $0x380;
	[sflag:s15] =	ssyncadd.s32 @!p0 $0xFFFFFF80;
	s15 =	simm.s32 @!p0 $0x50  }
0xc8: {  	[spmem:s2] =	stream.indirect.scatter.add.f32 @!p0 [tilespmem:s11], [sflag:$0x5], $0x80, s29, s15, $0xb8;
	[tilespmem:$0x1B400] =	vst v63  }
0xc9: {  	s11 =	sand.u32 @!p0 $0x7C00, s8  }
0xca: {  	s21 =	sand.u32 @!p0 $0x380, s8;
	s15 =	simm.s32 @!p0 $0x5;
	s11 =	sadd.s32 @!p0 s7, s11  }
0xcb: {  	_ =	swait.ge @!p0 [sflag:s15], $0x2800;
	s11 =	sor.u32 @!p0 s21, s11  }
0xcc: {  	[sflag:s15] =	ssyncset.done @!p0 $0x0;
	s11 =	sshrl.u32 @!p0 s11, $0x3  }
0xcd: {  	[sflag:s15] =	ssyncadd.s32 @!p0 $0xFFFFD800;
	s11 =	sadd.s32 @!p0 s6, s11  }
0xce: {  	[tilespmem:s29], [sflag:$0x2] =	stream.linear.gather @!p0 [hbm4b:s11+s23], $0x80, $0x38;
	[tilespmem:$0x1B400] =	vst v63  }
.LBB2_11:
0xcf: {  	s8 =	sadd.s32 $0x200, s8  }
0xd0: {  	p0 =	sne.s32 s8, $0x4380  }
.Ltmp3:
0xd1: {  	_ = 	snop;
	(pc) =	sbr.rel @!p0 .LBB2_12-.Ltmp3, $2  }
0xd2: {  	_ =	sdelay $0x2  }
0xd3: {  	s26 =	sadd.s32 $0x1, s26  }
.LBB2_6:
0xd4: {  	_ =	swait.ge [sflag:s4], $0x80  }
0xd5: {  	p0 =	seq.s32 s8, $0x4180;
	[sflag:s4] =	ssyncset.done $0x0  }
.Ltmp4:
0xd6: {  	[sflag:s4] =	ssyncadd.s32 $0xFFFFFF80;
	(pc) =	sbr.rel @p0 .LBB2_12-.Ltmp4, $4  }
0xd7: {  	[spmem:s2] =	stream.indirect.scatter.add.f32 [tilespmem:s13], [sflag:$0x5], $0x80, s28, s12, $0xb8;
	[tilespmem:$0x1B400] =	vst v63  }
0xd8: {  	_ =	swait.ge [sflag:s14], $0x2800  }
0xd9: {  	[sflag:s14] =	ssyncset.done $0x0  }
0xda: {  	[sflag:s14] =	ssyncadd.s32 $0xFFFFD800  }
0xdb: {  	s23 =	sadd.s32 $0xFFFFFE80, s8  }
0xdc: {  	s29 =	sand.u32 $0x7C00, s23  }
0xdd: {  	s23 =	sand.u32 $0x200, s23;
	s29 =	sadd.s32 s7, s29  }
0xde: {  	s23 =	sor.u32 s23, s29  }
0xdf: {  	s23 =	sshrl.u32 s23, $0x3  }
0xe0: {  	s23 =	sadd.s32 s6, s23  }
0xe1: {  	[tilespmem:s28], [sflag:$0x2] =	stream.linear.gather [hbm4b:s23+s3], $0x80, $0x38;
	[tilespmem:$0x1B400] =	vst v63  }
0xe2: {  	_ =	swait.ge [sflag:s4], $0x80  }
0xe3: {  	p0 =	sgt.u32 s26, $0x1D;
	[sflag:s4] =	ssyncset.done $0x0  }
.Ltmp5:
0xe4: {  	[sflag:s4] =	ssyncadd.s32 $0xFFFFFF80;
	(pc) =	sbr.rel @!p0 .LBB2_8-.Ltmp5, $4  }
0xe5: {  	[spmem:s2] =	stream.indirect.scatter.add.f32 [tilespmem:s13], [sflag:$0x5], $0x80, s30, s12, $0xb8;
	[tilespmem:$0x1B400] =	vst v63  }
0xe6: {  	_ =	swait.ge [sflag:s14], $0x2800  }
0xe7: {  	[sflag:s14] =	ssyncset.done $0x0  }
0xe8: {  	[sflag:s14] =	ssyncadd.s32 $0xFFFFD800  }
0xe9: {  	p1 =	sne.s32 s8, $0x3F80  }
.Ltmp6:
0xea: {  	_ = 	snop;
	(pc) =	sbr.rel @p1 .LBB2_11-.Ltmp6, $4  }
.Ltmp7:
0xeb: {  	_ = 	snop;
	(pc) =	sbr.rel @!p1 .LBB2_10-.Ltmp7, $4  }
0xec: {  	_ = 	snop  }
0xed: {  	_ = 	snop  }
0xee: {  	_ = 	snop  }
0xef: {  	_ = 	snop  }
.LBB2_12:
0xf0: {  	[bflag:$0x0] =	sbarrier.arrive $0xFFFF  }
0xf1: {  	s8 =	simm.s32 $0x0;
	s11 =	rddreg [dreg:$0xd]  }
0xf2: {  	[tilespmem:s8], [sflag:$0x5] =	stream.linear.gather [hbm4b:s11+s8], $0x80, $0x38;
	[tilespmem:$0x1B400] =	vst v63  }
0xf3: {  	_ =	swait.ge [sflag:s14], $0x80  }
0xf4: {  	[sflag:s14] =	ssyncset.done $0x0  }
0xf5: {  	s15 =	rddreg [dreg:$0x5];
	[sflag:s14] =	ssyncadd.s32 $0xFFFFFF80  }
0xf6: {  	[tilespmem:s28], [sflag:$0x5] =	stream.linear.gather [hbm4b:s15+s8], $0x80, $0x38;
	[tilespmem:$0x1B400] =	vst v63  }
0xf7: {  	_ =	swait.ge [sflag:s14], $0x80  }
0xf8: {  	[sflag:s14] =	ssyncset.done $0x0  }
0xf9: {  	s15 =	simm.s32 $0x80;
	s21 =	rddreg [dreg:$0xe];
	[sflag:s14] =	ssyncadd.s32 $0xFFFFFF80  }
0xfa: {  	[tilespmem:s15], [sflag:$0x5] =	stream.linear.gather [hbm4b:s21+s8], $0x80, $0x38;
	[tilespmem:$0x1B400] =	vst v63  }
0xfb: {  	_ =	swait.ge [sflag:s14], $0x80  }
0xfc: {  	[sflag:s14] =	ssyncset.done $0x0  }
0xfd: {  	s23 =	rddreg [dreg:$0x6];
	[sflag:s14] =	ssyncadd.s32 $0xFFFFFF80  }
0xfe: {  	[tilespmem:s30], [sflag:$0x5] =	stream.linear.gather [hbm4b:s23+s8], $0x80, $0x38;
	[tilespmem:$0x1B400] =	vst v63  }
0xff: {  	_ =	swait.ge [sflag:s14], $0x80  }
0x100: {  	[sflag:s14] =	ssyncset.done $0x0  }
0x101: {  	[sflag:s14] =	ssyncadd.s32 $0xFFFFFF80  }
0x102: {  	[tilespmem:s13], [sflag:$0x1] =	stream.indirect.gather [hbm4b:s1+s12], $0x80, s8, s12, $0xb8;
	[tilespmem:$0x1B400] =	vst v63  }
0x103: {  	s26 =	simm.s32 $0x2C00  }
0x104: {  	[tilespmem:s26], [sflag:$0x1] =	stream.indirect.gather [hbm4b:s1+s12], $0x80, s15, s12, $0xb8;
	[tilespmem:$0x1B400] =	vst v63  }
0x105: {  	s23 =	simm.s32 $0x100;
	s21 =	rddreg [dreg:$0xf]  }
0x106: {  	[tilespmem:s23], [sflag:$0x2] =	stream.linear.gather [hbm4b:s21+s8], $0x80, $0x38;
	[tilespmem:$0x1B400] =	vst v63  }
0x107: {  	s26 =	rddreg [dreg:$0x7]  }
0x108: {  	[tilespmem:s31], [sflag:$0x2] =	stream.linear.gather [hbm4b:s26+s8], $0x80, $0x38;
	[tilespmem:$0x1B400] =	vst v63  }
0x109: {  	s15 =	rddreg [dreg:$0x10];
	s21 =	simm.s32 $0x180  }
0x10a: {  	[tilespmem:s21], [sflag:$0x2] =	stream.linear.gather [hbm4b:s15+s8], $0x80, $0x38;
	[tilespmem:$0x1B400] =	vst v63  }
0x10b: {  	s23 =	rddreg [dreg:$0xc];
	s26 =	simm.s32 $0x380  }
0x10c: {  	[tilespmem:s26], [sflag:$0x2] =	stream.linear.gather [hbm4b:s23+s8], $0x80, $0x38;
	[tilespmem:$0x1B400] =	vst v63  }
0x10d: {  	_ = 	snop  }
0x10e: {  	[tilespmem:s20], [sflag:$0x3] =	stream.linear.gather [spmem:s22], $0x1000, $0x38;
	[tilespmem:$0x1B400] =	vst v63  }
0x10f: {  	s15 =	rddreg [dreg:$0x12]  }
0x110: {  	[tilespmem:s25], [sflag:$0x3] =	stream.linear.gather [spmem:s15], $0x1000, $0x38;
	[tilespmem:$0x1B400] =	vst v63  }
0x111: {  	_ =	swait.ge [sflag:s9], $0x1000  }
0x112: {  	[sflag:s9] =	ssyncset.done $0x0  }
0x113: {  	s21 =	sadd.s32 $0x0, s17;
	[sflag:s9] =	ssyncadd.s32 $0xFFFFF000  }
0x114: {  	[hbm4b:s21+s3] =	stream.linear.scatter [tilespmem:s20], [sflag:$0x4], $0x1000, $0x38;
	[tilespmem:$0x1B400] =	vst v63  }
0x115: {  	_ =	swait.ge [sflag:s0], $0x1000  }
0x116: {  	s29 =	rddreg [dreg:$0x14]  }
0x117: {  	[sflag:s0] =	ssyncset.done $0x0;
	s23 =	sadd.s32 $0xFFFFF000, s29  }
0x118: {  	[sflag:s0] =	ssyncadd.s32 $0xFFFFF000;
	[smem:$0x7F7] =	sst s23  }
0x119: {  	[tilespmem:s20], [sflag:$0x3] =	stream.linear.gather [spmem:s23], $0x1000, $0x38;
	[tilespmem:$0x1B400] =	vst v63  }
0x11a: {  	_ =	swait.ge [sflag:s9], $0x1000  }
0x11b: {  	[sflag:s9] =	ssyncset.done $0x0  }
0x11c: {  	s26 =	sadd.s32 $0x0, s16;
	[sflag:s9] =	ssyncadd.s32 $0xFFFFF000  }
0x11d: {  	[hbm4b:s26+s3] =	stream.linear.scatter [tilespmem:s25], [sflag:$0x4], $0x1000, $0x38;
	[tilespmem:$0x1B400] =	vst v63  }
0x11e: {  	_ =	swait.ge [sflag:s0], $0x1000  }
0x11f: {  	[sflag:s0] =	ssyncset.done $0x0  }
0x120: {  	s8 =	simm.s32 $0x400;
	s23 =	sadd.s32 $0x2000, s29;
	[sflag:s0] =	ssyncadd.s32 $0xFFFFF000  }
.LBB2_13:
0x121: {  	[tilespmem:s25], [sflag:$0x3] =	stream.linear.gather [spmem:s29], $0x1000, $0x38;
	[tilespmem:$0x1B400] =	vst v63  }
0x122: {  	s11 =	smov.u32 s8;
	s29 =	smov.u32 s23  }
0x123: {  	p0 =	sne.s32 s8, $0x2000;
	s8 =	sadd.s32 $0x400, s8;
	_ =	swait.ge [sflag:s9], $0x1000  }
0x124: {  	[sflag:s9] =	ssyncset.done $0x0  }
0x125: {  	s15 =	sadd.s32 s11, s17;
	[sflag:s9] =	ssyncadd.s32 $0xFFFFF000  }
0x126: {  	[hbm4b:s15+s3] =	stream.linear.scatter [tilespmem:s20], [sflag:$0x4], $0x1000, $0x38;
	[tilespmem:$0x1B400] =	vst v63  }
0x127: {  	_ =	swait.ge [sflag:s0], $0x1000  }
0x128: {  	[sflag:s0] =	ssyncset.done $0x0  }
0x129: {  	s15 =	sadd.s32 $0xFFFFF000, s23;
	[sflag:s0] =	ssyncadd.s32 $0xFFFFF000  }
0x12a: {  	[tilespmem:s20], [sflag:$0x3] =	stream.linear.gather [spmem:s15], $0x1000, $0x38;
	[tilespmem:$0x1B400] =	vst v63  }
0x12b: {  	_ =	swait.ge [sflag:s9], $0x1000  }
0x12c: {  	[sflag:s9] =	ssyncset.done $0x0  }
.Ltmp8:
0x12d: {  	s11 =	sadd.s32 s11, s16;
	[sflag:s9] =	ssyncadd.s32 $0xFFFFF000;
	(pc) =	sbr.rel @p0 .LBB2_13-.Ltmp8, $4  }
0x12e: {  	[hbm4b:s11+s3] =	stream.linear.scatter [tilespmem:s25], [sflag:$0x4], $0x1000, $0x38;
	[tilespmem:$0x1B400] =	vst v63  }
0x12f: {  	_ =	swait.ge [sflag:s0], $0x1000  }
0x130: {  	[sflag:s0] =	ssyncset.done $0x0  }
0x131: {  	s23 =	sadd.s32 $0x2000, s23;
	[sflag:s0] =	ssyncadd.s32 $0xFFFFF000  }
0x132: {  	[tilespmem:s25], [sflag:$0x3] =	stream.linear.gather [spmem:s29], $0x1000, $0x38;
	[tilespmem:$0x1B400] =	vst v63  }
0x133: {  	_ =	swait.ge [sflag:s9], $0x1000  }
0x134: {  	[sflag:s9] =	ssyncset.done $0x0  }
0x135: {  	s8 =	simm.s32 $0x0;
	s11 =	rddreg [dreg:$0x8];
	[sflag:s9] =	ssyncadd.s32 $0xFFFFF000  }
0x136: {  	[hbm4b:s11+s8] =	stream.linear.scatter [tilespmem:s20], [sflag:$0x4], $0x1000, $0x38;
	[tilespmem:$0x1B400] =	vst v63  }
0x137: {  	_ =	swait.ge [sflag:s9], $0x1000  }
0x138: {  	[sflag:s9] =	ssyncset.done $0x0  }
0x139: {  	s23 =	rddreg [dreg:$0x9];
	[sflag:s9] =	ssyncadd.s32 $0xFFFFF000  }
0x13a: {  	[hbm4b:s23+s8] =	stream.linear.scatter [tilespmem:s25], [sflag:$0x4], $0x1000, $0x38;
	[tilespmem:$0x1B400] =	vst v63  }
0x13b: {  	_ =	swait.ge [sflag:s0], $0x1000  }
0x13c: {  	[sflag:s0] =	ssyncset.done $0x0  }
0x13d: {  	[sflag:s0] =	ssyncadd.s32 $0xFFFFF000  }
0x13e: {  	s26 =	sand.u32 $0x3E00, s8;
	_ =	swait.ge [sflag:s0], $0x1000  }
0x13f: {  	s15 =	sand.u32 $0x70, s8;
	s11 =	sshrl.u32 s26, $0x2;
	[sflag:s0] =	ssyncset.done $0x0  }
0x140: {  	s29 =	sor.u32 s15, s11;
	s23 =	simm.s32 $0x40;
	[sflag:s0] =	ssyncadd.s32 $0xFFFFF000  }
.LBB2_15:
0x141: {  	p0 =	sne.s32 s23, $0x3FC0  }
0x142: {  	[tilespmem:s29+$0x5400] =	vst v0;
	s8 =	sadd.s32 $0x10, s8;
	s11 =	smov.u32 s23;
	s23 =	sadd.s32 $0x40, s23  }
.Ltmp9:
0x143: {  	(pc) =	sbr.rel @p0 .LBB2_15-.Ltmp9, $4  }
0x144: {  	_ = 	snop  }
0x145: {  	s11 =	sand.u32 $0x3E00, s11  }
0x146: {  	s15 =	sand.u32 $0x70, s8;
	s11 =	sshrl.u32 s11, $0x2  }
0x147: {  	s29 =	sor.u32 s15, s11  }
0x148: {  	[tilespmem:s29+$0x5400] =	vst v0;
	s8 =	rddreg [dreg:$0x12]  }
0x149: {  	[spmem:s22] =	stream.linear.scatter [tilespmem:s20], [sflag:$0x4], $0x1000, $0x38;
	[tilespmem:$0x1B400] =	vst v63  }
0x14a: {  	s23 =	rddreg [dreg:$0x14]  }
0x14b: {  	[spmem:s8] =	stream.linear.scatter [tilespmem:s20], [sflag:$0x4], $0x1000, $0x38;
	[tilespmem:$0x1B400] =	vst v63  }
0x14c: {  	s22 =	rddreg [dreg:$0x13]  }
0x14d: {  	[spmem:s22] =	stream.linear.scatter [tilespmem:s20], [sflag:$0x4], $0x1000, $0x38;
	[tilespmem:$0x1B400] =	vst v63  }
0x14e: {  	s26 =	rddreg [dreg:$0x15]  }
0x14f: {  	[spmem:s23] =	stream.linear.scatter [tilespmem:s20], [sflag:$0x4], $0x1000, $0x38;
	[tilespmem:$0x1B400] =	vst v63  }
0x150: {  	s29 =	rddreg [dreg:$0x16]  }
0x151: {  	[spmem:s26] =	stream.linear.scatter [tilespmem:s20], [sflag:$0x4], $0x1000, $0x38;
	[tilespmem:$0x1B400] =	vst v63  }
0x152: {  	s11 =	rddreg [dreg:$0x17]  }
0x153: {  	[spmem:s29] =	stream.linear.scatter [tilespmem:s20], [sflag:$0x4], $0x1000, $0x38;
	[tilespmem:$0x1B400] =	vst v63  }
0x154: {  	s15 =	rddreg [dreg:$0x18]  }
0x155: {  	[spmem:s11] =	stream.linear.scatter [tilespmem:s20], [sflag:$0x4], $0x1000, $0x38;
	[tilespmem:$0x1B400] =	vst v63  }
0x156: {  	s21 =	rddreg [dreg:$0x19]  }
0x157: {  	[spmem:s15] =	stream.linear.scatter [tilespmem:s20], [sflag:$0x4], $0x1000, $0x38;
	[tilespmem:$0x1B400] =	vst v63  }
0x158: {  	s22 =	rddreg [dreg:$0x1a]  }
0x159: {  	[spmem:s21] =	stream.linear.scatter [tilespmem:s20], [sflag:$0x4], $0x1000, $0x38;
	[tilespmem:$0x1B400] =	vst v63  }
0x15a: {  	s23 =	rddreg [dreg:$0x1b]  }
0x15b: {  	[spmem:s22] =	stream.linear.scatter [tilespmem:s20], [sflag:$0x4], $0x1000, $0x38;
	[tilespmem:$0x1B400] =	vst v63  }
0x15c: {  	s26 =	rddreg [dreg:$0x1c]  }
0x15d: {  	[spmem:s23] =	stream.linear.scatter [tilespmem:s20], [sflag:$0x4], $0x1000, $0x38;
	[tilespmem:$0x1B400] =	vst v63  }
0x15e: {  	s29 =	rddreg [dreg:$0x1d]  }
0x15f: {  	[spmem:s26] =	stream.linear.scatter [tilespmem:s20], [sflag:$0x4], $0x1000, $0x38;
	[tilespmem:$0x1B400] =	vst v63  }
0x160: {  	s11 =	rddreg [dreg:$0x1e]  }
0x161: {  	[spmem:s29] =	stream.linear.scatter [tilespmem:s20], [sflag:$0x4], $0x1000, $0x38;
	[tilespmem:$0x1B400] =	vst v63  }
0x162: {  	s15 =	rddreg [dreg:$0x1f]  }
0x163: {  	[spmem:s11] =	stream.linear.scatter [tilespmem:s20], [sflag:$0x4], $0x1000, $0x38;
	[tilespmem:$0x1B400] =	vst v63  }
0x164: {  	s21 =	sld [smem:$0x7F9]  }
0x165: {  	[spmem:s15] =	stream.linear.scatter [tilespmem:s20], [sflag:$0x4], $0x1000, $0x38;
	[tilespmem:$0x1B400] =	vst v63  }
0x166: {  	s22 =	sld [smem:$0x7FA]  }
0x167: {  	[spmem:s21] =	stream.linear.scatter [tilespmem:s20], [sflag:$0x4], $0x1000, $0x38;
	[tilespmem:$0x1B400] =	vst v63  }
0x168: {  	s23 =	sld [smem:$0x7FB]  }
0x169: {  	[spmem:s22] =	stream.linear.scatter [tilespmem:s20], [sflag:$0x4], $0x1000, $0x38;
	[tilespmem:$0x1B400] =	vst v63  }
0x16a: {  	s26 =	sld [smem:$0x7FC]  }
0x16b: {  	[spmem:s23] =	stream.linear.scatter [tilespmem:s20], [sflag:$0x4], $0x1000, $0x38;
	[tilespmem:$0x1B400] =	vst v63  }
0x16c: {  	s29 =	sld [smem:$0x7FD]  }
0x16d: {  	[spmem:s26] =	stream.linear.scatter [tilespmem:s20], [sflag:$0x4], $0x1000, $0x38;
	[tilespmem:$0x1B400] =	vst v63  }
0x16e: {  	_ = 	snop  }
0x16f: {  	[spmem:s29] =	stream.linear.scatter [tilespmem:s20], [sflag:$0x4], $0x1000, $0x38;
	[tilespmem:$0x1B400] =	vst v63  }
0x170: {  	_ =	swait.ge [sflag:s0], $0x1000  }
0x171: {  	[sflag:s0] =	ssyncset.done $0x0  }
0x172: {  	[sflag:s0] =	ssyncadd.s32 $0xFFFFF000  }
0x173: {  	_ =	swait.ge [sflag:s0], $0x1000  }
0x174: {  	[sflag:s0] =	ssyncset.done $0x0  }
0x175: {  	[sflag:s0] =	ssyncadd.s32 $0xFFFFF000  }
0x176: {  	_ =	swait.ge [sflag:s0], $0x1000  }
0x177: {  	[sflag:s0] =	ssyncset.done $0x0  }
0x178: {  	[sflag:s0] =	ssyncadd.s32 $0xFFFFF000  }
0x179: {  	_ =	swait.ge [sflag:s0], $0x1000  }
0x17a: {  	[sflag:s0] =	ssyncset.done $0x0  }
0x17b: {  	[sflag:s0] =	ssyncadd.s32 $0xFFFFF000  }
0x17c: {  	_ =	swait.ge [sflag:s0], $0x1000  }
0x17d: {  	[sflag:s0] =	ssyncset.done $0x0  }
0x17e: {  	[sflag:s0] =	ssyncadd.s32 $0xFFFFF000  }
0x17f: {  	_ =	swait.ge [sflag:s0], $0x1000  }
0x180: {  	[sflag:s0] =	ssyncset.done $0x0  }
0x181: {  	[sflag:s0] =	ssyncadd.s32 $0xFFFFF000  }
0x182: {  	_ =	swait.ge [sflag:s0], $0x1000  }
0x183: {  	[sflag:s0] =	ssyncset.done $0x0  }
0x184: {  	[sflag:s0] =	ssyncadd.s32 $0xFFFFF000  }
0x185: {  	_ =	swait.ge [sflag:s0], $0x1000  }
0x186: {  	[sflag:s0] =	ssyncset.done $0x0  }
0x187: {  	[sflag:s0] =	ssyncadd.s32 $0xFFFFF000  }
0x188: {  	_ =	swait.ge [sflag:s0], $0x1000  }
0x189: {  	[sflag:s0] =	ssyncset.done $0x0  }
0x18a: {  	[sflag:s0] =	ssyncadd.s32 $0xFFFFF000  }
0x18b: {  	_ =	swait.ge [sflag:s0], $0x1000  }
0x18c: {  	[sflag:s0] =	ssyncset.done $0x0  }
0x18d: {  	[sflag:s0] =	ssyncadd.s32 $0xFFFFF000  }
0x18e: {  	_ =	swait.ge [sflag:s0], $0x1000  }
0x18f: {  	[sflag:s0] =	ssyncset.done $0x0  }
0x190: {  	[sflag:s0] =	ssyncadd.s32 $0xFFFFF000  }
0x191: {  	_ =	swait.ge [sflag:s0], $0x1000  }
0x192: {  	[sflag:s0] =	ssyncset.done $0x0  }
0x193: {  	[sflag:s0] =	ssyncadd.s32 $0xFFFFF000  }
0x194: {  	_ =	swait.ge [sflag:s0], $0x1000  }
0x195: {  	[sflag:s0] =	ssyncset.done $0x0  }
0x196: {  	[sflag:s0] =	ssyncadd.s32 $0xFFFFF000  }
0x197: {  	_ =	swait.ge [sflag:s0], $0x1000  }
0x198: {  	[sflag:s0] =	ssyncset.done $0x0  }
0x199: {  	[sflag:s0] =	ssyncadd.s32 $0xFFFFF000  }
0x19a: {  	_ =	swait.ge [sflag:s0], $0x1000  }
0x19b: {  	[sflag:s0] =	ssyncset.done $0x0  }
0x19c: {  	[sflag:s0] =	ssyncadd.s32 $0xFFFFF000  }
0x19d: {  	_ =	swait.ge [sflag:s0], $0x1000  }
0x19e: {  	[sflag:s0] =	ssyncset.done $0x0  }
0x19f: {  	[sflag:s0] =	ssyncadd.s32 $0xFFFFF000  }
0x1a0: {  	_ =	swait.ge [sflag:s0], $0x1000  }
0x1a1: {  	[sflag:s0] =	ssyncset.done $0x0  }
0x1a2: {  	[sflag:s0] =	ssyncadd.s32 $0xFFFFF000  }
0x1a3: {  	_ =	swait.ge [sflag:s0], $0x1000  }
0x1a4: {  	[sflag:s0] =	ssyncset.done $0x0  }
0x1a5: {  	[sflag:s0] =	ssyncadd.s32 $0xFFFFF000  }
0x1a6: {  	_ =	swait.ge [sflag:s0], $0x1000  }
0x1a7: {  	[sflag:s0] =	ssyncset.done $0x0  }
0x1a8: {  	[sflag:s0] =	ssyncadd.s32 $0xFFFFF000  }
.Ltmp10:
0x1a9: {  	_ =	swait.ge [sflag:s0], $0x1000;
	(pc) =	sbr.rel .LBB2_17-.Ltmp10, $4  }
0x1aa: {  	[sflag:s0] =	ssyncset.done $0x0  }
0x1ab: {  	[sflag:s0] =	ssyncadd.s32 $0xFFFFF000  }
0x1ac: {  	[bflag:$0x0] =	sbarrier.arrive $0xFFFF  }
0x1ad: {  	s8 =	simm.s32 $0x0;
	s23 =	simm.s32 $0x380  }
.LBB2_21:
0x1ae: {  	s11 =	sand.u32 $0x7C00, s23  }
0x1af: {  	s15 =	sand.u32 $0x380, s23;
	s11 =	sadd.s32 s7, s11  }
0x1b0: {  	s11 =	sor.u32 s15, s11  }
0x1b1: {  	s11 =	sshrl.u32 s11, $0x3  }
0x1b2: {  	s21 =	simm.s32 $0x180;
	s22 =	sadd.s32 s5, s11  }
0x1b3: {  	[tilespmem:s21], [sflag:$0x2] =	stream.linear.gather [hbm4b:s22+s3], $0x80, $0x38;
	[tilespmem:$0x1B400] =	vst v63  }
0x1b4: {  	s26 =	simm.s32 $0x380;
	s11 =	sadd.s32 s6, s11  }
0x1b5: {  	[tilespmem:s26], [sflag:$0x2] =	stream.linear.gather [hbm4b:s11+s3], $0x80, $0x38;
	[tilespmem:$0x1B400] =	vst v63  }
0x1b6: {  	_ =	swait.ge [sflag:s4], $0x80  }
0x1b7: {  	[sflag:s4] =	ssyncset.done $0x0  }
0x1b8: {  	[sflag:s4] =	ssyncadd.s32 $0xFFFFFF80  }
0x1b9: {  	_ =	swait.ge [sflag:s4], $0x80  }
0x1ba: {  	[sflag:s4] =	ssyncset.done $0x0  }
0x1bb: {  	s29 =	simm.s32 $0x2C00;
	[sflag:s4] =	ssyncadd.s32 $0xFFFFFF80  }
0x1bc: {  	[tilespmem:s29], [sflag:$0x1] =	stream.indirect.gather [hbm4b:s1+s12], $0x80, s24, s12, $0xb8;
	[tilespmem:$0x1B400] =	vst v63  }
.LBB2_22:
0x1bd: {  	s23 =	sadd.s32 $0x200, s23  }
0x1be: {  	p0 =	sne.s32 s23, $0x4380  }
.Ltmp11:
0x1bf: {  	_ = 	snop;
	(pc) =	sbr.rel @!p0 .LBB2_23-.Ltmp11, $2  }
0x1c0: {  	_ =	sdelay $0x2  }
0x1c1: {  	s8 =	sadd.s32 $0x1, s8  }
.LBB2_17:
0x1c2: {  	_ =	swait.ge [sflag:s10], $0x2800  }
0x1c3: {  	p0 =	seq.s32 s23, $0x4180;
	[sflag:s10] =	ssyncset.done $0x0  }
.Ltmp12:
0x1c4: {  	[sflag:s10] =	ssyncadd.s32 $0xFFFFD800;
	(pc) =	sbr.rel @p0 .LBB2_23-.Ltmp12, $4  }
0x1c5: {  	[spmem:s2] =	stream.indirect.scatter.add.f32 [tilespmem:s13], [sflag:$0x5], $0x80, s28, s12, $0xb8;
	[tilespmem:$0x1B400] =	vst v63  }
0x1c6: {  	_ =	swait.ge [sflag:s14], $0x2800  }
0x1c7: {  	[sflag:s14] =	ssyncset.done $0x0  }
0x1c8: {  	[sflag:s14] =	ssyncadd.s32 $0xFFFFD800  }
0x1c9: {  	s11 =	sadd.s32 $0xFFFFFE80, s23  }
0x1ca: {  	s15 =	sand.u32 $0x7C00, s11  }
0x1cb: {  	s11 =	sand.u32 $0x200, s11;
	s15 =	sadd.s32 s7, s15  }
0x1cc: {  	s11 =	sor.u32 s11, s15  }
0x1cd: {  	s11 =	sshrl.u32 s11, $0x3  }
0x1ce: {  	s26 =	sadd.s32 s5, s11  }
0x1cf: {  	[tilespmem:s3], [sflag:$0x2] =	stream.linear.gather [hbm4b:s26+s3], $0x80, $0x38;
	[tilespmem:$0x1B400] =	vst v63  }
0x1d0: {  	s11 =	sadd.s32 s6, s11  }
0x1d1: {  	[tilespmem:s28], [sflag:$0x2] =	stream.linear.gather [hbm4b:s11+s3], $0x80, $0x38;
	[tilespmem:$0x1B400] =	vst v63  }
0x1d2: {  	_ =	swait.ge [sflag:s4], $0x80  }
0x1d3: {  	[sflag:s4] =	ssyncset.done $0x0  }
0x1d4: {  	[sflag:s4] =	ssyncadd.s32 $0xFFFFFF80  }
0x1d5: {  	_ =	swait.ge [sflag:s4], $0x80  }
0x1d6: {  	p0 =	sgt.u32 s8, $0x1E;
	[sflag:s4] =	ssyncset.done $0x0  }
0x1d7: {  	s29 =	simm.s32 $0x100;
	s11 =	simm.s32 @!p0 $0x1;
	[sflag:s4] =	ssyncadd.s32 $0xFFFFFF80  }
0x1d8: {  	[tilespmem:s13], [sflag:$0x1] =	stream.indirect.gather [hbm4b:s1+s12], $0x80, s29, s12, $0xb8;
	[tilespmem:$0x1B400] =	vst v63  }
0x1d9: {  	p1 =	seq.s32 @!p0 s23, $0x3F80;
	_ =	swait.ge @!p0 [sflag:s11], $0x2800  }
0x1da: {  	s21 =	simm.s32 @!p0 $0x2C00;
	p1 =	por p1, p0;
	[sflag:s11] =	ssyncset.done @!p0 $0x0  }
0x1db: {  	s15 =	simm.s32 @!p0 $0x280;
	[sflag:s11] =	ssyncadd.s32 @!p0 $0xFFFFD800;
	s11 =	simm.s32 @!p0 $0x50  }
0x1dc: {  	[spmem:s2] =	stream.indirect.scatter.add.f32 @!p0 [tilespmem:s21], [sflag:$0x5], $0x80, s15, s11, $0xb8;
	[tilespmem:$0x1B400] =	vst v63  }
0x1dd: {  	s15 =	sadd.s32 @!p1 $0xFFFFFF00, s23  }
0x1de: {  	s26 =	sand.u32 @!p1 $0x7C00, s15  }
0x1df: {  	s29 =	simm.s32 @!p0 $0x5;
	s15 =	sand.u32 @!p1 $0x280, s15;
	s26 =	sadd.s32 @!p1 s7, s26  }
0x1e0: {  	_ =	swait.ge @!p0 [sflag:s29], $0x2800;
	s15 =	sor.u32 @!p1 s15, s26  }
0x1e1: {  	s22 =	simm.s32 @!p1 $0x80;
	[sflag:s29] =	ssyncset.done @!p0 $0x0;
	s15 =	sshrl.u32 @!p1 s15, $0x3  }
0x1e2: {  	[sflag:s29] =	ssyncadd.s32 @!p0 $0xFFFFD800;
	s29 =	simm.s32 @!p1 $0x0;
	s26 =	sadd.s32 @!p1 s5, s15  }
0x1e3: {  	[tilespmem:s22], [sflag:$0x2] =	stream.linear.gather @!p1 [hbm4b:s26+s29], $0x80, $0x38;
	[tilespmem:$0x1B400] =	vst v63  }
0x1e4: {  	s15 =	sadd.s32 @!p1 s6, s15;
	s22 =	simm.s32 @!p1 $0x280  }
0x1e5: {  	[tilespmem:s22], [sflag:$0x2] =	stream.linear.gather @!p1 [hbm4b:s15+s29], $0x80, $0x38;
	[tilespmem:$0x1B400] =	vst v63  }
0x1e6: {  	s15 =	simm.s32 @!p0 $0x2  }
0x1e7: {  	_ =	swait.ge @!p0 [sflag:s15], $0x80  }
0x1e8: {  	[sflag:s15] =	ssyncset.done @!p0 $0x0  }
0x1e9: {  	[sflag:s15] =	ssyncadd.s32 @!p0 $0xFFFFFF80  }
0x1ea: {  	_ =	swait.ge @!p0 [sflag:s15], $0x80  }
0x1eb: {  	p2 =	sne.s32 @!p0 s23, $0x3F80;
	p1 =	por $0x0, $0x0;
	[sflag:s15] =	ssyncset.done @!p0 $0x0  }
0x1ec: {  	p1 =	por @!p0 p2, p2;
	[sflag:s15] =	ssyncadd.s32 @!p0 $0xFFFFFF80;
	s15 =	simm.s32 @!p0 $0x180  }
0x1ed: {  	[tilespmem:s21], [sflag:$0x1] =	stream.indirect.gather @!p0 [hbm4b:s1+s11], $0x80, s15, s11, $0xb8;
	[tilespmem:$0x1B400] =	vst v63  }
0x1ee: {  	s11 =	sadd.s32 @p1 $0xFFFFFF80, s23;
	_ =	swait.ge [sflag:s10], $0x2800  }
0x1ef: {  	s15 =	sand.u32 @p1 $0x7C00, s11;
	[sflag:s10] =	ssyncset.done $0x0  }
0x1f0: {  	s11 =	sand.u32 @p1 $0x300, s11;
	s15 =	sadd.s32 @p1 s7, s15;
	[sflag:s10] =	ssyncadd.s32 $0xFFFFD800  }
0x1f1: {  	[spmem:s2] =	stream.indirect.scatter.add.f32 [tilespmem:s13], [sflag:$0x5], $0x80, s31, s12, $0xb8;
	[tilespmem:$0x1B400] =	vst v63  }
0x1f2: {  	s11 =	sor.u32 @p1 s11, s15;
	_ =	swait.ge [sflag:s14], $0x2800  }
0x1f3: {  	s22 =	simm.s32 @p1 $0x100;
	s11 =	sshrl.u32 @p1 s11, $0x3;
	[sflag:s14] =	ssyncset.done $0x0  }
0x1f4: {  	s21 =	simm.s32 @p1 $0x0;
	s15 =	sadd.s32 @p1 s5, s11;
	[sflag:s14] =	ssyncadd.s32 $0xFFFFD800  }
0x1f5: {  	[tilespmem:s22], [sflag:$0x2] =	stream.linear.gather @p1 [hbm4b:s15+s21], $0x80, $0x38;
	[tilespmem:$0x1B400] =	vst v63  }
0x1f6: {  	s11 =	sadd.s32 @p1 s6, s11;
	s15 =	simm.s32 @p1 $0x300  }
0x1f7: {  	[tilespmem:s15], [sflag:$0x2] =	stream.linear.gather @p1 [hbm4b:s11+s21], $0x80, $0x38;
	[tilespmem:$0x1B400] =	vst v63  }
0x1f8: {  	_ =	swait.ge [sflag:s4], $0x80  }
0x1f9: {  	[sflag:s4] =	ssyncset.done $0x0  }
.Ltmp13:
0x1fa: {  	[sflag:s4] =	ssyncadd.s32 $0xFFFFFF80;
	(pc) =	sbr.rel @p0 .LBB2_20-.Ltmp13, $4  }
0x1fb: {  	_ =	swait.ge [sflag:s4], $0x80  }
0x1fc: {  	[sflag:s4] =	ssyncset.done $0x0  }
0x1fd: {  	[sflag:s4] =	ssyncadd.s32 $0xFFFFFF80  }
0x1fe: {  	[tilespmem:s13], [sflag:$0x1] =	stream.indirect.gather [hbm4b:s1+s12], $0x80, s3, s12, $0xb8;
	[tilespmem:$0x1B400] =	vst v63  }
0x1ff: {  	_ =	swait.ge [sflag:s10], $0x2800  }
0x200: {  	[sflag:s10] =	ssyncset.done $0x0  }
0x201: {  	s11 =	simm.s32 $0x2C00;
	s15 =	simm.s32 $0x380;
	[sflag:s10] =	ssyncadd.s32 $0xFFFFD800  }
0x202: {  	[spmem:s2] =	stream.indirect.scatter.add.f32 [tilespmem:s11], [sflag:$0x5], $0x80, s15, s12, $0xb8;
	[tilespmem:$0x1B400] =	vst v63  }
.Ltmp14:
0x203: {  	_ = 	snop;
	(pc) =	sbr.rel @p1 .LBB2_21-.Ltmp14, $4  }
.Ltmp15:
0x204: {  	_ = 	snop;
	(pc) =	sbr.rel @!p1 .LBB2_22-.Ltmp15, $4  }
0x205: {  	_ =	swait.ge [sflag:s14], $0x2800  }
0x206: {  	[sflag:s14] =	ssyncset.done $0x0  }
0x207: {  	[sflag:s14] =	ssyncadd.s32 $0xFFFFD800  }
0x208: {  	_ = 	snop  }
.LBB2_20:
.Ltmp16:
0x209: {  	(pc) =	sbr.rel @!p1 .LBB2_22-.Ltmp16, $4  }
.Ltmp17:
0x20a: {  	(pc) =	sbr.rel @p1 .LBB2_21-.Ltmp17, $4  }
0x20b: {  	_ = 	snop  }
0x20c: {  	_ = 	snop  }
0x20d: {  	_ = 	snop  }
0x20e: {  	_ = 	snop  }
.LBB2_23:
0x20f: {  	[bflag:$0x0] =	sbarrier.arrive $0xFFFF  }
0x210: {  	s22 =	rddreg [dreg:$0x4]  }
0x211: {  	[tilespmem:s20], [sflag:$0x3] =	stream.linear.gather [spmem:s22], $0x1000, $0x38;
	[tilespmem:$0x1B400] =	vst v63  }
0x212: {  	s8 =	rddreg [dreg:$0x12]  }
0x213: {  	[tilespmem:s25], [sflag:$0x3] =	stream.linear.gather [spmem:s8], $0x1000, $0x38;
	[tilespmem:$0x1B400] =	vst v63  }
0x214: {  	_ =	swait.ge [sflag:s9], $0x1000  }
0x215: {  	[sflag:s9] =	ssyncset.done $0x0  }
0x216: {  	s23 =	sadd.s32 $0x0, s19;
	[sflag:s9] =	ssyncadd.s32 $0xFFFFF000  }
0x217: {  	[hbm4b:s23+s3] =	stream.linear.scatter [tilespmem:s20], [sflag:$0x4], $0x1000, $0x38;
	[tilespmem:$0x1B400] =	vst v63  }
0x218: {  	_ =	swait.ge [sflag:s0], $0x1000  }
0x219: {  	s26 =	sld [smem:$0x7F7]  }
0x21a: {  	[sflag:s0] =	ssyncset.done $0x0  }
0x21b: {  	[sflag:s0] =	ssyncadd.s32 $0xFFFFF000  }
0x21c: {  	[tilespmem:s20], [sflag:$0x3] =	stream.linear.gather [spmem:s26], $0x1000, $0x38;
	[tilespmem:$0x1B400] =	vst v63  }
0x21d: {  	_ =	swait.ge [sflag:s9], $0x1000  }
0x21e: {  	[sflag:s9] =	ssyncset.done $0x0  }
0x21f: {  	s29 =	sadd.s32 $0x0, s18;
	[sflag:s9] =	ssyncadd.s32 $0xFFFFF000  }
0x220: {  	[hbm4b:s29+s3] =	stream.linear.scatter [tilespmem:s25], [sflag:$0x4], $0x1000, $0x38;
	[tilespmem:$0x1B400] =	vst v63  }
0x221: {  	_ =	swait.ge [sflag:s0], $0x1000  }
0x222: {  	[sflag:s0] =	ssyncset.done $0x0;
	s26 =	rddreg [dreg:$0x14]  }
0x223: {  	s8 =	simm.s32 $0x400;
	[sflag:s0] =	ssyncadd.s32 $0xFFFFF000;
	s23 =	sadd.s32 $0x2000, s26  }
.LBB2_24:
0x224: {  	[tilespmem:s25], [sflag:$0x3] =	stream.linear.gather [spmem:s26], $0x1000, $0x38;
	[tilespmem:$0x1B400] =	vst v63  }
0x225: {  	s11 =	smov.u32 s8;
	s26 =	smov.u32 s23  }
0x226: {  	p0 =	sne.s32 s8, $0x2000;
	s8 =	sadd.s32 $0x400, s8;
	_ =	swait.ge [sflag:s9], $0x1000  }
0x227: {  	[sflag:s9] =	ssyncset.done $0x0  }
0x228: {  	s15 =	sadd.s32 s11, s19;
	[sflag:s9] =	ssyncadd.s32 $0xFFFFF000  }
0x229: {  	[hbm4b:s15+s3] =	stream.linear.scatter [tilespmem:s20], [sflag:$0x4], $0x1000, $0x38;
	[tilespmem:$0x1B400] =	vst v63  }
0x22a: {  	_ =	swait.ge [sflag:s0], $0x1000  }
0x22b: {  	[sflag:s0] =	ssyncset.done $0x0  }
0x22c: {  	s15 =	sadd.s32 $0xFFFFF000, s23;
	[sflag:s0] =	ssyncadd.s32 $0xFFFFF000  }
0x22d: {  	[tilespmem:s20], [sflag:$0x3] =	stream.linear.gather [spmem:s15], $0x1000, $0x38;
	[tilespmem:$0x1B400] =	vst v63  }
0x22e: {  	_ =	swait.ge [sflag:s9], $0x1000  }
0x22f: {  	[sflag:s9] =	ssyncset.done $0x0  }
.Ltmp18:
0x230: {  	s11 =	sadd.s32 s11, s18;
	[sflag:s9] =	ssyncadd.s32 $0xFFFFF000;
	(pc) =	sbr.rel @p0 .LBB2_24-.Ltmp18, $4  }
0x231: {  	[hbm4b:s11+s3] =	stream.linear.scatter [tilespmem:s25], [sflag:$0x4], $0x1000, $0x38;
	[tilespmem:$0x1B400] =	vst v63  }
0x232: {  	_ =	swait.ge [sflag:s0], $0x1000  }
0x233: {  	[sflag:s0] =	ssyncset.done $0x0  }
0x234: {  	s23 =	sadd.s32 $0x2000, s23;
	[sflag:s0] =	ssyncadd.s32 $0xFFFFF000  }
0x235: {  	[tilespmem:s25], [sflag:$0x3] =	stream.linear.gather [spmem:s26], $0x1000, $0x38;
	[tilespmem:$0x1B400] =	vst v63  }
0x236: {  	_ =	swait.ge [sflag:s9], $0x1000  }
0x237: {  	[sflag:s9] =	ssyncset.done $0x0  }
0x238: {  	s8 =	rddreg [dreg:$0xa];
	[sflag:s9] =	ssyncadd.s32 $0xFFFFF000  }
0x239: {  	[hbm4b:s8+s3] =	stream.linear.scatter [tilespmem:s20], [sflag:$0x4], $0x1000, $0x38;
	[tilespmem:$0x1B400] =	vst v63  }
0x23a: {  	_ =	swait.ge [sflag:s9], $0x1000  }
0x23b: {  	[sflag:s9] =	ssyncset.done $0x0  }
0x23c: {  	s26 =	rddreg [dreg:$0xb];
	[sflag:s9] =	ssyncadd.s32 $0xFFFFF000  }
0x23d: {  	[hbm4b:s26+s3] =	stream.linear.scatter [tilespmem:s25], [sflag:$0x4], $0x1000, $0x38;
	[tilespmem:$0x1B400] =	vst v63  }
0x23e: {  	_ =	swait.ge [sflag:s0], $0x1000  }
0x23f: {  	[sflag:s0] =	ssyncset.done $0x0  }
0x240: {  	[sflag:s0] =	ssyncadd.s32 $0xFFFFF000  }
0x241: {  	_ =	swait.ge [sflag:s0], $0x1000  }
0x242: {  	s11 =	sld [smem:$0x7F8];
	_ =	sdelay $0x2  }
0x243: {  	s29 =	rddreg [dreg:$0x11];
	s11 =	sadd.s32 $0x1, s11  }
0x244: {  	p0 =	sne.s32 s11, s29  }
.Ltmp19:
0x245: {  	_ = 	snop;
	(pc) =	sbr.rel @p0 .LBB2_1-.Ltmp19, $3  }
0x246: {  	_ =	sdelay $0x1  }
0x247: {  	[sflag:s0] =	ssyncset.done $0x0  }
0x248: {  	[sflag:s0] =	ssyncadd.s32 $0xFFFFF000  }
0x249: {  	_ =	sfence.sel $0x180000  }
0x24a: {  	[bflag:$0x0] =	sbarrier.arrive $0xFFFF  }
0x24b: {  	_ =	strace $0x90000047  }
0x24c: {  	s0 =	stileid.u32;
	[bflag:$0x2] =	sbarrier.arrive $0xFFFF  }
0x24d: {  	p0 =	sne.s32 s0, $0x0;
	s0 =	rddreg [dreg:$0x3]  }
0x24e: {  	s0 =	sadd.s32 @!p0 $0x100000, s0  }
0x24f: {  	[sflag:s0] =	ssyncadd.tile.s32 @!p0 $0x1;
	_ =	shalt  }
.Lfunc_end2:
_tile_overlayer_lowered:
.L_overlay_start_2:
0x250: {  	(tag) =	ssettag $0x2  }
0x251: {  	s0 =	rddreg [dreg:$0x0];
	s2 =	stileid.u32  }
0x252: {  	s1 =	rddreg [dreg:$0x1];
	p0 =	sne.s32 s2, $0x0  }
0x253: {  	s3 =	rddreg [dreg:$0x2];
	[bflag:$0x3] =	sbarrier.arrive $0xFFFF;
	s2 =	simm.s32 @!p0 $0x1C05  }
0x254: {  	[timem:s3], [sflag:s2] =	dma.local @!p0 [hbm:s0], s1  }
0x255: {  	s0 =	simm.s32 @!p0 $0x5  }
0x256: {  	_ =	swait.ge @!p0 [sflag:s0], s1  }
0x257: {  	s1 =	ssub.s32 @!p0 $0x0, s1;
	[sflag:s0] =	ssyncset.done @!p0 $0x0  }
0x258: {  	[sflag:s0] =	ssyncadd.s32 @!p0 s1  }
0x259: {  	[bflag:$0x3] =	sbarrier.arrive $0xFFFF  }
0x25a: {  	_ =	shalt  }

</sc_bundles>
